<compile_context>
chip_gen: v7x
topology: tpu7x:2x2x1
jax: 0.10.2.dev20260603
libtpu: 0.0.44.dev20260713+nightly
codegen_flags: <defaults>
</compile_context>

<pallas_src>
import jax
import jax.numpy as jnp
from jax import lax
from jax.experimental import pallas as pl
from jax.experimental.pallas import tpu as pltpu, tpu_sc as plsc

N, C = 16384, 1000
BC = 2048
SCW = 4096
CS = N - SCW
NTC = CS // BC
NC_, NS_, L = 2, 16, 16
NWRK = NC_ * NS_
CW = SCW // NWRK
ROWS = 40
NCH = C // ROWS
NV = CW // L


def _tc_body(tgt_ref, rwd_ref, pt_ref, out_ref):
    g = pl.program_id(0)
    tgt = tgt_ref[...]
    rwd = rwd_ref[...]
    pb = pt_ref[...]
    rows = lax.broadcasted_iota(jnp.int32, (C, BC), 0)
    picked = jnp.where(rows == tgt[None, :], pb, 0.0)
    partial = jnp.sum(jnp.sum(picked, axis=0) * rwd)

    @pl.when(g == 0)
    def _():
        out_ref[0, 0] = 0.0

    out_ref[0, 0] += partial * (-1.0 / N)


def _sc_body(pt_hbm, tgt_hbm, rwd_hbm, out_hbm, tgt_v, rwd_v, acc_v, buf,
             out16, sems):
    c = lax.axis_index("c")
    s = lax.axis_index("s")
    wid = s * NC_ + c
    c0 = pl.multiple_of(CS + wid * CW, 128)
    pltpu.sync_copy(tgt_hbm.at[pl.ds(c0, CW)], tgt_v)
    pltpu.sync_copy(rwd_hbm.at[pl.ds(c0, CW)], rwd_v)
    for v in range(NV):
        acc_v[pl.ds(v * L, L)] = jnp.zeros((L,), jnp.float32)

    def start(ch, p):
        pltpu.make_async_copy(
            pt_hbm.at[pl.ds(pl.multiple_of(ch * ROWS, 8), ROWS),
                      pl.ds(c0, CW)],
            buf.at[p],
            sems.at[p],
        ).start()

    def wait(p):
        pltpu.make_async_copy(
            pt_hbm.at[pl.ds(0, ROWS), pl.ds(0, CW)], buf.at[0], sems.at[p]
        ).wait()

    start(0, 0)

    def step(ch, _):
        p = ch & 1

        @pl.when(ch + 1 < NCH)
        def _():
            start(ch + 1, 1 - p)

        wait(p)
        for v in range(NV):
            pv = acc_v[pl.ds(v * L, L)]
            tvec = tgt_v[pl.ds(v * L, L)]
            for rr in range(ROWS):
                j = ch * ROWS + rr
                pb = buf[p, rr, pl.ds(v * L, L)]
                pv = jnp.where(tvec == j, pb, pv)
            acc_v[pl.ds(v * L, L)] = pv
        return 0

    lax.fori_loop(0, NCH, step, 0, unroll=False)

    acc = jnp.zeros((L,), jnp.float32)
    for v in range(NV):
        acc = acc + acc_v[pl.ds(v * L, L)] * rwd_v[pl.ds(v * L, L)]
    out16[...] = acc * (-1.0 / N)
    pltpu.sync_copy(out16, out_hbm.at[wid])


@jax.jit
def _ganloss(pt, target, reward):
    mesh = plsc.VectorSubcoreMesh(core_axis_name="c", subcore_axis_name="s")
    sc_run = pl.kernel(
        _sc_body,
        out_type=jax.ShapeDtypeStruct((NWRK, L), jnp.float32),
        mesh=mesh,
        scratch_types=[
            pltpu.VMEM((CW,), jnp.int32),
            pltpu.VMEM((CW,), jnp.float32),
            pltpu.VMEM((CW,), jnp.float32),
            pltpu.VMEM((2, ROWS, CW), jnp.float32),
            pltpu.VMEM((L,), jnp.float32),
            pltpu.SemaphoreType.DMA((2,)),
        ],
    )
    sc_out = sc_run(pt, target, reward)

    tc_out = pl.pallas_call(
        _tc_body,
        grid=(NTC,),
        in_specs=[
            pl.BlockSpec((BC,), lambda g: (g,)),
            pl.BlockSpec((BC,), lambda g: (g,)),
            pl.BlockSpec((C, BC), lambda g: (0, g)),
        ],
        out_specs=pl.BlockSpec(
            (1, 1), lambda g: (0, 0), memory_space=pltpu.SMEM
        ),
        out_shape=jax.ShapeDtypeStruct((1, 1), jnp.float32),
    )(target, reward, pt)
    return tc_out[0, 0] + jnp.sum(sc_out)


def kernel(prob, target, reward):
    return _ganloss(prob.T, target.astype(jnp.int32), reward)

# --- scband reference (transcript-rebuilt; emitter-appended) ---
"""Pipeline reference for scband-ganloss-7541962572282 (READ-ONLY COPY).

The authoritative reference and input builder live on the scoring server;
editing this copy changes nothing except your own understanding.
"""

import jax, jax.numpy as jnp
import numpy as np


def setup_inputs(seed: int = 0) -> dict:
    key = jax.random.key(seed)
    k1, k2, k3 = jax.random.split(key, 3)
    N, C = 16384, 1000
    prob = jax.random.normal(k1, (N, C), dtype=jnp.float32)
    target = jax.random.randint(k2, (N,), 0, C, dtype=jnp.int64)
    reward = jax.random.uniform(k3, (N,), dtype=jnp.float32)
    return {"prob": prob, "target": target, "reward": reward}


def reference(prob, target, reward):
    # masked_select with a one-hot mask over dim 1 is equivalent to gathering
    # prob[i, target[i]] for each row i (one True per row, row-major order).
    gathered = jnp.take_along_axis(prob, target.reshape(-1, 1), axis=1).squeeze(-1)  # (N,)
    loss = gathered * reward
    loss = -jnp.sum(loss) / loss.shape[0]
    return loss

if __name__ == "__main__":
    import jax
    _d = setup_inputs()
    print(jax.jit(kernel)(*tuple(_d.values())))

</pallas_src>

<mosaic_0001>
#map = affine_map<(d0, d1) -> (0, 0)>
#map1 = affine_map<(d0, d1) -> (0)>
module attributes {stable_mosaic.version = 14 : i64} {
  func.func @_sc_body(%arg0: i32, %arg1: i32, %arg2: memref<1000x16384xf32, #tpu.memory_space<hbm>>, %arg3: memref<16384xi32, #tpu.memory_space<hbm>>, %arg4: memref<16384xf32, #tpu.memory_space<hbm>>, %arg5: memref<32x16xf32, #tpu.memory_space<hbm>>, %arg6: memref<128xi32, #tpu.memory_space<vmem>>, %arg7: memref<128xf32, #tpu.memory_space<vmem>>, %arg8: memref<128xf32, #tpu.memory_space<vmem>>, %arg9: memref<2x40x128xf32, #tpu.memory_space<vmem>>, %arg10: memref<16xf32, #tpu.memory_space<vmem>>, %arg11: memref<2x!tpu.dma_semaphore, #tpu.memory_space<semaphore_mem>>) attributes {dimension_semantics = [#tpu.dimension_semantics<core_parallel>, #tpu.dimension_semantics<subcore_parallel>], iteration_bounds = array<i64: 2, 16>, scalar_prefetch = 0 : i64, scratch_operands = 6 : i64, tpu.core_type = #tpu.core_type<sc_vector_subcore>, window_params = [{transform_indices = #map}, {transform_indices = #map1}, {transform_indices = #map1}, {transform_indices = #map}]} {
    %mul3A = arith.constant 2 : i32
    %mul3A_0 = arith.muli %arg1, %mul3A : i32
    %add3A = arith.addi %mul3A_0, %arg0 : i32
    %mul3A_1 = arith.constant 128 : i32
    %mul3A_2 = arith.muli %add3A, %mul3A_1 : i32
    %add3A_3 = arith.constant 12288 : i32
    %add3A_4 = arith.addi %add3A_3, %mul3A_2 : i32
    %multiple_of3A = tpu.assume_multiple %add3A_4, 128 : i32
    "tpu.region"() ({
      %run_scoped3A = tpu.sem_alloc : memref<!tpu.dma_semaphore, #tpu.memory_space<semaphore_mem>>
      %dma_start3A_144 = tpu.memref_slice %arg3[%multiple_of3A] : memref<16384xi32, #tpu.memory_space<hbm>> -> memref<128xi32, #tpu.memory_space<hbm>>
      %dma_start3A_145 = tpu.memref_slice %arg3[%multiple_of3A] : memref<16384xi32, #tpu.memory_space<hbm>> -> memref<128xi32, #tpu.memory_space<hbm>>
      tpu.enqueue_dma source(%dma_start3A_145 : memref<128xi32, #tpu.memory_space<hbm>>) target(%arg6 : memref<128xi32, #tpu.memory_space<vmem>>) target_semaphore(%run_scoped3A : memref<!tpu.dma_semaphore, #tpu.memory_space<semaphore_mem>>)
      %dma_wait3A = tpu.memref_slice %arg3[%multiple_of3A] : memref<16384xi32, #tpu.memory_space<hbm>> -> memref<128xi32, #tpu.memory_space<hbm>>
      %dma_wait3A_146 = tpu.memref_slice %arg3[%multiple_of3A] : memref<16384xi32, #tpu.memory_space<hbm>> -> memref<128xi32, #tpu.memory_space<hbm>>
      tpu.wait_dma2 semaphore(%run_scoped3A : memref<!tpu.dma_semaphore, #tpu.memory_space<semaphore_mem>>) src(%dma_wait3A_146 : memref<128xi32, #tpu.memory_space<hbm>>) dst(%arg6 : memref<128xi32, #tpu.memory_space<vmem>>)
      tpu.yield
    }) : () -> ()
    "tpu.region"() ({
      %run_scoped3A = tpu.sem_alloc : memref<!tpu.dma_semaphore, #tpu.memory_space<semaphore_mem>>
      %dma_start3A_144 = tpu.memref_slice %arg4[%multiple_of3A] : memref<16384xf32, #tpu.memory_space<hbm>> -> memref<128xf32, #tpu.memory_space<hbm>>
      %dma_start3A_145 = tpu.memref_slice %arg4[%multiple_of3A] : memref<16384xf32, #tpu.memory_space<hbm>> -> memref<128xf32, #tpu.memory_space<hbm>>
      tpu.enqueue_dma source(%dma_start3A_145 : memref<128xf32, #tpu.memory_space<hbm>>) target(%arg7 : memref<128xf32, #tpu.memory_space<vmem>>) target_semaphore(%run_scoped3A : memref<!tpu.dma_semaphore, #tpu.memory_space<semaphore_mem>>)
      %dma_wait3A = tpu.memref_slice %arg4[%multiple_of3A] : memref<16384xf32, #tpu.memory_space<hbm>> -> memref<128xf32, #tpu.memory_space<hbm>>
      %dma_wait3A_146 = tpu.memref_slice %arg4[%multiple_of3A] : memref<16384xf32, #tpu.memory_space<hbm>> -> memref<128xf32, #tpu.memory_space<hbm>>
      tpu.wait_dma2 semaphore(%run_scoped3A : memref<!tpu.dma_semaphore, #tpu.memory_space<semaphore_mem>>) src(%dma_wait3A_146 : memref<128xf32, #tpu.memory_space<hbm>>) dst(%arg7 : memref<128xf32, #tpu.memory_space<vmem>>)
      tpu.yield
    }) : () -> ()
    %broadcast_in_dim3A = arith.constant 0.000000e+00 : f32
    %broadcast_in_dim3A_5 = vector.broadcast %broadcast_in_dim3A : f32 to vector<16xf32>
    %swap3A = arith.constant 0 : index
    %swap3A_6 = tpu.vector_load %arg8[%swap3A] {strides = array<i32>} : memref<128xf32, #tpu.memory_space<vmem>>, vector<16xf32>,
    %swap3A_7 = vector.shape_cast %swap3A_6 : vector<16xf32> to vector<16xf32>
    %swap3A_8 = vector.shape_cast %broadcast_in_dim3A_5 : vector<16xf32> to vector<16xf32>
    tpu.vector_store %arg8[%swap3A], %swap3A_8 {strides = array<i32>} : memref<128xf32, #tpu.memory_space<vmem>>, vector<16xf32>,
    %broadcast_in_dim3A_9 = arith.constant 0.000000e+00 : f32
    %broadcast_in_dim3A_10 = vector.broadcast %broadcast_in_dim3A_9 : f32 to vector<16xf32>
    %swap3A_11 = arith.constant 16 : index
    %swap3A_12 = tpu.vector_load %arg8[%swap3A_11] {strides = array<i32>} : memref<128xf32, #tpu.memory_space<vmem>>, vector<16xf32>,
    %swap3A_13 = vector.shape_cast %swap3A_12 : vector<16xf32> to vector<16xf32>
    %swap3A_14 = vector.shape_cast %broadcast_in_dim3A_10 : vector<16xf32> to vector<16xf32>
    tpu.vector_store %arg8[%swap3A_11], %swap3A_14 {strides = array<i32>} : memref<128xf32, #tpu.memory_space<vmem>>, vector<16xf32>,
    %broadcast_in_dim3A_15 = arith.constant 0.000000e+00 : f32
    %broadcast_in_dim3A_16 = vector.broadcast %broadcast_in_dim3A_15 : f32 to vector<16xf32>
    %swap3A_17 = arith.constant 32 : index
    %swap3A_18 = tpu.vector_load %arg8[%swap3A_17] {strides = array<i32>} : memref<128xf32, #tpu.memory_space<vmem>>, vector<16xf32>,
    %swap3A_19 = vector.shape_cast %swap3A_18 : vector<16xf32> to vector<16xf32>
    %swap3A_20 = vector.shape_cast %broadcast_in_dim3A_16 : vector<16xf32> to vector<16xf32>
    tpu.vector_store %arg8[%swap3A_17], %swap3A_20 {strides = array<i32>} : memref<128xf32, #tpu.memory_space<vmem>>, vector<16xf32>,
    %broadcast_in_dim3A_21 = arith.constant 0.000000e+00 : f32
    %broadcast_in_dim3A_22 = vector.broadcast %broadcast_in_dim3A_21 : f32 to vector<16xf32>
    %swap3A_23 = arith.constant 48 : index
    %swap3A_24 = tpu.vector_load %arg8[%swap3A_23] {strides = array<i32>} : memref<128xf32, #tpu.memory_space<vmem>>, vector<16xf32>,
    %swap3A_25 = vector.shape_cast %swap3A_24 : vector<16xf32> to vector<16xf32>
    %swap3A_26 = vector.shape_cast %broadcast_in_dim3A_22 : vector<16xf32> to vector<16xf32>
    tpu.vector_store %arg8[%swap3A_23], %swap3A_26 {strides = array<i32>} : memref<128xf32, #tpu.memory_space<vmem>>, vector<16xf32>,
    %broadcast_in_dim3A_27 = arith.constant 0.000000e+00 : f32
    %broadcast_in_dim3A_28 = vector.broadcast %broadcast_in_dim3A_27 : f32 to vector<16xf32>
    %swap3A_29 = arith.constant 64 : index
    %swap3A_30 = tpu.vector_load %arg8[%swap3A_29] {strides = array<i32>} : memref<128xf32, #tpu.memory_space<vmem>>, vector<16xf32>,
    %swap3A_31 = vector.shape_cast %swap3A_30 : vector<16xf32> to vector<16xf32>
    %swap3A_32 = vector.shape_cast %broadcast_in_dim3A_28 : vector<16xf32> to vector<16xf32>
    tpu.vector_store %arg8[%swap3A_29], %swap3A_32 {strides = array<i32>} : memref<128xf32, #tpu.memory_space<vmem>>, vector<16xf32>,
    %broadcast_in_dim3A_33 = arith.constant 0.000000e+00 : f32
    %broadcast_in_dim3A_34 = vector.broadcast %broadcast_in_dim3A_33 : f32 to vector<16xf32>
    %swap3A_35 = arith.constant 80 : index
    %swap3A_36 = tpu.vector_load %arg8[%swap3A_35] {strides = array<i32>} : memref<128xf32, #tpu.memory_space<vmem>>, vector<16xf32>,
    %swap3A_37 = vector.shape_cast %swap3A_36 : vector<16xf32> to vector<16xf32>
    %swap3A_38 = vector.shape_cast %broadcast_in_dim3A_34 : vector<16xf32> to vector<16xf32>
    tpu.vector_store %arg8[%swap3A_35], %swap3A_38 {strides = array<i32>} : memref<128xf32, #tpu.memory_space<vmem>>, vector<16xf32>,
    %broadcast_in_dim3A_39 = arith.constant 0.000000e+00 : f32
    %broadcast_in_dim3A_40 = vector.broadcast %broadcast_in_dim3A_39 : f32 to vector<16xf32>
    %swap3A_41 = arith.constant 96 : index
    %swap3A_42 = tpu.vector_load %arg8[%swap3A_41] {strides = array<i32>} : memref<128xf32, #tpu.memory_space<vmem>>, vector<16xf32>,
    %swap3A_43 = vector.shape_cast %swap3A_42 : vector<16xf32> to vector<16xf32>
    %swap3A_44 = vector.shape_cast %broadcast_in_dim3A_40 : vector<16xf32> to vector<16xf32>
    tpu.vector_store %arg8[%swap3A_41], %swap3A_44 {strides = array<i32>} : memref<128xf32, #tpu.memory_space<vmem>>, vector<16xf32>,
    %broadcast_in_dim3A_45 = arith.constant 0.000000e+00 : f32
    %broadcast_in_dim3A_46 = vector.broadcast %broadcast_in_dim3A_45 : f32 to vector<16xf32>
    %swap3A_47 = arith.constant 112 : index
    %swap3A_48 = tpu.vector_load %arg8[%swap3A_47] {strides = array<i32>} : memref<128xf32, #tpu.memory_space<vmem>>, vector<16xf32>,
    %swap3A_49 = vector.shape_cast %swap3A_48 : vector<16xf32> to vector<16xf32>
    %swap3A_50 = vector.shape_cast %broadcast_in_dim3A_46 : vector<16xf32> to vector<16xf32>
    tpu.vector_store %arg8[%swap3A_47], %swap3A_50 {strides = array<i32>} : memref<128xf32, #tpu.memory_space<vmem>>, vector<16xf32>,
    %multiple_of3A_51 = arith.constant 0 : i32
    %multiple_of3A_52 = tpu.assume_multiple %multiple_of3A_51, 8 : i32
    %dma_start3A = arith.constant 0 : i32
    %dma_start3A_53 = arith.constant 0 : i32
    %dma_start3A_54 = arith.constant 0 : i32
    %dma_start3A_55 = arith.constant 0 : i32
    %dma_start3A_56 = tpu.memref_slice %arg9[%dma_start3A, %dma_start3A_54, %dma_start3A_55] : memref<2x40x128xf32, #tpu.memory_space<vmem>> -> memref<1x40x128xf32, #tpu.memory_space<vmem>>
    %dma_start3A_57 = tpu.memref_squeeze %dma_start3A_56 : memref<1x40x128xf32, #tpu.memory_space<vmem>> -> memref<40x128xf32, #tpu.memory_space<vmem>>
    %dma_start3A_58 = tpu.memref_slice %arg2[%multiple_of3A_52, %multiple_of3A] : memref<1000x16384xf32, #tpu.memory_space<hbm>> -> memref<40x128xf32, #tpu.memory_space<hbm>>
    %dma_start3A_59 = tpu.memref_slice %arg11[%dma_start3A_53] : memref<2x!tpu.dma_semaphore, #tpu.memory_space<semaphore_mem>> -> memref<1x!tpu.dma_semaphore, #tpu.memory_space<semaphore_mem>>
    %dma_start3A_60 = tpu.memref_squeeze %dma_start3A_59 : memref<1x!tpu.dma_semaphore, #tpu.memory_space<semaphore_mem>> -> memref<!tpu.dma_semaphore, #tpu.memory_space<semaphore_mem>>
    %dma_start3A_61 = arith.constant 0 : i32
    %dma_start3A_62 = arith.constant 0 : i32
    %dma_start3A_63 = tpu.memref_slice %arg9[%dma_start3A, %dma_start3A_61, %dma_start3A_62] : memref<2x40x128xf32, #tpu.memory_space<vmem>> -> memref<1x40x128xf32, #tpu.memory_space<vmem>>
    %dma_start3A_64 = tpu.memref_squeeze %dma_start3A_63 : memref<1x40x128xf32, #tpu.memory_space<vmem>> -> memref<40x128xf32, #tpu.memory_space<vmem>>
    %dma_start3A_65 = tpu.memref_slice %arg2[%multiple_of3A_52, %multiple_of3A] : memref<1000x16384xf32, #tpu.memory_space<hbm>> -> memref<40x128xf32, #tpu.memory_space<hbm>>
    tpu.enqueue_dma source(%dma_start3A_65 : memref<40x128xf32, #tpu.memory_space<hbm>>) target(%dma_start3A_64 : memref<40x128xf32, #tpu.memory_space<vmem>>) target_semaphore(%dma_start3A_60 : memref<!tpu.dma_semaphore, #tpu.memory_space<semaphore_mem>>)
    %scan3A = arith.constant 0 : i32
    %scan3A_66 = arith.constant 0 : i32
    %scan3A_67 = arith.constant 25 : i32
    %scan3A_68 = arith.addi %scan3A_66, %scan3A_67 : i32
    %scan3A_69 = arith.constant 1 : i32
    %scan3A_70 = scf.for %scan3A_144 = %scan3A_66 to %scan3A_68 step %scan3A_69 iter_args(%scan3A_145 = %scan3A) -> (i32)  : i32 {
      %and3A = arith.constant 1 : i32
      %and3A_146 = arith.andi %scan3A_144, %and3A : i32
      %add3A_147 = arith.constant 1 : i32
      %add3A_148 = arith.addi %scan3A_144, %add3A_147 : i32
      %lt3A = arith.constant 25 : i32
      %lt3A_149 = arith.cmpi slt, %add3A_148, %lt3A : i32
      %convert_element_type3A = arith.extui %lt3A_149 : i1 to i32
      %cond3A = arith.constant 0 : i32
      %cond3A_150 = arith.cmpi ne, %convert_element_type3A, %cond3A : i32
      scf.if %cond3A_150 {
        %add3A_4406 = arith.constant 1 : i32
        %add3A_4407 = arith.addi %scan3A_144, %add3A_4406 : i32
        %sub3A = arith.constant 1 : i32
        %sub3A_4408 = arith.subi %sub3A, %and3A_146 : i32
        %mul3A_4409 = arith.constant 40 : i32
        %mul3A_4410 = arith.muli %add3A_4407, %mul3A_4409 : i32
        %multiple_of3A_4411 = tpu.assume_multiple %mul3A_4410, 8 : i32
        %dma_start3A_4412 = arith.constant 0 : i32
        %dma_start3A_4413 = arith.constant 0 : i32
        %dma_start3A_4414 = tpu.memref_slice %arg9[%sub3A_4408, %dma_start3A_4412, %dma_start3A_4413] : memref<2x40x128xf32, #tpu.memory_space<vmem>> -> memref<1x40x128xf32, #tpu.memory_space<vmem>>
        %dma_start3A_4415 = tpu.memref_squeeze %dma_start3A_4414 : memref<1x40x128xf32, #tpu.memory_space<vmem>> -> memref<40x128xf32, #tpu.memory_space<vmem>>
        %dma_start3A_4416 = tpu.memref_slice %arg2[%multiple_of3A_4411, %multiple_of3A] : memref<1000x16384xf32, #tpu.memory_space<hbm>> -> memref<40x128xf32, #tpu.memory_space<hbm>>
        %dma_start3A_4417 = tpu.memref_slice %arg11[%sub3A_4408] : memref<2x!tpu.dma_semaphore, #tpu.memory_space<semaphore_mem>> -> memref<1x!tpu.dma_semaphore, #tpu.memory_space<semaphore_mem>>
        %dma_start3A_4418 = tpu.memref_squeeze %dma_start3A_4417 : memref<1x!tpu.dma_semaphore, #tpu.memory_space<semaphore_mem>> -> memref<!tpu.dma_semaphore, #tpu.memory_space<semaphore_mem>>
        %dma_start3A_4419 = arith.constant 0 : i32
        %dma_start3A_4420 = arith.constant 0 : i32
        %dma_start3A_4421 = tpu.memref_slice %arg9[%sub3A_4408, %dma_start3A_4419, %dma_start3A_4420] : memref<2x40x128xf32, #tpu.memory_space<vmem>> -> memref<1x40x128xf32, #tpu.memory_space<vmem>>
        %dma_start3A_4422 = tpu.memref_squeeze %dma_start3A_4421 : memref<1x40x128xf32, #tpu.memory_space<vmem>> -> memref<40x128xf32, #tpu.memory_space<vmem>>
        %dma_start3A_4423 = tpu.memref_slice %arg2[%multiple_of3A_4411, %multiple_of3A] : memref<1000x16384xf32, #tpu.memory_space<hbm>> -> memref<40x128xf32, #tpu.memory_space<hbm>>
        tpu.enqueue_dma source(%dma_start3A_4423 : memref<40x128xf32, #tpu.memory_space<hbm>>) target(%dma_start3A_4422 : memref<40x128xf32, #tpu.memory_space<vmem>>) target_semaphore(%dma_start3A_4418 : memref<!tpu.dma_semaphore, #tpu.memory_space<semaphore_mem>>)
      } else {
      }
      %dma_wait3A = arith.constant 0 : i32
      %dma_wait3A_151 = arith.constant 0 : i32
      %dma_wait3A_152 = arith.constant 0 : i32
      %dma_wait3A_153 = tpu.memref_slice %arg9[%dma_wait3A, %dma_wait3A_151, %dma_wait3A_152] : memref<2x40x128xf32, #tpu.memory_space<vmem>> -> memref<1x40x128xf32, #tpu.memory_space<vmem>>
      %dma_wait3A_154 = tpu.memref_squeeze %dma_wait3A_153 : memref<1x40x128xf32, #tpu.memory_space<vmem>> -> memref<40x128xf32, #tpu.memory_space<vmem>>
      %dma_wait3A_155 = arith.constant 0 : i32
      %dma_wait3A_156 = arith.constant 0 : i32
      %dma_wait3A_157 = tpu.memref_slice %arg2[%dma_wait3A_155, %dma_wait3A_156] : memref<1000x16384xf32, #tpu.memory_space<hbm>> -> memref<40x128xf32, #tpu.memory_space<hbm>>
      %dma_wait3A_158 = tpu.memref_slice %arg11[%and3A_146] : memref<2x!tpu.dma_semaphore, #tpu.memory_space<semaphore_mem>> -> memref<1x!tpu.dma_semaphore, #tpu.memory_space<semaphore_mem>>
      %dma_wait3A_159 = tpu.memref_squeeze %dma_wait3A_158 : memref<1x!tpu.dma_semaphore, #tpu.memory_space<semaphore_mem>> -> memref<!tpu.dma_semaphore, #tpu.memory_space<semaphore_mem>>
      %dma_wait3A_160 = arith.constant 0 : i32
      %dma_wait3A_161 = arith.constant 0 : i32
      %dma_wait3A_162 = tpu.memref_slice %arg9[%dma_wait3A, %dma_wait3A_160, %dma_wait3A_161] : memref<2x40x128xf32, #tpu.memory_space<vmem>> -> memref<1x40x128xf32, #tpu.memory_space<vmem>>
      %dma_wait3A_163 = tpu.memref_squeeze %dma_wait3A_162 : memref<1x40x128xf32, #tpu.memory_space<vmem>> -> memref<40x128xf32, #tpu.memory_space<vmem>>
      %dma_wait3A_164 = arith.constant 0 : i32
      %dma_wait3A_165 = arith.constant 0 : i32
      %dma_wait3A_166 = tpu.memref_slice %arg2[%dma_wait3A_164, %dma_wait3A_165] : memref<1000x16384xf32, #tpu.memory_space<hbm>> -> memref<40x128xf32, #tpu.memory_space<hbm>>
      tpu.wait_dma2 semaphore(%dma_wait3A_159 : memref<!tpu.dma_semaphore, #tpu.memory_space<semaphore_mem>>) src(%dma_wait3A_166 : memref<40x128xf32, #tpu.memory_space<hbm>>) dst(%dma_wait3A_163 : memref<40x128xf32, #tpu.memory_space<vmem>>)
      %get3A_167 = arith.constant 0 : index
      %get3A_168 = tpu.vector_load %arg8[%get3A_167] {strides = array<i32>} : memref<128xf32, #tpu.memory_space<vmem>>, vector<16xf32>,
      %get3A_169 = vector.shape_cast %get3A_168 : vector<16xf32> to vector<16xf32>
      %get3A_170 = arith.constant 0 : index
      %get3A_171 = tpu.vector_load %arg6[%get3A_170] {strides = array<i32>} : memref<128xi32, #tpu.memory_space<vmem>>, vector<16xi32>,
      %get3A_172 = vector.shape_cast %get3A_171 : vector<16xi32> to vector<16xi32>
      %mul3A_173 = arith.constant 40 : i32
      %mul3A_174 = arith.muli %scan3A_144, %mul3A_173 : i32
      %add3A_175 = arith.constant 0 : i32
      %add3A_176 = arith.addi %mul3A_174, %add3A_175 : i32
      %get3A_177 = arith.constant 0 : i32
      %get3A_178 = arith.index_cast %and3A_146 : i32 to index
      %get3A_179 = arith.index_cast %get3A_177 : i32 to index
      %get3A_180 = arith.constant 0 : index
      %get3A_181 = tpu.vector_load %arg9[%get3A_178, %get3A_179, %get3A_180] {strides = array<i32>} : memref<2x40x128xf32, #tpu.memory_space<vmem>>, vector<1x1x16xf32>,
      %get3A_182 = vector.shape_cast %get3A_181 : vector<1x1x16xf32> to vector<16xf32>
      %eq3A = vector.broadcast %add3A_176 : i32 to vector<16xi32>
      %eq3A_183 = arith.cmpi eq, %get3A_172, %eq3A : vector<16xi32>
      %select_n3A = arith.select %eq3A_183, %get3A_182, %get3A_169 : vector<16xi1>, vector<16xf32>
      %mul3A_184 = arith.constant 40 : i32
      %mul3A_185 = arith.muli %scan3A_144, %mul3A_184 : i32
      %add3A_186 = arith.constant 1 : i32
      %add3A_187 = arith.addi %mul3A_185, %add3A_186 : i32
      %get3A_188 = arith.constant 1 : i32
      %get3A_189 = arith.index_cast %and3A_146 : i32 to index
      %get3A_190 = arith.index_cast %get3A_188 : i32 to index
      %get3A_191 = arith.constant 0 : index
      %get3A_192 = tpu.vector_load %arg9[%get3A_189, %get3A_190, %get3A_191] {strides = array<i32>} : memref<2x40x128xf32, #tpu.memory_space<vmem>>, vector<1x1x16xf32>,
      %get3A_193 = vector.shape_cast %get3A_192 : vector<1x1x16xf32> to vector<16xf32>
      %eq3A_194 = vector.broadcast %add3A_187 : i32 to vector<16xi32>
      %eq3A_195 = arith.cmpi eq, %get3A_172, %eq3A_194 : vector<16xi32>
      %select_n3A_196 = arith.select %eq3A_195, %get3A_193, %select_n3A : vector<16xi1>, vector<16xf32>
      %mul3A_197 = arith.constant 40 : i32
      %mul3A_198 = arith.muli %scan3A_144, %mul3A_197 : i32
      %add3A_199 = arith.constant 2 : i32
      %add3A_200 = arith.addi %mul3A_198, %add3A_199 : i32
      %get3A_201 = arith.constant 2 : i32
      %get3A_202 = arith.index_cast %and3A_146 : i32 to index
      %get3A_203 = arith.index_cast %get3A_201 : i32 to index
      %get3A_204 = arith.constant 0 : index
      %get3A_205 = tpu.vector_load %arg9[%get3A_202, %get3A_203, %get3A_204] {strides = array<i32>} : memref<2x40x128xf32, #tpu.memory_space<vmem>>, vector<1x1x16xf32>,
      %get3A_206 = vector.shape_cast %get3A_205 : vector<1x1x16xf32> to vector<16xf32>
      %eq3A_207 = vector.broadcast %add3A_200 : i32 to vector<16xi32>
      %eq3A_208 = arith.cmpi eq, %get3A_172, %eq3A_207 : vector<16xi32>
      %select_n3A_209 = arith.select %eq3A_208, %get3A_206, %select_n3A_196 : vector<16xi1>, vector<16xf32>
      %mul3A_210 = arith.constant 40 : i32
      %mul3A_211 = arith.muli %scan3A_144, %mul3A_210 : i32
      %add3A_212 = arith.constant 3 : i32
      %add3A_213 = arith.addi %mul3A_211, %add3A_212 : i32
      %get3A_214 = arith.constant 3 : i32
      %get3A_215 = arith.index_cast %and3A_146 : i32 to index
      %get3A_216 = arith.index_cast %get3A_214 : i32 to index
      %get3A_217 = arith.constant 0 : index
      %get3A_218 = tpu.vector_load %arg9[%get3A_215, %get3A_216, %get3A_217] {strides = array<i32>} : memref<2x40x128xf32, #tpu.memory_space<vmem>>, vector<1x1x16xf32>,
      %get3A_219 = vector.shape_cast %get3A_218 : vector<1x1x16xf32> to vector<16xf32>
      %eq3A_220 = vector.broadcast %add3A_213 : i32 to vector<16xi32>
      %eq3A_221 = arith.cmpi eq, %get3A_172, %eq3A_220 : vector<16xi32>
      %select_n3A_222 = arith.select %eq3A_221, %get3A_219, %select_n3A_209 : vector<16xi1>, vector<16xf32>
      %mul3A_223 = arith.constant 40 : i32
      %mul3A_224 = arith.muli %scan3A_144, %mul3A_223 : i32
      %add3A_225 = arith.constant 4 : i32
      %add3A_226 = arith.addi %mul3A_224, %add3A_225 : i32
      %get3A_227 = arith.constant 4 : i32
      %get3A_228 = arith.index_cast %and3A_146 : i32 to index
      %get3A_229 = arith.index_cast %get3A_227 : i32 to index
      %get3A_230 = arith.constant 0 : index
      %get3A_231 = tpu.vector_load %arg9[%get3A_228, %get3A_229, %get3A_230] {strides = array<i32>} : memref<2x40x128xf32, #tpu.memory_space<vmem>>, vector<1x1x16xf32>,
      %get3A_232 = vector.shape_cast %get3A_231 : vector<1x1x16xf32> to vector<16xf32>
      %eq3A_233 = vector.broadcast %add3A_226 : i32 to vector<16xi32>
      %eq3A_234 = arith.cmpi eq, %get3A_172, %eq3A_233 : vector<16xi32>
      %select_n3A_235 = arith.select %eq3A_234, %get3A_232, %select_n3A_222 : vector<16xi1>, vector<16xf32>
      %mul3A_236 = arith.constant 40 : i32
      %mul3A_237 = arith.muli %scan3A_144, %mul3A_236 : i32
      %add3A_238 = arith.constant 5 : i32
      %add3A_239 = arith.addi %mul3A_237, %add3A_238 : i32
      %get3A_240 = arith.constant 5 : i32
      %get3A_241 = arith.index_cast %and3A_146 : i32 to index
      %get3A_242 = arith.index_cast %get3A_240 : i32 to index
      %get3A_243 = arith.constant 0 : index
      %get3A_244 = tpu.vector_load %arg9[%get3A_241, %get3A_242, %get3A_243] {strides = array<i32>} : memref<2x40x128xf32, #tpu.memory_space<vmem>>, vector<1x1x16xf32>,
      %get3A_245 = vector.shape_cast %get3A_244 : vector<1x1x16xf32> to vector<16xf32>
      %eq3A_246 = vector.broadcast %add3A_239 : i32 to vector<16xi32>
      %eq3A_247 = arith.cmpi eq, %get3A_172, %eq3A_246 : vector<16xi32>
      %select_n3A_248 = arith.select %eq3A_247, %get3A_245, %select_n3A_235 : vector<16xi1>, vector<16xf32>
      %mul3A_249 = arith.constant 40 : i32
      %mul3A_250 = arith.muli %scan3A_144, %mul3A_249 : i32
      %add3A_251 = arith.constant 6 : i32
      %add3A_252 = arith.addi %mul3A_250, %add3A_251 : i32
      %get3A_253 = arith.constant 6 : i32
      %get3A_254 = arith.index_cast %and3A_146 : i32 to index
      %get3A_255 = arith.index_cast %get3A_253 : i32 to index
      %get3A_256 = arith.constant 0 : index
      %get3A_257 = tpu.vector_load %arg9[%get3A_254, %get3A_255, %get3A_256] {strides = array<i32>} : memref<2x40x128xf32, #tpu.memory_space<vmem>>, vector<1x1x16xf32>,
      %get3A_258 = vector.shape_cast %get3A_257 : vector<1x1x16xf32> to vector<16xf32>
      %eq3A_259 = vector.broadcast %add3A_252 : i32 to vector<16xi32>
      %eq3A_260 = arith.cmpi eq, %get3A_172, %eq3A_259 : vector<16xi32>
      %select_n3A_261 = arith.select %eq3A_260, %get3A_258, %select_n3A_248 : vector<16xi1>, vector<16xf32>
      %mul3A_262 = arith.constant 40 : i32
      %mul3A_263 = arith.muli %scan3A_144, %mul3A_262 : i32
      %add3A_264 = arith.constant 7 : i32
      %add3A_265 = arith.addi %mul3A_263, %add3A_264 : i32
      %get3A_266 = arith.constant 7 : i32
      %get3A_267 = arith.index_cast %and3A_146 : i32 to index
      %get3A_268 = arith.index_cast %get3A_266 : i32 to index
      %get3A_269 = arith.constant 0 : index
      %get3A_270 = tpu.vector_load %arg9[%get3A_267, %get3A_268, %get3A_269] {strides = array<i32>} : memref<2x40x128xf32, #tpu.memory_space<vmem>>, vector<1x1x16xf32>,
      %get3A_271 = vector.shape_cast %get3A_270 : vector<1x1x16xf32> to vector<16xf32>
      %eq3A_272 = vector.broadcast %add3A_265 : i32 to vector<16xi32>
      %eq3A_273 = arith.cmpi eq, %get3A_172, %eq3A_272 : vector<16xi32>
      %select_n3A_274 = arith.select %eq3A_273, %get3A_271, %select_n3A_261 : vector<16xi1>, vector<16xf32>
      %mul3A_275 = arith.constant 40 : i32
      %mul3A_276 = arith.muli %scan3A_144, %mul3A_275 : i32
      %add3A_277 = arith.constant 8 : i32
      %add3A_278 = arith.addi %mul3A_276, %add3A_277 : i32
      %get3A_279 = arith.constant 8 : i32
      %get3A_280 = arith.index_cast %and3A_146 : i32 to index
      %get3A_281 = arith.index_cast %get3A_279 : i32 to index
      %get3A_282 = arith.constant 0 : index
      %get3A_283 = tpu.vector_load %arg9[%get3A_280, %get3A_281, %get3A_282] {strides = array<i32>} : memref<2x40x128xf32, #tpu.memory_space<vmem>>, vector<1x1x16xf32>,
      %get3A_284 = vector.shape_cast %get3A_283 : vector<1x1x16xf32> to vector<16xf32>
      %eq3A_285 = vector.broadcast %add3A_278 : i32 to vector<16xi32>
      %eq3A_286 = arith.cmpi eq, %get3A_172, %eq3A_285 : vector<16xi32>
      %select_n3A_287 = arith.select %eq3A_286, %get3A_284, %select_n3A_274 : vector<16xi1>, vector<16xf32>
      %mul3A_288 = arith.constant 40 : i32
      %mul3A_289 = arith.muli %scan3A_144, %mul3A_288 : i32
      %add3A_290 = arith.constant 9 : i32
      %add3A_291 = arith.addi %mul3A_289, %add3A_290 : i32
      %get3A_292 = arith.constant 9 : i32
      %get3A_293 = arith.index_cast %and3A_146 : i32 to index
      %get3A_294 = arith.index_cast %get3A_292 : i32 to index
      %get3A_295 = arith.constant 0 : index
      %get3A_296 = tpu.vector_load %arg9[%get3A_293, %get3A_294, %get3A_295] {strides = array<i32>} : memref<2x40x128xf32, #tpu.memory_space<vmem>>, vector<1x1x16xf32>,
      %get3A_297 = vector.shape_cast %get3A_296 : vector<1x1x16xf32> to vector<16xf32>
      %eq3A_298 = vector.broadcast %add3A_291 : i32 to vector<16xi32>
      %eq3A_299 = arith.cmpi eq, %get3A_172, %eq3A_298 : vector<16xi32>
      %select_n3A_300 = arith.select %eq3A_299, %get3A_297, %select_n3A_287 : vector<16xi1>, vector<16xf32>
      %mul3A_301 = arith.constant 40 : i32
      %mul3A_302 = arith.muli %scan3A_144, %mul3A_301 : i32
      %add3A_303 = arith.constant 10 : i32
      %add3A_304 = arith.addi %mul3A_302, %add3A_303 : i32
      %get3A_305 = arith.constant 10 : i32
      %get3A_306 = arith.index_cast %and3A_146 : i32 to index
      %get3A_307 = arith.index_cast %get3A_305 : i32 to index
      %get3A_308 = arith.constant 0 : index
      %get3A_309 = tpu.vector_load %arg9[%get3A_306, %get3A_307, %get3A_308] {strides = array<i32>} : memref<2x40x128xf32, #tpu.memory_space<vmem>>, vector<1x1x16xf32>,
      %get3A_310 = vector.shape_cast %get3A_309 : vector<1x1x16xf32> to vector<16xf32>
      %eq3A_311 = vector.broadcast %add3A_304 : i32 to vector<16xi32>
      %eq3A_312 = arith.cmpi eq, %get3A_172, %eq3A_311 : vector<16xi32>
      %select_n3A_313 = arith.select %eq3A_312, %get3A_310, %select_n3A_300 : vector<16xi1>, vector<16xf32>
      %mul3A_314 = arith.constant 40 : i32
      %mul3A_315 = arith.muli %scan3A_144, %mul3A_314 : i32
      %add3A_316 = arith.constant 11 : i32
      %add3A_317 = arith.addi %mul3A_315, %add3A_316 : i32
      %get3A_318 = arith.constant 11 : i32
      %get3A_319 = arith.index_cast %and3A_146 : i32 to index
      %get3A_320 = arith.index_cast %get3A_318 : i32 to index
      %get3A_321 = arith.constant 0 : index
      %get3A_322 = tpu.vector_load %arg9[%get3A_319, %get3A_320, %get3A_321] {strides = array<i32>} : memref<2x40x128xf32, #tpu.memory_space<vmem>>, vector<1x1x16xf32>,
      %get3A_323 = vector.shape_cast %get3A_322 : vector<1x1x16xf32> to vector<16xf32>
      %eq3A_324 = vector.broadcast %add3A_317 : i32 to vector<16xi32>
      %eq3A_325 = arith.cmpi eq, %get3A_172, %eq3A_324 : vector<16xi32>
      %select_n3A_326 = arith.select %eq3A_325, %get3A_323, %select_n3A_313 : vector<16xi1>, vector<16xf32>
      %mul3A_327 = arith.constant 40 : i32
      %mul3A_328 = arith.muli %scan3A_144, %mul3A_327 : i32
      %add3A_329 = arith.constant 12 : i32
      %add3A_330 = arith.addi %mul3A_328, %add3A_329 : i32
      %get3A_331 = arith.constant 12 : i32
      %get3A_332 = arith.index_cast %and3A_146 : i32 to index
      %get3A_333 = arith.index_cast %get3A_331 : i32 to index
      %get3A_334 = arith.constant 0 : index
      %get3A_335 = tpu.vector_load %arg9[%get3A_332, %get3A_333, %get3A_334] {strides = array<i32>} : memref<2x40x128xf32, #tpu.memory_space<vmem>>, vector<1x1x16xf32>,
      %get3A_336 = vector.shape_cast %get3A_335 : vector<1x1x16xf32> to vector<16xf32>
      %eq3A_337 = vector.broadcast %add3A_330 : i32 to vector<16xi32>
      %eq3A_338 = arith.cmpi eq, %get3A_172, %eq3A_337 : vector<16xi32>
      %select_n3A_339 = arith.select %eq3A_338, %get3A_336, %select_n3A_326 : vector<16xi1>, vector<16xf32>
      %mul3A_340 = arith.constant 40 : i32
      %mul3A_341 = arith.muli %scan3A_144, %mul3A_340 : i32
      %add3A_342 = arith.constant 13 : i32
      %add3A_343 = arith.addi %mul3A_341, %add3A_342 : i32
      %get3A_344 = arith.constant 13 : i32
      %get3A_345 = arith.index_cast %and3A_146 : i32 to index
      %get3A_346 = arith.index_cast %get3A_344 : i32 to index
      %get3A_347 = arith.constant 0 : index
      %get3A_348 = tpu.vector_load %arg9[%get3A_345, %get3A_346, %get3A_347] {strides = array<i32>} : memref<2x40x128xf32, #tpu.memory_space<vmem>>, vector<1x1x16xf32>,
      %get3A_349 = vector.shape_cast %get3A_348 : vector<1x1x16xf32> to vector<16xf32>
      %eq3A_350 = vector.broadcast %add3A_343 : i32 to vector<16xi32>
      %eq3A_351 = arith.cmpi eq, %get3A_172, %eq3A_350 : vector<16xi32>
      %select_n3A_352 = arith.select %eq3A_351, %get3A_349, %select_n3A_339 : vector<16xi1>, vector<16xf32>
      %mul3A_353 = arith.constant 40 : i32
      %mul3A_354 = arith.muli %scan3A_144, %mul3A_353 : i32
      %add3A_355 = arith.constant 14 : i32
      %add3A_356 = arith.addi %mul3A_354, %add3A_355 : i32
      %get3A_357 = arith.constant 14 : i32
      %get3A_358 = arith.index_cast %and3A_146 : i32 to index
      %get3A_359 = arith.index_cast %get3A_357 : i32 to index
      %get3A_360 = arith.constant 0 : index
      %get3A_361 = tpu.vector_load %arg9[%get3A_358, %get3A_359, %get3A_360] {strides = array<i32>} : memref<2x40x128xf32, #tpu.memory_space<vmem>>, vector<1x1x16xf32>,
      %get3A_362 = vector.shape_cast %get3A_361 : vector<1x1x16xf32> to vector<16xf32>
      %eq3A_363 = vector.broadcast %add3A_356 : i32 to vector<16xi32>
      %eq3A_364 = arith.cmpi eq, %get3A_172, %eq3A_363 : vector<16xi32>
      %select_n3A_365 = arith.select %eq3A_364, %get3A_362, %select_n3A_352 : vector<16xi1>, vector<16xf32>
      %mul3A_366 = arith.constant 40 : i32
      %mul3A_367 = arith.muli %scan3A_144, %mul3A_366 : i32
      %add3A_368 = arith.constant 15 : i32
      %add3A_369 = arith.addi %mul3A_367, %add3A_368 : i32
      %get3A_370 = arith.constant 15 : i32
      %get3A_371 = arith.index_cast %and3A_146 : i32 to index
      %get3A_372 = arith.index_cast %get3A_370 : i32 to index
      %get3A_373 = arith.constant 0 : index
      %get3A_374 = tpu.vector_load %arg9[%get3A_371, %get3A_372, %get3A_373] {strides = array<i32>} : memref<2x40x128xf32, #tpu.memory_space<vmem>>, vector<1x1x16xf32>,
      %get3A_375 = vector.shape_cast %get3A_374 : vector<1x1x16xf32> to vector<16xf32>
      %eq3A_376 = vector.broadcast %add3A_369 : i32 to vector<16xi32>
      %eq3A_377 = arith.cmpi eq, %get3A_172, %eq3A_376 : vector<16xi32>
      %select_n3A_378 = arith.select %eq3A_377, %get3A_375, %select_n3A_365 : vector<16xi1>, vector<16xf32>
      %mul3A_379 = arith.constant 40 : i32
      %mul3A_380 = arith.muli %scan3A_144, %mul3A_379 : i32
      %add3A_381 = arith.constant 16 : i32
      %add3A_382 = arith.addi %mul3A_380, %add3A_381 : i32
      %get3A_383 = arith.constant 16 : i32
      %get3A_384 = arith.index_cast %and3A_146 : i32 to index
      %get3A_385 = arith.index_cast %get3A_383 : i32 to index
      %get3A_386 = arith.constant 0 : index
      %get3A_387 = tpu.vector_load %arg9[%get3A_384, %get3A_385, %get3A_386] {strides = array<i32>} : memref<2x40x128xf32, #tpu.memory_space<vmem>>, vector<1x1x16xf32>,
      %get3A_388 = vector.shape_cast %get3A_387 : vector<1x1x16xf32> to vector<16xf32>
      %eq3A_389 = vector.broadcast %add3A_382 : i32 to vector<16xi32>
      %eq3A_390 = arith.cmpi eq, %get3A_172, %eq3A_389 : vector<16xi32>
      %select_n3A_391 = arith.select %eq3A_390, %get3A_388, %select_n3A_378 : vector<16xi1>, vector<16xf32>
      %mul3A_392 = arith.constant 40 : i32
      %mul3A_393 = arith.muli %scan3A_144, %mul3A_392 : i32
      %add3A_394 = arith.constant 17 : i32
      %add3A_395 = arith.addi %mul3A_393, %add3A_394 : i32
      %get3A_396 = arith.constant 17 : i32
      %get3A_397 = arith.index_cast %and3A_146 : i32 to index
      %get3A_398 = arith.index_cast %get3A_396 : i32 to index
      %get3A_399 = arith.constant 0 : index
      %get3A_400 = tpu.vector_load %arg9[%get3A_397, %get3A_398, %get3A_399] {strides = array<i32>} : memref<2x40x128xf32, #tpu.memory_space<vmem>>, vector<1x1x16xf32>,
      %get3A_401 = vector.shape_cast %get3A_400 : vector<1x1x16xf32> to vector<16xf32>
      %eq3A_402 = vector.broadcast %add3A_395 : i32 to vector<16xi32>
      %eq3A_403 = arith.cmpi eq, %get3A_172, %eq3A_402 : vector<16xi32>
      %select_n3A_404 = arith.select %eq3A_403, %get3A_401, %select_n3A_391 : vector<16xi1>, vector<16xf32>
      %mul3A_405 = arith.constant 40 : i32
      %mul3A_406 = arith.muli %scan3A_144, %mul3A_405 : i32
      %add3A_407 = arith.constant 18 : i32
      %add3A_408 = arith.addi %mul3A_406, %add3A_407 : i32
      %get3A_409 = arith.constant 18 : i32
      %get3A_410 = arith.index_cast %and3A_146 : i32 to index
      %get3A_411 = arith.index_cast %get3A_409 : i32 to index
      %get3A_412 = arith.constant 0 : index
      %get3A_413 = tpu.vector_load %arg9[%get3A_410, %get3A_411, %get3A_412] {strides = array<i32>} : memref<2x40x128xf32, #tpu.memory_space<vmem>>, vector<1x1x16xf32>,
      %get3A_414 = vector.shape_cast %get3A_413 : vector<1x1x16xf32> to vector<16xf32>
      %eq3A_415 = vector.broadcast %add3A_408 : i32 to vector<16xi32>
      %eq3A_416 = arith.cmpi eq, %get3A_172, %eq3A_415 : vector<16xi32>
      %select_n3A_417 = arith.select %eq3A_416, %get3A_414, %select_n3A_404 : vector<16xi1>, vector<16xf32>
      %mul3A_418 = arith.constant 40 : i32
      %mul3A_419 = arith.muli %scan3A_144, %mul3A_418 : i32
      %add3A_420 = arith.constant 19 : i32
      %add3A_421 = arith.addi %mul3A_419, %add3A_420 : i32
      %get3A_422 = arith.constant 19 : i32
      %get3A_423 = arith.index_cast %and3A_146 : i32 to index
      %get3A_424 = arith.index_cast %get3A_422 : i32 to index
      %get3A_425 = arith.constant 0 : index
      %get3A_426 = tpu.vector_load %arg9[%get3A_423, %get3A_424, %get3A_425] {strides = array<i32>} : memref<2x40x128xf32, #tpu.memory_space<vmem>>, vector<1x1x16xf32>,
      %get3A_427 = vector.shape_cast %get3A_426 : vector<1x1x16xf32> to vector<16xf32>
      %eq3A_428 = vector.broadcast %add3A_421 : i32 to vector<16xi32>
      %eq3A_429 = arith.cmpi eq, %get3A_172, %eq3A_428 : vector<16xi32>
      %select_n3A_430 = arith.select %eq3A_429, %get3A_427, %select_n3A_417 : vector<16xi1>, vector<16xf32>
      %mul3A_431 = arith.constant 40 : i32
      %mul3A_432 = arith.muli %scan3A_144, %mul3A_431 : i32
      %add3A_433 = arith.constant 20 : i32
      %add3A_434 = arith.addi %mul3A_432, %add3A_433 : i32
      %get3A_435 = arith.constant 20 : i32
      %get3A_436 = arith.index_cast %and3A_146 : i32 to index
      %get3A_437 = arith.index_cast %get3A_435 : i32 to index
      %get3A_438 = arith.constant 0 : index
      %get3A_439 = tpu.vector_load %arg9[%get3A_436, %get3A_437, %get3A_438] {strides = array<i32>} : memref<2x40x128xf32, #tpu.memory_space<vmem>>, vector<1x1x16xf32>,
      %get3A_440 = vector.shape_cast %get3A_439 : vector<1x1x16xf32> to vector<16xf32>
      %eq3A_441 = vector.broadcast %add3A_434 : i32 to vector<16xi32>
      %eq3A_442 = arith.cmpi eq, %get3A_172, %eq3A_441 : vector<16xi32>
      %select_n3A_443 = arith.select %eq3A_442, %get3A_440, %select_n3A_430 : vector<16xi1>, vector<16xf32>
      %mul3A_444 = arith.constant 40 : i32
      %mul3A_445 = arith.muli %scan3A_144, %mul3A_444 : i32
      %add3A_446 = arith.constant 21 : i32
      %add3A_447 = arith.addi %mul3A_445, %add3A_446 : i32
      %get3A_448 = arith.constant 21 : i32
      %get3A_449 = arith.index_cast %and3A_146 : i32 to index
      %get3A_450 = arith.index_cast %get3A_448 : i32 to index
      %get3A_451 = arith.constant 0 : index
      %get3A_452 = tpu.vector_load %arg9[%get3A_449, %get3A_450, %get3A_451] {strides = array<i32>} : memref<2x40x128xf32, #tpu.memory_space<vmem>>, vector<1x1x16xf32>,
      %get3A_453 = vector.shape_cast %get3A_452 : vector<1x1x16xf32> to vector<16xf32>
      %eq3A_454 = vector.broadcast %add3A_447 : i32 to vector<16xi32>
      %eq3A_455 = arith.cmpi eq, %get3A_172, %eq3A_454 : vector<16xi32>
      %select_n3A_456 = arith.select %eq3A_455, %get3A_453, %select_n3A_443 : vector<16xi1>, vector<16xf32>
      %mul3A_457 = arith.constant 40 : i32
      %mul3A_458 = arith.muli %scan3A_144, %mul3A_457 : i32
      %add3A_459 = arith.constant 22 : i32
      %add3A_460 = arith.addi %mul3A_458, %add3A_459 : i32
      %get3A_461 = arith.constant 22 : i32
      %get3A_462 = arith.index_cast %and3A_146 : i32 to index
      %get3A_463 = arith.index_cast %get3A_461 : i32 to index
      %get3A_464 = arith.constant 0 : index
      %get3A_465 = tpu.vector_load %arg9[%get3A_462, %get3A_463, %get3A_464] {strides = array<i32>} : memref<2x40x128xf32, #tpu.memory_space<vmem>>, vector<1x1x16xf32>,
      %get3A_466 = vector.shape_cast %get3A_465 : vector<1x1x16xf32> to vector<16xf32>
      %eq3A_467 = vector.broadcast %add3A_460 : i32 to vector<16xi32>
      %eq3A_468 = arith.cmpi eq, %get3A_172, %eq3A_467 : vector<16xi32>
      %select_n3A_469 = arith.select %eq3A_468, %get3A_466, %select_n3A_456 : vector<16xi1>, vector<16xf32>
      %mul3A_470 = arith.constant 40 : i32
      %mul3A_471 = arith.muli %scan3A_144, %mul3A_470 : i32
      %add3A_472 = arith.constant 23 : i32
      %add3A_473 = arith.addi %mul3A_471, %add3A_472 : i32
      %get3A_474 = arith.constant 23 : i32
      %get3A_475 = arith.index_cast %and3A_146 : i32 to index
      %get3A_476 = arith.index_cast %get3A_474 : i32 to index
      %get3A_477 = arith.constant 0 : index
      %get3A_478 = tpu.vector_load %arg9[%get3A_475, %get3A_476, %get3A_477] {strides = array<i32>} : memref<2x40x128xf32, #tpu.memory_space<vmem>>, vector<1x1x16xf32>,
      %get3A_479 = vector.shape_cast %get3A_478 : vector<1x1x16xf32> to vector<16xf32>
      %eq3A_480 = vector.broadcast %add3A_473 : i32 to vector<16xi32>
      %eq3A_481 = arith.cmpi eq, %get3A_172, %eq3A_480 : vector<16xi32>
      %select_n3A_482 = arith.select %eq3A_481, %get3A_479, %select_n3A_469 : vector<16xi1>, vector<16xf32>
      %mul3A_483 = arith.constant 40 : i32
      %mul3A_484 = arith.muli %scan3A_144, %mul3A_483 : i32
      %add3A_485 = arith.constant 24 : i32
      %add3A_486 = arith.addi %mul3A_484, %add3A_485 : i32
      %get3A_487 = arith.constant 24 : i32
      %get3A_488 = arith.index_cast %and3A_146 : i32 to index
      %get3A_489 = arith.index_cast %get3A_487 : i32 to index
      %get3A_490 = arith.constant 0 : index
      %get3A_491 = tpu.vector_load %arg9[%get3A_488, %get3A_489, %get3A_490] {strides = array<i32>} : memref<2x40x128xf32, #tpu.memory_space<vmem>>, vector<1x1x16xf32>,
      %get3A_492 = vector.shape_cast %get3A_491 : vector<1x1x16xf32> to vector<16xf32>
      %eq3A_493 = vector.broadcast %add3A_486 : i32 to vector<16xi32>
      %eq3A_494 = arith.cmpi eq, %get3A_172, %eq3A_493 : vector<16xi32>
      %select_n3A_495 = arith.select %eq3A_494, %get3A_492, %select_n3A_482 : vector<16xi1>, vector<16xf32>
      %mul3A_496 = arith.constant 40 : i32
      %mul3A_497 = arith.muli %scan3A_144, %mul3A_496 : i32
      %add3A_498 = arith.constant 25 : i32
      %add3A_499 = arith.addi %mul3A_497, %add3A_498 : i32
      %get3A_500 = arith.constant 25 : i32
      %get3A_501 = arith.index_cast %and3A_146 : i32 to index
      %get3A_502 = arith.index_cast %get3A_500 : i32 to index
      %get3A_503 = arith.constant 0 : index
      %get3A_504 = tpu.vector_load %arg9[%get3A_501, %get3A_502, %get3A_503] {strides = array<i32>} : memref<2x40x128xf32, #tpu.memory_space<vmem>>, vector<1x1x16xf32>,
      %get3A_505 = vector.shape_cast %get3A_504 : vector<1x1x16xf32> to vector<16xf32>
      %eq3A_506 = vector.broadcast %add3A_499 : i32 to vector<16xi32>
      %eq3A_507 = arith.cmpi eq, %get3A_172, %eq3A_506 : vector<16xi32>
      %select_n3A_508 = arith.select %eq3A_507, %get3A_505, %select_n3A_495 : vector<16xi1>, vector<16xf32>
      %mul3A_509 = arith.constant 40 : i32
      %mul3A_510 = arith.muli %scan3A_144, %mul3A_509 : i32
      %add3A_511 = arith.constant 26 : i32
      %add3A_512 = arith.addi %mul3A_510, %add3A_511 : i32
      %get3A_513 = arith.constant 26 : i32
      %get3A_514 = arith.index_cast %and3A_146 : i32 to index
      %get3A_515 = arith.index_cast %get3A_513 : i32 to index
      %get3A_516 = arith.constant 0 : index
      %get3A_517 = tpu.vector_load %arg9[%get3A_514, %get3A_515, %get3A_516] {strides = array<i32>} : memref<2x40x128xf32, #tpu.memory_space<vmem>>, vector<1x1x16xf32>,
      %get3A_518 = vector.shape_cast %get3A_517 : vector<1x1x16xf32> to vector<16xf32>
      %eq3A_519 = vector.broadcast %add3A_512 : i32 to vector<16xi32>
      %eq3A_520 = arith.cmpi eq, %get3A_172, %eq3A_519 : vector<16xi32>
      %select_n3A_521 = arith.select %eq3A_520, %get3A_518, %select_n3A_508 : vector<16xi1>, vector<16xf32>
      %mul3A_522 = arith.constant 40 : i32
      %mul3A_523 = arith.muli %scan3A_144, %mul3A_522 : i32
      %add3A_524 = arith.constant 27 : i32
      %add3A_525 = arith.addi %mul3A_523, %add3A_524 : i32
      %get3A_526 = arith.constant 27 : i32
      %get3A_527 = arith.index_cast %and3A_146 : i32 to index
      %get3A_528 = arith.index_cast %get3A_526 : i32 to index
      %get3A_529 = arith.constant 0 : index
      %get3A_530 = tpu.vector_load %arg9[%get3A_527, %get3A_528, %get3A_529] {strides = array<i32>} : memref<2x40x128xf32, #tpu.memory_space<vmem>>, vector<1x1x16xf32>,
      %get3A_531 = vector.shape_cast %get3A_530 : vector<1x1x16xf32> to vector<16xf32>
      %eq3A_532 = vector.broadcast %add3A_525 : i32 to vector<16xi32>
      %eq3A_533 = arith.cmpi eq, %get3A_172, %eq3A_532 : vector<16xi32>
      %select_n3A_534 = arith.select %eq3A_533, %get3A_531, %select_n3A_521 : vector<16xi1>, vector<16xf32>
      %mul3A_535 = arith.constant 40 : i32
      %mul3A_536 = arith.muli %scan3A_144, %mul3A_535 : i32
      %add3A_537 = arith.constant 28 : i32
      %add3A_538 = arith.addi %mul3A_536, %add3A_537 : i32
      %get3A_539 = arith.constant 28 : i32
      %get3A_540 = arith.index_cast %and3A_146 : i32 to index
      %get3A_541 = arith.index_cast %get3A_539 : i32 to index
      %get3A_542 = arith.constant 0 : index
      %get3A_543 = tpu.vector_load %arg9[%get3A_540, %get3A_541, %get3A_542] {strides = array<i32>} : memref<2x40x128xf32, #tpu.memory_space<vmem>>, vector<1x1x16xf32>,
      %get3A_544 = vector.shape_cast %get3A_543 : vector<1x1x16xf32> to vector<16xf32>
      %eq3A_545 = vector.broadcast %add3A_538 : i32 to vector<16xi32>
      %eq3A_546 = arith.cmpi eq, %get3A_172, %eq3A_545 : vector<16xi32>
      %select_n3A_547 = arith.select %eq3A_546, %get3A_544, %select_n3A_534 : vector<16xi1>, vector<16xf32>
      %mul3A_548 = arith.constant 40 : i32
      %mul3A_549 = arith.muli %scan3A_144, %mul3A_548 : i32
      %add3A_550 = arith.constant 29 : i32
      %add3A_551 = arith.addi %mul3A_549, %add3A_550 : i32
      %get3A_552 = arith.constant 29 : i32
      %get3A_553 = arith.index_cast %and3A_146 : i32 to index
      %get3A_554 = arith.index_cast %get3A_552 : i32 to index
      %get3A_555 = arith.constant 0 : index
      %get3A_556 = tpu.vector_load %arg9[%get3A_553, %get3A_554, %get3A_555] {strides = array<i32>} : memref<2x40x128xf32, #tpu.memory_space<vmem>>, vector<1x1x16xf32>,
      %get3A_557 = vector.shape_cast %get3A_556 : vector<1x1x16xf32> to vector<16xf32>
      %eq3A_558 = vector.broadcast %add3A_551 : i32 to vector<16xi32>
      %eq3A_559 = arith.cmpi eq, %get3A_172, %eq3A_558 : vector<16xi32>
      %select_n3A_560 = arith.select %eq3A_559, %get3A_557, %select_n3A_547 : vector<16xi1>, vector<16xf32>
      %mul3A_561 = arith.constant 40 : i32
      %mul3A_562 = arith.muli %scan3A_144, %mul3A_561 : i32
      %add3A_563 = arith.constant 30 : i32
      %add3A_564 = arith.addi %mul3A_562, %add3A_563 : i32
      %get3A_565 = arith.constant 30 : i32
      %get3A_566 = arith.index_cast %and3A_146 : i32 to index
      %get3A_567 = arith.index_cast %get3A_565 : i32 to index
      %get3A_568 = arith.constant 0 : index
      %get3A_569 = tpu.vector_load %arg9[%get3A_566, %get3A_567, %get3A_568] {strides = array<i32>} : memref<2x40x128xf32, #tpu.memory_space<vmem>>, vector<1x1x16xf32>,
      %get3A_570 = vector.shape_cast %get3A_569 : vector<1x1x16xf32> to vector<16xf32>
      %eq3A_571 = vector.broadcast %add3A_564 : i32 to vector<16xi32>
      %eq3A_572 = arith.cmpi eq, %get3A_172, %eq3A_571 : vector<16xi32>
      %select_n3A_573 = arith.select %eq3A_572, %get3A_570, %select_n3A_560 : vector<16xi1>, vector<16xf32>
      %mul3A_574 = arith.constant 40 : i32
      %mul3A_575 = arith.muli %scan3A_144, %mul3A_574 : i32
      %add3A_576 = arith.constant 31 : i32
      %add3A_577 = arith.addi %mul3A_575, %add3A_576 : i32
      %get3A_578 = arith.constant 31 : i32
      %get3A_579 = arith.index_cast %and3A_146 : i32 to index
      %get3A_580 = arith.index_cast %get3A_578 : i32 to index
      %get3A_581 = arith.constant 0 : index
      %get3A_582 = tpu.vector_load %arg9[%get3A_579, %get3A_580, %get3A_581] {strides = array<i32>} : memref<2x40x128xf32, #tpu.memory_space<vmem>>, vector<1x1x16xf32>,
      %get3A_583 = vector.shape_cast %get3A_582 : vector<1x1x16xf32> to vector<16xf32>
      %eq3A_584 = vector.broadcast %add3A_577 : i32 to vector<16xi32>
      %eq3A_585 = arith.cmpi eq, %get3A_172, %eq3A_584 : vector<16xi32>
      %select_n3A_586 = arith.select %eq3A_585, %get3A_583, %select_n3A_573 : vector<16xi1>, vector<16xf32>
      %mul3A_587 = arith.constant 40 : i32
      %mul3A_588 = arith.muli %scan3A_144, %mul3A_587 : i32
      %add3A_589 = arith.constant 32 : i32
      %add3A_590 = arith.addi %mul3A_588, %add3A_589 : i32
      %get3A_591 = arith.constant 32 : i32
      %get3A_592 = arith.index_cast %and3A_146 : i32 to index
      %get3A_593 = arith.index_cast %get3A_591 : i32 to index
      %get3A_594 = arith.constant 0 : index
      %get3A_595 = tpu.vector_load %arg9[%get3A_592, %get3A_593, %get3A_594] {strides = array<i32>} : memref<2x40x128xf32, #tpu.memory_space<vmem>>, vector<1x1x16xf32>,
      %get3A_596 = vector.shape_cast %get3A_595 : vector<1x1x16xf32> to vector<16xf32>
      %eq3A_597 = vector.broadcast %add3A_590 : i32 to vector<16xi32>
      %eq3A_598 = arith.cmpi eq, %get3A_172, %eq3A_597 : vector<16xi32>
      %select_n3A_599 = arith.select %eq3A_598, %get3A_596, %select_n3A_586 : vector<16xi1>, vector<16xf32>
      %mul3A_600 = arith.constant 40 : i32
      %mul3A_601 = arith.muli %scan3A_144, %mul3A_600 : i32
      %add3A_602 = arith.constant 33 : i32
      %add3A_603 = arith.addi %mul3A_601, %add3A_602 : i32
      %get3A_604 = arith.constant 33 : i32
      %get3A_605 = arith.index_cast %and3A_146 : i32 to index
      %get3A_606 = arith.index_cast %get3A_604 : i32 to index
      %get3A_607 = arith.constant 0 : index
      %get3A_608 = tpu.vector_load %arg9[%get3A_605, %get3A_606, %get3A_607] {strides = array<i32>} : memref<2x40x128xf32, #tpu.memory_space<vmem>>, vector<1x1x16xf32>,
      %get3A_609 = vector.shape_cast %get3A_608 : vector<1x1x16xf32> to vector<16xf32>
      %eq3A_610 = vector.broadcast %add3A_603 : i32 to vector<16xi32>
      %eq3A_611 = arith.cmpi eq, %get3A_172, %eq3A_610 : vector<16xi32>
      %select_n3A_612 = arith.select %eq3A_611, %get3A_609, %select_n3A_599 : vector<16xi1>, vector<16xf32>
      %mul3A_613 = arith.constant 40 : i32
      %mul3A_614 = arith.muli %scan3A_144, %mul3A_613 : i32
      %add3A_615 = arith.constant 34 : i32
      %add3A_616 = arith.addi %mul3A_614, %add3A_615 : i32
      %get3A_617 = arith.constant 34 : i32
      %get3A_618 = arith.index_cast %and3A_146 : i32 to index
      %get3A_619 = arith.index_cast %get3A_617 : i32 to index
      %get3A_620 = arith.constant 0 : index
      %get3A_621 = tpu.vector_load %arg9[%get3A_618, %get3A_619, %get3A_620] {strides = array<i32>} : memref<2x40x128xf32, #tpu.memory_space<vmem>>, vector<1x1x16xf32>,
      %get3A_622 = vector.shape_cast %get3A_621 : vector<1x1x16xf32> to vector<16xf32>
      %eq3A_623 = vector.broadcast %add3A_616 : i32 to vector<16xi32>
      %eq3A_624 = arith.cmpi eq, %get3A_172, %eq3A_623 : vector<16xi32>
      %select_n3A_625 = arith.select %eq3A_624, %get3A_622, %select_n3A_612 : vector<16xi1>, vector<16xf32>
      %mul3A_626 = arith.constant 40 : i32
      %mul3A_627 = arith.muli %scan3A_144, %mul3A_626 : i32
      %add3A_628 = arith.constant 35 : i32
      %add3A_629 = arith.addi %mul3A_627, %add3A_628 : i32
      %get3A_630 = arith.constant 35 : i32
      %get3A_631 = arith.index_cast %and3A_146 : i32 to index
      %get3A_632 = arith.index_cast %get3A_630 : i32 to index
      %get3A_633 = arith.constant 0 : index
      %get3A_634 = tpu.vector_load %arg9[%get3A_631, %get3A_632, %get3A_633] {strides = array<i32>} : memref<2x40x128xf32, #tpu.memory_space<vmem>>, vector<1x1x16xf32>,
      %get3A_635 = vector.shape_cast %get3A_634 : vector<1x1x16xf32> to vector<16xf32>
      %eq3A_636 = vector.broadcast %add3A_629 : i32 to vector<16xi32>
      %eq3A_637 = arith.cmpi eq, %get3A_172, %eq3A_636 : vector<16xi32>
      %select_n3A_638 = arith.select %eq3A_637, %get3A_635, %select_n3A_625 : vector<16xi1>, vector<16xf32>
      %mul3A_639 = arith.constant 40 : i32
      %mul3A_640 = arith.muli %scan3A_144, %mul3A_639 : i32
      %add3A_641 = arith.constant 36 : i32
      %add3A_642 = arith.addi %mul3A_640, %add3A_641 : i32
      %get3A_643 = arith.constant 36 : i32
      %get3A_644 = arith.index_cast %and3A_146 : i32 to index
      %get3A_645 = arith.index_cast %get3A_643 : i32 to index
      %get3A_646 = arith.constant 0 : index
      %get3A_647 = tpu.vector_load %arg9[%get3A_644, %get3A_645, %get3A_646] {strides = array<i32>} : memref<2x40x128xf32, #tpu.memory_space<vmem>>, vector<1x1x16xf32>,
      %get3A_648 = vector.shape_cast %get3A_647 : vector<1x1x16xf32> to vector<16xf32>
      %eq3A_649 = vector.broadcast %add3A_642 : i32 to vector<16xi32>
      %eq3A_650 = arith.cmpi eq, %get3A_172, %eq3A_649 : vector<16xi32>
      %select_n3A_651 = arith.select %eq3A_650, %get3A_648, %select_n3A_638 : vector<16xi1>, vector<16xf32>
      %mul3A_652 = arith.constant 40 : i32
      %mul3A_653 = arith.muli %scan3A_144, %mul3A_652 : i32
      %add3A_654 = arith.constant 37 : i32
      %add3A_655 = arith.addi %mul3A_653, %add3A_654 : i32
      %get3A_656 = arith.constant 37 : i32
      %get3A_657 = arith.index_cast %and3A_146 : i32 to index
      %get3A_658 = arith.index_cast %get3A_656 : i32 to index
      %get3A_659 = arith.constant 0 : index
      %get3A_660 = tpu.vector_load %arg9[%get3A_657, %get3A_658, %get3A_659] {strides = array<i32>} : memref<2x40x128xf32, #tpu.memory_space<vmem>>, vector<1x1x16xf32>,
      %get3A_661 = vector.shape_cast %get3A_660 : vector<1x1x16xf32> to vector<16xf32>
      %eq3A_662 = vector.broadcast %add3A_655 : i32 to vector<16xi32>
      %eq3A_663 = arith.cmpi eq, %get3A_172, %eq3A_662 : vector<16xi32>
      %select_n3A_664 = arith.select %eq3A_663, %get3A_661, %select_n3A_651 : vector<16xi1>, vector<16xf32>
      %mul3A_665 = arith.constant 40 : i32
      %mul3A_666 = arith.muli %scan3A_144, %mul3A_665 : i32
      %add3A_667 = arith.constant 38 : i32
      %add3A_668 = arith.addi %mul3A_666, %add3A_667 : i32
      %get3A_669 = arith.constant 38 : i32
      %get3A_670 = arith.index_cast %and3A_146 : i32 to index
      %get3A_671 = arith.index_cast %get3A_669 : i32 to index
      %get3A_672 = arith.constant 0 : index
      %get3A_673 = tpu.vector_load %arg9[%get3A_670, %get3A_671, %get3A_672] {strides = array<i32>} : memref<2x40x128xf32, #tpu.memory_space<vmem>>, vector<1x1x16xf32>,
      %get3A_674 = vector.shape_cast %get3A_673 : vector<1x1x16xf32> to vector<16xf32>
      %eq3A_675 = vector.broadcast %add3A_668 : i32 to vector<16xi32>
      %eq3A_676 = arith.cmpi eq, %get3A_172, %eq3A_675 : vector<16xi32>
      %select_n3A_677 = arith.select %eq3A_676, %get3A_674, %select_n3A_664 : vector<16xi1>, vector<16xf32>
      %mul3A_678 = arith.constant 40 : i32
      %mul3A_679 = arith.muli %scan3A_144, %mul3A_678 : i32
      %add3A_680 = arith.constant 39 : i32
      %add3A_681 = arith.addi %mul3A_679, %add3A_680 : i32
      %get3A_682 = arith.constant 39 : i32
      %get3A_683 = arith.index_cast %and3A_146 : i32 to index
      %get3A_684 = arith.index_cast %get3A_682 : i32 to index
      %get3A_685 = arith.constant 0 : index
      %get3A_686 = tpu.vector_load %arg9[%get3A_683, %get3A_684, %get3A_685] {strides = array<i32>} : memref<2x40x128xf32, #tpu.memory_space<vmem>>, vector<1x1x16xf32>,
      %get3A_687 = vector.shape_cast %get3A_686 : vector<1x1x16xf32> to vector<16xf32>
      %eq3A_688 = vector.broadcast %add3A_681 : i32 to vector<16xi32>
      %eq3A_689 = arith.cmpi eq, %get3A_172, %eq3A_688 : vector<16xi32>
      %select_n3A_690 = arith.select %eq3A_689, %get3A_687, %select_n3A_677 : vector<16xi1>, vector<16xf32>
      %swap3A_691 = arith.constant 0 : index
      %swap3A_692 = tpu.vector_load %arg8[%swap3A_691] {strides = array<i32>} : memref<128xf32, #tpu.memory_space<vmem>>, vector<16xf32>,
      %swap3A_693 = vector.shape_cast %swap3A_692 : vector<16xf32> to vector<16xf32>
      %swap3A_694 = vector.shape_cast %select_n3A_690 : vector<16xf32> to vector<16xf32>
      tpu.vector_store %arg8[%swap3A_691], %swap3A_694 {strides = array<i32>} : memref<128xf32, #tpu.memory_space<vmem>>, vector<16xf32>,
      %get3A_695 = arith.constant 16 : index
      %get3A_696 = tpu.vector_load %arg8[%get3A_695] {strides = array<i32>} : memref<128xf32, #tpu.memory_space<vmem>>, vector<16xf32>,
      %get3A_697 = vector.shape_cast %get3A_696 : vector<16xf32> to vector<16xf32>
      %get3A_698 = arith.constant 16 : index
      %get3A_699 = tpu.vector_load %arg6[%get3A_698] {strides = array<i32>} : memref<128xi32, #tpu.memory_space<vmem>>, vector<16xi32>,
      %get3A_700 = vector.shape_cast %get3A_699 : vector<16xi32> to vector<16xi32>
      %mul3A_701 = arith.constant 40 : i32
      %mul3A_702 = arith.muli %scan3A_144, %mul3A_701 : i32
      %add3A_703 = arith.constant 0 : i32
      %add3A_704 = arith.addi %mul3A_702, %add3A_703 : i32
      %get3A_705 = arith.constant 0 : i32
      %get3A_706 = arith.index_cast %and3A_146 : i32 to index
      %get3A_707 = arith.index_cast %get3A_705 : i32 to index
      %get3A_708 = arith.constant 16 : index
      %get3A_709 = tpu.vector_load %arg9[%get3A_706, %get3A_707, %get3A_708] {strides = array<i32>} : memref<2x40x128xf32, #tpu.memory_space<vmem>>, vector<1x1x16xf32>,
      %get3A_710 = vector.shape_cast %get3A_709 : vector<1x1x16xf32> to vector<16xf32>
      %eq3A_711 = vector.broadcast %add3A_704 : i32 to vector<16xi32>
      %eq3A_712 = arith.cmpi eq, %get3A_700, %eq3A_711 : vector<16xi32>
      %select_n3A_713 = arith.select %eq3A_712, %get3A_710, %get3A_697 : vector<16xi1>, vector<16xf32>
      %mul3A_714 = arith.constant 40 : i32
      %mul3A_715 = arith.muli %scan3A_144, %mul3A_714 : i32
      %add3A_716 = arith.constant 1 : i32
      %add3A_717 = arith.addi %mul3A_715, %add3A_716 : i32
      %get3A_718 = arith.constant 1 : i32
      %get3A_719 = arith.index_cast %and3A_146 : i32 to index
      %get3A_720 = arith.index_cast %get3A_718 : i32 to index
      %get3A_721 = arith.constant 16 : index
      %get3A_722 = tpu.vector_load %arg9[%get3A_719, %get3A_720, %get3A_721] {strides = array<i32>} : memref<2x40x128xf32, #tpu.memory_space<vmem>>, vector<1x1x16xf32>,
      %get3A_723 = vector.shape_cast %get3A_722 : vector<1x1x16xf32> to vector<16xf32>
      %eq3A_724 = vector.broadcast %add3A_717 : i32 to vector<16xi32>
      %eq3A_725 = arith.cmpi eq, %get3A_700, %eq3A_724 : vector<16xi32>
      %select_n3A_726 = arith.select %eq3A_725, %get3A_723, %select_n3A_713 : vector<16xi1>, vector<16xf32>
      %mul3A_727 = arith.constant 40 : i32
      %mul3A_728 = arith.muli %scan3A_144, %mul3A_727 : i32
      %add3A_729 = arith.constant 2 : i32
      %add3A_730 = arith.addi %mul3A_728, %add3A_729 : i32
      %get3A_731 = arith.constant 2 : i32
      %get3A_732 = arith.index_cast %and3A_146 : i32 to index
      %get3A_733 = arith.index_cast %get3A_731 : i32 to index
      %get3A_734 = arith.constant 16 : index
      %get3A_735 = tpu.vector_load %arg9[%get3A_732, %get3A_733, %get3A_734] {strides = array<i32>} : memref<2x40x128xf32, #tpu.memory_space<vmem>>, vector<1x1x16xf32>,
      %get3A_736 = vector.shape_cast %get3A_735 : vector<1x1x16xf32> to vector<16xf32>
      %eq3A_737 = vector.broadcast %add3A_730 : i32 to vector<16xi32>
      %eq3A_738 = arith.cmpi eq, %get3A_700, %eq3A_737 : vector<16xi32>
      %select_n3A_739 = arith.select %eq3A_738, %get3A_736, %select_n3A_726 : vector<16xi1>, vector<16xf32>
      %mul3A_740 = arith.constant 40 : i32
      %mul3A_741 = arith.muli %scan3A_144, %mul3A_740 : i32
      %add3A_742 = arith.constant 3 : i32
      %add3A_743 = arith.addi %mul3A_741, %add3A_742 : i32
      %get3A_744 = arith.constant 3 : i32
      %get3A_745 = arith.index_cast %and3A_146 : i32 to index
      %get3A_746 = arith.index_cast %get3A_744 : i32 to index
      %get3A_747 = arith.constant 16 : index
      %get3A_748 = tpu.vector_load %arg9[%get3A_745, %get3A_746, %get3A_747] {strides = array<i32>} : memref<2x40x128xf32, #tpu.memory_space<vmem>>, vector<1x1x16xf32>,
      %get3A_749 = vector.shape_cast %get3A_748 : vector<1x1x16xf32> to vector<16xf32>
      %eq3A_750 = vector.broadcast %add3A_743 : i32 to vector<16xi32>
      %eq3A_751 = arith.cmpi eq, %get3A_700, %eq3A_750 : vector<16xi32>
      %select_n3A_752 = arith.select %eq3A_751, %get3A_749, %select_n3A_739 : vector<16xi1>, vector<16xf32>
      %mul3A_753 = arith.constant 40 : i32
      %mul3A_754 = arith.muli %scan3A_144, %mul3A_753 : i32
      %add3A_755 = arith.constant 4 : i32
      %add3A_756 = arith.addi %mul3A_754, %add3A_755 : i32
      %get3A_757 = arith.constant 4 : i32
      %get3A_758 = arith.index_cast %and3A_146 : i32 to index
      %get3A_759 = arith.index_cast %get3A_757 : i32 to index
      %get3A_760 = arith.constant 16 : index
      %get3A_761 = tpu.vector_load %arg9[%get3A_758, %get3A_759, %get3A_760] {strides = array<i32>} : memref<2x40x128xf32, #tpu.memory_space<vmem>>, vector<1x1x16xf32>,
      %get3A_762 = vector.shape_cast %get3A_761 : vector<1x1x16xf32> to vector<16xf32>
      %eq3A_763 = vector.broadcast %add3A_756 : i32 to vector<16xi32>
      %eq3A_764 = arith.cmpi eq, %get3A_700, %eq3A_763 : vector<16xi32>
      %select_n3A_765 = arith.select %eq3A_764, %get3A_762, %select_n3A_752 : vector<16xi1>, vector<16xf32>
      %mul3A_766 = arith.constant 40 : i32
      %mul3A_767 = arith.muli %scan3A_144, %mul3A_766 : i32
      %add3A_768 = arith.constant 5 : i32
      %add3A_769 = arith.addi %mul3A_767, %add3A_768 : i32
      %get3A_770 = arith.constant 5 : i32
      %get3A_771 = arith.index_cast %and3A_146 : i32 to index
      %get3A_772 = arith.index_cast %get3A_770 : i32 to index
      %get3A_773 = arith.constant 16 : index
      %get3A_774 = tpu.vector_load %arg9[%get3A_771, %get3A_772, %get3A_773] {strides = array<i32>} : memref<2x40x128xf32, #tpu.memory_space<vmem>>, vector<1x1x16xf32>,
      %get3A_775 = vector.shape_cast %get3A_774 : vector<1x1x16xf32> to vector<16xf32>
      %eq3A_776 = vector.broadcast %add3A_769 : i32 to vector<16xi32>
      %eq3A_777 = arith.cmpi eq, %get3A_700, %eq3A_776 : vector<16xi32>
      %select_n3A_778 = arith.select %eq3A_777, %get3A_775, %select_n3A_765 : vector<16xi1>, vector<16xf32>
      %mul3A_779 = arith.constant 40 : i32
      %mul3A_780 = arith.muli %scan3A_144, %mul3A_779 : i32
      %add3A_781 = arith.constant 6 : i32
      %add3A_782 = arith.addi %mul3A_780, %add3A_781 : i32
      %get3A_783 = arith.constant 6 : i32
      %get3A_784 = arith.index_cast %and3A_146 : i32 to index
      %get3A_785 = arith.index_cast %get3A_783 : i32 to index
      %get3A_786 = arith.constant 16 : index
      %get3A_787 = tpu.vector_load %arg9[%get3A_784, %get3A_785, %get3A_786] {strides = array<i32>} : memref<2x40x128xf32, #tpu.memory_space<vmem>>, vector<1x1x16xf32>,
      %get3A_788 = vector.shape_cast %get3A_787 : vector<1x1x16xf32> to vector<16xf32>
      %eq3A_789 = vector.broadcast %add3A_782 : i32 to vector<16xi32>
      %eq3A_790 = arith.cmpi eq, %get3A_700, %eq3A_789 : vector<16xi32>
      %select_n3A_791 = arith.select %eq3A_790, %get3A_788, %select_n3A_778 : vector<16xi1>, vector<16xf32>
      %mul3A_792 = arith.constant 40 : i32
      %mul3A_793 = arith.muli %scan3A_144, %mul3A_792 : i32
      %add3A_794 = arith.constant 7 : i32
      %add3A_795 = arith.addi %mul3A_793, %add3A_794 : i32
      %get3A_796 = arith.constant 7 : i32
      %get3A_797 = arith.index_cast %and3A_146 : i32 to index
      %get3A_798 = arith.index_cast %get3A_796 : i32 to index
      %get3A_799 = arith.constant 16 : index
      %get3A_800 = tpu.vector_load %arg9[%get3A_797, %get3A_798, %get3A_799] {strides = array<i32>} : memref<2x40x128xf32, #tpu.memory_space<vmem>>, vector<1x1x16xf32>,
      %get3A_801 = vector.shape_cast %get3A_800 : vector<1x1x16xf32> to vector<16xf32>
      %eq3A_802 = vector.broadcast %add3A_795 : i32 to vector<16xi32>
      %eq3A_803 = arith.cmpi eq, %get3A_700, %eq3A_802 : vector<16xi32>
      %select_n3A_804 = arith.select %eq3A_803, %get3A_801, %select_n3A_791 : vector<16xi1>, vector<16xf32>
      %mul3A_805 = arith.constant 40 : i32
      %mul3A_806 = arith.muli %scan3A_144, %mul3A_805 : i32
      %add3A_807 = arith.constant 8 : i32
      %add3A_808 = arith.addi %mul3A_806, %add3A_807 : i32
      %get3A_809 = arith.constant 8 : i32
      %get3A_810 = arith.index_cast %and3A_146 : i32 to index
      %get3A_811 = arith.index_cast %get3A_809 : i32 to index
      %get3A_812 = arith.constant 16 : index
      %get3A_813 = tpu.vector_load %arg9[%get3A_810, %get3A_811, %get3A_812] {strides = array<i32>} : memref<2x40x128xf32, #tpu.memory_space<vmem>>, vector<1x1x16xf32>,
      %get3A_814 = vector.shape_cast %get3A_813 : vector<1x1x16xf32> to vector<16xf32>
      %eq3A_815 = vector.broadcast %add3A_808 : i32 to vector<16xi32>
      %eq3A_816 = arith.cmpi eq, %get3A_700, %eq3A_815 : vector<16xi32>
      %select_n3A_817 = arith.select %eq3A_816, %get3A_814, %select_n3A_804 : vector<16xi1>, vector<16xf32>
      %mul3A_818 = arith.constant 40 : i32
      %mul3A_819 = arith.muli %scan3A_144, %mul3A_818 : i32
      %add3A_820 = arith.constant 9 : i32
      %add3A_821 = arith.addi %mul3A_819, %add3A_820 : i32
      %get3A_822 = arith.constant 9 : i32
      %get3A_823 = arith.index_cast %and3A_146 : i32 to index
      %get3A_824 = arith.index_cast %get3A_822 : i32 to index
      %get3A_825 = arith.constant 16 : index
      %get3A_826 = tpu.vector_load %arg9[%get3A_823, %get3A_824, %get3A_825] {strides = array<i32>} : memref<2x40x128xf32, #tpu.memory_space<vmem>>, vector<1x1x16xf32>,
      %get3A_827 = vector.shape_cast %get3A_826 : vector<1x1x16xf32> to vector<16xf32>
      %eq3A_828 = vector.broadcast %add3A_821 : i32 to vector<16xi32>
      %eq3A_829 = arith.cmpi eq, %get3A_700, %eq3A_828 : vector<16xi32>
      %select_n3A_830 = arith.select %eq3A_829, %get3A_827, %select_n3A_817 : vector<16xi1>, vector<16xf32>
      %mul3A_831 = arith.constant 40 : i32
      %mul3A_832 = arith.muli %scan3A_144, %mul3A_831 : i32
      %add3A_833 = arith.constant 10 : i32
      %add3A_834 = arith.addi %mul3A_832, %add3A_833 : i32
      %get3A_835 = arith.constant 10 : i32
      %get3A_836 = arith.index_cast %and3A_146 : i32 to index
      %get3A_837 = arith.index_cast %get3A_835 : i32 to index
      %get3A_838 = arith.constant 16 : index
      %get3A_839 = tpu.vector_load %arg9[%get3A_836, %get3A_837, %get3A_838] {strides = array<i32>} : memref<2x40x128xf32, #tpu.memory_space<vmem>>, vector<1x1x16xf32>,
      %get3A_840 = vector.shape_cast %get3A_839 : vector<1x1x16xf32> to vector<16xf32>
      %eq3A_841 = vector.broadcast %add3A_834 : i32 to vector<16xi32>
      %eq3A_842 = arith.cmpi eq, %get3A_700, %eq3A_841 : vector<16xi32>
      %select_n3A_843 = arith.select %eq3A_842, %get3A_840, %select_n3A_830 : vector<16xi1>, vector<16xf32>
      %mul3A_844 = arith.constant 40 : i32
      %mul3A_845 = arith.muli %scan3A_144, %mul3A_844 : i32
      %add3A_846 = arith.constant 11 : i32
      %add3A_847 = arith.addi %mul3A_845, %add3A_846 : i32
      %get3A_848 = arith.constant 11 : i32
      %get3A_849 = arith.index_cast %and3A_146 : i32 to index
      %get3A_850 = arith.index_cast %get3A_848 : i32 to index
      %get3A_851 = arith.constant 16 : index
      %get3A_852 = tpu.vector_load %arg9[%get3A_849, %get3A_850, %get3A_851] {strides = array<i32>} : memref<2x40x128xf32, #tpu.memory_space<vmem>>, vector<1x1x16xf32>,
      %get3A_853 = vector.shape_cast %get3A_852 : vector<1x1x16xf32> to vector<16xf32>
      %eq3A_854 = vector.broadcast %add3A_847 : i32 to vector<16xi32>
      %eq3A_855 = arith.cmpi eq, %get3A_700, %eq3A_854 : vector<16xi32>
      %select_n3A_856 = arith.select %eq3A_855, %get3A_853, %select_n3A_843 : vector<16xi1>, vector<16xf32>
      %mul3A_857 = arith.constant 40 : i32
      %mul3A_858 = arith.muli %scan3A_144, %mul3A_857 : i32
      %add3A_859 = arith.constant 12 : i32
      %add3A_860 = arith.addi %mul3A_858, %add3A_859 : i32
      %get3A_861 = arith.constant 12 : i32
      %get3A_862 = arith.index_cast %and3A_146 : i32 to index
      %get3A_863 = arith.index_cast %get3A_861 : i32 to index
      %get3A_864 = arith.constant 16 : index
      %get3A_865 = tpu.vector_load %arg9[%get3A_862, %get3A_863, %get3A_864] {strides = array<i32>} : memref<2x40x128xf32, #tpu.memory_space<vmem>>, vector<1x1x16xf32>,
      %get3A_866 = vector.shape_cast %get3A_865 : vector<1x1x16xf32> to vector<16xf32>
      %eq3A_867 = vector.broadcast %add3A_860 : i32 to vector<16xi32>
      %eq3A_868 = arith.cmpi eq, %get3A_700, %eq3A_867 : vector<16xi32>
      %select_n3A_869 = arith.select %eq3A_868, %get3A_866, %select_n3A_856 : vector<16xi1>, vector<16xf32>
      %mul3A_870 = arith.constant 40 : i32
      %mul3A_871 = arith.muli %scan3A_144, %mul3A_870 : i32
      %add3A_872 = arith.constant 13 : i32
      %add3A_873 = arith.addi %mul3A_871, %add3A_872 : i32
      %get3A_874 = arith.constant 13 : i32
      %get3A_875 = arith.index_cast %and3A_146 : i32 to index
      %get3A_876 = arith.index_cast %get3A_874 : i32 to index
      %get3A_877 = arith.constant 16 : index
      %get3A_878 = tpu.vector_load %arg9[%get3A_875, %get3A_876, %get3A_877] {strides = array<i32>} : memref<2x40x128xf32, #tpu.memory_space<vmem>>, vector<1x1x16xf32>,
      %get3A_879 = vector.shape_cast %get3A_878 : vector<1x1x16xf32> to vector<16xf32>
      %eq3A_880 = vector.broadcast %add3A_873 : i32 to vector<16xi32>
      %eq3A_881 = arith.cmpi eq, %get3A_700, %eq3A_880 : vector<16xi32>
      %select_n3A_882 = arith.select %eq3A_881, %get3A_879, %select_n3A_869 : vector<16xi1>, vector<16xf32>
      %mul3A_883 = arith.constant 40 : i32
      %mul3A_884 = arith.muli %scan3A_144, %mul3A_883 : i32
      %add3A_885 = arith.constant 14 : i32
      %add3A_886 = arith.addi %mul3A_884, %add3A_885 : i32
      %get3A_887 = arith.constant 14 : i32
      %get3A_888 = arith.index_cast %and3A_146 : i32 to index
      %get3A_889 = arith.index_cast %get3A_887 : i32 to index
      %get3A_890 = arith.constant 16 : index
      %get3A_891 = tpu.vector_load %arg9[%get3A_888, %get3A_889, %get3A_890] {strides = array<i32>} : memref<2x40x128xf32, #tpu.memory_space<vmem>>, vector<1x1x16xf32>,
      %get3A_892 = vector.shape_cast %get3A_891 : vector<1x1x16xf32> to vector<16xf32>
      %eq3A_893 = vector.broadcast %add3A_886 : i32 to vector<16xi32>
      %eq3A_894 = arith.cmpi eq, %get3A_700, %eq3A_893 : vector<16xi32>
      %select_n3A_895 = arith.select %eq3A_894, %get3A_892, %select_n3A_882 : vector<16xi1>, vector<16xf32>
      %mul3A_896 = arith.constant 40 : i32
      %mul3A_897 = arith.muli %scan3A_144, %mul3A_896 : i32
      %add3A_898 = arith.constant 15 : i32
      %add3A_899 = arith.addi %mul3A_897, %add3A_898 : i32
      %get3A_900 = arith.constant 15 : i32
      %get3A_901 = arith.index_cast %and3A_146 : i32 to index
      %get3A_902 = arith.index_cast %get3A_900 : i32 to index
      %get3A_903 = arith.constant 16 : index
      %get3A_904 = tpu.vector_load %arg9[%get3A_901, %get3A_902, %get3A_903] {strides = array<i32>} : memref<2x40x128xf32, #tpu.memory_space<vmem>>, vector<1x1x16xf32>,
      %get3A_905 = vector.shape_cast %get3A_904 : vector<1x1x16xf32> to vector<16xf32>
      %eq3A_906 = vector.broadcast %add3A_899 : i32 to vector<16xi32>
      %eq3A_907 = arith.cmpi eq, %get3A_700, %eq3A_906 : vector<16xi32>
      %select_n3A_908 = arith.select %eq3A_907, %get3A_905, %select_n3A_895 : vector<16xi1>, vector<16xf32>
      %mul3A_909 = arith.constant 40 : i32
      %mul3A_910 = arith.muli %scan3A_144, %mul3A_909 : i32
      %add3A_911 = arith.constant 16 : i32
      %add3A_912 = arith.addi %mul3A_910, %add3A_911 : i32
      %get3A_913 = arith.constant 16 : i32
      %get3A_914 = arith.index_cast %and3A_146 : i32 to index
      %get3A_915 = arith.index_cast %get3A_913 : i32 to index
      %get3A_916 = arith.constant 16 : index
      %get3A_917 = tpu.vector_load %arg9[%get3A_914, %get3A_915, %get3A_916] {strides = array<i32>} : memref<2x40x128xf32, #tpu.memory_space<vmem>>, vector<1x1x16xf32>,
      %get3A_918 = vector.shape_cast %get3A_917 : vector<1x1x16xf32> to vector<16xf32>
      %eq3A_919 = vector.broadcast %add3A_912 : i32 to vector<16xi32>
      %eq3A_920 = arith.cmpi eq, %get3A_700, %eq3A_919 : vector<16xi32>
      %select_n3A_921 = arith.select %eq3A_920, %get3A_918, %select_n3A_908 : vector<16xi1>, vector<16xf32>
      %mul3A_922 = arith.constant 40 : i32
      %mul3A_923 = arith.muli %scan3A_144, %mul3A_922 : i32
      %add3A_924 = arith.constant 17 : i32
      %add3A_925 = arith.addi %mul3A_923, %add3A_924 : i32
      %get3A_926 = arith.constant 17 : i32
      %get3A_927 = arith.index_cast %and3A_146 : i32 to index
      %get3A_928 = arith.index_cast %get3A_926 : i32 to index
      %get3A_929 = arith.constant 16 : index
      %get3A_930 = tpu.vector_load %arg9[%get3A_927, %get3A_928, %get3A_929] {strides = array<i32>} : memref<2x40x128xf32, #tpu.memory_space<vmem>>, vector<1x1x16xf32>,
      %get3A_931 = vector.shape_cast %get3A_930 : vector<1x1x16xf32> to vector<16xf32>
      %eq3A_932 = vector.broadcast %add3A_925 : i32 to vector<16xi32>
      %eq3A_933 = arith.cmpi eq, %get3A_700, %eq3A_932 : vector<16xi32>
      %select_n3A_934 = arith.select %eq3A_933, %get3A_931, %select_n3A_921 : vector<16xi1>, vector<16xf32>
      %mul3A_935 = arith.constant 40 : i32
      %mul3A_936 = arith.muli %scan3A_144, %mul3A_935 : i32
      %add3A_937 = arith.constant 18 : i32
      %add3A_938 = arith.addi %mul3A_936, %add3A_937 : i32
      %get3A_939 = arith.constant 18 : i32
      %get3A_940 = arith.index_cast %and3A_146 : i32 to index
      %get3A_941 = arith.index_cast %get3A_939 : i32 to index
      %get3A_942 = arith.constant 16 : index
      %get3A_943 = tpu.vector_load %arg9[%get3A_940, %get3A_941, %get3A_942] {strides = array<i32>} : memref<2x40x128xf32, #tpu.memory_space<vmem>>, vector<1x1x16xf32>,
      %get3A_944 = vector.shape_cast %get3A_943 : vector<1x1x16xf32> to vector<16xf32>
      %eq3A_945 = vector.broadcast %add3A_938 : i32 to vector<16xi32>
      %eq3A_946 = arith.cmpi eq, %get3A_700, %eq3A_945 : vector<16xi32>
      %select_n3A_947 = arith.select %eq3A_946, %get3A_944, %select_n3A_934 : vector<16xi1>, vector<16xf32>
      %mul3A_948 = arith.constant 40 : i32
      %mul3A_949 = arith.muli %scan3A_144, %mul3A_948 : i32
      %add3A_950 = arith.constant 19 : i32
      %add3A_951 = arith.addi %mul3A_949, %add3A_950 : i32
      %get3A_952 = arith.constant 19 : i32
      %get3A_953 = arith.index_cast %and3A_146 : i32 to index
      %get3A_954 = arith.index_cast %get3A_952 : i32 to index
      %get3A_955 = arith.constant 16 : index
      %get3A_956 = tpu.vector_load %arg9[%get3A_953, %get3A_954, %get3A_955] {strides = array<i32>} : memref<2x40x128xf32, #tpu.memory_space<vmem>>, vector<1x1x16xf32>,
      %get3A_957 = vector.shape_cast %get3A_956 : vector<1x1x16xf32> to vector<16xf32>
      %eq3A_958 = vector.broadcast %add3A_951 : i32 to vector<16xi32>
      %eq3A_959 = arith.cmpi eq, %get3A_700, %eq3A_958 : vector<16xi32>
      %select_n3A_960 = arith.select %eq3A_959, %get3A_957, %select_n3A_947 : vector<16xi1>, vector<16xf32>
      %mul3A_961 = arith.constant 40 : i32
      %mul3A_962 = arith.muli %scan3A_144, %mul3A_961 : i32
      %add3A_963 = arith.constant 20 : i32
      %add3A_964 = arith.addi %mul3A_962, %add3A_963 : i32
      %get3A_965 = arith.constant 20 : i32
      %get3A_966 = arith.index_cast %and3A_146 : i32 to index
      %get3A_967 = arith.index_cast %get3A_965 : i32 to index
      %get3A_968 = arith.constant 16 : index
      %get3A_969 = tpu.vector_load %arg9[%get3A_966, %get3A_967, %get3A_968] {strides = array<i32>} : memref<2x40x128xf32, #tpu.memory_space<vmem>>, vector<1x1x16xf32>,
      %get3A_970 = vector.shape_cast %get3A_969 : vector<1x1x16xf32> to vector<16xf32>
      %eq3A_971 = vector.broadcast %add3A_964 : i32 to vector<16xi32>
      %eq3A_972 = arith.cmpi eq, %get3A_700, %eq3A_971 : vector<16xi32>
      %select_n3A_973 = arith.select %eq3A_972, %get3A_970, %select_n3A_960 : vector<16xi1>, vector<16xf32>
      %mul3A_974 = arith.constant 40 : i32
      %mul3A_975 = arith.muli %scan3A_144, %mul3A_974 : i32
      %add3A_976 = arith.constant 21 : i32
      %add3A_977 = arith.addi %mul3A_975, %add3A_976 : i32
      %get3A_978 = arith.constant 21 : i32
      %get3A_979 = arith.index_cast %and3A_146 : i32 to index
      %get3A_980 = arith.index_cast %get3A_978 : i32 to index
      %get3A_981 = arith.constant 16 : index
      %get3A_982 = tpu.vector_load %arg9[%get3A_979, %get3A_980, %get3A_981] {strides = array<i32>} : memref<2x40x128xf32, #tpu.memory_space<vmem>>, vector<1x1x16xf32>,
      %get3A_983 = vector.shape_cast %get3A_982 : vector<1x1x16xf32> to vector<16xf32>
      %eq3A_984 = vector.broadcast %add3A_977 : i32 to vector<16xi32>
      %eq3A_985 = arith.cmpi eq, %get3A_700, %eq3A_984 : vector<16xi32>
      %select_n3A_986 = arith.select %eq3A_985, %get3A_983, %select_n3A_973 : vector<16xi1>, vector<16xf32>
      %mul3A_987 = arith.constant 40 : i32
      %mul3A_988 = arith.muli %scan3A_144, %mul3A_987 : i32
      %add3A_989 = arith.constant 22 : i32
      %add3A_990 = arith.addi %mul3A_988, %add3A_989 : i32
      %get3A_991 = arith.constant 22 : i32
      %get3A_992 = arith.index_cast %and3A_146 : i32 to index
      %get3A_993 = arith.index_cast %get3A_991 : i32 to index
      %get3A_994 = arith.constant 16 : index
      %get3A_995 = tpu.vector_load %arg9[%get3A_992, %get3A_993, %get3A_994] {strides = array<i32>} : memref<2x40x128xf32, #tpu.memory_space<vmem>>, vector<1x1x16xf32>,
      %get3A_996 = vector.shape_cast %get3A_995 : vector<1x1x16xf32> to vector<16xf32>
      %eq3A_997 = vector.broadcast %add3A_990 : i32 to vector<16xi32>
      %eq3A_998 = arith.cmpi eq, %get3A_700, %eq3A_997 : vector<16xi32>
      %select_n3A_999 = arith.select %eq3A_998, %get3A_996, %select_n3A_986 : vector<16xi1>, vector<16xf32>
      %mul3A_1000 = arith.constant 40 : i32
      %mul3A_1001 = arith.muli %scan3A_144, %mul3A_1000 : i32
      %add3A_1002 = arith.constant 23 : i32
      %add3A_1003 = arith.addi %mul3A_1001, %add3A_1002 : i32
      %get3A_1004 = arith.constant 23 : i32
      %get3A_1005 = arith.index_cast %and3A_146 : i32 to index
      %get3A_1006 = arith.index_cast %get3A_1004 : i32 to index
      %get3A_1007 = arith.constant 16 : index
      %get3A_1008 = tpu.vector_load %arg9[%get3A_1005, %get3A_1006, %get3A_1007] {strides = array<i32>} : memref<2x40x128xf32, #tpu.memory_space<vmem>>, vector<1x1x16xf32>,
      %get3A_1009 = vector.shape_cast %get3A_1008 : vector<1x1x16xf32> to vector<16xf32>
      %eq3A_1010 = vector.broadcast %add3A_1003 : i32 to vector<16xi32>
      %eq3A_1011 = arith.cmpi eq, %get3A_700, %eq3A_1010 : vector<16xi32>
      %select_n3A_1012 = arith.select %eq3A_1011, %get3A_1009, %select_n3A_999 : vector<16xi1>, vector<16xf32>
      %mul3A_1013 = arith.constant 40 : i32
      %mul3A_1014 = arith.muli %scan3A_144, %mul3A_1013 : i32
      %add3A_1015 = arith.constant 24 : i32
      %add3A_1016 = arith.addi %mul3A_1014, %add3A_1015 : i32
      %get3A_1017 = arith.constant 24 : i32
      %get3A_1018 = arith.index_cast %and3A_146 : i32 to index
      %get3A_1019 = arith.index_cast %get3A_1017 : i32 to index
      %get3A_1020 = arith.constant 16 : index
      %get3A_1021 = tpu.vector_load %arg9[%get3A_1018, %get3A_1019, %get3A_1020] {strides = array<i32>} : memref<2x40x128xf32, #tpu.memory_space<vmem>>, vector<1x1x16xf32>,
      %get3A_1022 = vector.shape_cast %get3A_1021 : vector<1x1x16xf32> to vector<16xf32>
      %eq3A_1023 = vector.broadcast %add3A_1016 : i32 to vector<16xi32>
      %eq3A_1024 = arith.cmpi eq, %get3A_700, %eq3A_1023 : vector<16xi32>
      %select_n3A_1025 = arith.select %eq3A_1024, %get3A_1022, %select_n3A_1012 : vector<16xi1>, vector<16xf32>
      %mul3A_1026 = arith.constant 40 : i32
      %mul3A_1027 = arith.muli %scan3A_144, %mul3A_1026 : i32
      %add3A_1028 = arith.constant 25 : i32
      %add3A_1029 = arith.addi %mul3A_1027, %add3A_1028 : i32
      %get3A_1030 = arith.constant 25 : i32
      %get3A_1031 = arith.index_cast %and3A_146 : i32 to index
      %get3A_1032 = arith.index_cast %get3A_1030 : i32 to index
      %get3A_1033 = arith.constant 16 : index
      %get3A_1034 = tpu.vector_load %arg9[%get3A_1031, %get3A_1032, %get3A_1033] {strides = array<i32>} : memref<2x40x128xf32, #tpu.memory_space<vmem>>, vector<1x1x16xf32>,
      %get3A_1035 = vector.shape_cast %get3A_1034 : vector<1x1x16xf32> to vector<16xf32>
      %eq3A_1036 = vector.broadcast %add3A_1029 : i32 to vector<16xi32>
      %eq3A_1037 = arith.cmpi eq, %get3A_700, %eq3A_1036 : vector<16xi32>
      %select_n3A_1038 = arith.select %eq3A_1037, %get3A_1035, %select_n3A_1025 : vector<16xi1>, vector<16xf32>
      %mul3A_1039 = arith.constant 40 : i32
      %mul3A_1040 = arith.muli %scan3A_144, %mul3A_1039 : i32
      %add3A_1041 = arith.constant 26 : i32
      %add3A_1042 = arith.addi %mul3A_1040, %add3A_1041 : i32
      %get3A_1043 = arith.constant 26 : i32
      %get3A_1044 = arith.index_cast %and3A_146 : i32 to index
      %get3A_1045 = arith.index_cast %get3A_1043 : i32 to index
      %get3A_1046 = arith.constant 16 : index
      %get3A_1047 = tpu.vector_load %arg9[%get3A_1044, %get3A_1045, %get3A_1046] {strides = array<i32>} : memref<2x40x128xf32, #tpu.memory_space<vmem>>, vector<1x1x16xf32>,
      %get3A_1048 = vector.shape_cast %get3A_1047 : vector<1x1x16xf32> to vector<16xf32>
      %eq3A_1049 = vector.broadcast %add3A_1042 : i32 to vector<16xi32>
      %eq3A_1050 = arith.cmpi eq, %get3A_700, %eq3A_1049 : vector<16xi32>
      %select_n3A_1051 = arith.select %eq3A_1050, %get3A_1048, %select_n3A_1038 : vector<16xi1>, vector<16xf32>
      %mul3A_1052 = arith.constant 40 : i32
      %mul3A_1053 = arith.muli %scan3A_144, %mul3A_1052 : i32
      %add3A_1054 = arith.constant 27 : i32
      %add3A_1055 = arith.addi %mul3A_1053, %add3A_1054 : i32
      %get3A_1056 = arith.constant 27 : i32
      %get3A_1057 = arith.index_cast %and3A_146 : i32 to index
      %get3A_1058 = arith.index_cast %get3A_1056 : i32 to index
      %get3A_1059 = arith.constant 16 : index
      %get3A_1060 = tpu.vector_load %arg9[%get3A_1057, %get3A_1058, %get3A_1059] {strides = array<i32>} : memref<2x40x128xf32, #tpu.memory_space<vmem>>, vector<1x1x16xf32>,
      %get3A_1061 = vector.shape_cast %get3A_1060 : vector<1x1x16xf32> to vector<16xf32>
      %eq3A_1062 = vector.broadcast %add3A_1055 : i32 to vector<16xi32>
      %eq3A_1063 = arith.cmpi eq, %get3A_700, %eq3A_1062 : vector<16xi32>
      %select_n3A_1064 = arith.select %eq3A_1063, %get3A_1061, %select_n3A_1051 : vector<16xi1>, vector<16xf32>
      %mul3A_1065 = arith.constant 40 : i32
      %mul3A_1066 = arith.muli %scan3A_144, %mul3A_1065 : i32
      %add3A_1067 = arith.constant 28 : i32
      %add3A_1068 = arith.addi %mul3A_1066, %add3A_1067 : i32
      %get3A_1069 = arith.constant 28 : i32
      %get3A_1070 = arith.index_cast %and3A_146 : i32 to index
      %get3A_1071 = arith.index_cast %get3A_1069 : i32 to index
      %get3A_1072 = arith.constant 16 : index
      %get3A_1073 = tpu.vector_load %arg9[%get3A_1070, %get3A_1071, %get3A_1072] {strides = array<i32>} : memref<2x40x128xf32, #tpu.memory_space<vmem>>, vector<1x1x16xf32>,
      %get3A_1074 = vector.shape_cast %get3A_1073 : vector<1x1x16xf32> to vector<16xf32>
      %eq3A_1075 = vector.broadcast %add3A_1068 : i32 to vector<16xi32>
      %eq3A_1076 = arith.cmpi eq, %get3A_700, %eq3A_1075 : vector<16xi32>
      %select_n3A_1077 = arith.select %eq3A_1076, %get3A_1074, %select_n3A_1064 : vector<16xi1>, vector<16xf32>
      %mul3A_1078 = arith.constant 40 : i32
      %mul3A_1079 = arith.muli %scan3A_144, %mul3A_1078 : i32
      %add3A_1080 = arith.constant 29 : i32
      %add3A_1081 = arith.addi %mul3A_1079, %add3A_1080 : i32
      %get3A_1082 = arith.constant 29 : i32
      %get3A_1083 = arith.index_cast %and3A_146 : i32 to index
      %get3A_1084 = arith.index_cast %get3A_1082 : i32 to index
      %get3A_1085 = arith.constant 16 : index
      %get3A_1086 = tpu.vector_load %arg9[%get3A_1083, %get3A_1084, %get3A_1085] {strides = array<i32>} : memref<2x40x128xf32, #tpu.memory_space<vmem>>, vector<1x1x16xf32>,
      %get3A_1087 = vector.shape_cast %get3A_1086 : vector<1x1x16xf32> to vector<16xf32>
      %eq3A_1088 = vector.broadcast %add3A_1081 : i32 to vector<16xi32>
      %eq3A_1089 = arith.cmpi eq, %get3A_700, %eq3A_1088 : vector<16xi32>
      %select_n3A_1090 = arith.select %eq3A_1089, %get3A_1087, %select_n3A_1077 : vector<16xi1>, vector<16xf32>
      %mul3A_1091 = arith.constant 40 : i32
      %mul3A_1092 = arith.muli %scan3A_144, %mul3A_1091 : i32
      %add3A_1093 = arith.constant 30 : i32
      %add3A_1094 = arith.addi %mul3A_1092, %add3A_1093 : i32
      %get3A_1095 = arith.constant 30 : i32
      %get3A_1096 = arith.index_cast %and3A_146 : i32 to index
      %get3A_1097 = arith.index_cast %get3A_1095 : i32 to index
      %get3A_1098 = arith.constant 16 : index
      %get3A_1099 = tpu.vector_load %arg9[%get3A_1096, %get3A_1097, %get3A_1098] {strides = array<i32>} : memref<2x40x128xf32, #tpu.memory_space<vmem>>, vector<1x1x16xf32>,
      %get3A_1100 = vector.shape_cast %get3A_1099 : vector<1x1x16xf32> to vector<16xf32>
      %eq3A_1101 = vector.broadcast %add3A_1094 : i32 to vector<16xi32>
      %eq3A_1102 = arith.cmpi eq, %get3A_700, %eq3A_1101 : vector<16xi32>
      %select_n3A_1103 = arith.select %eq3A_1102, %get3A_1100, %select_n3A_1090 : vector<16xi1>, vector<16xf32>
      %mul3A_1104 = arith.constant 40 : i32
      %mul3A_1105 = arith.muli %scan3A_144, %mul3A_1104 : i32
      %add3A_1106 = arith.constant 31 : i32
      %add3A_1107 = arith.addi %mul3A_1105, %add3A_1106 : i32
      %get3A_1108 = arith.constant 31 : i32
      %get3A_1109 = arith.index_cast %and3A_146 : i32 to index
      %get3A_1110 = arith.index_cast %get3A_1108 : i32 to index
      %get3A_1111 = arith.constant 16 : index
      %get3A_1112 = tpu.vector_load %arg9[%get3A_1109, %get3A_1110, %get3A_1111] {strides = array<i32>} : memref<2x40x128xf32, #tpu.memory_space<vmem>>, vector<1x1x16xf32>,
      %get3A_1113 = vector.shape_cast %get3A_1112 : vector<1x1x16xf32> to vector<16xf32>
      %eq3A_1114 = vector.broadcast %add3A_1107 : i32 to vector<16xi32>
      %eq3A_1115 = arith.cmpi eq, %get3A_700, %eq3A_1114 : vector<16xi32>
      %select_n3A_1116 = arith.select %eq3A_1115, %get3A_1113, %select_n3A_1103 : vector<16xi1>, vector<16xf32>
      %mul3A_1117 = arith.constant 40 : i32
      %mul3A_1118 = arith.muli %scan3A_144, %mul3A_1117 : i32
      %add3A_1119 = arith.constant 32 : i32
      %add3A_1120 = arith.addi %mul3A_1118, %add3A_1119 : i32
      %get3A_1121 = arith.constant 32 : i32
      %get3A_1122 = arith.index_cast %and3A_146 : i32 to index
      %get3A_1123 = arith.index_cast %get3A_1121 : i32 to index
      %get3A_1124 = arith.constant 16 : index
      %get3A_1125 = tpu.vector_load %arg9[%get3A_1122, %get3A_1123, %get3A_1124] {strides = array<i32>} : memref<2x40x128xf32, #tpu.memory_space<vmem>>, vector<1x1x16xf32>,
      %get3A_1126 = vector.shape_cast %get3A_1125 : vector<1x1x16xf32> to vector<16xf32>
      %eq3A_1127 = vector.broadcast %add3A_1120 : i32 to vector<16xi32>
      %eq3A_1128 = arith.cmpi eq, %get3A_700, %eq3A_1127 : vector<16xi32>
      %select_n3A_1129 = arith.select %eq3A_1128, %get3A_1126, %select_n3A_1116 : vector<16xi1>, vector<16xf32>
      %mul3A_1130 = arith.constant 40 : i32
      %mul3A_1131 = arith.muli %scan3A_144, %mul3A_1130 : i32
      %add3A_1132 = arith.constant 33 : i32
      %add3A_1133 = arith.addi %mul3A_1131, %add3A_1132 : i32
      %get3A_1134 = arith.constant 33 : i32
      %get3A_1135 = arith.index_cast %and3A_146 : i32 to index
      %get3A_1136 = arith.index_cast %get3A_1134 : i32 to index
      %get3A_1137 = arith.constant 16 : index
      %get3A_1138 = tpu.vector_load %arg9[%get3A_1135, %get3A_1136, %get3A_1137] {strides = array<i32>} : memref<2x40x128xf32, #tpu.memory_space<vmem>>, vector<1x1x16xf32>,
      %get3A_1139 = vector.shape_cast %get3A_1138 : vector<1x1x16xf32> to vector<16xf32>
      %eq3A_1140 = vector.broadcast %add3A_1133 : i32 to vector<16xi32>
      %eq3A_1141 = arith.cmpi eq, %get3A_700, %eq3A_1140 : vector<16xi32>
      %select_n3A_1142 = arith.select %eq3A_1141, %get3A_1139, %select_n3A_1129 : vector<16xi1>, vector<16xf32>
      %mul3A_1143 = arith.constant 40 : i32
      %mul3A_1144 = arith.muli %scan3A_144, %mul3A_1143 : i32
      %add3A_1145 = arith.constant 34 : i32
      %add3A_1146 = arith.addi %mul3A_1144, %add3A_1145 : i32
      %get3A_1147 = arith.constant 34 : i32
      %get3A_1148 = arith.index_cast %and3A_146 : i32 to index
      %get3A_1149 = arith.index_cast %get3A_1147 : i32 to index
      %get3A_1150 = arith.constant 16 : index
      %get3A_1151 = tpu.vector_load %arg9[%get3A_1148, %get3A_1149, %get3A_1150] {strides = array<i32>} : memref<2x40x128xf32, #tpu.memory_space<vmem>>, vector<1x1x16xf32>,
      %get3A_1152 = vector.shape_cast %get3A_1151 : vector<1x1x16xf32> to vector<16xf32>
      %eq3A_1153 = vector.broadcast %add3A_1146 : i32 to vector<16xi32>
      %eq3A_1154 = arith.cmpi eq, %get3A_700, %eq3A_1153 : vector<16xi32>
      %select_n3A_1155 = arith.select %eq3A_1154, %get3A_1152, %select_n3A_1142 : vector<16xi1>, vector<16xf32>
      %mul3A_1156 = arith.constant 40 : i32
      %mul3A_1157 = arith.muli %scan3A_144, %mul3A_1156 : i32
      %add3A_1158 = arith.constant 35 : i32
      %add3A_1159 = arith.addi %mul3A_1157, %add3A_1158 : i32
      %get3A_1160 = arith.constant 35 : i32
      %get3A_1161 = arith.index_cast %and3A_146 : i32 to index
      %get3A_1162 = arith.index_cast %get3A_1160 : i32 to index
      %get3A_1163 = arith.constant 16 : index
      %get3A_1164 = tpu.vector_load %arg9[%get3A_1161, %get3A_1162, %get3A_1163] {strides = array<i32>} : memref<2x40x128xf32, #tpu.memory_space<vmem>>, vector<1x1x16xf32>,
      %get3A_1165 = vector.shape_cast %get3A_1164 : vector<1x1x16xf32> to vector<16xf32>
      %eq3A_1166 = vector.broadcast %add3A_1159 : i32 to vector<16xi32>
      %eq3A_1167 = arith.cmpi eq, %get3A_700, %eq3A_1166 : vector<16xi32>
      %select_n3A_1168 = arith.select %eq3A_1167, %get3A_1165, %select_n3A_1155 : vector<16xi1>, vector<16xf32>
      %mul3A_1169 = arith.constant 40 : i32
      %mul3A_1170 = arith.muli %scan3A_144, %mul3A_1169 : i32
      %add3A_1171 = arith.constant 36 : i32
      %add3A_1172 = arith.addi %mul3A_1170, %add3A_1171 : i32
      %get3A_1173 = arith.constant 36 : i32
      %get3A_1174 = arith.index_cast %and3A_146 : i32 to index
      %get3A_1175 = arith.index_cast %get3A_1173 : i32 to index
      %get3A_1176 = arith.constant 16 : index
      %get3A_1177 = tpu.vector_load %arg9[%get3A_1174, %get3A_1175, %get3A_1176] {strides = array<i32>} : memref<2x40x128xf32, #tpu.memory_space<vmem>>, vector<1x1x16xf32>,
      %get3A_1178 = vector.shape_cast %get3A_1177 : vector<1x1x16xf32> to vector<16xf32>
      %eq3A_1179 = vector.broadcast %add3A_1172 : i32 to vector<16xi32>
      %eq3A_1180 = arith.cmpi eq, %get3A_700, %eq3A_1179 : vector<16xi32>
      %select_n3A_1181 = arith.select %eq3A_1180, %get3A_1178, %select_n3A_1168 : vector<16xi1>, vector<16xf32>
      %mul3A_1182 = arith.constant 40 : i32
      %mul3A_1183 = arith.muli %scan3A_144, %mul3A_1182 : i32
      %add3A_1184 = arith.constant 37 : i32
      %add3A_1185 = arith.addi %mul3A_1183, %add3A_1184 : i32
      %get3A_1186 = arith.constant 37 : i32
      %get3A_1187 = arith.index_cast %and3A_146 : i32 to index
      %get3A_1188 = arith.index_cast %get3A_1186 : i32 to index
      %get3A_1189 = arith.constant 16 : index
      %get3A_1190 = tpu.vector_load %arg9[%get3A_1187, %get3A_1188, %get3A_1189] {strides = array<i32>} : memref<2x40x128xf32, #tpu.memory_space<vmem>>, vector<1x1x16xf32>,
      %get3A_1191 = vector.shape_cast %get3A_1190 : vector<1x1x16xf32> to vector<16xf32>
      %eq3A_1192 = vector.broadcast %add3A_1185 : i32 to vector<16xi32>
      %eq3A_1193 = arith.cmpi eq, %get3A_700, %eq3A_1192 : vector<16xi32>
      %select_n3A_1194 = arith.select %eq3A_1193, %get3A_1191, %select_n3A_1181 : vector<16xi1>, vector<16xf32>
      %mul3A_1195 = arith.constant 40 : i32
      %mul3A_1196 = arith.muli %scan3A_144, %mul3A_1195 : i32
      %add3A_1197 = arith.constant 38 : i32
      %add3A_1198 = arith.addi %mul3A_1196, %add3A_1197 : i32
      %get3A_1199 = arith.constant 38 : i32
      %get3A_1200 = arith.index_cast %and3A_146 : i32 to index
      %get3A_1201 = arith.index_cast %get3A_1199 : i32 to index
      %get3A_1202 = arith.constant 16 : index
      %get3A_1203 = tpu.vector_load %arg9[%get3A_1200, %get3A_1201, %get3A_1202] {strides = array<i32>} : memref<2x40x128xf32, #tpu.memory_space<vmem>>, vector<1x1x16xf32>,
      %get3A_1204 = vector.shape_cast %get3A_1203 : vector<1x1x16xf32> to vector<16xf32>
      %eq3A_1205 = vector.broadcast %add3A_1198 : i32 to vector<16xi32>
      %eq3A_1206 = arith.cmpi eq, %get3A_700, %eq3A_1205 : vector<16xi32>
      %select_n3A_1207 = arith.select %eq3A_1206, %get3A_1204, %select_n3A_1194 : vector<16xi1>, vector<16xf32>
      %mul3A_1208 = arith.constant 40 : i32
      %mul3A_1209 = arith.muli %scan3A_144, %mul3A_1208 : i32
      %add3A_1210 = arith.constant 39 : i32
      %add3A_1211 = arith.addi %mul3A_1209, %add3A_1210 : i32
      %get3A_1212 = arith.constant 39 : i32
      %get3A_1213 = arith.index_cast %and3A_146 : i32 to index
      %get3A_1214 = arith.index_cast %get3A_1212 : i32 to index
      %get3A_1215 = arith.constant 16 : index
      %get3A_1216 = tpu.vector_load %arg9[%get3A_1213, %get3A_1214, %get3A_1215] {strides = array<i32>} : memref<2x40x128xf32, #tpu.memory_space<vmem>>, vector<1x1x16xf32>,
      %get3A_1217 = vector.shape_cast %get3A_1216 : vector<1x1x16xf32> to vector<16xf32>
      %eq3A_1218 = vector.broadcast %add3A_1211 : i32 to vector<16xi32>
      %eq3A_1219 = arith.cmpi eq, %get3A_700, %eq3A_1218 : vector<16xi32>
      %select_n3A_1220 = arith.select %eq3A_1219, %get3A_1217, %select_n3A_1207 : vector<16xi1>, vector<16xf32>
      %swap3A_1221 = arith.constant 16 : index
      %swap3A_1222 = tpu.vector_load %arg8[%swap3A_1221] {strides = array<i32>} : memref<128xf32, #tpu.memory_space<vmem>>, vector<16xf32>,
      %swap3A_1223 = vector.shape_cast %swap3A_1222 : vector<16xf32> to vector<16xf32>
      %swap3A_1224 = vector.shape_cast %select_n3A_1220 : vector<16xf32> to vector<16xf32>
      tpu.vector_store %arg8[%swap3A_1221], %swap3A_1224 {strides = array<i32>} : memref<128xf32, #tpu.memory_space<vmem>>, vector<16xf32>,
      %get3A_1225 = arith.constant 32 : index
      %get3A_1226 = tpu.vector_load %arg8[%get3A_1225] {strides = array<i32>} : memref<128xf32, #tpu.memory_space<vmem>>, vector<16xf32>,
      %get3A_1227 = vector.shape_cast %get3A_1226 : vector<16xf32> to vector<16xf32>
      %get3A_1228 = arith.constant 32 : index
      %get3A_1229 = tpu.vector_load %arg6[%get3A_1228] {strides = array<i32>} : memref<128xi32, #tpu.memory_space<vmem>>, vector<16xi32>,
      %get3A_1230 = vector.shape_cast %get3A_1229 : vector<16xi32> to vector<16xi32>
      %mul3A_1231 = arith.constant 40 : i32
      %mul3A_1232 = arith.muli %scan3A_144, %mul3A_1231 : i32
      %add3A_1233 = arith.constant 0 : i32
      %add3A_1234 = arith.addi %mul3A_1232, %add3A_1233 : i32
      %get3A_1235 = arith.constant 0 : i32
      %get3A_1236 = arith.index_cast %and3A_146 : i32 to index
      %get3A_1237 = arith.index_cast %get3A_1235 : i32 to index
      %get3A_1238 = arith.constant 32 : index
      %get3A_1239 = tpu.vector_load %arg9[%get3A_1236, %get3A_1237, %get3A_1238] {strides = array<i32>} : memref<2x40x128xf32, #tpu.memory_space<vmem>>, vector<1x1x16xf32>,
      %get3A_1240 = vector.shape_cast %get3A_1239 : vector<1x1x16xf32> to vector<16xf32>
      %eq3A_1241 = vector.broadcast %add3A_1234 : i32 to vector<16xi32>
      %eq3A_1242 = arith.cmpi eq, %get3A_1230, %eq3A_1241 : vector<16xi32>
      %select_n3A_1243 = arith.select %eq3A_1242, %get3A_1240, %get3A_1227 : vector<16xi1>, vector<16xf32>
      %mul3A_1244 = arith.constant 40 : i32
      %mul3A_1245 = arith.muli %scan3A_144, %mul3A_1244 : i32
      %add3A_1246 = arith.constant 1 : i32
      %add3A_1247 = arith.addi %mul3A_1245, %add3A_1246 : i32
      %get3A_1248 = arith.constant 1 : i32
      %get3A_1249 = arith.index_cast %and3A_146 : i32 to index
      %get3A_1250 = arith.index_cast %get3A_1248 : i32 to index
      %get3A_1251 = arith.constant 32 : index
      %get3A_1252 = tpu.vector_load %arg9[%get3A_1249, %get3A_1250, %get3A_1251] {strides = array<i32>} : memref<2x40x128xf32, #tpu.memory_space<vmem>>, vector<1x1x16xf32>,
      %get3A_1253 = vector.shape_cast %get3A_1252 : vector<1x1x16xf32> to vector<16xf32>
      %eq3A_1254 = vector.broadcast %add3A_1247 : i32 to vector<16xi32>
      %eq3A_1255 = arith.cmpi eq, %get3A_1230, %eq3A_1254 : vector<16xi32>
      %select_n3A_1256 = arith.select %eq3A_1255, %get3A_1253, %select_n3A_1243 : vector<16xi1>, vector<16xf32>
      %mul3A_1257 = arith.constant 40 : i32
      %mul3A_1258 = arith.muli %scan3A_144, %mul3A_1257 : i32
      %add3A_1259 = arith.constant 2 : i32
      %add3A_1260 = arith.addi %mul3A_1258, %add3A_1259 : i32
      %get3A_1261 = arith.constant 2 : i32
      %get3A_1262 = arith.index_cast %and3A_146 : i32 to index
      %get3A_1263 = arith.index_cast %get3A_1261 : i32 to index
      %get3A_1264 = arith.constant 32 : index
      %get3A_1265 = tpu.vector_load %arg9[%get3A_1262, %get3A_1263, %get3A_1264] {strides = array<i32>} : memref<2x40x128xf32, #tpu.memory_space<vmem>>, vector<1x1x16xf32>,
      %get3A_1266 = vector.shape_cast %get3A_1265 : vector<1x1x16xf32> to vector<16xf32>
      %eq3A_1267 = vector.broadcast %add3A_1260 : i32 to vector<16xi32>
      %eq3A_1268 = arith.cmpi eq, %get3A_1230, %eq3A_1267 : vector<16xi32>
      %select_n3A_1269 = arith.select %eq3A_1268, %get3A_1266, %select_n3A_1256 : vector<16xi1>, vector<16xf32>
      %mul3A_1270 = arith.constant 40 : i32
      %mul3A_1271 = arith.muli %scan3A_144, %mul3A_1270 : i32
      %add3A_1272 = arith.constant 3 : i32
      %add3A_1273 = arith.addi %mul3A_1271, %add3A_1272 : i32
      %get3A_1274 = arith.constant 3 : i32
      %get3A_1275 = arith.index_cast %and3A_146 : i32 to index
      %get3A_1276 = arith.index_cast %get3A_1274 : i32 to index
      %get3A_1277 = arith.constant 32 : index
      %get3A_1278 = tpu.vector_load %arg9[%get3A_1275, %get3A_1276, %get3A_1277] {strides = array<i32>} : memref<2x40x128xf32, #tpu.memory_space<vmem>>, vector<1x1x16xf32>,
      %get3A_1279 = vector.shape_cast %get3A_1278 : vector<1x1x16xf32> to vector<16xf32>
      %eq3A_1280 = vector.broadcast %add3A_1273 : i32 to vector<16xi32>
      %eq3A_1281 = arith.cmpi eq, %get3A_1230, %eq3A_1280 : vector<16xi32>
      %select_n3A_1282 = arith.select %eq3A_1281, %get3A_1279, %select_n3A_1269 : vector<16xi1>, vector<16xf32>
      %mul3A_1283 = arith.constant 40 : i32
      %mul3A_1284 = arith.muli %scan3A_144, %mul3A_1283 : i32
      %add3A_1285 = arith.constant 4 : i32
      %add3A_1286 = arith.addi %mul3A_1284, %add3A_1285 : i32
      %get3A_1287 = arith.constant 4 : i32
      %get3A_1288 = arith.index_cast %and3A_146 : i32 to index
      %get3A_1289 = arith.index_cast %get3A_1287 : i32 to index
      %get3A_1290 = arith.constant 32 : index
      %get3A_1291 = tpu.vector_load %arg9[%get3A_1288, %get3A_1289, %get3A_1290] {strides = array<i32>} : memref<2x40x128xf32, #tpu.memory_space<vmem>>, vector<1x1x16xf32>,
      %get3A_1292 = vector.shape_cast %get3A_1291 : vector<1x1x16xf32> to vector<16xf32>
      %eq3A_1293 = vector.broadcast %add3A_1286 : i32 to vector<16xi32>
      %eq3A_1294 = arith.cmpi eq, %get3A_1230, %eq3A_1293 : vector<16xi32>
      %select_n3A_1295 = arith.select %eq3A_1294, %get3A_1292, %select_n3A_1282 : vector<16xi1>, vector<16xf32>
      %mul3A_1296 = arith.constant 40 : i32
      %mul3A_1297 = arith.muli %scan3A_144, %mul3A_1296 : i32
      %add3A_1298 = arith.constant 5 : i32
      %add3A_1299 = arith.addi %mul3A_1297, %add3A_1298 : i32
      %get3A_1300 = arith.constant 5 : i32
      %get3A_1301 = arith.index_cast %and3A_146 : i32 to index
      %get3A_1302 = arith.index_cast %get3A_1300 : i32 to index
      %get3A_1303 = arith.constant 32 : index
      %get3A_1304 = tpu.vector_load %arg9[%get3A_1301, %get3A_1302, %get3A_1303] {strides = array<i32>} : memref<2x40x128xf32, #tpu.memory_space<vmem>>, vector<1x1x16xf32>,
      %get3A_1305 = vector.shape_cast %get3A_1304 : vector<1x1x16xf32> to vector<16xf32>
      %eq3A_1306 = vector.broadcast %add3A_1299 : i32 to vector<16xi32>
      %eq3A_1307 = arith.cmpi eq, %get3A_1230, %eq3A_1306 : vector<16xi32>
      %select_n3A_1308 = arith.select %eq3A_1307, %get3A_1305, %select_n3A_1295 : vector<16xi1>, vector<16xf32>
      %mul3A_1309 = arith.constant 40 : i32
      %mul3A_1310 = arith.muli %scan3A_144, %mul3A_1309 : i32
      %add3A_1311 = arith.constant 6 : i32
      %add3A_1312 = arith.addi %mul3A_1310, %add3A_1311 : i32
      %get3A_1313 = arith.constant 6 : i32
      %get3A_1314 = arith.index_cast %and3A_146 : i32 to index
      %get3A_1315 = arith.index_cast %get3A_1313 : i32 to index
      %get3A_1316 = arith.constant 32 : index
      %get3A_1317 = tpu.vector_load %arg9[%get3A_1314, %get3A_1315, %get3A_1316] {strides = array<i32>} : memref<2x40x128xf32, #tpu.memory_space<vmem>>, vector<1x1x16xf32>,
      %get3A_1318 = vector.shape_cast %get3A_1317 : vector<1x1x16xf32> to vector<16xf32>
      %eq3A_1319 = vector.broadcast %add3A_1312 : i32 to vector<16xi32>
      %eq3A_1320 = arith.cmpi eq, %get3A_1230, %eq3A_1319 : vector<16xi32>
      %select_n3A_1321 = arith.select %eq3A_1320, %get3A_1318, %select_n3A_1308 : vector<16xi1>, vector<16xf32>
      %mul3A_1322 = arith.constant 40 : i32
      %mul3A_1323 = arith.muli %scan3A_144, %mul3A_1322 : i32
      %add3A_1324 = arith.constant 7 : i32
      %add3A_1325 = arith.addi %mul3A_1323, %add3A_1324 : i32
      %get3A_1326 = arith.constant 7 : i32
      %get3A_1327 = arith.index_cast %and3A_146 : i32 to index
      %get3A_1328 = arith.index_cast %get3A_1326 : i32 to index
      %get3A_1329 = arith.constant 32 : index
      %get3A_1330 = tpu.vector_load %arg9[%get3A_1327, %get3A_1328, %get3A_1329] {strides = array<i32>} : memref<2x40x128xf32, #tpu.memory_space<vmem>>, vector<1x1x16xf32>,
      %get3A_1331 = vector.shape_cast %get3A_1330 : vector<1x1x16xf32> to vector<16xf32>
      %eq3A_1332 = vector.broadcast %add3A_1325 : i32 to vector<16xi32>
      %eq3A_1333 = arith.cmpi eq, %get3A_1230, %eq3A_1332 : vector<16xi32>
      %select_n3A_1334 = arith.select %eq3A_1333, %get3A_1331, %select_n3A_1321 : vector<16xi1>, vector<16xf32>
      %mul3A_1335 = arith.constant 40 : i32
      %mul3A_1336 = arith.muli %scan3A_144, %mul3A_1335 : i32
      %add3A_1337 = arith.constant 8 : i32
      %add3A_1338 = arith.addi %mul3A_1336, %add3A_1337 : i32
      %get3A_1339 = arith.constant 8 : i32
      %get3A_1340 = arith.index_cast %and3A_146 : i32 to index
      %get3A_1341 = arith.index_cast %get3A_1339 : i32 to index
      %get3A_1342 = arith.constant 32 : index
      %get3A_1343 = tpu.vector_load %arg9[%get3A_1340, %get3A_1341, %get3A_1342] {strides = array<i32>} : memref<2x40x128xf32, #tpu.memory_space<vmem>>, vector<1x1x16xf32>,
      %get3A_1344 = vector.shape_cast %get3A_1343 : vector<1x1x16xf32> to vector<16xf32>
      %eq3A_1345 = vector.broadcast %add3A_1338 : i32 to vector<16xi32>
      %eq3A_1346 = arith.cmpi eq, %get3A_1230, %eq3A_1345 : vector<16xi32>
      %select_n3A_1347 = arith.select %eq3A_1346, %get3A_1344, %select_n3A_1334 : vector<16xi1>, vector<16xf32>
      %mul3A_1348 = arith.constant 40 : i32
      %mul3A_1349 = arith.muli %scan3A_144, %mul3A_1348 : i32
      %add3A_1350 = arith.constant 9 : i32
      %add3A_1351 = arith.addi %mul3A_1349, %add3A_1350 : i32
      %get3A_1352 = arith.constant 9 : i32
      %get3A_1353 = arith.index_cast %and3A_146 : i32 to index
      %get3A_1354 = arith.index_cast %get3A_1352 : i32 to index
      %get3A_1355 = arith.constant 32 : index
      %get3A_1356 = tpu.vector_load %arg9[%get3A_1353, %get3A_1354, %get3A_1355] {strides = array<i32>} : memref<2x40x128xf32, #tpu.memory_space<vmem>>, vector<1x1x16xf32>,
      %get3A_1357 = vector.shape_cast %get3A_1356 : vector<1x1x16xf32> to vector<16xf32>
      %eq3A_1358 = vector.broadcast %add3A_1351 : i32 to vector<16xi32>
      %eq3A_1359 = arith.cmpi eq, %get3A_1230, %eq3A_1358 : vector<16xi32>
      %select_n3A_1360 = arith.select %eq3A_1359, %get3A_1357, %select_n3A_1347 : vector<16xi1>, vector<16xf32>
      %mul3A_1361 = arith.constant 40 : i32
      %mul3A_1362 = arith.muli %scan3A_144, %mul3A_1361 : i32
      %add3A_1363 = arith.constant 10 : i32
      %add3A_1364 = arith.addi %mul3A_1362, %add3A_1363 : i32
      %get3A_1365 = arith.constant 10 : i32
      %get3A_1366 = arith.index_cast %and3A_146 : i32 to index
      %get3A_1367 = arith.index_cast %get3A_1365 : i32 to index
      %get3A_1368 = arith.constant 32 : index
      %get3A_1369 = tpu.vector_load %arg9[%get3A_1366, %get3A_1367, %get3A_1368] {strides = array<i32>} : memref<2x40x128xf32, #tpu.memory_space<vmem>>, vector<1x1x16xf32>,
      %get3A_1370 = vector.shape_cast %get3A_1369 : vector<1x1x16xf32> to vector<16xf32>
      %eq3A_1371 = vector.broadcast %add3A_1364 : i32 to vector<16xi32>
      %eq3A_1372 = arith.cmpi eq, %get3A_1230, %eq3A_1371 : vector<16xi32>
      %select_n3A_1373 = arith.select %eq3A_1372, %get3A_1370, %select_n3A_1360 : vector<16xi1>, vector<16xf32>
      %mul3A_1374 = arith.constant 40 : i32
      %mul3A_1375 = arith.muli %scan3A_144, %mul3A_1374 : i32
      %add3A_1376 = arith.constant 11 : i32
      %add3A_1377 = arith.addi %mul3A_1375, %add3A_1376 : i32
      %get3A_1378 = arith.constant 11 : i32
      %get3A_1379 = arith.index_cast %and3A_146 : i32 to index
      %get3A_1380 = arith.index_cast %get3A_1378 : i32 to index
      %get3A_1381 = arith.constant 32 : index
      %get3A_1382 = tpu.vector_load %arg9[%get3A_1379, %get3A_1380, %get3A_1381] {strides = array<i32>} : memref<2x40x128xf32, #tpu.memory_space<vmem>>, vector<1x1x16xf32>,
      %get3A_1383 = vector.shape_cast %get3A_1382 : vector<1x1x16xf32> to vector<16xf32>
      %eq3A_1384 = vector.broadcast %add3A_1377 : i32 to vector<16xi32>
      %eq3A_1385 = arith.cmpi eq, %get3A_1230, %eq3A_1384 : vector<16xi32>
      %select_n3A_1386 = arith.select %eq3A_1385, %get3A_1383, %select_n3A_1373 : vector<16xi1>, vector<16xf32>
      %mul3A_1387 = arith.constant 40 : i32
      %mul3A_1388 = arith.muli %scan3A_144, %mul3A_1387 : i32
      %add3A_1389 = arith.constant 12 : i32
      %add3A_1390 = arith.addi %mul3A_1388, %add3A_1389 : i32
      %get3A_1391 = arith.constant 12 : i32
      %get3A_1392 = arith.index_cast %and3A_146 : i32 to index
      %get3A_1393 = arith.index_cast %get3A_1391 : i32 to index
      %get3A_1394 = arith.constant 32 : index
      %get3A_1395 = tpu.vector_load %arg9[%get3A_1392, %get3A_1393, %get3A_1394] {strides = array<i32>} : memref<2x40x128xf32, #tpu.memory_space<vmem>>, vector<1x1x16xf32>,
      %get3A_1396 = vector.shape_cast %get3A_1395 : vector<1x1x16xf32> to vector<16xf32>
      %eq3A_1397 = vector.broadcast %add3A_1390 : i32 to vector<16xi32>
      %eq3A_1398 = arith.cmpi eq, %get3A_1230, %eq3A_1397 : vector<16xi32>
      %select_n3A_1399 = arith.select %eq3A_1398, %get3A_1396, %select_n3A_1386 : vector<16xi1>, vector<16xf32>
      %mul3A_1400 = arith.constant 40 : i32
      %mul3A_1401 = arith.muli %scan3A_144, %mul3A_1400 : i32
      %add3A_1402 = arith.constant 13 : i32
      %add3A_1403 = arith.addi %mul3A_1401, %add3A_1402 : i32
      %get3A_1404 = arith.constant 13 : i32
      %get3A_1405 = arith.index_cast %and3A_146 : i32 to index
      %get3A_1406 = arith.index_cast %get3A_1404 : i32 to index
      %get3A_1407 = arith.constant 32 : index
      %get3A_1408 = tpu.vector_load %arg9[%get3A_1405, %get3A_1406, %get3A_1407] {strides = array<i32>} : memref<2x40x128xf32, #tpu.memory_space<vmem>>, vector<1x1x16xf32>,
      %get3A_1409 = vector.shape_cast %get3A_1408 : vector<1x1x16xf32> to vector<16xf32>
      %eq3A_1410 = vector.broadcast %add3A_1403 : i32 to vector<16xi32>
      %eq3A_1411 = arith.cmpi eq, %get3A_1230, %eq3A_1410 : vector<16xi32>
      %select_n3A_1412 = arith.select %eq3A_1411, %get3A_1409, %select_n3A_1399 : vector<16xi1>, vector<16xf32>
      %mul3A_1413 = arith.constant 40 : i32
      %mul3A_1414 = arith.muli %scan3A_144, %mul3A_1413 : i32
      %add3A_1415 = arith.constant 14 : i32
      %add3A_1416 = arith.addi %mul3A_1414, %add3A_1415 : i32
      %get3A_1417 = arith.constant 14 : i32
      %get3A_1418 = arith.index_cast %and3A_146 : i32 to index
      %get3A_1419 = arith.index_cast %get3A_1417 : i32 to index
      %get3A_1420 = arith.constant 32 : index
      %get3A_1421 = tpu.vector_load %arg9[%get3A_1418, %get3A_1419, %get3A_1420] {strides = array<i32>} : memref<2x40x128xf32, #tpu.memory_space<vmem>>, vector<1x1x16xf32>,
      %get3A_1422 = vector.shape_cast %get3A_1421 : vector<1x1x16xf32> to vector<16xf32>
      %eq3A_1423 = vector.broadcast %add3A_1416 : i32 to vector<16xi32>
      %eq3A_1424 = arith.cmpi eq, %get3A_1230, %eq3A_1423 : vector<16xi32>
      %select_n3A_1425 = arith.select %eq3A_1424, %get3A_1422, %select_n3A_1412 : vector<16xi1>, vector<16xf32>
      %mul3A_1426 = arith.constant 40 : i32
      %mul3A_1427 = arith.muli %scan3A_144, %mul3A_1426 : i32
      %add3A_1428 = arith.constant 15 : i32
      %add3A_1429 = arith.addi %mul3A_1427, %add3A_1428 : i32
      %get3A_1430 = arith.constant 15 : i32
      %get3A_1431 = arith.index_cast %and3A_146 : i32 to index
      %get3A_1432 = arith.index_cast %get3A_1430 : i32 to index
      %get3A_1433 = arith.constant 32 : index
      %get3A_1434 = tpu.vector_load %arg9[%get3A_1431, %get3A_1432, %get3A_1433] {strides = array<i32>} : memref<2x40x128xf32, #tpu.memory_space<vmem>>, vector<1x1x16xf32>,
      %get3A_1435 = vector.shape_cast %get3A_1434 : vector<1x1x16xf32> to vector<16xf32>
      %eq3A_1436 = vector.broadcast %add3A_1429 : i32 to vector<16xi32>
      %eq3A_1437 = arith.cmpi eq, %get3A_1230, %eq3A_1436 : vector<16xi32>
      %select_n3A_1438 = arith.select %eq3A_1437, %get3A_1435, %select_n3A_1425 : vector<16xi1>, vector<16xf32>
      %mul3A_1439 = arith.constant 40 : i32
      %mul3A_1440 = arith.muli %scan3A_144, %mul3A_1439 : i32
      %add3A_1441 = arith.constant 16 : i32
      %add3A_1442 = arith.addi %mul3A_1440, %add3A_1441 : i32
      %get3A_1443 = arith.constant 16 : i32
      %get3A_1444 = arith.index_cast %and3A_146 : i32 to index
      %get3A_1445 = arith.index_cast %get3A_1443 : i32 to index
      %get3A_1446 = arith.constant 32 : index
      %get3A_1447 = tpu.vector_load %arg9[%get3A_1444, %get3A_1445, %get3A_1446] {strides = array<i32>} : memref<2x40x128xf32, #tpu.memory_space<vmem>>, vector<1x1x16xf32>,
      %get3A_1448 = vector.shape_cast %get3A_1447 : vector<1x1x16xf32> to vector<16xf32>
      %eq3A_1449 = vector.broadcast %add3A_1442 : i32 to vector<16xi32>
      %eq3A_1450 = arith.cmpi eq, %get3A_1230, %eq3A_1449 : vector<16xi32>
      %select_n3A_1451 = arith.select %eq3A_1450, %get3A_1448, %select_n3A_1438 : vector<16xi1>, vector<16xf32>
      %mul3A_1452 = arith.constant 40 : i32
      %mul3A_1453 = arith.muli %scan3A_144, %mul3A_1452 : i32
      %add3A_1454 = arith.constant 17 : i32
      %add3A_1455 = arith.addi %mul3A_1453, %add3A_1454 : i32
      %get3A_1456 = arith.constant 17 : i32
      %get3A_1457 = arith.index_cast %and3A_146 : i32 to index
      %get3A_1458 = arith.index_cast %get3A_1456 : i32 to index
      %get3A_1459 = arith.constant 32 : index
      %get3A_1460 = tpu.vector_load %arg9[%get3A_1457, %get3A_1458, %get3A_1459] {strides = array<i32>} : memref<2x40x128xf32, #tpu.memory_space<vmem>>, vector<1x1x16xf32>,
      %get3A_1461 = vector.shape_cast %get3A_1460 : vector<1x1x16xf32> to vector<16xf32>
      %eq3A_1462 = vector.broadcast %add3A_1455 : i32 to vector<16xi32>
      %eq3A_1463 = arith.cmpi eq, %get3A_1230, %eq3A_1462 : vector<16xi32>
      %select_n3A_1464 = arith.select %eq3A_1463, %get3A_1461, %select_n3A_1451 : vector<16xi1>, vector<16xf32>
      %mul3A_1465 = arith.constant 40 : i32
      %mul3A_1466 = arith.muli %scan3A_144, %mul3A_1465 : i32
      %add3A_1467 = arith.constant 18 : i32
      %add3A_1468 = arith.addi %mul3A_1466, %add3A_1467 : i32
      %get3A_1469 = arith.constant 18 : i32
      %get3A_1470 = arith.index_cast %and3A_146 : i32 to index
      %get3A_1471 = arith.index_cast %get3A_1469 : i32 to index
      %get3A_1472 = arith.constant 32 : index
      %get3A_1473 = tpu.vector_load %arg9[%get3A_1470, %get3A_1471, %get3A_1472] {strides = array<i32>} : memref<2x40x128xf32, #tpu.memory_space<vmem>>, vector<1x1x16xf32>,
      %get3A_1474 = vector.shape_cast %get3A_1473 : vector<1x1x16xf32> to vector<16xf32>
      %eq3A_1475 = vector.broadcast %add3A_1468 : i32 to vector<16xi32>
      %eq3A_1476 = arith.cmpi eq, %get3A_1230, %eq3A_1475 : vector<16xi32>
      %select_n3A_1477 = arith.select %eq3A_1476, %get3A_1474, %select_n3A_1464 : vector<16xi1>, vector<16xf32>
      %mul3A_1478 = arith.constant 40 : i32
      %mul3A_1479 = arith.muli %scan3A_144, %mul3A_1478 : i32
      %add3A_1480 = arith.constant 19 : i32
      %add3A_1481 = arith.addi %mul3A_1479, %add3A_1480 : i32
      %get3A_1482 = arith.constant 19 : i32
      %get3A_1483 = arith.index_cast %and3A_146 : i32 to index
      %get3A_1484 = arith.index_cast %get3A_1482 : i32 to index
      %get3A_1485 = arith.constant 32 : index
      %get3A_1486 = tpu.vector_load %arg9[%get3A_1483, %get3A_1484, %get3A_1485] {strides = array<i32>} : memref<2x40x128xf32, #tpu.memory_space<vmem>>, vector<1x1x16xf32>,
      %get3A_1487 = vector.shape_cast %get3A_1486 : vector<1x1x16xf32> to vector<16xf32>
      %eq3A_1488 = vector.broadcast %add3A_1481 : i32 to vector<16xi32>
      %eq3A_1489 = arith.cmpi eq, %get3A_1230, %eq3A_1488 : vector<16xi32>
      %select_n3A_1490 = arith.select %eq3A_1489, %get3A_1487, %select_n3A_1477 : vector<16xi1>, vector<16xf32>
      %mul3A_1491 = arith.constant 40 : i32
      %mul3A_1492 = arith.muli %scan3A_144, %mul3A_1491 : i32
      %add3A_1493 = arith.constant 20 : i32
      %add3A_1494 = arith.addi %mul3A_1492, %add3A_1493 : i32
      %get3A_1495 = arith.constant 20 : i32
      %get3A_1496 = arith.index_cast %and3A_146 : i32 to index
      %get3A_1497 = arith.index_cast %get3A_1495 : i32 to index
      %get3A_1498 = arith.constant 32 : index
      %get3A_1499 = tpu.vector_load %arg9[%get3A_1496, %get3A_1497, %get3A_1498] {strides = array<i32>} : memref<2x40x128xf32, #tpu.memory_space<vmem>>, vector<1x1x16xf32>,
      %get3A_1500 = vector.shape_cast %get3A_1499 : vector<1x1x16xf32> to vector<16xf32>
      %eq3A_1501 = vector.broadcast %add3A_1494 : i32 to vector<16xi32>
      %eq3A_1502 = arith.cmpi eq, %get3A_1230, %eq3A_1501 : vector<16xi32>
      %select_n3A_1503 = arith.select %eq3A_1502, %get3A_1500, %select_n3A_1490 : vector<16xi1>, vector<16xf32>
      %mul3A_1504 = arith.constant 40 : i32
      %mul3A_1505 = arith.muli %scan3A_144, %mul3A_1504 : i32
      %add3A_1506 = arith.constant 21 : i32
      %add3A_1507 = arith.addi %mul3A_1505, %add3A_1506 : i32
      %get3A_1508 = arith.constant 21 : i32
      %get3A_1509 = arith.index_cast %and3A_146 : i32 to index
      %get3A_1510 = arith.index_cast %get3A_1508 : i32 to index
      %get3A_1511 = arith.constant 32 : index
      %get3A_1512 = tpu.vector_load %arg9[%get3A_1509, %get3A_1510, %get3A_1511] {strides = array<i32>} : memref<2x40x128xf32, #tpu.memory_space<vmem>>, vector<1x1x16xf32>,
      %get3A_1513 = vector.shape_cast %get3A_1512 : vector<1x1x16xf32> to vector<16xf32>
      %eq3A_1514 = vector.broadcast %add3A_1507 : i32 to vector<16xi32>
      %eq3A_1515 = arith.cmpi eq, %get3A_1230, %eq3A_1514 : vector<16xi32>
      %select_n3A_1516 = arith.select %eq3A_1515, %get3A_1513, %select_n3A_1503 : vector<16xi1>, vector<16xf32>
      %mul3A_1517 = arith.constant 40 : i32
      %mul3A_1518 = arith.muli %scan3A_144, %mul3A_1517 : i32
      %add3A_1519 = arith.constant 22 : i32
      %add3A_1520 = arith.addi %mul3A_1518, %add3A_1519 : i32
      %get3A_1521 = arith.constant 22 : i32
      %get3A_1522 = arith.index_cast %and3A_146 : i32 to index
      %get3A_1523 = arith.index_cast %get3A_1521 : i32 to index
      %get3A_1524 = arith.constant 32 : index
      %get3A_1525 = tpu.vector_load %arg9[%get3A_1522, %get3A_1523, %get3A_1524] {strides = array<i32>} : memref<2x40x128xf32, #tpu.memory_space<vmem>>, vector<1x1x16xf32>,
      %get3A_1526 = vector.shape_cast %get3A_1525 : vector<1x1x16xf32> to vector<16xf32>
      %eq3A_1527 = vector.broadcast %add3A_1520 : i32 to vector<16xi32>
      %eq3A_1528 = arith.cmpi eq, %get3A_1230, %eq3A_1527 : vector<16xi32>
      %select_n3A_1529 = arith.select %eq3A_1528, %get3A_1526, %select_n3A_1516 : vector<16xi1>, vector<16xf32>
      %mul3A_1530 = arith.constant 40 : i32
      %mul3A_1531 = arith.muli %scan3A_144, %mul3A_1530 : i32
      %add3A_1532 = arith.constant 23 : i32
      %add3A_1533 = arith.addi %mul3A_1531, %add3A_1532 : i32
      %get3A_1534 = arith.constant 23 : i32
      %get3A_1535 = arith.index_cast %and3A_146 : i32 to index
      %get3A_1536 = arith.index_cast %get3A_1534 : i32 to index
      %get3A_1537 = arith.constant 32 : index
      %get3A_1538 = tpu.vector_load %arg9[%get3A_1535, %get3A_1536, %get3A_1537] {strides = array<i32>} : memref<2x40x128xf32, #tpu.memory_space<vmem>>, vector<1x1x16xf32>,
      %get3A_1539 = vector.shape_cast %get3A_1538 : vector<1x1x16xf32> to vector<16xf32>
      %eq3A_1540 = vector.broadcast %add3A_1533 : i32 to vector<16xi32>
      %eq3A_1541 = arith.cmpi eq, %get3A_1230, %eq3A_1540 : vector<16xi32>
      %select_n3A_1542 = arith.select %eq3A_1541, %get3A_1539, %select_n3A_1529 : vector<16xi1>, vector<16xf32>
      %mul3A_1543 = arith.constant 40 : i32
      %mul3A_1544 = arith.muli %scan3A_144, %mul3A_1543 : i32
      %add3A_1545 = arith.constant 24 : i32
      %add3A_1546 = arith.addi %mul3A_1544, %add3A_1545 : i32
      %get3A_1547 = arith.constant 24 : i32
      %get3A_1548 = arith.index_cast %and3A_146 : i32 to index
      %get3A_1549 = arith.index_cast %get3A_1547 : i32 to index
      %get3A_1550 = arith.constant 32 : index
      %get3A_1551 = tpu.vector_load %arg9[%get3A_1548, %get3A_1549, %get3A_1550] {strides = array<i32>} : memref<2x40x128xf32, #tpu.memory_space<vmem>>, vector<1x1x16xf32>,
      %get3A_1552 = vector.shape_cast %get3A_1551 : vector<1x1x16xf32> to vector<16xf32>
      %eq3A_1553 = vector.broadcast %add3A_1546 : i32 to vector<16xi32>
      %eq3A_1554 = arith.cmpi eq, %get3A_1230, %eq3A_1553 : vector<16xi32>
      %select_n3A_1555 = arith.select %eq3A_1554, %get3A_1552, %select_n3A_1542 : vector<16xi1>, vector<16xf32>
      %mul3A_1556 = arith.constant 40 : i32
      %mul3A_1557 = arith.muli %scan3A_144, %mul3A_1556 : i32
      %add3A_1558 = arith.constant 25 : i32
      %add3A_1559 = arith.addi %mul3A_1557, %add3A_1558 : i32
      %get3A_1560 = arith.constant 25 : i32
      %get3A_1561 = arith.index_cast %and3A_146 : i32 to index
      %get3A_1562 = arith.index_cast %get3A_1560 : i32 to index
      %get3A_1563 = arith.constant 32 : index
      %get3A_1564 = tpu.vector_load %arg9[%get3A_1561, %get3A_1562, %get3A_1563] {strides = array<i32>} : memref<2x40x128xf32, #tpu.memory_space<vmem>>, vector<1x1x16xf32>,
      %get3A_1565 = vector.shape_cast %get3A_1564 : vector<1x1x16xf32> to vector<16xf32>
      %eq3A_1566 = vector.broadcast %add3A_1559 : i32 to vector<16xi32>
      %eq3A_1567 = arith.cmpi eq, %get3A_1230, %eq3A_1566 : vector<16xi32>
      %select_n3A_1568 = arith.select %eq3A_1567, %get3A_1565, %select_n3A_1555 : vector<16xi1>, vector<16xf32>
      %mul3A_1569 = arith.constant 40 : i32
      %mul3A_1570 = arith.muli %scan3A_144, %mul3A_1569 : i32
      %add3A_1571 = arith.constant 26 : i32
      %add3A_1572 = arith.addi %mul3A_1570, %add3A_1571 : i32
      %get3A_1573 = arith.constant 26 : i32
      %get3A_1574 = arith.index_cast %and3A_146 : i32 to index
      %get3A_1575 = arith.index_cast %get3A_1573 : i32 to index
      %get3A_1576 = arith.constant 32 : index
      %get3A_1577 = tpu.vector_load %arg9[%get3A_1574, %get3A_1575, %get3A_1576] {strides = array<i32>} : memref<2x40x128xf32, #tpu.memory_space<vmem>>, vector<1x1x16xf32>,
      %get3A_1578 = vector.shape_cast %get3A_1577 : vector<1x1x16xf32> to vector<16xf32>
      %eq3A_1579 = vector.broadcast %add3A_1572 : i32 to vector<16xi32>
      %eq3A_1580 = arith.cmpi eq, %get3A_1230, %eq3A_1579 : vector<16xi32>
      %select_n3A_1581 = arith.select %eq3A_1580, %get3A_1578, %select_n3A_1568 : vector<16xi1>, vector<16xf32>
      %mul3A_1582 = arith.constant 40 : i32
      %mul3A_1583 = arith.muli %scan3A_144, %mul3A_1582 : i32
      %add3A_1584 = arith.constant 27 : i32
      %add3A_1585 = arith.addi %mul3A_1583, %add3A_1584 : i32
      %get3A_1586 = arith.constant 27 : i32
      %get3A_1587 = arith.index_cast %and3A_146 : i32 to index
      %get3A_1588 = arith.index_cast %get3A_1586 : i32 to index
      %get3A_1589 = arith.constant 32 : index
      %get3A_1590 = tpu.vector_load %arg9[%get3A_1587, %get3A_1588, %get3A_1589] {strides = array<i32>} : memref<2x40x128xf32, #tpu.memory_space<vmem>>, vector<1x1x16xf32>,
      %get3A_1591 = vector.shape_cast %get3A_1590 : vector<1x1x16xf32> to vector<16xf32>
      %eq3A_1592 = vector.broadcast %add3A_1585 : i32 to vector<16xi32>
      %eq3A_1593 = arith.cmpi eq, %get3A_1230, %eq3A_1592 : vector<16xi32>
      %select_n3A_1594 = arith.select %eq3A_1593, %get3A_1591, %select_n3A_1581 : vector<16xi1>, vector<16xf32>
      %mul3A_1595 = arith.constant 40 : i32
      %mul3A_1596 = arith.muli %scan3A_144, %mul3A_1595 : i32
      %add3A_1597 = arith.constant 28 : i32
      %add3A_1598 = arith.addi %mul3A_1596, %add3A_1597 : i32
      %get3A_1599 = arith.constant 28 : i32
      %get3A_1600 = arith.index_cast %and3A_146 : i32 to index
      %get3A_1601 = arith.index_cast %get3A_1599 : i32 to index
      %get3A_1602 = arith.constant 32 : index
      %get3A_1603 = tpu.vector_load %arg9[%get3A_1600, %get3A_1601, %get3A_1602] {strides = array<i32>} : memref<2x40x128xf32, #tpu.memory_space<vmem>>, vector<1x1x16xf32>,
      %get3A_1604 = vector.shape_cast %get3A_1603 : vector<1x1x16xf32> to vector<16xf32>
      %eq3A_1605 = vector.broadcast %add3A_1598 : i32 to vector<16xi32>
      %eq3A_1606 = arith.cmpi eq, %get3A_1230, %eq3A_1605 : vector<16xi32>
      %select_n3A_1607 = arith.select %eq3A_1606, %get3A_1604, %select_n3A_1594 : vector<16xi1>, vector<16xf32>
      %mul3A_1608 = arith.constant 40 : i32
      %mul3A_1609 = arith.muli %scan3A_144, %mul3A_1608 : i32
      %add3A_1610 = arith.constant 29 : i32
      %add3A_1611 = arith.addi %mul3A_1609, %add3A_1610 : i32
      %get3A_1612 = arith.constant 29 : i32
      %get3A_1613 = arith.index_cast %and3A_146 : i32 to index
      %get3A_1614 = arith.index_cast %get3A_1612 : i32 to index
      %get3A_1615 = arith.constant 32 : index
      %get3A_1616 = tpu.vector_load %arg9[%get3A_1613, %get3A_1614, %get3A_1615] {strides = array<i32>} : memref<2x40x128xf32, #tpu.memory_space<vmem>>, vector<1x1x16xf32>,
      %get3A_1617 = vector.shape_cast %get3A_1616 : vector<1x1x16xf32> to vector<16xf32>
      %eq3A_1618 = vector.broadcast %add3A_1611 : i32 to vector<16xi32>
      %eq3A_1619 = arith.cmpi eq, %get3A_1230, %eq3A_1618 : vector<16xi32>
      %select_n3A_1620 = arith.select %eq3A_1619, %get3A_1617, %select_n3A_1607 : vector<16xi1>, vector<16xf32>
      %mul3A_1621 = arith.constant 40 : i32
      %mul3A_1622 = arith.muli %scan3A_144, %mul3A_1621 : i32
      %add3A_1623 = arith.constant 30 : i32
      %add3A_1624 = arith.addi %mul3A_1622, %add3A_1623 : i32
      %get3A_1625 = arith.constant 30 : i32
      %get3A_1626 = arith.index_cast %and3A_146 : i32 to index
      %get3A_1627 = arith.index_cast %get3A_1625 : i32 to index
      %get3A_1628 = arith.constant 32 : index
      %get3A_1629 = tpu.vector_load %arg9[%get3A_1626, %get3A_1627, %get3A_1628] {strides = array<i32>} : memref<2x40x128xf32, #tpu.memory_space<vmem>>, vector<1x1x16xf32>,
      %get3A_1630 = vector.shape_cast %get3A_1629 : vector<1x1x16xf32> to vector<16xf32>
      %eq3A_1631 = vector.broadcast %add3A_1624 : i32 to vector<16xi32>
      %eq3A_1632 = arith.cmpi eq, %get3A_1230, %eq3A_1631 : vector<16xi32>
      %select_n3A_1633 = arith.select %eq3A_1632, %get3A_1630, %select_n3A_1620 : vector<16xi1>, vector<16xf32>
      %mul3A_1634 = arith.constant 40 : i32
      %mul3A_1635 = arith.muli %scan3A_144, %mul3A_1634 : i32
      %add3A_1636 = arith.constant 31 : i32
      %add3A_1637 = arith.addi %mul3A_1635, %add3A_1636 : i32
      %get3A_1638 = arith.constant 31 : i32
      %get3A_1639 = arith.index_cast %and3A_146 : i32 to index
      %get3A_1640 = arith.index_cast %get3A_1638 : i32 to index
      %get3A_1641 = arith.constant 32 : index
      %get3A_1642 = tpu.vector_load %arg9[%get3A_1639, %get3A_1640, %get3A_1641] {strides = array<i32>} : memref<2x40x128xf32, #tpu.memory_space<vmem>>, vector<1x1x16xf32>,
      %get3A_1643 = vector.shape_cast %get3A_1642 : vector<1x1x16xf32> to vector<16xf32>
      %eq3A_1644 = vector.broadcast %add3A_1637 : i32 to vector<16xi32>
      %eq3A_1645 = arith.cmpi eq, %get3A_1230, %eq3A_1644 : vector<16xi32>
      %select_n3A_1646 = arith.select %eq3A_1645, %get3A_1643, %select_n3A_1633 : vector<16xi1>, vector<16xf32>
      %mul3A_1647 = arith.constant 40 : i32
      %mul3A_1648 = arith.muli %scan3A_144, %mul3A_1647 : i32
      %add3A_1649 = arith.constant 32 : i32
      %add3A_1650 = arith.addi %mul3A_1648, %add3A_1649 : i32
      %get3A_1651 = arith.constant 32 : i32
      %get3A_1652 = arith.index_cast %and3A_146 : i32 to index
      %get3A_1653 = arith.index_cast %get3A_1651 : i32 to index
      %get3A_1654 = arith.constant 32 : index
      %get3A_1655 = tpu.vector_load %arg9[%get3A_1652, %get3A_1653, %get3A_1654] {strides = array<i32>} : memref<2x40x128xf32, #tpu.memory_space<vmem>>, vector<1x1x16xf32>,
      %get3A_1656 = vector.shape_cast %get3A_1655 : vector<1x1x16xf32> to vector<16xf32>
      %eq3A_1657 = vector.broadcast %add3A_1650 : i32 to vector<16xi32>
      %eq3A_1658 = arith.cmpi eq, %get3A_1230, %eq3A_1657 : vector<16xi32>
      %select_n3A_1659 = arith.select %eq3A_1658, %get3A_1656, %select_n3A_1646 : vector<16xi1>, vector<16xf32>
      %mul3A_1660 = arith.constant 40 : i32
      %mul3A_1661 = arith.muli %scan3A_144, %mul3A_1660 : i32
      %add3A_1662 = arith.constant 33 : i32
      %add3A_1663 = arith.addi %mul3A_1661, %add3A_1662 : i32
      %get3A_1664 = arith.constant 33 : i32
      %get3A_1665 = arith.index_cast %and3A_146 : i32 to index
      %get3A_1666 = arith.index_cast %get3A_1664 : i32 to index
      %get3A_1667 = arith.constant 32 : index
      %get3A_1668 = tpu.vector_load %arg9[%get3A_1665, %get3A_1666, %get3A_1667] {strides = array<i32>} : memref<2x40x128xf32, #tpu.memory_space<vmem>>, vector<1x1x16xf32>,
      %get3A_1669 = vector.shape_cast %get3A_1668 : vector<1x1x16xf32> to vector<16xf32>
      %eq3A_1670 = vector.broadcast %add3A_1663 : i32 to vector<16xi32>
      %eq3A_1671 = arith.cmpi eq, %get3A_1230, %eq3A_1670 : vector<16xi32>
      %select_n3A_1672 = arith.select %eq3A_1671, %get3A_1669, %select_n3A_1659 : vector<16xi1>, vector<16xf32>
      %mul3A_1673 = arith.constant 40 : i32
      %mul3A_1674 = arith.muli %scan3A_144, %mul3A_1673 : i32
      %add3A_1675 = arith.constant 34 : i32
      %add3A_1676 = arith.addi %mul3A_1674, %add3A_1675 : i32
      %get3A_1677 = arith.constant 34 : i32
      %get3A_1678 = arith.index_cast %and3A_146 : i32 to index
      %get3A_1679 = arith.index_cast %get3A_1677 : i32 to index
      %get3A_1680 = arith.constant 32 : index
      %get3A_1681 = tpu.vector_load %arg9[%get3A_1678, %get3A_1679, %get3A_1680] {strides = array<i32>} : memref<2x40x128xf32, #tpu.memory_space<vmem>>, vector<1x1x16xf32>,
      %get3A_1682 = vector.shape_cast %get3A_1681 : vector<1x1x16xf32> to vector<16xf32>
      %eq3A_1683 = vector.broadcast %add3A_1676 : i32 to vector<16xi32>
      %eq3A_1684 = arith.cmpi eq, %get3A_1230, %eq3A_1683 : vector<16xi32>
      %select_n3A_1685 = arith.select %eq3A_1684, %get3A_1682, %select_n3A_1672 : vector<16xi1>, vector<16xf32>
      %mul3A_1686 = arith.constant 40 : i32
      %mul3A_1687 = arith.muli %scan3A_144, %mul3A_1686 : i32
      %add3A_1688 = arith.constant 35 : i32
      %add3A_1689 = arith.addi %mul3A_1687, %add3A_1688 : i32
      %get3A_1690 = arith.constant 35 : i32
      %get3A_1691 = arith.index_cast %and3A_146 : i32 to index
      %get3A_1692 = arith.index_cast %get3A_1690 : i32 to index
      %get3A_1693 = arith.constant 32 : index
      %get3A_1694 = tpu.vector_load %arg9[%get3A_1691, %get3A_1692, %get3A_1693] {strides = array<i32>} : memref<2x40x128xf32, #tpu.memory_space<vmem>>, vector<1x1x16xf32>,
      %get3A_1695 = vector.shape_cast %get3A_1694 : vector<1x1x16xf32> to vector<16xf32>
      %eq3A_1696 = vector.broadcast %add3A_1689 : i32 to vector<16xi32>
      %eq3A_1697 = arith.cmpi eq, %get3A_1230, %eq3A_1696 : vector<16xi32>
      %select_n3A_1698 = arith.select %eq3A_1697, %get3A_1695, %select_n3A_1685 : vector<16xi1>, vector<16xf32>
      %mul3A_1699 = arith.constant 40 : i32
      %mul3A_1700 = arith.muli %scan3A_144, %mul3A_1699 : i32
      %add3A_1701 = arith.constant 36 : i32
      %add3A_1702 = arith.addi %mul3A_1700, %add3A_1701 : i32
      %get3A_1703 = arith.constant 36 : i32
      %get3A_1704 = arith.index_cast %and3A_146 : i32 to index
      %get3A_1705 = arith.index_cast %get3A_1703 : i32 to index
      %get3A_1706 = arith.constant 32 : index
      %get3A_1707 = tpu.vector_load %arg9[%get3A_1704, %get3A_1705, %get3A_1706] {strides = array<i32>} : memref<2x40x128xf32, #tpu.memory_space<vmem>>, vector<1x1x16xf32>,
      %get3A_1708 = vector.shape_cast %get3A_1707 : vector<1x1x16xf32> to vector<16xf32>
      %eq3A_1709 = vector.broadcast %add3A_1702 : i32 to vector<16xi32>
      %eq3A_1710 = arith.cmpi eq, %get3A_1230, %eq3A_1709 : vector<16xi32>
      %select_n3A_1711 = arith.select %eq3A_1710, %get3A_1708, %select_n3A_1698 : vector<16xi1>, vector<16xf32>
      %mul3A_1712 = arith.constant 40 : i32
      %mul3A_1713 = arith.muli %scan3A_144, %mul3A_1712 : i32
      %add3A_1714 = arith.constant 37 : i32
      %add3A_1715 = arith.addi %mul3A_1713, %add3A_1714 : i32
      %get3A_1716 = arith.constant 37 : i32
      %get3A_1717 = arith.index_cast %and3A_146 : i32 to index
      %get3A_1718 = arith.index_cast %get3A_1716 : i32 to index
      %get3A_1719 = arith.constant 32 : index
      %get3A_1720 = tpu.vector_load %arg9[%get3A_1717, %get3A_1718, %get3A_1719] {strides = array<i32>} : memref<2x40x128xf32, #tpu.memory_space<vmem>>, vector<1x1x16xf32>,
      %get3A_1721 = vector.shape_cast %get3A_1720 : vector<1x1x16xf32> to vector<16xf32>
      %eq3A_1722 = vector.broadcast %add3A_1715 : i32 to vector<16xi32>
      %eq3A_1723 = arith.cmpi eq, %get3A_1230, %eq3A_1722 : vector<16xi32>
      %select_n3A_1724 = arith.select %eq3A_1723, %get3A_1721, %select_n3A_1711 : vector<16xi1>, vector<16xf32>
      %mul3A_1725 = arith.constant 40 : i32
      %mul3A_1726 = arith.muli %scan3A_144, %mul3A_1725 : i32
      %add3A_1727 = arith.constant 38 : i32
      %add3A_1728 = arith.addi %mul3A_1726, %add3A_1727 : i32
      %get3A_1729 = arith.constant 38 : i32
      %get3A_1730 = arith.index_cast %and3A_146 : i32 to index
      %get3A_1731 = arith.index_cast %get3A_1729 : i32 to index
      %get3A_1732 = arith.constant 32 : index
      %get3A_1733 = tpu.vector_load %arg9[%get3A_1730, %get3A_1731, %get3A_1732] {strides = array<i32>} : memref<2x40x128xf32, #tpu.memory_space<vmem>>, vector<1x1x16xf32>,
      %get3A_1734 = vector.shape_cast %get3A_1733 : vector<1x1x16xf32> to vector<16xf32>
      %eq3A_1735 = vector.broadcast %add3A_1728 : i32 to vector<16xi32>
      %eq3A_1736 = arith.cmpi eq, %get3A_1230, %eq3A_1735 : vector<16xi32>
      %select_n3A_1737 = arith.select %eq3A_1736, %get3A_1734, %select_n3A_1724 : vector<16xi1>, vector<16xf32>
      %mul3A_1738 = arith.constant 40 : i32
      %mul3A_1739 = arith.muli %scan3A_144, %mul3A_1738 : i32
      %add3A_1740 = arith.constant 39 : i32
      %add3A_1741 = arith.addi %mul3A_1739, %add3A_1740 : i32
      %get3A_1742 = arith.constant 39 : i32
      %get3A_1743 = arith.index_cast %and3A_146 : i32 to index
      %get3A_1744 = arith.index_cast %get3A_1742 : i32 to index
      %get3A_1745 = arith.constant 32 : index
      %get3A_1746 = tpu.vector_load %arg9[%get3A_1743, %get3A_1744, %get3A_1745] {strides = array<i32>} : memref<2x40x128xf32, #tpu.memory_space<vmem>>, vector<1x1x16xf32>,
      %get3A_1747 = vector.shape_cast %get3A_1746 : vector<1x1x16xf32> to vector<16xf32>
      %eq3A_1748 = vector.broadcast %add3A_1741 : i32 to vector<16xi32>
      %eq3A_1749 = arith.cmpi eq, %get3A_1230, %eq3A_1748 : vector<16xi32>
      %select_n3A_1750 = arith.select %eq3A_1749, %get3A_1747, %select_n3A_1737 : vector<16xi1>, vector<16xf32>
      %swap3A_1751 = arith.constant 32 : index
      %swap3A_1752 = tpu.vector_load %arg8[%swap3A_1751] {strides = array<i32>} : memref<128xf32, #tpu.memory_space<vmem>>, vector<16xf32>,
      %swap3A_1753 = vector.shape_cast %swap3A_1752 : vector<16xf32> to vector<16xf32>
      %swap3A_1754 = vector.shape_cast %select_n3A_1750 : vector<16xf32> to vector<16xf32>
      tpu.vector_store %arg8[%swap3A_1751], %swap3A_1754 {strides = array<i32>} : memref<128xf32, #tpu.memory_space<vmem>>, vector<16xf32>,
      %get3A_1755 = arith.constant 48 : index
      %get3A_1756 = tpu.vector_load %arg8[%get3A_1755] {strides = array<i32>} : memref<128xf32, #tpu.memory_space<vmem>>, vector<16xf32>,
      %get3A_1757 = vector.shape_cast %get3A_1756 : vector<16xf32> to vector<16xf32>
      %get3A_1758 = arith.constant 48 : index
      %get3A_1759 = tpu.vector_load %arg6[%get3A_1758] {strides = array<i32>} : memref<128xi32, #tpu.memory_space<vmem>>, vector<16xi32>,
      %get3A_1760 = vector.shape_cast %get3A_1759 : vector<16xi32> to vector<16xi32>
      %mul3A_1761 = arith.constant 40 : i32
      %mul3A_1762 = arith.muli %scan3A_144, %mul3A_1761 : i32
      %add3A_1763 = arith.constant 0 : i32
      %add3A_1764 = arith.addi %mul3A_1762, %add3A_1763 : i32
      %get3A_1765 = arith.constant 0 : i32
      %get3A_1766 = arith.index_cast %and3A_146 : i32 to index
      %get3A_1767 = arith.index_cast %get3A_1765 : i32 to index
      %get3A_1768 = arith.constant 48 : index
      %get3A_1769 = tpu.vector_load %arg9[%get3A_1766, %get3A_1767, %get3A_1768] {strides = array<i32>} : memref<2x40x128xf32, #tpu.memory_space<vmem>>, vector<1x1x16xf32>,
      %get3A_1770 = vector.shape_cast %get3A_1769 : vector<1x1x16xf32> to vector<16xf32>
      %eq3A_1771 = vector.broadcast %add3A_1764 : i32 to vector<16xi32>
      %eq3A_1772 = arith.cmpi eq, %get3A_1760, %eq3A_1771 : vector<16xi32>
      %select_n3A_1773 = arith.select %eq3A_1772, %get3A_1770, %get3A_1757 : vector<16xi1>, vector<16xf32>
      %mul3A_1774 = arith.constant 40 : i32
      %mul3A_1775 = arith.muli %scan3A_144, %mul3A_1774 : i32
      %add3A_1776 = arith.constant 1 : i32
      %add3A_1777 = arith.addi %mul3A_1775, %add3A_1776 : i32
      %get3A_1778 = arith.constant 1 : i32
      %get3A_1779 = arith.index_cast %and3A_146 : i32 to index
      %get3A_1780 = arith.index_cast %get3A_1778 : i32 to index
      %get3A_1781 = arith.constant 48 : index
      %get3A_1782 = tpu.vector_load %arg9[%get3A_1779, %get3A_1780, %get3A_1781] {strides = array<i32>} : memref<2x40x128xf32, #tpu.memory_space<vmem>>, vector<1x1x16xf32>,
      %get3A_1783 = vector.shape_cast %get3A_1782 : vector<1x1x16xf32> to vector<16xf32>
      %eq3A_1784 = vector.broadcast %add3A_1777 : i32 to vector<16xi32>
      %eq3A_1785 = arith.cmpi eq, %get3A_1760, %eq3A_1784 : vector<16xi32>
      %select_n3A_1786 = arith.select %eq3A_1785, %get3A_1783, %select_n3A_1773 : vector<16xi1>, vector<16xf32>
      %mul3A_1787 = arith.constant 40 : i32
      %mul3A_1788 = arith.muli %scan3A_144, %mul3A_1787 : i32
      %add3A_1789 = arith.constant 2 : i32
      %add3A_1790 = arith.addi %mul3A_1788, %add3A_1789 : i32
      %get3A_1791 = arith.constant 2 : i32
      %get3A_1792 = arith.index_cast %and3A_146 : i32 to index
      %get3A_1793 = arith.index_cast %get3A_1791 : i32 to index
      %get3A_1794 = arith.constant 48 : index
      %get3A_1795 = tpu.vector_load %arg9[%get3A_1792, %get3A_1793, %get3A_1794] {strides = array<i32>} : memref<2x40x128xf32, #tpu.memory_space<vmem>>, vector<1x1x16xf32>,
      %get3A_1796 = vector.shape_cast %get3A_1795 : vector<1x1x16xf32> to vector<16xf32>
      %eq3A_1797 = vector.broadcast %add3A_1790 : i32 to vector<16xi32>
      %eq3A_1798 = arith.cmpi eq, %get3A_1760, %eq3A_1797 : vector<16xi32>
      %select_n3A_1799 = arith.select %eq3A_1798, %get3A_1796, %select_n3A_1786 : vector<16xi1>, vector<16xf32>
      %mul3A_1800 = arith.constant 40 : i32
      %mul3A_1801 = arith.muli %scan3A_144, %mul3A_1800 : i32
      %add3A_1802 = arith.constant 3 : i32
      %add3A_1803 = arith.addi %mul3A_1801, %add3A_1802 : i32
      %get3A_1804 = arith.constant 3 : i32
      %get3A_1805 = arith.index_cast %and3A_146 : i32 to index
      %get3A_1806 = arith.index_cast %get3A_1804 : i32 to index
      %get3A_1807 = arith.constant 48 : index
      %get3A_1808 = tpu.vector_load %arg9[%get3A_1805, %get3A_1806, %get3A_1807] {strides = array<i32>} : memref<2x40x128xf32, #tpu.memory_space<vmem>>, vector<1x1x16xf32>,
      %get3A_1809 = vector.shape_cast %get3A_1808 : vector<1x1x16xf32> to vector<16xf32>
      %eq3A_1810 = vector.broadcast %add3A_1803 : i32 to vector<16xi32>
      %eq3A_1811 = arith.cmpi eq, %get3A_1760, %eq3A_1810 : vector<16xi32>
      %select_n3A_1812 = arith.select %eq3A_1811, %get3A_1809, %select_n3A_1799 : vector<16xi1>, vector<16xf32>
      %mul3A_1813 = arith.constant 40 : i32
      %mul3A_1814 = arith.muli %scan3A_144, %mul3A_1813 : i32
      %add3A_1815 = arith.constant 4 : i32
      %add3A_1816 = arith.addi %mul3A_1814, %add3A_1815 : i32
      %get3A_1817 = arith.constant 4 : i32
      %get3A_1818 = arith.index_cast %and3A_146 : i32 to index
      %get3A_1819 = arith.index_cast %get3A_1817 : i32 to index
      %get3A_1820 = arith.constant 48 : index
      %get3A_1821 = tpu.vector_load %arg9[%get3A_1818, %get3A_1819, %get3A_1820] {strides = array<i32>} : memref<2x40x128xf32, #tpu.memory_space<vmem>>, vector<1x1x16xf32>,
      %get3A_1822 = vector.shape_cast %get3A_1821 : vector<1x1x16xf32> to vector<16xf32>
      %eq3A_1823 = vector.broadcast %add3A_1816 : i32 to vector<16xi32>
      %eq3A_1824 = arith.cmpi eq, %get3A_1760, %eq3A_1823 : vector<16xi32>
      %select_n3A_1825 = arith.select %eq3A_1824, %get3A_1822, %select_n3A_1812 : vector<16xi1>, vector<16xf32>
      %mul3A_1826 = arith.constant 40 : i32
      %mul3A_1827 = arith.muli %scan3A_144, %mul3A_1826 : i32
      %add3A_1828 = arith.constant 5 : i32
      %add3A_1829 = arith.addi %mul3A_1827, %add3A_1828 : i32
      %get3A_1830 = arith.constant 5 : i32
      %get3A_1831 = arith.index_cast %and3A_146 : i32 to index
      %get3A_1832 = arith.index_cast %get3A_1830 : i32 to index
      %get3A_1833 = arith.constant 48 : index
      %get3A_1834 = tpu.vector_load %arg9[%get3A_1831, %get3A_1832, %get3A_1833] {strides = array<i32>} : memref<2x40x128xf32, #tpu.memory_space<vmem>>, vector<1x1x16xf32>,
      %get3A_1835 = vector.shape_cast %get3A_1834 : vector<1x1x16xf32> to vector<16xf32>
      %eq3A_1836 = vector.broadcast %add3A_1829 : i32 to vector<16xi32>
      %eq3A_1837 = arith.cmpi eq, %get3A_1760, %eq3A_1836 : vector<16xi32>
      %select_n3A_1838 = arith.select %eq3A_1837, %get3A_1835, %select_n3A_1825 : vector<16xi1>, vector<16xf32>
      %mul3A_1839 = arith.constant 40 : i32
      %mul3A_1840 = arith.muli %scan3A_144, %mul3A_1839 : i32
      %add3A_1841 = arith.constant 6 : i32
      %add3A_1842 = arith.addi %mul3A_1840, %add3A_1841 : i32
      %get3A_1843 = arith.constant 6 : i32
      %get3A_1844 = arith.index_cast %and3A_146 : i32 to index
      %get3A_1845 = arith.index_cast %get3A_1843 : i32 to index
      %get3A_1846 = arith.constant 48 : index
      %get3A_1847 = tpu.vector_load %arg9[%get3A_1844, %get3A_1845, %get3A_1846] {strides = array<i32>} : memref<2x40x128xf32, #tpu.memory_space<vmem>>, vector<1x1x16xf32>,
      %get3A_1848 = vector.shape_cast %get3A_1847 : vector<1x1x16xf32> to vector<16xf32>
      %eq3A_1849 = vector.broadcast %add3A_1842 : i32 to vector<16xi32>
      %eq3A_1850 = arith.cmpi eq, %get3A_1760, %eq3A_1849 : vector<16xi32>
      %select_n3A_1851 = arith.select %eq3A_1850, %get3A_1848, %select_n3A_1838 : vector<16xi1>, vector<16xf32>
      %mul3A_1852 = arith.constant 40 : i32
      %mul3A_1853 = arith.muli %scan3A_144, %mul3A_1852 : i32
      %add3A_1854 = arith.constant 7 : i32
      %add3A_1855 = arith.addi %mul3A_1853, %add3A_1854 : i32
      %get3A_1856 = arith.constant 7 : i32
      %get3A_1857 = arith.index_cast %and3A_146 : i32 to index
      %get3A_1858 = arith.index_cast %get3A_1856 : i32 to index
      %get3A_1859 = arith.constant 48 : index
      %get3A_1860 = tpu.vector_load %arg9[%get3A_1857, %get3A_1858, %get3A_1859] {strides = array<i32>} : memref<2x40x128xf32, #tpu.memory_space<vmem>>, vector<1x1x16xf32>,
      %get3A_1861 = vector.shape_cast %get3A_1860 : vector<1x1x16xf32> to vector<16xf32>
      %eq3A_1862 = vector.broadcast %add3A_1855 : i32 to vector<16xi32>
      %eq3A_1863 = arith.cmpi eq, %get3A_1760, %eq3A_1862 : vector<16xi32>
      %select_n3A_1864 = arith.select %eq3A_1863, %get3A_1861, %select_n3A_1851 : vector<16xi1>, vector<16xf32>
      %mul3A_1865 = arith.constant 40 : i32
      %mul3A_1866 = arith.muli %scan3A_144, %mul3A_1865 : i32
      %add3A_1867 = arith.constant 8 : i32
      %add3A_1868 = arith.addi %mul3A_1866, %add3A_1867 : i32
      %get3A_1869 = arith.constant 8 : i32
      %get3A_1870 = arith.index_cast %and3A_146 : i32 to index
      %get3A_1871 = arith.index_cast %get3A_1869 : i32 to index
      %get3A_1872 = arith.constant 48 : index
      %get3A_1873 = tpu.vector_load %arg9[%get3A_1870, %get3A_1871, %get3A_1872] {strides = array<i32>} : memref<2x40x128xf32, #tpu.memory_space<vmem>>, vector<1x1x16xf32>,
      %get3A_1874 = vector.shape_cast %get3A_1873 : vector<1x1x16xf32> to vector<16xf32>
      %eq3A_1875 = vector.broadcast %add3A_1868 : i32 to vector<16xi32>
      %eq3A_1876 = arith.cmpi eq, %get3A_1760, %eq3A_1875 : vector<16xi32>
      %select_n3A_1877 = arith.select %eq3A_1876, %get3A_1874, %select_n3A_1864 : vector<16xi1>, vector<16xf32>
      %mul3A_1878 = arith.constant 40 : i32
      %mul3A_1879 = arith.muli %scan3A_144, %mul3A_1878 : i32
      %add3A_1880 = arith.constant 9 : i32
      %add3A_1881 = arith.addi %mul3A_1879, %add3A_1880 : i32
      %get3A_1882 = arith.constant 9 : i32
      %get3A_1883 = arith.index_cast %and3A_146 : i32 to index
      %get3A_1884 = arith.index_cast %get3A_1882 : i32 to index
      %get3A_1885 = arith.constant 48 : index
      %get3A_1886 = tpu.vector_load %arg9[%get3A_1883, %get3A_1884, %get3A_1885] {strides = array<i32>} : memref<2x40x128xf32, #tpu.memory_space<vmem>>, vector<1x1x16xf32>,
      %get3A_1887 = vector.shape_cast %get3A_1886 : vector<1x1x16xf32> to vector<16xf32>
      %eq3A_1888 = vector.broadcast %add3A_1881 : i32 to vector<16xi32>
      %eq3A_1889 = arith.cmpi eq, %get3A_1760, %eq3A_1888 : vector<16xi32>
      %select_n3A_1890 = arith.select %eq3A_1889, %get3A_1887, %select_n3A_1877 : vector<16xi1>, vector<16xf32>
      %mul3A_1891 = arith.constant 40 : i32
      %mul3A_1892 = arith.muli %scan3A_144, %mul3A_1891 : i32
      %add3A_1893 = arith.constant 10 : i32
      %add3A_1894 = arith.addi %mul3A_1892, %add3A_1893 : i32
      %get3A_1895 = arith.constant 10 : i32
      %get3A_1896 = arith.index_cast %and3A_146 : i32 to index
      %get3A_1897 = arith.index_cast %get3A_1895 : i32 to index
      %get3A_1898 = arith.constant 48 : index
      %get3A_1899 = tpu.vector_load %arg9[%get3A_1896, %get3A_1897, %get3A_1898] {strides = array<i32>} : memref<2x40x128xf32, #tpu.memory_space<vmem>>, vector<1x1x16xf32>,
      %get3A_1900 = vector.shape_cast %get3A_1899 : vector<1x1x16xf32> to vector<16xf32>
      %eq3A_1901 = vector.broadcast %add3A_1894 : i32 to vector<16xi32>
      %eq3A_1902 = arith.cmpi eq, %get3A_1760, %eq3A_1901 : vector<16xi32>
      %select_n3A_1903 = arith.select %eq3A_1902, %get3A_1900, %select_n3A_1890 : vector<16xi1>, vector<16xf32>
      %mul3A_1904 = arith.constant 40 : i32
      %mul3A_1905 = arith.muli %scan3A_144, %mul3A_1904 : i32
      %add3A_1906 = arith.constant 11 : i32
      %add3A_1907 = arith.addi %mul3A_1905, %add3A_1906 : i32
      %get3A_1908 = arith.constant 11 : i32
      %get3A_1909 = arith.index_cast %and3A_146 : i32 to index
      %get3A_1910 = arith.index_cast %get3A_1908 : i32 to index
      %get3A_1911 = arith.constant 48 : index
      %get3A_1912 = tpu.vector_load %arg9[%get3A_1909, %get3A_1910, %get3A_1911] {strides = array<i32>} : memref<2x40x128xf32, #tpu.memory_space<vmem>>, vector<1x1x16xf32>,
      %get3A_1913 = vector.shape_cast %get3A_1912 : vector<1x1x16xf32> to vector<16xf32>
      %eq3A_1914 = vector.broadcast %add3A_1907 : i32 to vector<16xi32>
      %eq3A_1915 = arith.cmpi eq, %get3A_1760, %eq3A_1914 : vector<16xi32>
      %select_n3A_1916 = arith.select %eq3A_1915, %get3A_1913, %select_n3A_1903 : vector<16xi1>, vector<16xf32>
      %mul3A_1917 = arith.constant 40 : i32
      %mul3A_1918 = arith.muli %scan3A_144, %mul3A_1917 : i32
      %add3A_1919 = arith.constant 12 : i32
      %add3A_1920 = arith.addi %mul3A_1918, %add3A_1919 : i32
      %get3A_1921 = arith.constant 12 : i32
      %get3A_1922 = arith.index_cast %and3A_146 : i32 to index
      %get3A_1923 = arith.index_cast %get3A_1921 : i32 to index
      %get3A_1924 = arith.constant 48 : index
      %get3A_1925 = tpu.vector_load %arg9[%get3A_1922, %get3A_1923, %get3A_1924] {strides = array<i32>} : memref<2x40x128xf32, #tpu.memory_space<vmem>>, vector<1x1x16xf32>,
      %get3A_1926 = vector.shape_cast %get3A_1925 : vector<1x1x16xf32> to vector<16xf32>
      %eq3A_1927 = vector.broadcast %add3A_1920 : i32 to vector<16xi32>
      %eq3A_1928 = arith.cmpi eq, %get3A_1760, %eq3A_1927 : vector<16xi32>
      %select_n3A_1929 = arith.select %eq3A_1928, %get3A_1926, %select_n3A_1916 : vector<16xi1>, vector<16xf32>
      %mul3A_1930 = arith.constant 40 : i32
      %mul3A_1931 = arith.muli %scan3A_144, %mul3A_1930 : i32
      %add3A_1932 = arith.constant 13 : i32
      %add3A_1933 = arith.addi %mul3A_1931, %add3A_1932 : i32
      %get3A_1934 = arith.constant 13 : i32
      %get3A_1935 = arith.index_cast %and3A_146 : i32 to index
      %get3A_1936 = arith.index_cast %get3A_1934 : i32 to index
      %get3A_1937 = arith.constant 48 : index
      %get3A_1938 = tpu.vector_load %arg9[%get3A_1935, %get3A_1936, %get3A_1937] {strides = array<i32>} : memref<2x40x128xf32, #tpu.memory_space<vmem>>, vector<1x1x16xf32>,
      %get3A_1939 = vector.shape_cast %get3A_1938 : vector<1x1x16xf32> to vector<16xf32>
      %eq3A_1940 = vector.broadcast %add3A_1933 : i32 to vector<16xi32>
      %eq3A_1941 = arith.cmpi eq, %get3A_1760, %eq3A_1940 : vector<16xi32>
      %select_n3A_1942 = arith.select %eq3A_1941, %get3A_1939, %select_n3A_1929 : vector<16xi1>, vector<16xf32>
      %mul3A_1943 = arith.constant 40 : i32
      %mul3A_1944 = arith.muli %scan3A_144, %mul3A_1943 : i32
      %add3A_1945 = arith.constant 14 : i32
      %add3A_1946 = arith.addi %mul3A_1944, %add3A_1945 : i32
      %get3A_1947 = arith.constant 14 : i32
      %get3A_1948 = arith.index_cast %and3A_146 : i32 to index
      %get3A_1949 = arith.index_cast %get3A_1947 : i32 to index
      %get3A_1950 = arith.constant 48 : index
      %get3A_1951 = tpu.vector_load %arg9[%get3A_1948, %get3A_1949, %get3A_1950] {strides = array<i32>} : memref<2x40x128xf32, #tpu.memory_space<vmem>>, vector<1x1x16xf32>,
      %get3A_1952 = vector.shape_cast %get3A_1951 : vector<1x1x16xf32> to vector<16xf32>
      %eq3A_1953 = vector.broadcast %add3A_1946 : i32 to vector<16xi32>
      %eq3A_1954 = arith.cmpi eq, %get3A_1760, %eq3A_1953 : vector<16xi32>
      %select_n3A_1955 = arith.select %eq3A_1954, %get3A_1952, %select_n3A_1942 : vector<16xi1>, vector<16xf32>
      %mul3A_1956 = arith.constant 40 : i32
      %mul3A_1957 = arith.muli %scan3A_144, %mul3A_1956 : i32
      %add3A_1958 = arith.constant 15 : i32
      %add3A_1959 = arith.addi %mul3A_1957, %add3A_1958 : i32
      %get3A_1960 = arith.constant 15 : i32
      %get3A_1961 = arith.index_cast %and3A_146 : i32 to index
      %get3A_1962 = arith.index_cast %get3A_1960 : i32 to index
      %get3A_1963 = arith.constant 48 : index
      %get3A_1964 = tpu.vector_load %arg9[%get3A_1961, %get3A_1962, %get3A_1963] {strides = array<i32>} : memref<2x40x128xf32, #tpu.memory_space<vmem>>, vector<1x1x16xf32>,
      %get3A_1965 = vector.shape_cast %get3A_1964 : vector<1x1x16xf32> to vector<16xf32>
      %eq3A_1966 = vector.broadcast %add3A_1959 : i32 to vector<16xi32>
      %eq3A_1967 = arith.cmpi eq, %get3A_1760, %eq3A_1966 : vector<16xi32>
      %select_n3A_1968 = arith.select %eq3A_1967, %get3A_1965, %select_n3A_1955 : vector<16xi1>, vector<16xf32>
      %mul3A_1969 = arith.constant 40 : i32
      %mul3A_1970 = arith.muli %scan3A_144, %mul3A_1969 : i32
      %add3A_1971 = arith.constant 16 : i32
      %add3A_1972 = arith.addi %mul3A_1970, %add3A_1971 : i32
      %get3A_1973 = arith.constant 16 : i32
      %get3A_1974 = arith.index_cast %and3A_146 : i32 to index
      %get3A_1975 = arith.index_cast %get3A_1973 : i32 to index
      %get3A_1976 = arith.constant 48 : index
      %get3A_1977 = tpu.vector_load %arg9[%get3A_1974, %get3A_1975, %get3A_1976] {strides = array<i32>} : memref<2x40x128xf32, #tpu.memory_space<vmem>>, vector<1x1x16xf32>,
      %get3A_1978 = vector.shape_cast %get3A_1977 : vector<1x1x16xf32> to vector<16xf32>
      %eq3A_1979 = vector.broadcast %add3A_1972 : i32 to vector<16xi32>
      %eq3A_1980 = arith.cmpi eq, %get3A_1760, %eq3A_1979 : vector<16xi32>
      %select_n3A_1981 = arith.select %eq3A_1980, %get3A_1978, %select_n3A_1968 : vector<16xi1>, vector<16xf32>
      %mul3A_1982 = arith.constant 40 : i32
      %mul3A_1983 = arith.muli %scan3A_144, %mul3A_1982 : i32
      %add3A_1984 = arith.constant 17 : i32
      %add3A_1985 = arith.addi %mul3A_1983, %add3A_1984 : i32
      %get3A_1986 = arith.constant 17 : i32
      %get3A_1987 = arith.index_cast %and3A_146 : i32 to index
      %get3A_1988 = arith.index_cast %get3A_1986 : i32 to index
      %get3A_1989 = arith.constant 48 : index
      %get3A_1990 = tpu.vector_load %arg9[%get3A_1987, %get3A_1988, %get3A_1989] {strides = array<i32>} : memref<2x40x128xf32, #tpu.memory_space<vmem>>, vector<1x1x16xf32>,
      %get3A_1991 = vector.shape_cast %get3A_1990 : vector<1x1x16xf32> to vector<16xf32>
      %eq3A_1992 = vector.broadcast %add3A_1985 : i32 to vector<16xi32>
      %eq3A_1993 = arith.cmpi eq, %get3A_1760, %eq3A_1992 : vector<16xi32>
      %select_n3A_1994 = arith.select %eq3A_1993, %get3A_1991, %select_n3A_1981 : vector<16xi1>, vector<16xf32>
      %mul3A_1995 = arith.constant 40 : i32
      %mul3A_1996 = arith.muli %scan3A_144, %mul3A_1995 : i32
      %add3A_1997 = arith.constant 18 : i32
      %add3A_1998 = arith.addi %mul3A_1996, %add3A_1997 : i32
      %get3A_1999 = arith.constant 18 : i32
      %get3A_2000 = arith.index_cast %and3A_146 : i32 to index
      %get3A_2001 = arith.index_cast %get3A_1999 : i32 to index
      %get3A_2002 = arith.constant 48 : index
      %get3A_2003 = tpu.vector_load %arg9[%get3A_2000, %get3A_2001, %get3A_2002] {strides = array<i32>} : memref<2x40x128xf32, #tpu.memory_space<vmem>>, vector<1x1x16xf32>,
      %get3A_2004 = vector.shape_cast %get3A_2003 : vector<1x1x16xf32> to vector<16xf32>
      %eq3A_2005 = vector.broadcast %add3A_1998 : i32 to vector<16xi32>
      %eq3A_2006 = arith.cmpi eq, %get3A_1760, %eq3A_2005 : vector<16xi32>
      %select_n3A_2007 = arith.select %eq3A_2006, %get3A_2004, %select_n3A_1994 : vector<16xi1>, vector<16xf32>
      %mul3A_2008 = arith.constant 40 : i32
      %mul3A_2009 = arith.muli %scan3A_144, %mul3A_2008 : i32
      %add3A_2010 = arith.constant 19 : i32
      %add3A_2011 = arith.addi %mul3A_2009, %add3A_2010 : i32
      %get3A_2012 = arith.constant 19 : i32
      %get3A_2013 = arith.index_cast %and3A_146 : i32 to index
      %get3A_2014 = arith.index_cast %get3A_2012 : i32 to index
      %get3A_2015 = arith.constant 48 : index
      %get3A_2016 = tpu.vector_load %arg9[%get3A_2013, %get3A_2014, %get3A_2015] {strides = array<i32>} : memref<2x40x128xf32, #tpu.memory_space<vmem>>, vector<1x1x16xf32>,
      %get3A_2017 = vector.shape_cast %get3A_2016 : vector<1x1x16xf32> to vector<16xf32>
      %eq3A_2018 = vector.broadcast %add3A_2011 : i32 to vector<16xi32>
      %eq3A_2019 = arith.cmpi eq, %get3A_1760, %eq3A_2018 : vector<16xi32>
      %select_n3A_2020 = arith.select %eq3A_2019, %get3A_2017, %select_n3A_2007 : vector<16xi1>, vector<16xf32>
      %mul3A_2021 = arith.constant 40 : i32
      %mul3A_2022 = arith.muli %scan3A_144, %mul3A_2021 : i32
      %add3A_2023 = arith.constant 20 : i32
      %add3A_2024 = arith.addi %mul3A_2022, %add3A_2023 : i32
      %get3A_2025 = arith.constant 20 : i32
      %get3A_2026 = arith.index_cast %and3A_146 : i32 to index
      %get3A_2027 = arith.index_cast %get3A_2025 : i32 to index
      %get3A_2028 = arith.constant 48 : index
      %get3A_2029 = tpu.vector_load %arg9[%get3A_2026, %get3A_2027, %get3A_2028] {strides = array<i32>} : memref<2x40x128xf32, #tpu.memory_space<vmem>>, vector<1x1x16xf32>,
      %get3A_2030 = vector.shape_cast %get3A_2029 : vector<1x1x16xf32> to vector<16xf32>
      %eq3A_2031 = vector.broadcast %add3A_2024 : i32 to vector<16xi32>
      %eq3A_2032 = arith.cmpi eq, %get3A_1760, %eq3A_2031 : vector<16xi32>
      %select_n3A_2033 = arith.select %eq3A_2032, %get3A_2030, %select_n3A_2020 : vector<16xi1>, vector<16xf32>
      %mul3A_2034 = arith.constant 40 : i32
      %mul3A_2035 = arith.muli %scan3A_144, %mul3A_2034 : i32
      %add3A_2036 = arith.constant 21 : i32
      %add3A_2037 = arith.addi %mul3A_2035, %add3A_2036 : i32
      %get3A_2038 = arith.constant 21 : i32
      %get3A_2039 = arith.index_cast %and3A_146 : i32 to index
      %get3A_2040 = arith.index_cast %get3A_2038 : i32 to index
      %get3A_2041 = arith.constant 48 : index
      %get3A_2042 = tpu.vector_load %arg9[%get3A_2039, %get3A_2040, %get3A_2041] {strides = array<i32>} : memref<2x40x128xf32, #tpu.memory_space<vmem>>, vector<1x1x16xf32>,
      %get3A_2043 = vector.shape_cast %get3A_2042 : vector<1x1x16xf32> to vector<16xf32>
      %eq3A_2044 = vector.broadcast %add3A_2037 : i32 to vector<16xi32>
      %eq3A_2045 = arith.cmpi eq, %get3A_1760, %eq3A_2044 : vector<16xi32>
      %select_n3A_2046 = arith.select %eq3A_2045, %get3A_2043, %select_n3A_2033 : vector<16xi1>, vector<16xf32>
      %mul3A_2047 = arith.constant 40 : i32
      %mul3A_2048 = arith.muli %scan3A_144, %mul3A_2047 : i32
      %add3A_2049 = arith.constant 22 : i32
      %add3A_2050 = arith.addi %mul3A_2048, %add3A_2049 : i32
      %get3A_2051 = arith.constant 22 : i32
      %get3A_2052 = arith.index_cast %and3A_146 : i32 to index
      %get3A_2053 = arith.index_cast %get3A_2051 : i32 to index
      %get3A_2054 = arith.constant 48 : index
      %get3A_2055 = tpu.vector_load %arg9[%get3A_2052, %get3A_2053, %get3A_2054] {strides = array<i32>} : memref<2x40x128xf32, #tpu.memory_space<vmem>>, vector<1x1x16xf32>,
      %get3A_2056 = vector.shape_cast %get3A_2055 : vector<1x1x16xf32> to vector<16xf32>
      %eq3A_2057 = vector.broadcast %add3A_2050 : i32 to vector<16xi32>
      %eq3A_2058 = arith.cmpi eq, %get3A_1760, %eq3A_2057 : vector<16xi32>
      %select_n3A_2059 = arith.select %eq3A_2058, %get3A_2056, %select_n3A_2046 : vector<16xi1>, vector<16xf32>
      %mul3A_2060 = arith.constant 40 : i32
      %mul3A_2061 = arith.muli %scan3A_144, %mul3A_2060 : i32
      %add3A_2062 = arith.constant 23 : i32
      %add3A_2063 = arith.addi %mul3A_2061, %add3A_2062 : i32
      %get3A_2064 = arith.constant 23 : i32
      %get3A_2065 = arith.index_cast %and3A_146 : i32 to index
      %get3A_2066 = arith.index_cast %get3A_2064 : i32 to index
      %get3A_2067 = arith.constant 48 : index
      %get3A_2068 = tpu.vector_load %arg9[%get3A_2065, %get3A_2066, %get3A_2067] {strides = array<i32>} : memref<2x40x128xf32, #tpu.memory_space<vmem>>, vector<1x1x16xf32>,
      %get3A_2069 = vector.shape_cast %get3A_2068 : vector<1x1x16xf32> to vector<16xf32>
      %eq3A_2070 = vector.broadcast %add3A_2063 : i32 to vector<16xi32>
      %eq3A_2071 = arith.cmpi eq, %get3A_1760, %eq3A_2070 : vector<16xi32>
      %select_n3A_2072 = arith.select %eq3A_2071, %get3A_2069, %select_n3A_2059 : vector<16xi1>, vector<16xf32>
      %mul3A_2073 = arith.constant 40 : i32
      %mul3A_2074 = arith.muli %scan3A_144, %mul3A_2073 : i32
      %add3A_2075 = arith.constant 24 : i32
      %add3A_2076 = arith.addi %mul3A_2074, %add3A_2075 : i32
      %get3A_2077 = arith.constant 24 : i32
      %get3A_2078 = arith.index_cast %and3A_146 : i32 to index
      %get3A_2079 = arith.index_cast %get3A_2077 : i32 to index
      %get3A_2080 = arith.constant 48 : index
      %get3A_2081 = tpu.vector_load %arg9[%get3A_2078, %get3A_2079, %get3A_2080] {strides = array<i32>} : memref<2x40x128xf32, #tpu.memory_space<vmem>>, vector<1x1x16xf32>,
      %get3A_2082 = vector.shape_cast %get3A_2081 : vector<1x1x16xf32> to vector<16xf32>
      %eq3A_2083 = vector.broadcast %add3A_2076 : i32 to vector<16xi32>
      %eq3A_2084 = arith.cmpi eq, %get3A_1760, %eq3A_2083 : vector<16xi32>
      %select_n3A_2085 = arith.select %eq3A_2084, %get3A_2082, %select_n3A_2072 : vector<16xi1>, vector<16xf32>
      %mul3A_2086 = arith.constant 40 : i32
      %mul3A_2087 = arith.muli %scan3A_144, %mul3A_2086 : i32
      %add3A_2088 = arith.constant 25 : i32
      %add3A_2089 = arith.addi %mul3A_2087, %add3A_2088 : i32
      %get3A_2090 = arith.constant 25 : i32
      %get3A_2091 = arith.index_cast %and3A_146 : i32 to index
      %get3A_2092 = arith.index_cast %get3A_2090 : i32 to index
      %get3A_2093 = arith.constant 48 : index
      %get3A_2094 = tpu.vector_load %arg9[%get3A_2091, %get3A_2092, %get3A_2093] {strides = array<i32>} : memref<2x40x128xf32, #tpu.memory_space<vmem>>, vector<1x1x16xf32>,
      %get3A_2095 = vector.shape_cast %get3A_2094 : vector<1x1x16xf32> to vector<16xf32>
      %eq3A_2096 = vector.broadcast %add3A_2089 : i32 to vector<16xi32>
      %eq3A_2097 = arith.cmpi eq, %get3A_1760, %eq3A_2096 : vector<16xi32>
      %select_n3A_2098 = arith.select %eq3A_2097, %get3A_2095, %select_n3A_2085 : vector<16xi1>, vector<16xf32>
      %mul3A_2099 = arith.constant 40 : i32
      %mul3A_2100 = arith.muli %scan3A_144, %mul3A_2099 : i32
      %add3A_2101 = arith.constant 26 : i32
      %add3A_2102 = arith.addi %mul3A_2100, %add3A_2101 : i32
      %get3A_2103 = arith.constant 26 : i32
      %get3A_2104 = arith.index_cast %and3A_146 : i32 to index
      %get3A_2105 = arith.index_cast %get3A_2103 : i32 to index
      %get3A_2106 = arith.constant 48 : index
      %get3A_2107 = tpu.vector_load %arg9[%get3A_2104, %get3A_2105, %get3A_2106] {strides = array<i32>} : memref<2x40x128xf32, #tpu.memory_space<vmem>>, vector<1x1x16xf32>,
      %get3A_2108 = vector.shape_cast %get3A_2107 : vector<1x1x16xf32> to vector<16xf32>
      %eq3A_2109 = vector.broadcast %add3A_2102 : i32 to vector<16xi32>
      %eq3A_2110 = arith.cmpi eq, %get3A_1760, %eq3A_2109 : vector<16xi32>
      %select_n3A_2111 = arith.select %eq3A_2110, %get3A_2108, %select_n3A_2098 : vector<16xi1>, vector<16xf32>
      %mul3A_2112 = arith.constant 40 : i32
      %mul3A_2113 = arith.muli %scan3A_144, %mul3A_2112 : i32
      %add3A_2114 = arith.constant 27 : i32
      %add3A_2115 = arith.addi %mul3A_2113, %add3A_2114 : i32
      %get3A_2116 = arith.constant 27 : i32
      %get3A_2117 = arith.index_cast %and3A_146 : i32 to index
      %get3A_2118 = arith.index_cast %get3A_2116 : i32 to index
      %get3A_2119 = arith.constant 48 : index
      %get3A_2120 = tpu.vector_load %arg9[%get3A_2117, %get3A_2118, %get3A_2119] {strides = array<i32>} : memref<2x40x128xf32, #tpu.memory_space<vmem>>, vector<1x1x16xf32>,
      %get3A_2121 = vector.shape_cast %get3A_2120 : vector<1x1x16xf32> to vector<16xf32>
      %eq3A_2122 = vector.broadcast %add3A_2115 : i32 to vector<16xi32>
      %eq3A_2123 = arith.cmpi eq, %get3A_1760, %eq3A_2122 : vector<16xi32>
      %select_n3A_2124 = arith.select %eq3A_2123, %get3A_2121, %select_n3A_2111 : vector<16xi1>, vector<16xf32>
      %mul3A_2125 = arith.constant 40 : i32
      %mul3A_2126 = arith.muli %scan3A_144, %mul3A_2125 : i32
      %add3A_2127 = arith.constant 28 : i32
      %add3A_2128 = arith.addi %mul3A_2126, %add3A_2127 : i32
      %get3A_2129 = arith.constant 28 : i32
      %get3A_2130 = arith.index_cast %and3A_146 : i32 to index
      %get3A_2131 = arith.index_cast %get3A_2129 : i32 to index
      %get3A_2132 = arith.constant 48 : index
      %get3A_2133 = tpu.vector_load %arg9[%get3A_2130, %get3A_2131, %get3A_2132] {strides = array<i32>} : memref<2x40x128xf32, #tpu.memory_space<vmem>>, vector<1x1x16xf32>,
      %get3A_2134 = vector.shape_cast %get3A_2133 : vector<1x1x16xf32> to vector<16xf32>
      %eq3A_2135 = vector.broadcast %add3A_2128 : i32 to vector<16xi32>
      %eq3A_2136 = arith.cmpi eq, %get3A_1760, %eq3A_2135 : vector<16xi32>
      %select_n3A_2137 = arith.select %eq3A_2136, %get3A_2134, %select_n3A_2124 : vector<16xi1>, vector<16xf32>
      %mul3A_2138 = arith.constant 40 : i32
      %mul3A_2139 = arith.muli %scan3A_144, %mul3A_2138 : i32
      %add3A_2140 = arith.constant 29 : i32
      %add3A_2141 = arith.addi %mul3A_2139, %add3A_2140 : i32
      %get3A_2142 = arith.constant 29 : i32
      %get3A_2143 = arith.index_cast %and3A_146 : i32 to index
      %get3A_2144 = arith.index_cast %get3A_2142 : i32 to index
      %get3A_2145 = arith.constant 48 : index
      %get3A_2146 = tpu.vector_load %arg9[%get3A_2143, %get3A_2144, %get3A_2145] {strides = array<i32>} : memref<2x40x128xf32, #tpu.memory_space<vmem>>, vector<1x1x16xf32>,
      %get3A_2147 = vector.shape_cast %get3A_2146 : vector<1x1x16xf32> to vector<16xf32>
      %eq3A_2148 = vector.broadcast %add3A_2141 : i32 to vector<16xi32>
      %eq3A_2149 = arith.cmpi eq, %get3A_1760, %eq3A_2148 : vector<16xi32>
      %select_n3A_2150 = arith.select %eq3A_2149, %get3A_2147, %select_n3A_2137 : vector<16xi1>, vector<16xf32>
      %mul3A_2151 = arith.constant 40 : i32
      %mul3A_2152 = arith.muli %scan3A_144, %mul3A_2151 : i32
      %add3A_2153 = arith.constant 30 : i32
      %add3A_2154 = arith.addi %mul3A_2152, %add3A_2153 : i32
      %get3A_2155 = arith.constant 30 : i32
      %get3A_2156 = arith.index_cast %and3A_146 : i32 to index
      %get3A_2157 = arith.index_cast %get3A_2155 : i32 to index
      %get3A_2158 = arith.constant 48 : index
      %get3A_2159 = tpu.vector_load %arg9[%get3A_2156, %get3A_2157, %get3A_2158] {strides = array<i32>} : memref<2x40x128xf32, #tpu.memory_space<vmem>>, vector<1x1x16xf32>,
      %get3A_2160 = vector.shape_cast %get3A_2159 : vector<1x1x16xf32> to vector<16xf32>
      %eq3A_2161 = vector.broadcast %add3A_2154 : i32 to vector<16xi32>
      %eq3A_2162 = arith.cmpi eq, %get3A_1760, %eq3A_2161 : vector<16xi32>
      %select_n3A_2163 = arith.select %eq3A_2162, %get3A_2160, %select_n3A_2150 : vector<16xi1>, vector<16xf32>
      %mul3A_2164 = arith.constant 40 : i32
      %mul3A_2165 = arith.muli %scan3A_144, %mul3A_2164 : i32
      %add3A_2166 = arith.constant 31 : i32
      %add3A_2167 = arith.addi %mul3A_2165, %add3A_2166 : i32
      %get3A_2168 = arith.constant 31 : i32
      %get3A_2169 = arith.index_cast %and3A_146 : i32 to index
      %get3A_2170 = arith.index_cast %get3A_2168 : i32 to index
      %get3A_2171 = arith.constant 48 : index
      %get3A_2172 = tpu.vector_load %arg9[%get3A_2169, %get3A_2170, %get3A_2171] {strides = array<i32>} : memref<2x40x128xf32, #tpu.memory_space<vmem>>, vector<1x1x16xf32>,
      %get3A_2173 = vector.shape_cast %get3A_2172 : vector<1x1x16xf32> to vector<16xf32>
      %eq3A_2174 = vector.broadcast %add3A_2167 : i32 to vector<16xi32>
      %eq3A_2175 = arith.cmpi eq, %get3A_1760, %eq3A_2174 : vector<16xi32>
      %select_n3A_2176 = arith.select %eq3A_2175, %get3A_2173, %select_n3A_2163 : vector<16xi1>, vector<16xf32>
      %mul3A_2177 = arith.constant 40 : i32
      %mul3A_2178 = arith.muli %scan3A_144, %mul3A_2177 : i32
      %add3A_2179 = arith.constant 32 : i32
      %add3A_2180 = arith.addi %mul3A_2178, %add3A_2179 : i32
      %get3A_2181 = arith.constant 32 : i32
      %get3A_2182 = arith.index_cast %and3A_146 : i32 to index
      %get3A_2183 = arith.index_cast %get3A_2181 : i32 to index
      %get3A_2184 = arith.constant 48 : index
      %get3A_2185 = tpu.vector_load %arg9[%get3A_2182, %get3A_2183, %get3A_2184] {strides = array<i32>} : memref<2x40x128xf32, #tpu.memory_space<vmem>>, vector<1x1x16xf32>,
      %get3A_2186 = vector.shape_cast %get3A_2185 : vector<1x1x16xf32> to vector<16xf32>
      %eq3A_2187 = vector.broadcast %add3A_2180 : i32 to vector<16xi32>
      %eq3A_2188 = arith.cmpi eq, %get3A_1760, %eq3A_2187 : vector<16xi32>
      %select_n3A_2189 = arith.select %eq3A_2188, %get3A_2186, %select_n3A_2176 : vector<16xi1>, vector<16xf32>
      %mul3A_2190 = arith.constant 40 : i32
      %mul3A_2191 = arith.muli %scan3A_144, %mul3A_2190 : i32
      %add3A_2192 = arith.constant 33 : i32
      %add3A_2193 = arith.addi %mul3A_2191, %add3A_2192 : i32
      %get3A_2194 = arith.constant 33 : i32
      %get3A_2195 = arith.index_cast %and3A_146 : i32 to index
      %get3A_2196 = arith.index_cast %get3A_2194 : i32 to index
      %get3A_2197 = arith.constant 48 : index
      %get3A_2198 = tpu.vector_load %arg9[%get3A_2195, %get3A_2196, %get3A_2197] {strides = array<i32>} : memref<2x40x128xf32, #tpu.memory_space<vmem>>, vector<1x1x16xf32>,
      %get3A_2199 = vector.shape_cast %get3A_2198 : vector<1x1x16xf32> to vector<16xf32>
      %eq3A_2200 = vector.broadcast %add3A_2193 : i32 to vector<16xi32>
      %eq3A_2201 = arith.cmpi eq, %get3A_1760, %eq3A_2200 : vector<16xi32>
      %select_n3A_2202 = arith.select %eq3A_2201, %get3A_2199, %select_n3A_2189 : vector<16xi1>, vector<16xf32>
      %mul3A_2203 = arith.constant 40 : i32
      %mul3A_2204 = arith.muli %scan3A_144, %mul3A_2203 : i32
      %add3A_2205 = arith.constant 34 : i32
      %add3A_2206 = arith.addi %mul3A_2204, %add3A_2205 : i32
      %get3A_2207 = arith.constant 34 : i32
      %get3A_2208 = arith.index_cast %and3A_146 : i32 to index
      %get3A_2209 = arith.index_cast %get3A_2207 : i32 to index
      %get3A_2210 = arith.constant 48 : index
      %get3A_2211 = tpu.vector_load %arg9[%get3A_2208, %get3A_2209, %get3A_2210] {strides = array<i32>} : memref<2x40x128xf32, #tpu.memory_space<vmem>>, vector<1x1x16xf32>,
      %get3A_2212 = vector.shape_cast %get3A_2211 : vector<1x1x16xf32> to vector<16xf32>
      %eq3A_2213 = vector.broadcast %add3A_2206 : i32 to vector<16xi32>
      %eq3A_2214 = arith.cmpi eq, %get3A_1760, %eq3A_2213 : vector<16xi32>
      %select_n3A_2215 = arith.select %eq3A_2214, %get3A_2212, %select_n3A_2202 : vector<16xi1>, vector<16xf32>
      %mul3A_2216 = arith.constant 40 : i32
      %mul3A_2217 = arith.muli %scan3A_144, %mul3A_2216 : i32
      %add3A_2218 = arith.constant 35 : i32
      %add3A_2219 = arith.addi %mul3A_2217, %add3A_2218 : i32
      %get3A_2220 = arith.constant 35 : i32
      %get3A_2221 = arith.index_cast %and3A_146 : i32 to index
      %get3A_2222 = arith.index_cast %get3A_2220 : i32 to index
      %get3A_2223 = arith.constant 48 : index
      %get3A_2224 = tpu.vector_load %arg9[%get3A_2221, %get3A_2222, %get3A_2223] {strides = array<i32>} : memref<2x40x128xf32, #tpu.memory_space<vmem>>, vector<1x1x16xf32>,
      %get3A_2225 = vector.shape_cast %get3A_2224 : vector<1x1x16xf32> to vector<16xf32>
      %eq3A_2226 = vector.broadcast %add3A_2219 : i32 to vector<16xi32>
      %eq3A_2227 = arith.cmpi eq, %get3A_1760, %eq3A_2226 : vector<16xi32>
      %select_n3A_2228 = arith.select %eq3A_2227, %get3A_2225, %select_n3A_2215 : vector<16xi1>, vector<16xf32>
      %mul3A_2229 = arith.constant 40 : i32
      %mul3A_2230 = arith.muli %scan3A_144, %mul3A_2229 : i32
      %add3A_2231 = arith.constant 36 : i32
      %add3A_2232 = arith.addi %mul3A_2230, %add3A_2231 : i32
      %get3A_2233 = arith.constant 36 : i32
      %get3A_2234 = arith.index_cast %and3A_146 : i32 to index
      %get3A_2235 = arith.index_cast %get3A_2233 : i32 to index
      %get3A_2236 = arith.constant 48 : index
      %get3A_2237 = tpu.vector_load %arg9[%get3A_2234, %get3A_2235, %get3A_2236] {strides = array<i32>} : memref<2x40x128xf32, #tpu.memory_space<vmem>>, vector<1x1x16xf32>,
      %get3A_2238 = vector.shape_cast %get3A_2237 : vector<1x1x16xf32> to vector<16xf32>
      %eq3A_2239 = vector.broadcast %add3A_2232 : i32 to vector<16xi32>
      %eq3A_2240 = arith.cmpi eq, %get3A_1760, %eq3A_2239 : vector<16xi32>
      %select_n3A_2241 = arith.select %eq3A_2240, %get3A_2238, %select_n3A_2228 : vector<16xi1>, vector<16xf32>
      %mul3A_2242 = arith.constant 40 : i32
      %mul3A_2243 = arith.muli %scan3A_144, %mul3A_2242 : i32
      %add3A_2244 = arith.constant 37 : i32
      %add3A_2245 = arith.addi %mul3A_2243, %add3A_2244 : i32
      %get3A_2246 = arith.constant 37 : i32
      %get3A_2247 = arith.index_cast %and3A_146 : i32 to index
      %get3A_2248 = arith.index_cast %get3A_2246 : i32 to index
      %get3A_2249 = arith.constant 48 : index
      %get3A_2250 = tpu.vector_load %arg9[%get3A_2247, %get3A_2248, %get3A_2249] {strides = array<i32>} : memref<2x40x128xf32, #tpu.memory_space<vmem>>, vector<1x1x16xf32>,
      %get3A_2251 = vector.shape_cast %get3A_2250 : vector<1x1x16xf32> to vector<16xf32>
      %eq3A_2252 = vector.broadcast %add3A_2245 : i32 to vector<16xi32>
      %eq3A_2253 = arith.cmpi eq, %get3A_1760, %eq3A_2252 : vector<16xi32>
      %select_n3A_2254 = arith.select %eq3A_2253, %get3A_2251, %select_n3A_2241 : vector<16xi1>, vector<16xf32>
      %mul3A_2255 = arith.constant 40 : i32
      %mul3A_2256 = arith.muli %scan3A_144, %mul3A_2255 : i32
      %add3A_2257 = arith.constant 38 : i32
      %add3A_2258 = arith.addi %mul3A_2256, %add3A_2257 : i32
      %get3A_2259 = arith.constant 38 : i32
      %get3A_2260 = arith.index_cast %and3A_146 : i32 to index
      %get3A_2261 = arith.index_cast %get3A_2259 : i32 to index
      %get3A_2262 = arith.constant 48 : index
      %get3A_2263 = tpu.vector_load %arg9[%get3A_2260, %get3A_2261, %get3A_2262] {strides = array<i32>} : memref<2x40x128xf32, #tpu.memory_space<vmem>>, vector<1x1x16xf32>,
      %get3A_2264 = vector.shape_cast %get3A_2263 : vector<1x1x16xf32> to vector<16xf32>
      %eq3A_2265 = vector.broadcast %add3A_2258 : i32 to vector<16xi32>
      %eq3A_2266 = arith.cmpi eq, %get3A_1760, %eq3A_2265 : vector<16xi32>
      %select_n3A_2267 = arith.select %eq3A_2266, %get3A_2264, %select_n3A_2254 : vector<16xi1>, vector<16xf32>
      %mul3A_2268 = arith.constant 40 : i32
      %mul3A_2269 = arith.muli %scan3A_144, %mul3A_2268 : i32
      %add3A_2270 = arith.constant 39 : i32
      %add3A_2271 = arith.addi %mul3A_2269, %add3A_2270 : i32
      %get3A_2272 = arith.constant 39 : i32
      %get3A_2273 = arith.index_cast %and3A_146 : i32 to index
      %get3A_2274 = arith.index_cast %get3A_2272 : i32 to index
      %get3A_2275 = arith.constant 48 : index
      %get3A_2276 = tpu.vector_load %arg9[%get3A_2273, %get3A_2274, %get3A_2275] {strides = array<i32>} : memref<2x40x128xf32, #tpu.memory_space<vmem>>, vector<1x1x16xf32>,
      %get3A_2277 = vector.shape_cast %get3A_2276 : vector<1x1x16xf32> to vector<16xf32>
      %eq3A_2278 = vector.broadcast %add3A_2271 : i32 to vector<16xi32>
      %eq3A_2279 = arith.cmpi eq, %get3A_1760, %eq3A_2278 : vector<16xi32>
      %select_n3A_2280 = arith.select %eq3A_2279, %get3A_2277, %select_n3A_2267 : vector<16xi1>, vector<16xf32>
      %swap3A_2281 = arith.constant 48 : index
      %swap3A_2282 = tpu.vector_load %arg8[%swap3A_2281] {strides = array<i32>} : memref<128xf32, #tpu.memory_space<vmem>>, vector<16xf32>,
      %swap3A_2283 = vector.shape_cast %swap3A_2282 : vector<16xf32> to vector<16xf32>
      %swap3A_2284 = vector.shape_cast %select_n3A_2280 : vector<16xf32> to vector<16xf32>
      tpu.vector_store %arg8[%swap3A_2281], %swap3A_2284 {strides = array<i32>} : memref<128xf32, #tpu.memory_space<vmem>>, vector<16xf32>,
      %get3A_2285 = arith.constant 64 : index
      %get3A_2286 = tpu.vector_load %arg8[%get3A_2285] {strides = array<i32>} : memref<128xf32, #tpu.memory_space<vmem>>, vector<16xf32>,
      %get3A_2287 = vector.shape_cast %get3A_2286 : vector<16xf32> to vector<16xf32>
      %get3A_2288 = arith.constant 64 : index
      %get3A_2289 = tpu.vector_load %arg6[%get3A_2288] {strides = array<i32>} : memref<128xi32, #tpu.memory_space<vmem>>, vector<16xi32>,
      %get3A_2290 = vector.shape_cast %get3A_2289 : vector<16xi32> to vector<16xi32>
      %mul3A_2291 = arith.constant 40 : i32
      %mul3A_2292 = arith.muli %scan3A_144, %mul3A_2291 : i32
      %add3A_2293 = arith.constant 0 : i32
      %add3A_2294 = arith.addi %mul3A_2292, %add3A_2293 : i32
      %get3A_2295 = arith.constant 0 : i32
      %get3A_2296 = arith.index_cast %and3A_146 : i32 to index
      %get3A_2297 = arith.index_cast %get3A_2295 : i32 to index
      %get3A_2298 = arith.constant 64 : index
      %get3A_2299 = tpu.vector_load %arg9[%get3A_2296, %get3A_2297, %get3A_2298] {strides = array<i32>} : memref<2x40x128xf32, #tpu.memory_space<vmem>>, vector<1x1x16xf32>,
      %get3A_2300 = vector.shape_cast %get3A_2299 : vector<1x1x16xf32> to vector<16xf32>
      %eq3A_2301 = vector.broadcast %add3A_2294 : i32 to vector<16xi32>
      %eq3A_2302 = arith.cmpi eq, %get3A_2290, %eq3A_2301 : vector<16xi32>
      %select_n3A_2303 = arith.select %eq3A_2302, %get3A_2300, %get3A_2287 : vector<16xi1>, vector<16xf32>
      %mul3A_2304 = arith.constant 40 : i32
      %mul3A_2305 = arith.muli %scan3A_144, %mul3A_2304 : i32
      %add3A_2306 = arith.constant 1 : i32
      %add3A_2307 = arith.addi %mul3A_2305, %add3A_2306 : i32
      %get3A_2308 = arith.constant 1 : i32
      %get3A_2309 = arith.index_cast %and3A_146 : i32 to index
      %get3A_2310 = arith.index_cast %get3A_2308 : i32 to index
      %get3A_2311 = arith.constant 64 : index
      %get3A_2312 = tpu.vector_load %arg9[%get3A_2309, %get3A_2310, %get3A_2311] {strides = array<i32>} : memref<2x40x128xf32, #tpu.memory_space<vmem>>, vector<1x1x16xf32>,
      %get3A_2313 = vector.shape_cast %get3A_2312 : vector<1x1x16xf32> to vector<16xf32>
      %eq3A_2314 = vector.broadcast %add3A_2307 : i32 to vector<16xi32>
      %eq3A_2315 = arith.cmpi eq, %get3A_2290, %eq3A_2314 : vector<16xi32>
      %select_n3A_2316 = arith.select %eq3A_2315, %get3A_2313, %select_n3A_2303 : vector<16xi1>, vector<16xf32>
      %mul3A_2317 = arith.constant 40 : i32
      %mul3A_2318 = arith.muli %scan3A_144, %mul3A_2317 : i32
      %add3A_2319 = arith.constant 2 : i32
      %add3A_2320 = arith.addi %mul3A_2318, %add3A_2319 : i32
      %get3A_2321 = arith.constant 2 : i32
      %get3A_2322 = arith.index_cast %and3A_146 : i32 to index
      %get3A_2323 = arith.index_cast %get3A_2321 : i32 to index
      %get3A_2324 = arith.constant 64 : index
      %get3A_2325 = tpu.vector_load %arg9[%get3A_2322, %get3A_2323, %get3A_2324] {strides = array<i32>} : memref<2x40x128xf32, #tpu.memory_space<vmem>>, vector<1x1x16xf32>,
      %get3A_2326 = vector.shape_cast %get3A_2325 : vector<1x1x16xf32> to vector<16xf32>
      %eq3A_2327 = vector.broadcast %add3A_2320 : i32 to vector<16xi32>
      %eq3A_2328 = arith.cmpi eq, %get3A_2290, %eq3A_2327 : vector<16xi32>
      %select_n3A_2329 = arith.select %eq3A_2328, %get3A_2326, %select_n3A_2316 : vector<16xi1>, vector<16xf32>
      %mul3A_2330 = arith.constant 40 : i32
      %mul3A_2331 = arith.muli %scan3A_144, %mul3A_2330 : i32
      %add3A_2332 = arith.constant 3 : i32
      %add3A_2333 = arith.addi %mul3A_2331, %add3A_2332 : i32
      %get3A_2334 = arith.constant 3 : i32
      %get3A_2335 = arith.index_cast %and3A_146 : i32 to index
      %get3A_2336 = arith.index_cast %get3A_2334 : i32 to index
      %get3A_2337 = arith.constant 64 : index
      %get3A_2338 = tpu.vector_load %arg9[%get3A_2335, %get3A_2336, %get3A_2337] {strides = array<i32>} : memref<2x40x128xf32, #tpu.memory_space<vmem>>, vector<1x1x16xf32>,
      %get3A_2339 = vector.shape_cast %get3A_2338 : vector<1x1x16xf32> to vector<16xf32>
      %eq3A_2340 = vector.broadcast %add3A_2333 : i32 to vector<16xi32>
      %eq3A_2341 = arith.cmpi eq, %get3A_2290, %eq3A_2340 : vector<16xi32>
      %select_n3A_2342 = arith.select %eq3A_2341, %get3A_2339, %select_n3A_2329 : vector<16xi1>, vector<16xf32>
      %mul3A_2343 = arith.constant 40 : i32
      %mul3A_2344 = arith.muli %scan3A_144, %mul3A_2343 : i32
      %add3A_2345 = arith.constant 4 : i32
      %add3A_2346 = arith.addi %mul3A_2344, %add3A_2345 : i32
      %get3A_2347 = arith.constant 4 : i32
      %get3A_2348 = arith.index_cast %and3A_146 : i32 to index
      %get3A_2349 = arith.index_cast %get3A_2347 : i32 to index
      %get3A_2350 = arith.constant 64 : index
      %get3A_2351 = tpu.vector_load %arg9[%get3A_2348, %get3A_2349, %get3A_2350] {strides = array<i32>} : memref<2x40x128xf32, #tpu.memory_space<vmem>>, vector<1x1x16xf32>,
      %get3A_2352 = vector.shape_cast %get3A_2351 : vector<1x1x16xf32> to vector<16xf32>
      %eq3A_2353 = vector.broadcast %add3A_2346 : i32 to vector<16xi32>
      %eq3A_2354 = arith.cmpi eq, %get3A_2290, %eq3A_2353 : vector<16xi32>
      %select_n3A_2355 = arith.select %eq3A_2354, %get3A_2352, %select_n3A_2342 : vector<16xi1>, vector<16xf32>
      %mul3A_2356 = arith.constant 40 : i32
      %mul3A_2357 = arith.muli %scan3A_144, %mul3A_2356 : i32
      %add3A_2358 = arith.constant 5 : i32
      %add3A_2359 = arith.addi %mul3A_2357, %add3A_2358 : i32
      %get3A_2360 = arith.constant 5 : i32
      %get3A_2361 = arith.index_cast %and3A_146 : i32 to index
      %get3A_2362 = arith.index_cast %get3A_2360 : i32 to index
      %get3A_2363 = arith.constant 64 : index
      %get3A_2364 = tpu.vector_load %arg9[%get3A_2361, %get3A_2362, %get3A_2363] {strides = array<i32>} : memref<2x40x128xf32, #tpu.memory_space<vmem>>, vector<1x1x16xf32>,
      %get3A_2365 = vector.shape_cast %get3A_2364 : vector<1x1x16xf32> to vector<16xf32>
      %eq3A_2366 = vector.broadcast %add3A_2359 : i32 to vector<16xi32>
      %eq3A_2367 = arith.cmpi eq, %get3A_2290, %eq3A_2366 : vector<16xi32>
      %select_n3A_2368 = arith.select %eq3A_2367, %get3A_2365, %select_n3A_2355 : vector<16xi1>, vector<16xf32>
      %mul3A_2369 = arith.constant 40 : i32
      %mul3A_2370 = arith.muli %scan3A_144, %mul3A_2369 : i32
      %add3A_2371 = arith.constant 6 : i32
      %add3A_2372 = arith.addi %mul3A_2370, %add3A_2371 : i32
      %get3A_2373 = arith.constant 6 : i32
      %get3A_2374 = arith.index_cast %and3A_146 : i32 to index
      %get3A_2375 = arith.index_cast %get3A_2373 : i32 to index
      %get3A_2376 = arith.constant 64 : index
      %get3A_2377 = tpu.vector_load %arg9[%get3A_2374, %get3A_2375, %get3A_2376] {strides = array<i32>} : memref<2x40x128xf32, #tpu.memory_space<vmem>>, vector<1x1x16xf32>,
      %get3A_2378 = vector.shape_cast %get3A_2377 : vector<1x1x16xf32> to vector<16xf32>
      %eq3A_2379 = vector.broadcast %add3A_2372 : i32 to vector<16xi32>
      %eq3A_2380 = arith.cmpi eq, %get3A_2290, %eq3A_2379 : vector<16xi32>
      %select_n3A_2381 = arith.select %eq3A_2380, %get3A_2378, %select_n3A_2368 : vector<16xi1>, vector<16xf32>
      %mul3A_2382 = arith.constant 40 : i32
      %mul3A_2383 = arith.muli %scan3A_144, %mul3A_2382 : i32
      %add3A_2384 = arith.constant 7 : i32
      %add3A_2385 = arith.addi %mul3A_2383, %add3A_2384 : i32
      %get3A_2386 = arith.constant 7 : i32
      %get3A_2387 = arith.index_cast %and3A_146 : i32 to index
      %get3A_2388 = arith.index_cast %get3A_2386 : i32 to index
      %get3A_2389 = arith.constant 64 : index
      %get3A_2390 = tpu.vector_load %arg9[%get3A_2387, %get3A_2388, %get3A_2389] {strides = array<i32>} : memref<2x40x128xf32, #tpu.memory_space<vmem>>, vector<1x1x16xf32>,
      %get3A_2391 = vector.shape_cast %get3A_2390 : vector<1x1x16xf32> to vector<16xf32>
      %eq3A_2392 = vector.broadcast %add3A_2385 : i32 to vector<16xi32>
      %eq3A_2393 = arith.cmpi eq, %get3A_2290, %eq3A_2392 : vector<16xi32>
      %select_n3A_2394 = arith.select %eq3A_2393, %get3A_2391, %select_n3A_2381 : vector<16xi1>, vector<16xf32>
      %mul3A_2395 = arith.constant 40 : i32
      %mul3A_2396 = arith.muli %scan3A_144, %mul3A_2395 : i32
      %add3A_2397 = arith.constant 8 : i32
      %add3A_2398 = arith.addi %mul3A_2396, %add3A_2397 : i32
      %get3A_2399 = arith.constant 8 : i32
      %get3A_2400 = arith.index_cast %and3A_146 : i32 to index
      %get3A_2401 = arith.index_cast %get3A_2399 : i32 to index
      %get3A_2402 = arith.constant 64 : index
      %get3A_2403 = tpu.vector_load %arg9[%get3A_2400, %get3A_2401, %get3A_2402] {strides = array<i32>} : memref<2x40x128xf32, #tpu.memory_space<vmem>>, vector<1x1x16xf32>,
      %get3A_2404 = vector.shape_cast %get3A_2403 : vector<1x1x16xf32> to vector<16xf32>
      %eq3A_2405 = vector.broadcast %add3A_2398 : i32 to vector<16xi32>
      %eq3A_2406 = arith.cmpi eq, %get3A_2290, %eq3A_2405 : vector<16xi32>
      %select_n3A_2407 = arith.select %eq3A_2406, %get3A_2404, %select_n3A_2394 : vector<16xi1>, vector<16xf32>
      %mul3A_2408 = arith.constant 40 : i32
      %mul3A_2409 = arith.muli %scan3A_144, %mul3A_2408 : i32
      %add3A_2410 = arith.constant 9 : i32
      %add3A_2411 = arith.addi %mul3A_2409, %add3A_2410 : i32
      %get3A_2412 = arith.constant 9 : i32
      %get3A_2413 = arith.index_cast %and3A_146 : i32 to index
      %get3A_2414 = arith.index_cast %get3A_2412 : i32 to index
      %get3A_2415 = arith.constant 64 : index
      %get3A_2416 = tpu.vector_load %arg9[%get3A_2413, %get3A_2414, %get3A_2415] {strides = array<i32>} : memref<2x40x128xf32, #tpu.memory_space<vmem>>, vector<1x1x16xf32>,
      %get3A_2417 = vector.shape_cast %get3A_2416 : vector<1x1x16xf32> to vector<16xf32>
      %eq3A_2418 = vector.broadcast %add3A_2411 : i32 to vector<16xi32>
      %eq3A_2419 = arith.cmpi eq, %get3A_2290, %eq3A_2418 : vector<16xi32>
      %select_n3A_2420 = arith.select %eq3A_2419, %get3A_2417, %select_n3A_2407 : vector<16xi1>, vector<16xf32>
      %mul3A_2421 = arith.constant 40 : i32
      %mul3A_2422 = arith.muli %scan3A_144, %mul3A_2421 : i32
      %add3A_2423 = arith.constant 10 : i32
      %add3A_2424 = arith.addi %mul3A_2422, %add3A_2423 : i32
      %get3A_2425 = arith.constant 10 : i32
      %get3A_2426 = arith.index_cast %and3A_146 : i32 to index
      %get3A_2427 = arith.index_cast %get3A_2425 : i32 to index
      %get3A_2428 = arith.constant 64 : index
      %get3A_2429 = tpu.vector_load %arg9[%get3A_2426, %get3A_2427, %get3A_2428] {strides = array<i32>} : memref<2x40x128xf32, #tpu.memory_space<vmem>>, vector<1x1x16xf32>,
      %get3A_2430 = vector.shape_cast %get3A_2429 : vector<1x1x16xf32> to vector<16xf32>
      %eq3A_2431 = vector.broadcast %add3A_2424 : i32 to vector<16xi32>
      %eq3A_2432 = arith.cmpi eq, %get3A_2290, %eq3A_2431 : vector<16xi32>
      %select_n3A_2433 = arith.select %eq3A_2432, %get3A_2430, %select_n3A_2420 : vector<16xi1>, vector<16xf32>
      %mul3A_2434 = arith.constant 40 : i32
      %mul3A_2435 = arith.muli %scan3A_144, %mul3A_2434 : i32
      %add3A_2436 = arith.constant 11 : i32
      %add3A_2437 = arith.addi %mul3A_2435, %add3A_2436 : i32
      %get3A_2438 = arith.constant 11 : i32
      %get3A_2439 = arith.index_cast %and3A_146 : i32 to index
      %get3A_2440 = arith.index_cast %get3A_2438 : i32 to index
      %get3A_2441 = arith.constant 64 : index
      %get3A_2442 = tpu.vector_load %arg9[%get3A_2439, %get3A_2440, %get3A_2441] {strides = array<i32>} : memref<2x40x128xf32, #tpu.memory_space<vmem>>, vector<1x1x16xf32>,
      %get3A_2443 = vector.shape_cast %get3A_2442 : vector<1x1x16xf32> to vector<16xf32>
      %eq3A_2444 = vector.broadcast %add3A_2437 : i32 to vector<16xi32>
      %eq3A_2445 = arith.cmpi eq, %get3A_2290, %eq3A_2444 : vector<16xi32>
      %select_n3A_2446 = arith.select %eq3A_2445, %get3A_2443, %select_n3A_2433 : vector<16xi1>, vector<16xf32>
      %mul3A_2447 = arith.constant 40 : i32
      %mul3A_2448 = arith.muli %scan3A_144, %mul3A_2447 : i32
      %add3A_2449 = arith.constant 12 : i32
      %add3A_2450 = arith.addi %mul3A_2448, %add3A_2449 : i32
      %get3A_2451 = arith.constant 12 : i32
      %get3A_2452 = arith.index_cast %and3A_146 : i32 to index
      %get3A_2453 = arith.index_cast %get3A_2451 : i32 to index
      %get3A_2454 = arith.constant 64 : index
      %get3A_2455 = tpu.vector_load %arg9[%get3A_2452, %get3A_2453, %get3A_2454] {strides = array<i32>} : memref<2x40x128xf32, #tpu.memory_space<vmem>>, vector<1x1x16xf32>,
      %get3A_2456 = vector.shape_cast %get3A_2455 : vector<1x1x16xf32> to vector<16xf32>
      %eq3A_2457 = vector.broadcast %add3A_2450 : i32 to vector<16xi32>
      %eq3A_2458 = arith.cmpi eq, %get3A_2290, %eq3A_2457 : vector<16xi32>
      %select_n3A_2459 = arith.select %eq3A_2458, %get3A_2456, %select_n3A_2446 : vector<16xi1>, vector<16xf32>
      %mul3A_2460 = arith.constant 40 : i32
      %mul3A_2461 = arith.muli %scan3A_144, %mul3A_2460 : i32
      %add3A_2462 = arith.constant 13 : i32
      %add3A_2463 = arith.addi %mul3A_2461, %add3A_2462 : i32
      %get3A_2464 = arith.constant 13 : i32
      %get3A_2465 = arith.index_cast %and3A_146 : i32 to index
      %get3A_2466 = arith.index_cast %get3A_2464 : i32 to index
      %get3A_2467 = arith.constant 64 : index
      %get3A_2468 = tpu.vector_load %arg9[%get3A_2465, %get3A_2466, %get3A_2467] {strides = array<i32>} : memref<2x40x128xf32, #tpu.memory_space<vmem>>, vector<1x1x16xf32>,
      %get3A_2469 = vector.shape_cast %get3A_2468 : vector<1x1x16xf32> to vector<16xf32>
      %eq3A_2470 = vector.broadcast %add3A_2463 : i32 to vector<16xi32>
      %eq3A_2471 = arith.cmpi eq, %get3A_2290, %eq3A_2470 : vector<16xi32>
      %select_n3A_2472 = arith.select %eq3A_2471, %get3A_2469, %select_n3A_2459 : vector<16xi1>, vector<16xf32>
      %mul3A_2473 = arith.constant 40 : i32
      %mul3A_2474 = arith.muli %scan3A_144, %mul3A_2473 : i32
      %add3A_2475 = arith.constant 14 : i32
      %add3A_2476 = arith.addi %mul3A_2474, %add3A_2475 : i32
      %get3A_2477 = arith.constant 14 : i32
      %get3A_2478 = arith.index_cast %and3A_146 : i32 to index
      %get3A_2479 = arith.index_cast %get3A_2477 : i32 to index
      %get3A_2480 = arith.constant 64 : index
      %get3A_2481 = tpu.vector_load %arg9[%get3A_2478, %get3A_2479, %get3A_2480] {strides = array<i32>} : memref<2x40x128xf32, #tpu.memory_space<vmem>>, vector<1x1x16xf32>,
      %get3A_2482 = vector.shape_cast %get3A_2481 : vector<1x1x16xf32> to vector<16xf32>
      %eq3A_2483 = vector.broadcast %add3A_2476 : i32 to vector<16xi32>
      %eq3A_2484 = arith.cmpi eq, %get3A_2290, %eq3A_2483 : vector<16xi32>
      %select_n3A_2485 = arith.select %eq3A_2484, %get3A_2482, %select_n3A_2472 : vector<16xi1>, vector<16xf32>
      %mul3A_2486 = arith.constant 40 : i32
      %mul3A_2487 = arith.muli %scan3A_144, %mul3A_2486 : i32
      %add3A_2488 = arith.constant 15 : i32
      %add3A_2489 = arith.addi %mul3A_2487, %add3A_2488 : i32
      %get3A_2490 = arith.constant 15 : i32
      %get3A_2491 = arith.index_cast %and3A_146 : i32 to index
      %get3A_2492 = arith.index_cast %get3A_2490 : i32 to index
      %get3A_2493 = arith.constant 64 : index
      %get3A_2494 = tpu.vector_load %arg9[%get3A_2491, %get3A_2492, %get3A_2493] {strides = array<i32>} : memref<2x40x128xf32, #tpu.memory_space<vmem>>, vector<1x1x16xf32>,
      %get3A_2495 = vector.shape_cast %get3A_2494 : vector<1x1x16xf32> to vector<16xf32>
      %eq3A_2496 = vector.broadcast %add3A_2489 : i32 to vector<16xi32>
      %eq3A_2497 = arith.cmpi eq, %get3A_2290, %eq3A_2496 : vector<16xi32>
      %select_n3A_2498 = arith.select %eq3A_2497, %get3A_2495, %select_n3A_2485 : vector<16xi1>, vector<16xf32>
      %mul3A_2499 = arith.constant 40 : i32
      %mul3A_2500 = arith.muli %scan3A_144, %mul3A_2499 : i32
      %add3A_2501 = arith.constant 16 : i32
      %add3A_2502 = arith.addi %mul3A_2500, %add3A_2501 : i32
      %get3A_2503 = arith.constant 16 : i32
      %get3A_2504 = arith.index_cast %and3A_146 : i32 to index
      %get3A_2505 = arith.index_cast %get3A_2503 : i32 to index
      %get3A_2506 = arith.constant 64 : index
      %get3A_2507 = tpu.vector_load %arg9[%get3A_2504, %get3A_2505, %get3A_2506] {strides = array<i32>} : memref<2x40x128xf32, #tpu.memory_space<vmem>>, vector<1x1x16xf32>,
      %get3A_2508 = vector.shape_cast %get3A_2507 : vector<1x1x16xf32> to vector<16xf32>
      %eq3A_2509 = vector.broadcast %add3A_2502 : i32 to vector<16xi32>
      %eq3A_2510 = arith.cmpi eq, %get3A_2290, %eq3A_2509 : vector<16xi32>
      %select_n3A_2511 = arith.select %eq3A_2510, %get3A_2508, %select_n3A_2498 : vector<16xi1>, vector<16xf32>
      %mul3A_2512 = arith.constant 40 : i32
      %mul3A_2513 = arith.muli %scan3A_144, %mul3A_2512 : i32
      %add3A_2514 = arith.constant 17 : i32
      %add3A_2515 = arith.addi %mul3A_2513, %add3A_2514 : i32
      %get3A_2516 = arith.constant 17 : i32
      %get3A_2517 = arith.index_cast %and3A_146 : i32 to index
      %get3A_2518 = arith.index_cast %get3A_2516 : i32 to index
      %get3A_2519 = arith.constant 64 : index
      %get3A_2520 = tpu.vector_load %arg9[%get3A_2517, %get3A_2518, %get3A_2519] {strides = array<i32>} : memref<2x40x128xf32, #tpu.memory_space<vmem>>, vector<1x1x16xf32>,
      %get3A_2521 = vector.shape_cast %get3A_2520 : vector<1x1x16xf32> to vector<16xf32>
      %eq3A_2522 = vector.broadcast %add3A_2515 : i32 to vector<16xi32>
      %eq3A_2523 = arith.cmpi eq, %get3A_2290, %eq3A_2522 : vector<16xi32>
      %select_n3A_2524 = arith.select %eq3A_2523, %get3A_2521, %select_n3A_2511 : vector<16xi1>, vector<16xf32>
      %mul3A_2525 = arith.constant 40 : i32
      %mul3A_2526 = arith.muli %scan3A_144, %mul3A_2525 : i32
      %add3A_2527 = arith.constant 18 : i32
      %add3A_2528 = arith.addi %mul3A_2526, %add3A_2527 : i32
      %get3A_2529 = arith.constant 18 : i32
      %get3A_2530 = arith.index_cast %and3A_146 : i32 to index
      %get3A_2531 = arith.index_cast %get3A_2529 : i32 to index
      %get3A_2532 = arith.constant 64 : index
      %get3A_2533 = tpu.vector_load %arg9[%get3A_2530, %get3A_2531, %get3A_2532] {strides = array<i32>} : memref<2x40x128xf32, #tpu.memory_space<vmem>>, vector<1x1x16xf32>,
      %get3A_2534 = vector.shape_cast %get3A_2533 : vector<1x1x16xf32> to vector<16xf32>
      %eq3A_2535 = vector.broadcast %add3A_2528 : i32 to vector<16xi32>
      %eq3A_2536 = arith.cmpi eq, %get3A_2290, %eq3A_2535 : vector<16xi32>
      %select_n3A_2537 = arith.select %eq3A_2536, %get3A_2534, %select_n3A_2524 : vector<16xi1>, vector<16xf32>
      %mul3A_2538 = arith.constant 40 : i32
      %mul3A_2539 = arith.muli %scan3A_144, %mul3A_2538 : i32
      %add3A_2540 = arith.constant 19 : i32
      %add3A_2541 = arith.addi %mul3A_2539, %add3A_2540 : i32
      %get3A_2542 = arith.constant 19 : i32
      %get3A_2543 = arith.index_cast %and3A_146 : i32 to index
      %get3A_2544 = arith.index_cast %get3A_2542 : i32 to index
      %get3A_2545 = arith.constant 64 : index
      %get3A_2546 = tpu.vector_load %arg9[%get3A_2543, %get3A_2544, %get3A_2545] {strides = array<i32>} : memref<2x40x128xf32, #tpu.memory_space<vmem>>, vector<1x1x16xf32>,
      %get3A_2547 = vector.shape_cast %get3A_2546 : vector<1x1x16xf32> to vector<16xf32>
      %eq3A_2548 = vector.broadcast %add3A_2541 : i32 to vector<16xi32>
      %eq3A_2549 = arith.cmpi eq, %get3A_2290, %eq3A_2548 : vector<16xi32>
      %select_n3A_2550 = arith.select %eq3A_2549, %get3A_2547, %select_n3A_2537 : vector<16xi1>, vector<16xf32>
      %mul3A_2551 = arith.constant 40 : i32
      %mul3A_2552 = arith.muli %scan3A_144, %mul3A_2551 : i32
      %add3A_2553 = arith.constant 20 : i32
      %add3A_2554 = arith.addi %mul3A_2552, %add3A_2553 : i32
      %get3A_2555 = arith.constant 20 : i32
      %get3A_2556 = arith.index_cast %and3A_146 : i32 to index
      %get3A_2557 = arith.index_cast %get3A_2555 : i32 to index
      %get3A_2558 = arith.constant 64 : index
      %get3A_2559 = tpu.vector_load %arg9[%get3A_2556, %get3A_2557, %get3A_2558] {strides = array<i32>} : memref<2x40x128xf32, #tpu.memory_space<vmem>>, vector<1x1x16xf32>,
      %get3A_2560 = vector.shape_cast %get3A_2559 : vector<1x1x16xf32> to vector<16xf32>
      %eq3A_2561 = vector.broadcast %add3A_2554 : i32 to vector<16xi32>
      %eq3A_2562 = arith.cmpi eq, %get3A_2290, %eq3A_2561 : vector<16xi32>
      %select_n3A_2563 = arith.select %eq3A_2562, %get3A_2560, %select_n3A_2550 : vector<16xi1>, vector<16xf32>
      %mul3A_2564 = arith.constant 40 : i32
      %mul3A_2565 = arith.muli %scan3A_144, %mul3A_2564 : i32
      %add3A_2566 = arith.constant 21 : i32
      %add3A_2567 = arith.addi %mul3A_2565, %add3A_2566 : i32
      %get3A_2568 = arith.constant 21 : i32
      %get3A_2569 = arith.index_cast %and3A_146 : i32 to index
      %get3A_2570 = arith.index_cast %get3A_2568 : i32 to index
      %get3A_2571 = arith.constant 64 : index
      %get3A_2572 = tpu.vector_load %arg9[%get3A_2569, %get3A_2570, %get3A_2571] {strides = array<i32>} : memref<2x40x128xf32, #tpu.memory_space<vmem>>, vector<1x1x16xf32>,
      %get3A_2573 = vector.shape_cast %get3A_2572 : vector<1x1x16xf32> to vector<16xf32>
      %eq3A_2574 = vector.broadcast %add3A_2567 : i32 to vector<16xi32>
      %eq3A_2575 = arith.cmpi eq, %get3A_2290, %eq3A_2574 : vector<16xi32>
      %select_n3A_2576 = arith.select %eq3A_2575, %get3A_2573, %select_n3A_2563 : vector<16xi1>, vector<16xf32>
      %mul3A_2577 = arith.constant 40 : i32
      %mul3A_2578 = arith.muli %scan3A_144, %mul3A_2577 : i32
      %add3A_2579 = arith.constant 22 : i32
      %add3A_2580 = arith.addi %mul3A_2578, %add3A_2579 : i32
      %get3A_2581 = arith.constant 22 : i32
      %get3A_2582 = arith.index_cast %and3A_146 : i32 to index
      %get3A_2583 = arith.index_cast %get3A_2581 : i32 to index
      %get3A_2584 = arith.constant 64 : index
      %get3A_2585 = tpu.vector_load %arg9[%get3A_2582, %get3A_2583, %get3A_2584] {strides = array<i32>} : memref<2x40x128xf32, #tpu.memory_space<vmem>>, vector<1x1x16xf32>,
      %get3A_2586 = vector.shape_cast %get3A_2585 : vector<1x1x16xf32> to vector<16xf32>
      %eq3A_2587 = vector.broadcast %add3A_2580 : i32 to vector<16xi32>
      %eq3A_2588 = arith.cmpi eq, %get3A_2290, %eq3A_2587 : vector<16xi32>
      %select_n3A_2589 = arith.select %eq3A_2588, %get3A_2586, %select_n3A_2576 : vector<16xi1>, vector<16xf32>
      %mul3A_2590 = arith.constant 40 : i32
      %mul3A_2591 = arith.muli %scan3A_144, %mul3A_2590 : i32
      %add3A_2592 = arith.constant 23 : i32
      %add3A_2593 = arith.addi %mul3A_2591, %add3A_2592 : i32
      %get3A_2594 = arith.constant 23 : i32
      %get3A_2595 = arith.index_cast %and3A_146 : i32 to index
      %get3A_2596 = arith.index_cast %get3A_2594 : i32 to index
      %get3A_2597 = arith.constant 64 : index
      %get3A_2598 = tpu.vector_load %arg9[%get3A_2595, %get3A_2596, %get3A_2597] {strides = array<i32>} : memref<2x40x128xf32, #tpu.memory_space<vmem>>, vector<1x1x16xf32>,
      %get3A_2599 = vector.shape_cast %get3A_2598 : vector<1x1x16xf32> to vector<16xf32>
      %eq3A_2600 = vector.broadcast %add3A_2593 : i32 to vector<16xi32>
      %eq3A_2601 = arith.cmpi eq, %get3A_2290, %eq3A_2600 : vector<16xi32>
      %select_n3A_2602 = arith.select %eq3A_2601, %get3A_2599, %select_n3A_2589 : vector<16xi1>, vector<16xf32>
      %mul3A_2603 = arith.constant 40 : i32
      %mul3A_2604 = arith.muli %scan3A_144, %mul3A_2603 : i32
      %add3A_2605 = arith.constant 24 : i32
      %add3A_2606 = arith.addi %mul3A_2604, %add3A_2605 : i32
      %get3A_2607 = arith.constant 24 : i32
      %get3A_2608 = arith.index_cast %and3A_146 : i32 to index
      %get3A_2609 = arith.index_cast %get3A_2607 : i32 to index
      %get3A_2610 = arith.constant 64 : index
      %get3A_2611 = tpu.vector_load %arg9[%get3A_2608, %get3A_2609, %get3A_2610] {strides = array<i32>} : memref<2x40x128xf32, #tpu.memory_space<vmem>>, vector<1x1x16xf32>,
      %get3A_2612 = vector.shape_cast %get3A_2611 : vector<1x1x16xf32> to vector<16xf32>
      %eq3A_2613 = vector.broadcast %add3A_2606 : i32 to vector<16xi32>
      %eq3A_2614 = arith.cmpi eq, %get3A_2290, %eq3A_2613 : vector<16xi32>
      %select_n3A_2615 = arith.select %eq3A_2614, %get3A_2612, %select_n3A_2602 : vector<16xi1>, vector<16xf32>
      %mul3A_2616 = arith.constant 40 : i32
      %mul3A_2617 = arith.muli %scan3A_144, %mul3A_2616 : i32
      %add3A_2618 = arith.constant 25 : i32
      %add3A_2619 = arith.addi %mul3A_2617, %add3A_2618 : i32
      %get3A_2620 = arith.constant 25 : i32
      %get3A_2621 = arith.index_cast %and3A_146 : i32 to index
      %get3A_2622 = arith.index_cast %get3A_2620 : i32 to index
      %get3A_2623 = arith.constant 64 : index
      %get3A_2624 = tpu.vector_load %arg9[%get3A_2621, %get3A_2622, %get3A_2623] {strides = array<i32>} : memref<2x40x128xf32, #tpu.memory_space<vmem>>, vector<1x1x16xf32>,
      %get3A_2625 = vector.shape_cast %get3A_2624 : vector<1x1x16xf32> to vector<16xf32>
      %eq3A_2626 = vector.broadcast %add3A_2619 : i32 to vector<16xi32>
      %eq3A_2627 = arith.cmpi eq, %get3A_2290, %eq3A_2626 : vector<16xi32>
      %select_n3A_2628 = arith.select %eq3A_2627, %get3A_2625, %select_n3A_2615 : vector<16xi1>, vector<16xf32>
      %mul3A_2629 = arith.constant 40 : i32
      %mul3A_2630 = arith.muli %scan3A_144, %mul3A_2629 : i32
      %add3A_2631 = arith.constant 26 : i32
      %add3A_2632 = arith.addi %mul3A_2630, %add3A_2631 : i32
      %get3A_2633 = arith.constant 26 : i32
      %get3A_2634 = arith.index_cast %and3A_146 : i32 to index
      %get3A_2635 = arith.index_cast %get3A_2633 : i32 to index
      %get3A_2636 = arith.constant 64 : index
      %get3A_2637 = tpu.vector_load %arg9[%get3A_2634, %get3A_2635, %get3A_2636] {strides = array<i32>} : memref<2x40x128xf32, #tpu.memory_space<vmem>>, vector<1x1x16xf32>,
      %get3A_2638 = vector.shape_cast %get3A_2637 : vector<1x1x16xf32> to vector<16xf32>
      %eq3A_2639 = vector.broadcast %add3A_2632 : i32 to vector<16xi32>
      %eq3A_2640 = arith.cmpi eq, %get3A_2290, %eq3A_2639 : vector<16xi32>
      %select_n3A_2641 = arith.select %eq3A_2640, %get3A_2638, %select_n3A_2628 : vector<16xi1>, vector<16xf32>
      %mul3A_2642 = arith.constant 40 : i32
      %mul3A_2643 = arith.muli %scan3A_144, %mul3A_2642 : i32
      %add3A_2644 = arith.constant 27 : i32
      %add3A_2645 = arith.addi %mul3A_2643, %add3A_2644 : i32
      %get3A_2646 = arith.constant 27 : i32
      %get3A_2647 = arith.index_cast %and3A_146 : i32 to index
      %get3A_2648 = arith.index_cast %get3A_2646 : i32 to index
      %get3A_2649 = arith.constant 64 : index
      %get3A_2650 = tpu.vector_load %arg9[%get3A_2647, %get3A_2648, %get3A_2649] {strides = array<i32>} : memref<2x40x128xf32, #tpu.memory_space<vmem>>, vector<1x1x16xf32>,
      %get3A_2651 = vector.shape_cast %get3A_2650 : vector<1x1x16xf32> to vector<16xf32>
      %eq3A_2652 = vector.broadcast %add3A_2645 : i32 to vector<16xi32>
      %eq3A_2653 = arith.cmpi eq, %get3A_2290, %eq3A_2652 : vector<16xi32>
      %select_n3A_2654 = arith.select %eq3A_2653, %get3A_2651, %select_n3A_2641 : vector<16xi1>, vector<16xf32>
      %mul3A_2655 = arith.constant 40 : i32
      %mul3A_2656 = arith.muli %scan3A_144, %mul3A_2655 : i32
      %add3A_2657 = arith.constant 28 : i32
      %add3A_2658 = arith.addi %mul3A_2656, %add3A_2657 : i32
      %get3A_2659 = arith.constant 28 : i32
      %get3A_2660 = arith.index_cast %and3A_146 : i32 to index
      %get3A_2661 = arith.index_cast %get3A_2659 : i32 to index
      %get3A_2662 = arith.constant 64 : index
      %get3A_2663 = tpu.vector_load %arg9[%get3A_2660, %get3A_2661, %get3A_2662] {strides = array<i32>} : memref<2x40x128xf32, #tpu.memory_space<vmem>>, vector<1x1x16xf32>,
      %get3A_2664 = vector.shape_cast %get3A_2663 : vector<1x1x16xf32> to vector<16xf32>
      %eq3A_2665 = vector.broadcast %add3A_2658 : i32 to vector<16xi32>
      %eq3A_2666 = arith.cmpi eq, %get3A_2290, %eq3A_2665 : vector<16xi32>
      %select_n3A_2667 = arith.select %eq3A_2666, %get3A_2664, %select_n3A_2654 : vector<16xi1>, vector<16xf32>
      %mul3A_2668 = arith.constant 40 : i32
      %mul3A_2669 = arith.muli %scan3A_144, %mul3A_2668 : i32
      %add3A_2670 = arith.constant 29 : i32
      %add3A_2671 = arith.addi %mul3A_2669, %add3A_2670 : i32
      %get3A_2672 = arith.constant 29 : i32
      %get3A_2673 = arith.index_cast %and3A_146 : i32 to index
      %get3A_2674 = arith.index_cast %get3A_2672 : i32 to index
      %get3A_2675 = arith.constant 64 : index
      %get3A_2676 = tpu.vector_load %arg9[%get3A_2673, %get3A_2674, %get3A_2675] {strides = array<i32>} : memref<2x40x128xf32, #tpu.memory_space<vmem>>, vector<1x1x16xf32>,
      %get3A_2677 = vector.shape_cast %get3A_2676 : vector<1x1x16xf32> to vector<16xf32>
      %eq3A_2678 = vector.broadcast %add3A_2671 : i32 to vector<16xi32>
      %eq3A_2679 = arith.cmpi eq, %get3A_2290, %eq3A_2678 : vector<16xi32>
      %select_n3A_2680 = arith.select %eq3A_2679, %get3A_2677, %select_n3A_2667 : vector<16xi1>, vector<16xf32>
      %mul3A_2681 = arith.constant 40 : i32
      %mul3A_2682 = arith.muli %scan3A_144, %mul3A_2681 : i32
      %add3A_2683 = arith.constant 30 : i32
      %add3A_2684 = arith.addi %mul3A_2682, %add3A_2683 : i32
      %get3A_2685 = arith.constant 30 : i32
      %get3A_2686 = arith.index_cast %and3A_146 : i32 to index
      %get3A_2687 = arith.index_cast %get3A_2685 : i32 to index
      %get3A_2688 = arith.constant 64 : index
      %get3A_2689 = tpu.vector_load %arg9[%get3A_2686, %get3A_2687, %get3A_2688] {strides = array<i32>} : memref<2x40x128xf32, #tpu.memory_space<vmem>>, vector<1x1x16xf32>,
      %get3A_2690 = vector.shape_cast %get3A_2689 : vector<1x1x16xf32> to vector<16xf32>
      %eq3A_2691 = vector.broadcast %add3A_2684 : i32 to vector<16xi32>
      %eq3A_2692 = arith.cmpi eq, %get3A_2290, %eq3A_2691 : vector<16xi32>
      %select_n3A_2693 = arith.select %eq3A_2692, %get3A_2690, %select_n3A_2680 : vector<16xi1>, vector<16xf32>
      %mul3A_2694 = arith.constant 40 : i32
      %mul3A_2695 = arith.muli %scan3A_144, %mul3A_2694 : i32
      %add3A_2696 = arith.constant 31 : i32
      %add3A_2697 = arith.addi %mul3A_2695, %add3A_2696 : i32
      %get3A_2698 = arith.constant 31 : i32
      %get3A_2699 = arith.index_cast %and3A_146 : i32 to index
      %get3A_2700 = arith.index_cast %get3A_2698 : i32 to index
      %get3A_2701 = arith.constant 64 : index
      %get3A_2702 = tpu.vector_load %arg9[%get3A_2699, %get3A_2700, %get3A_2701] {strides = array<i32>} : memref<2x40x128xf32, #tpu.memory_space<vmem>>, vector<1x1x16xf32>,
      %get3A_2703 = vector.shape_cast %get3A_2702 : vector<1x1x16xf32> to vector<16xf32>
      %eq3A_2704 = vector.broadcast %add3A_2697 : i32 to vector<16xi32>
      %eq3A_2705 = arith.cmpi eq, %get3A_2290, %eq3A_2704 : vector<16xi32>
      %select_n3A_2706 = arith.select %eq3A_2705, %get3A_2703, %select_n3A_2693 : vector<16xi1>, vector<16xf32>
      %mul3A_2707 = arith.constant 40 : i32
      %mul3A_2708 = arith.muli %scan3A_144, %mul3A_2707 : i32
      %add3A_2709 = arith.constant 32 : i32
      %add3A_2710 = arith.addi %mul3A_2708, %add3A_2709 : i32
      %get3A_2711 = arith.constant 32 : i32
      %get3A_2712 = arith.index_cast %and3A_146 : i32 to index
      %get3A_2713 = arith.index_cast %get3A_2711 : i32 to index
      %get3A_2714 = arith.constant 64 : index
      %get3A_2715 = tpu.vector_load %arg9[%get3A_2712, %get3A_2713, %get3A_2714] {strides = array<i32>} : memref<2x40x128xf32, #tpu.memory_space<vmem>>, vector<1x1x16xf32>,
      %get3A_2716 = vector.shape_cast %get3A_2715 : vector<1x1x16xf32> to vector<16xf32>
      %eq3A_2717 = vector.broadcast %add3A_2710 : i32 to vector<16xi32>
      %eq3A_2718 = arith.cmpi eq, %get3A_2290, %eq3A_2717 : vector<16xi32>
      %select_n3A_2719 = arith.select %eq3A_2718, %get3A_2716, %select_n3A_2706 : vector<16xi1>, vector<16xf32>
      %mul3A_2720 = arith.constant 40 : i32
      %mul3A_2721 = arith.muli %scan3A_144, %mul3A_2720 : i32
      %add3A_2722 = arith.constant 33 : i32
      %add3A_2723 = arith.addi %mul3A_2721, %add3A_2722 : i32
      %get3A_2724 = arith.constant 33 : i32
      %get3A_2725 = arith.index_cast %and3A_146 : i32 to index
      %get3A_2726 = arith.index_cast %get3A_2724 : i32 to index
      %get3A_2727 = arith.constant 64 : index
      %get3A_2728 = tpu.vector_load %arg9[%get3A_2725, %get3A_2726, %get3A_2727] {strides = array<i32>} : memref<2x40x128xf32, #tpu.memory_space<vmem>>, vector<1x1x16xf32>,
      %get3A_2729 = vector.shape_cast %get3A_2728 : vector<1x1x16xf32> to vector<16xf32>
      %eq3A_2730 = vector.broadcast %add3A_2723 : i32 to vector<16xi32>
      %eq3A_2731 = arith.cmpi eq, %get3A_2290, %eq3A_2730 : vector<16xi32>
      %select_n3A_2732 = arith.select %eq3A_2731, %get3A_2729, %select_n3A_2719 : vector<16xi1>, vector<16xf32>
      %mul3A_2733 = arith.constant 40 : i32
      %mul3A_2734 = arith.muli %scan3A_144, %mul3A_2733 : i32
      %add3A_2735 = arith.constant 34 : i32
      %add3A_2736 = arith.addi %mul3A_2734, %add3A_2735 : i32
      %get3A_2737 = arith.constant 34 : i32
      %get3A_2738 = arith.index_cast %and3A_146 : i32 to index
      %get3A_2739 = arith.index_cast %get3A_2737 : i32 to index
      %get3A_2740 = arith.constant 64 : index
      %get3A_2741 = tpu.vector_load %arg9[%get3A_2738, %get3A_2739, %get3A_2740] {strides = array<i32>} : memref<2x40x128xf32, #tpu.memory_space<vmem>>, vector<1x1x16xf32>,
      %get3A_2742 = vector.shape_cast %get3A_2741 : vector<1x1x16xf32> to vector<16xf32>
      %eq3A_2743 = vector.broadcast %add3A_2736 : i32 to vector<16xi32>
      %eq3A_2744 = arith.cmpi eq, %get3A_2290, %eq3A_2743 : vector<16xi32>
      %select_n3A_2745 = arith.select %eq3A_2744, %get3A_2742, %select_n3A_2732 : vector<16xi1>, vector<16xf32>
      %mul3A_2746 = arith.constant 40 : i32
      %mul3A_2747 = arith.muli %scan3A_144, %mul3A_2746 : i32
      %add3A_2748 = arith.constant 35 : i32
      %add3A_2749 = arith.addi %mul3A_2747, %add3A_2748 : i32
      %get3A_2750 = arith.constant 35 : i32
      %get3A_2751 = arith.index_cast %and3A_146 : i32 to index
      %get3A_2752 = arith.index_cast %get3A_2750 : i32 to index
      %get3A_2753 = arith.constant 64 : index
      %get3A_2754 = tpu.vector_load %arg9[%get3A_2751, %get3A_2752, %get3A_2753] {strides = array<i32>} : memref<2x40x128xf32, #tpu.memory_space<vmem>>, vector<1x1x16xf32>,
      %get3A_2755 = vector.shape_cast %get3A_2754 : vector<1x1x16xf32> to vector<16xf32>
      %eq3A_2756 = vector.broadcast %add3A_2749 : i32 to vector<16xi32>
      %eq3A_2757 = arith.cmpi eq, %get3A_2290, %eq3A_2756 : vector<16xi32>
      %select_n3A_2758 = arith.select %eq3A_2757, %get3A_2755, %select_n3A_2745 : vector<16xi1>, vector<16xf32>
      %mul3A_2759 = arith.constant 40 : i32
      %mul3A_2760 = arith.muli %scan3A_144, %mul3A_2759 : i32
      %add3A_2761 = arith.constant 36 : i32
      %add3A_2762 = arith.addi %mul3A_2760, %add3A_2761 : i32
      %get3A_2763 = arith.constant 36 : i32
      %get3A_2764 = arith.index_cast %and3A_146 : i32 to index
      %get3A_2765 = arith.index_cast %get3A_2763 : i32 to index
      %get3A_2766 = arith.constant 64 : index
      %get3A_2767 = tpu.vector_load %arg9[%get3A_2764, %get3A_2765, %get3A_2766] {strides = array<i32>} : memref<2x40x128xf32, #tpu.memory_space<vmem>>, vector<1x1x16xf32>,
      %get3A_2768 = vector.shape_cast %get3A_2767 : vector<1x1x16xf32> to vector<16xf32>
      %eq3A_2769 = vector.broadcast %add3A_2762 : i32 to vector<16xi32>
      %eq3A_2770 = arith.cmpi eq, %get3A_2290, %eq3A_2769 : vector<16xi32>
      %select_n3A_2771 = arith.select %eq3A_2770, %get3A_2768, %select_n3A_2758 : vector<16xi1>, vector<16xf32>
      %mul3A_2772 = arith.constant 40 : i32
      %mul3A_2773 = arith.muli %scan3A_144, %mul3A_2772 : i32
      %add3A_2774 = arith.constant 37 : i32
      %add3A_2775 = arith.addi %mul3A_2773, %add3A_2774 : i32
      %get3A_2776 = arith.constant 37 : i32
      %get3A_2777 = arith.index_cast %and3A_146 : i32 to index
      %get3A_2778 = arith.index_cast %get3A_2776 : i32 to index
      %get3A_2779 = arith.constant 64 : index
      %get3A_2780 = tpu.vector_load %arg9[%get3A_2777, %get3A_2778, %get3A_2779] {strides = array<i32>} : memref<2x40x128xf32, #tpu.memory_space<vmem>>, vector<1x1x16xf32>,
      %get3A_2781 = vector.shape_cast %get3A_2780 : vector<1x1x16xf32> to vector<16xf32>
      %eq3A_2782 = vector.broadcast %add3A_2775 : i32 to vector<16xi32>
      %eq3A_2783 = arith.cmpi eq, %get3A_2290, %eq3A_2782 : vector<16xi32>
      %select_n3A_2784 = arith.select %eq3A_2783, %get3A_2781, %select_n3A_2771 : vector<16xi1>, vector<16xf32>
      %mul3A_2785 = arith.constant 40 : i32
      %mul3A_2786 = arith.muli %scan3A_144, %mul3A_2785 : i32
      %add3A_2787 = arith.constant 38 : i32
      %add3A_2788 = arith.addi %mul3A_2786, %add3A_2787 : i32
      %get3A_2789 = arith.constant 38 : i32
      %get3A_2790 = arith.index_cast %and3A_146 : i32 to index
      %get3A_2791 = arith.index_cast %get3A_2789 : i32 to index
      %get3A_2792 = arith.constant 64 : index
      %get3A_2793 = tpu.vector_load %arg9[%get3A_2790, %get3A_2791, %get3A_2792] {strides = array<i32>} : memref<2x40x128xf32, #tpu.memory_space<vmem>>, vector<1x1x16xf32>,
      %get3A_2794 = vector.shape_cast %get3A_2793 : vector<1x1x16xf32> to vector<16xf32>
      %eq3A_2795 = vector.broadcast %add3A_2788 : i32 to vector<16xi32>
      %eq3A_2796 = arith.cmpi eq, %get3A_2290, %eq3A_2795 : vector<16xi32>
      %select_n3A_2797 = arith.select %eq3A_2796, %get3A_2794, %select_n3A_2784 : vector<16xi1>, vector<16xf32>
      %mul3A_2798 = arith.constant 40 : i32
      %mul3A_2799 = arith.muli %scan3A_144, %mul3A_2798 : i32
      %add3A_2800 = arith.constant 39 : i32
      %add3A_2801 = arith.addi %mul3A_2799, %add3A_2800 : i32
      %get3A_2802 = arith.constant 39 : i32
      %get3A_2803 = arith.index_cast %and3A_146 : i32 to index
      %get3A_2804 = arith.index_cast %get3A_2802 : i32 to index
      %get3A_2805 = arith.constant 64 : index
      %get3A_2806 = tpu.vector_load %arg9[%get3A_2803, %get3A_2804, %get3A_2805] {strides = array<i32>} : memref<2x40x128xf32, #tpu.memory_space<vmem>>, vector<1x1x16xf32>,
      %get3A_2807 = vector.shape_cast %get3A_2806 : vector<1x1x16xf32> to vector<16xf32>
      %eq3A_2808 = vector.broadcast %add3A_2801 : i32 to vector<16xi32>
      %eq3A_2809 = arith.cmpi eq, %get3A_2290, %eq3A_2808 : vector<16xi32>
      %select_n3A_2810 = arith.select %eq3A_2809, %get3A_2807, %select_n3A_2797 : vector<16xi1>, vector<16xf32>
      %swap3A_2811 = arith.constant 64 : index
      %swap3A_2812 = tpu.vector_load %arg8[%swap3A_2811] {strides = array<i32>} : memref<128xf32, #tpu.memory_space<vmem>>, vector<16xf32>,
      %swap3A_2813 = vector.shape_cast %swap3A_2812 : vector<16xf32> to vector<16xf32>
      %swap3A_2814 = vector.shape_cast %select_n3A_2810 : vector<16xf32> to vector<16xf32>
      tpu.vector_store %arg8[%swap3A_2811], %swap3A_2814 {strides = array<i32>} : memref<128xf32, #tpu.memory_space<vmem>>, vector<16xf32>,
      %get3A_2815 = arith.constant 80 : index
      %get3A_2816 = tpu.vector_load %arg8[%get3A_2815] {strides = array<i32>} : memref<128xf32, #tpu.memory_space<vmem>>, vector<16xf32>,
      %get3A_2817 = vector.shape_cast %get3A_2816 : vector<16xf32> to vector<16xf32>
      %get3A_2818 = arith.constant 80 : index
      %get3A_2819 = tpu.vector_load %arg6[%get3A_2818] {strides = array<i32>} : memref<128xi32, #tpu.memory_space<vmem>>, vector<16xi32>,
      %get3A_2820 = vector.shape_cast %get3A_2819 : vector<16xi32> to vector<16xi32>
      %mul3A_2821 = arith.constant 40 : i32
      %mul3A_2822 = arith.muli %scan3A_144, %mul3A_2821 : i32
      %add3A_2823 = arith.constant 0 : i32
      %add3A_2824 = arith.addi %mul3A_2822, %add3A_2823 : i32
      %get3A_2825 = arith.constant 0 : i32
      %get3A_2826 = arith.index_cast %and3A_146 : i32 to index
      %get3A_2827 = arith.index_cast %get3A_2825 : i32 to index
      %get3A_2828 = arith.constant 80 : index
      %get3A_2829 = tpu.vector_load %arg9[%get3A_2826, %get3A_2827, %get3A_2828] {strides = array<i32>} : memref<2x40x128xf32, #tpu.memory_space<vmem>>, vector<1x1x16xf32>,
      %get3A_2830 = vector.shape_cast %get3A_2829 : vector<1x1x16xf32> to vector<16xf32>
      %eq3A_2831 = vector.broadcast %add3A_2824 : i32 to vector<16xi32>
      %eq3A_2832 = arith.cmpi eq, %get3A_2820, %eq3A_2831 : vector<16xi32>
      %select_n3A_2833 = arith.select %eq3A_2832, %get3A_2830, %get3A_2817 : vector<16xi1>, vector<16xf32>
      %mul3A_2834 = arith.constant 40 : i32
      %mul3A_2835 = arith.muli %scan3A_144, %mul3A_2834 : i32
      %add3A_2836 = arith.constant 1 : i32
      %add3A_2837 = arith.addi %mul3A_2835, %add3A_2836 : i32
      %get3A_2838 = arith.constant 1 : i32
      %get3A_2839 = arith.index_cast %and3A_146 : i32 to index
      %get3A_2840 = arith.index_cast %get3A_2838 : i32 to index
      %get3A_2841 = arith.constant 80 : index
      %get3A_2842 = tpu.vector_load %arg9[%get3A_2839, %get3A_2840, %get3A_2841] {strides = array<i32>} : memref<2x40x128xf32, #tpu.memory_space<vmem>>, vector<1x1x16xf32>,
      %get3A_2843 = vector.shape_cast %get3A_2842 : vector<1x1x16xf32> to vector<16xf32>
      %eq3A_2844 = vector.broadcast %add3A_2837 : i32 to vector<16xi32>
      %eq3A_2845 = arith.cmpi eq, %get3A_2820, %eq3A_2844 : vector<16xi32>
      %select_n3A_2846 = arith.select %eq3A_2845, %get3A_2843, %select_n3A_2833 : vector<16xi1>, vector<16xf32>
      %mul3A_2847 = arith.constant 40 : i32
      %mul3A_2848 = arith.muli %scan3A_144, %mul3A_2847 : i32
      %add3A_2849 = arith.constant 2 : i32
      %add3A_2850 = arith.addi %mul3A_2848, %add3A_2849 : i32
      %get3A_2851 = arith.constant 2 : i32
      %get3A_2852 = arith.index_cast %and3A_146 : i32 to index
      %get3A_2853 = arith.index_cast %get3A_2851 : i32 to index
      %get3A_2854 = arith.constant 80 : index
      %get3A_2855 = tpu.vector_load %arg9[%get3A_2852, %get3A_2853, %get3A_2854] {strides = array<i32>} : memref<2x40x128xf32, #tpu.memory_space<vmem>>, vector<1x1x16xf32>,
      %get3A_2856 = vector.shape_cast %get3A_2855 : vector<1x1x16xf32> to vector<16xf32>
      %eq3A_2857 = vector.broadcast %add3A_2850 : i32 to vector<16xi32>
      %eq3A_2858 = arith.cmpi eq, %get3A_2820, %eq3A_2857 : vector<16xi32>
      %select_n3A_2859 = arith.select %eq3A_2858, %get3A_2856, %select_n3A_2846 : vector<16xi1>, vector<16xf32>
      %mul3A_2860 = arith.constant 40 : i32
      %mul3A_2861 = arith.muli %scan3A_144, %mul3A_2860 : i32
      %add3A_2862 = arith.constant 3 : i32
      %add3A_2863 = arith.addi %mul3A_2861, %add3A_2862 : i32
      %get3A_2864 = arith.constant 3 : i32
      %get3A_2865 = arith.index_cast %and3A_146 : i32 to index
      %get3A_2866 = arith.index_cast %get3A_2864 : i32 to index
      %get3A_2867 = arith.constant 80 : index
      %get3A_2868 = tpu.vector_load %arg9[%get3A_2865, %get3A_2866, %get3A_2867] {strides = array<i32>} : memref<2x40x128xf32, #tpu.memory_space<vmem>>, vector<1x1x16xf32>,
      %get3A_2869 = vector.shape_cast %get3A_2868 : vector<1x1x16xf32> to vector<16xf32>
      %eq3A_2870 = vector.broadcast %add3A_2863 : i32 to vector<16xi32>
      %eq3A_2871 = arith.cmpi eq, %get3A_2820, %eq3A_2870 : vector<16xi32>
      %select_n3A_2872 = arith.select %eq3A_2871, %get3A_2869, %select_n3A_2859 : vector<16xi1>, vector<16xf32>
      %mul3A_2873 = arith.constant 40 : i32
      %mul3A_2874 = arith.muli %scan3A_144, %mul3A_2873 : i32
      %add3A_2875 = arith.constant 4 : i32
      %add3A_2876 = arith.addi %mul3A_2874, %add3A_2875 : i32
      %get3A_2877 = arith.constant 4 : i32
      %get3A_2878 = arith.index_cast %and3A_146 : i32 to index
      %get3A_2879 = arith.index_cast %get3A_2877 : i32 to index
      %get3A_2880 = arith.constant 80 : index
      %get3A_2881 = tpu.vector_load %arg9[%get3A_2878, %get3A_2879, %get3A_2880] {strides = array<i32>} : memref<2x40x128xf32, #tpu.memory_space<vmem>>, vector<1x1x16xf32>,
      %get3A_2882 = vector.shape_cast %get3A_2881 : vector<1x1x16xf32> to vector<16xf32>
      %eq3A_2883 = vector.broadcast %add3A_2876 : i32 to vector<16xi32>
      %eq3A_2884 = arith.cmpi eq, %get3A_2820, %eq3A_2883 : vector<16xi32>
      %select_n3A_2885 = arith.select %eq3A_2884, %get3A_2882, %select_n3A_2872 : vector<16xi1>, vector<16xf32>
      %mul3A_2886 = arith.constant 40 : i32
      %mul3A_2887 = arith.muli %scan3A_144, %mul3A_2886 : i32
      %add3A_2888 = arith.constant 5 : i32
      %add3A_2889 = arith.addi %mul3A_2887, %add3A_2888 : i32
      %get3A_2890 = arith.constant 5 : i32
      %get3A_2891 = arith.index_cast %and3A_146 : i32 to index
      %get3A_2892 = arith.index_cast %get3A_2890 : i32 to index
      %get3A_2893 = arith.constant 80 : index
      %get3A_2894 = tpu.vector_load %arg9[%get3A_2891, %get3A_2892, %get3A_2893] {strides = array<i32>} : memref<2x40x128xf32, #tpu.memory_space<vmem>>, vector<1x1x16xf32>,
      %get3A_2895 = vector.shape_cast %get3A_2894 : vector<1x1x16xf32> to vector<16xf32>
      %eq3A_2896 = vector.broadcast %add3A_2889 : i32 to vector<16xi32>
      %eq3A_2897 = arith.cmpi eq, %get3A_2820, %eq3A_2896 : vector<16xi32>
      %select_n3A_2898 = arith.select %eq3A_2897, %get3A_2895, %select_n3A_2885 : vector<16xi1>, vector<16xf32>
      %mul3A_2899 = arith.constant 40 : i32
      %mul3A_2900 = arith.muli %scan3A_144, %mul3A_2899 : i32
      %add3A_2901 = arith.constant 6 : i32
      %add3A_2902 = arith.addi %mul3A_2900, %add3A_2901 : i32
      %get3A_2903 = arith.constant 6 : i32
      %get3A_2904 = arith.index_cast %and3A_146 : i32 to index
      %get3A_2905 = arith.index_cast %get3A_2903 : i32 to index
      %get3A_2906 = arith.constant 80 : index
      %get3A_2907 = tpu.vector_load %arg9[%get3A_2904, %get3A_2905, %get3A_2906] {strides = array<i32>} : memref<2x40x128xf32, #tpu.memory_space<vmem>>, vector<1x1x16xf32>,
      %get3A_2908 = vector.shape_cast %get3A_2907 : vector<1x1x16xf32> to vector<16xf32>
      %eq3A_2909 = vector.broadcast %add3A_2902 : i32 to vector<16xi32>
      %eq3A_2910 = arith.cmpi eq, %get3A_2820, %eq3A_2909 : vector<16xi32>
      %select_n3A_2911 = arith.select %eq3A_2910, %get3A_2908, %select_n3A_2898 : vector<16xi1>, vector<16xf32>
      %mul3A_2912 = arith.constant 40 : i32
      %mul3A_2913 = arith.muli %scan3A_144, %mul3A_2912 : i32
      %add3A_2914 = arith.constant 7 : i32
      %add3A_2915 = arith.addi %mul3A_2913, %add3A_2914 : i32
      %get3A_2916 = arith.constant 7 : i32
      %get3A_2917 = arith.index_cast %and3A_146 : i32 to index
      %get3A_2918 = arith.index_cast %get3A_2916 : i32 to index
      %get3A_2919 = arith.constant 80 : index
      %get3A_2920 = tpu.vector_load %arg9[%get3A_2917, %get3A_2918, %get3A_2919] {strides = array<i32>} : memref<2x40x128xf32, #tpu.memory_space<vmem>>, vector<1x1x16xf32>,
      %get3A_2921 = vector.shape_cast %get3A_2920 : vector<1x1x16xf32> to vector<16xf32>
      %eq3A_2922 = vector.broadcast %add3A_2915 : i32 to vector<16xi32>
      %eq3A_2923 = arith.cmpi eq, %get3A_2820, %eq3A_2922 : vector<16xi32>
      %select_n3A_2924 = arith.select %eq3A_2923, %get3A_2921, %select_n3A_2911 : vector<16xi1>, vector<16xf32>
      %mul3A_2925 = arith.constant 40 : i32
      %mul3A_2926 = arith.muli %scan3A_144, %mul3A_2925 : i32
      %add3A_2927 = arith.constant 8 : i32
      %add3A_2928 = arith.addi %mul3A_2926, %add3A_2927 : i32
      %get3A_2929 = arith.constant 8 : i32
      %get3A_2930 = arith.index_cast %and3A_146 : i32 to index
      %get3A_2931 = arith.index_cast %get3A_2929 : i32 to index
      %get3A_2932 = arith.constant 80 : index
      %get3A_2933 = tpu.vector_load %arg9[%get3A_2930, %get3A_2931, %get3A_2932] {strides = array<i32>} : memref<2x40x128xf32, #tpu.memory_space<vmem>>, vector<1x1x16xf32>,
      %get3A_2934 = vector.shape_cast %get3A_2933 : vector<1x1x16xf32> to vector<16xf32>
      %eq3A_2935 = vector.broadcast %add3A_2928 : i32 to vector<16xi32>
      %eq3A_2936 = arith.cmpi eq, %get3A_2820, %eq3A_2935 : vector<16xi32>
      %select_n3A_2937 = arith.select %eq3A_2936, %get3A_2934, %select_n3A_2924 : vector<16xi1>, vector<16xf32>
      %mul3A_2938 = arith.constant 40 : i32
      %mul3A_2939 = arith.muli %scan3A_144, %mul3A_2938 : i32
      %add3A_2940 = arith.constant 9 : i32
      %add3A_2941 = arith.addi %mul3A_2939, %add3A_2940 : i32
      %get3A_2942 = arith.constant 9 : i32
      %get3A_2943 = arith.index_cast %and3A_146 : i32 to index
      %get3A_2944 = arith.index_cast %get3A_2942 : i32 to index
      %get3A_2945 = arith.constant 80 : index
      %get3A_2946 = tpu.vector_load %arg9[%get3A_2943, %get3A_2944, %get3A_2945] {strides = array<i32>} : memref<2x40x128xf32, #tpu.memory_space<vmem>>, vector<1x1x16xf32>,
      %get3A_2947 = vector.shape_cast %get3A_2946 : vector<1x1x16xf32> to vector<16xf32>
      %eq3A_2948 = vector.broadcast %add3A_2941 : i32 to vector<16xi32>
      %eq3A_2949 = arith.cmpi eq, %get3A_2820, %eq3A_2948 : vector<16xi32>
      %select_n3A_2950 = arith.select %eq3A_2949, %get3A_2947, %select_n3A_2937 : vector<16xi1>, vector<16xf32>
      %mul3A_2951 = arith.constant 40 : i32
      %mul3A_2952 = arith.muli %scan3A_144, %mul3A_2951 : i32
      %add3A_2953 = arith.constant 10 : i32
      %add3A_2954 = arith.addi %mul3A_2952, %add3A_2953 : i32
      %get3A_2955 = arith.constant 10 : i32
      %get3A_2956 = arith.index_cast %and3A_146 : i32 to index
      %get3A_2957 = arith.index_cast %get3A_2955 : i32 to index
      %get3A_2958 = arith.constant 80 : index
      %get3A_2959 = tpu.vector_load %arg9[%get3A_2956, %get3A_2957, %get3A_2958] {strides = array<i32>} : memref<2x40x128xf32, #tpu.memory_space<vmem>>, vector<1x1x16xf32>,
      %get3A_2960 = vector.shape_cast %get3A_2959 : vector<1x1x16xf32> to vector<16xf32>
      %eq3A_2961 = vector.broadcast %add3A_2954 : i32 to vector<16xi32>
      %eq3A_2962 = arith.cmpi eq, %get3A_2820, %eq3A_2961 : vector<16xi32>
      %select_n3A_2963 = arith.select %eq3A_2962, %get3A_2960, %select_n3A_2950 : vector<16xi1>, vector<16xf32>
      %mul3A_2964 = arith.constant 40 : i32
      %mul3A_2965 = arith.muli %scan3A_144, %mul3A_2964 : i32
      %add3A_2966 = arith.constant 11 : i32
      %add3A_2967 = arith.addi %mul3A_2965, %add3A_2966 : i32
      %get3A_2968 = arith.constant 11 : i32
      %get3A_2969 = arith.index_cast %and3A_146 : i32 to index
      %get3A_2970 = arith.index_cast %get3A_2968 : i32 to index
      %get3A_2971 = arith.constant 80 : index
      %get3A_2972 = tpu.vector_load %arg9[%get3A_2969, %get3A_2970, %get3A_2971] {strides = array<i32>} : memref<2x40x128xf32, #tpu.memory_space<vmem>>, vector<1x1x16xf32>,
      %get3A_2973 = vector.shape_cast %get3A_2972 : vector<1x1x16xf32> to vector<16xf32>
      %eq3A_2974 = vector.broadcast %add3A_2967 : i32 to vector<16xi32>
      %eq3A_2975 = arith.cmpi eq, %get3A_2820, %eq3A_2974 : vector<16xi32>
      %select_n3A_2976 = arith.select %eq3A_2975, %get3A_2973, %select_n3A_2963 : vector<16xi1>, vector<16xf32>
      %mul3A_2977 = arith.constant 40 : i32
      %mul3A_2978 = arith.muli %scan3A_144, %mul3A_2977 : i32
      %add3A_2979 = arith.constant 12 : i32
      %add3A_2980 = arith.addi %mul3A_2978, %add3A_2979 : i32
      %get3A_2981 = arith.constant 12 : i32
      %get3A_2982 = arith.index_cast %and3A_146 : i32 to index
      %get3A_2983 = arith.index_cast %get3A_2981 : i32 to index
      %get3A_2984 = arith.constant 80 : index
      %get3A_2985 = tpu.vector_load %arg9[%get3A_2982, %get3A_2983, %get3A_2984] {strides = array<i32>} : memref<2x40x128xf32, #tpu.memory_space<vmem>>, vector<1x1x16xf32>,
      %get3A_2986 = vector.shape_cast %get3A_2985 : vector<1x1x16xf32> to vector<16xf32>
      %eq3A_2987 = vector.broadcast %add3A_2980 : i32 to vector<16xi32>
      %eq3A_2988 = arith.cmpi eq, %get3A_2820, %eq3A_2987 : vector<16xi32>
      %select_n3A_2989 = arith.select %eq3A_2988, %get3A_2986, %select_n3A_2976 : vector<16xi1>, vector<16xf32>
      %mul3A_2990 = arith.constant 40 : i32
      %mul3A_2991 = arith.muli %scan3A_144, %mul3A_2990 : i32
      %add3A_2992 = arith.constant 13 : i32
      %add3A_2993 = arith.addi %mul3A_2991, %add3A_2992 : i32
      %get3A_2994 = arith.constant 13 : i32
      %get3A_2995 = arith.index_cast %and3A_146 : i32 to index
      %get3A_2996 = arith.index_cast %get3A_2994 : i32 to index
      %get3A_2997 = arith.constant 80 : index
      %get3A_2998 = tpu.vector_load %arg9[%get3A_2995, %get3A_2996, %get3A_2997] {strides = array<i32>} : memref<2x40x128xf32, #tpu.memory_space<vmem>>, vector<1x1x16xf32>,
      %get3A_2999 = vector.shape_cast %get3A_2998 : vector<1x1x16xf32> to vector<16xf32>
      %eq3A_3000 = vector.broadcast %add3A_2993 : i32 to vector<16xi32>
      %eq3A_3001 = arith.cmpi eq, %get3A_2820, %eq3A_3000 : vector<16xi32>
      %select_n3A_3002 = arith.select %eq3A_3001, %get3A_2999, %select_n3A_2989 : vector<16xi1>, vector<16xf32>
      %mul3A_3003 = arith.constant 40 : i32
      %mul3A_3004 = arith.muli %scan3A_144, %mul3A_3003 : i32
      %add3A_3005 = arith.constant 14 : i32
      %add3A_3006 = arith.addi %mul3A_3004, %add3A_3005 : i32
      %get3A_3007 = arith.constant 14 : i32
      %get3A_3008 = arith.index_cast %and3A_146 : i32 to index
      %get3A_3009 = arith.index_cast %get3A_3007 : i32 to index
      %get3A_3010 = arith.constant 80 : index
      %get3A_3011 = tpu.vector_load %arg9[%get3A_3008, %get3A_3009, %get3A_3010] {strides = array<i32>} : memref<2x40x128xf32, #tpu.memory_space<vmem>>, vector<1x1x16xf32>,
      %get3A_3012 = vector.shape_cast %get3A_3011 : vector<1x1x16xf32> to vector<16xf32>
      %eq3A_3013 = vector.broadcast %add3A_3006 : i32 to vector<16xi32>
      %eq3A_3014 = arith.cmpi eq, %get3A_2820, %eq3A_3013 : vector<16xi32>
      %select_n3A_3015 = arith.select %eq3A_3014, %get3A_3012, %select_n3A_3002 : vector<16xi1>, vector<16xf32>
      %mul3A_3016 = arith.constant 40 : i32
      %mul3A_3017 = arith.muli %scan3A_144, %mul3A_3016 : i32
      %add3A_3018 = arith.constant 15 : i32
      %add3A_3019 = arith.addi %mul3A_3017, %add3A_3018 : i32
      %get3A_3020 = arith.constant 15 : i32
      %get3A_3021 = arith.index_cast %and3A_146 : i32 to index
      %get3A_3022 = arith.index_cast %get3A_3020 : i32 to index
      %get3A_3023 = arith.constant 80 : index
      %get3A_3024 = tpu.vector_load %arg9[%get3A_3021, %get3A_3022, %get3A_3023] {strides = array<i32>} : memref<2x40x128xf32, #tpu.memory_space<vmem>>, vector<1x1x16xf32>,
      %get3A_3025 = vector.shape_cast %get3A_3024 : vector<1x1x16xf32> to vector<16xf32>
      %eq3A_3026 = vector.broadcast %add3A_3019 : i32 to vector<16xi32>
      %eq3A_3027 = arith.cmpi eq, %get3A_2820, %eq3A_3026 : vector<16xi32>
      %select_n3A_3028 = arith.select %eq3A_3027, %get3A_3025, %select_n3A_3015 : vector<16xi1>, vector<16xf32>
      %mul3A_3029 = arith.constant 40 : i32
      %mul3A_3030 = arith.muli %scan3A_144, %mul3A_3029 : i32
      %add3A_3031 = arith.constant 16 : i32
      %add3A_3032 = arith.addi %mul3A_3030, %add3A_3031 : i32
      %get3A_3033 = arith.constant 16 : i32
      %get3A_3034 = arith.index_cast %and3A_146 : i32 to index
      %get3A_3035 = arith.index_cast %get3A_3033 : i32 to index
      %get3A_3036 = arith.constant 80 : index
      %get3A_3037 = tpu.vector_load %arg9[%get3A_3034, %get3A_3035, %get3A_3036] {strides = array<i32>} : memref<2x40x128xf32, #tpu.memory_space<vmem>>, vector<1x1x16xf32>,
      %get3A_3038 = vector.shape_cast %get3A_3037 : vector<1x1x16xf32> to vector<16xf32>
      %eq3A_3039 = vector.broadcast %add3A_3032 : i32 to vector<16xi32>
      %eq3A_3040 = arith.cmpi eq, %get3A_2820, %eq3A_3039 : vector<16xi32>
      %select_n3A_3041 = arith.select %eq3A_3040, %get3A_3038, %select_n3A_3028 : vector<16xi1>, vector<16xf32>
      %mul3A_3042 = arith.constant 40 : i32
      %mul3A_3043 = arith.muli %scan3A_144, %mul3A_3042 : i32
      %add3A_3044 = arith.constant 17 : i32
      %add3A_3045 = arith.addi %mul3A_3043, %add3A_3044 : i32
      %get3A_3046 = arith.constant 17 : i32
      %get3A_3047 = arith.index_cast %and3A_146 : i32 to index
      %get3A_3048 = arith.index_cast %get3A_3046 : i32 to index
      %get3A_3049 = arith.constant 80 : index
      %get3A_3050 = tpu.vector_load %arg9[%get3A_3047, %get3A_3048, %get3A_3049] {strides = array<i32>} : memref<2x40x128xf32, #tpu.memory_space<vmem>>, vector<1x1x16xf32>,
      %get3A_3051 = vector.shape_cast %get3A_3050 : vector<1x1x16xf32> to vector<16xf32>
      %eq3A_3052 = vector.broadcast %add3A_3045 : i32 to vector<16xi32>
      %eq3A_3053 = arith.cmpi eq, %get3A_2820, %eq3A_3052 : vector<16xi32>
      %select_n3A_3054 = arith.select %eq3A_3053, %get3A_3051, %select_n3A_3041 : vector<16xi1>, vector<16xf32>
      %mul3A_3055 = arith.constant 40 : i32
      %mul3A_3056 = arith.muli %scan3A_144, %mul3A_3055 : i32
      %add3A_3057 = arith.constant 18 : i32
      %add3A_3058 = arith.addi %mul3A_3056, %add3A_3057 : i32
      %get3A_3059 = arith.constant 18 : i32
      %get3A_3060 = arith.index_cast %and3A_146 : i32 to index
      %get3A_3061 = arith.index_cast %get3A_3059 : i32 to index
      %get3A_3062 = arith.constant 80 : index
      %get3A_3063 = tpu.vector_load %arg9[%get3A_3060, %get3A_3061, %get3A_3062] {strides = array<i32>} : memref<2x40x128xf32, #tpu.memory_space<vmem>>, vector<1x1x16xf32>,
      %get3A_3064 = vector.shape_cast %get3A_3063 : vector<1x1x16xf32> to vector<16xf32>
      %eq3A_3065 = vector.broadcast %add3A_3058 : i32 to vector<16xi32>
      %eq3A_3066 = arith.cmpi eq, %get3A_2820, %eq3A_3065 : vector<16xi32>
      %select_n3A_3067 = arith.select %eq3A_3066, %get3A_3064, %select_n3A_3054 : vector<16xi1>, vector<16xf32>
      %mul3A_3068 = arith.constant 40 : i32
      %mul3A_3069 = arith.muli %scan3A_144, %mul3A_3068 : i32
      %add3A_3070 = arith.constant 19 : i32
      %add3A_3071 = arith.addi %mul3A_3069, %add3A_3070 : i32
      %get3A_3072 = arith.constant 19 : i32
      %get3A_3073 = arith.index_cast %and3A_146 : i32 to index
      %get3A_3074 = arith.index_cast %get3A_3072 : i32 to index
      %get3A_3075 = arith.constant 80 : index
      %get3A_3076 = tpu.vector_load %arg9[%get3A_3073, %get3A_3074, %get3A_3075] {strides = array<i32>} : memref<2x40x128xf32, #tpu.memory_space<vmem>>, vector<1x1x16xf32>,
      %get3A_3077 = vector.shape_cast %get3A_3076 : vector<1x1x16xf32> to vector<16xf32>
      %eq3A_3078 = vector.broadcast %add3A_3071 : i32 to vector<16xi32>
      %eq3A_3079 = arith.cmpi eq, %get3A_2820, %eq3A_3078 : vector<16xi32>
      %select_n3A_3080 = arith.select %eq3A_3079, %get3A_3077, %select_n3A_3067 : vector<16xi1>, vector<16xf32>
      %mul3A_3081 = arith.constant 40 : i32
      %mul3A_3082 = arith.muli %scan3A_144, %mul3A_3081 : i32
      %add3A_3083 = arith.constant 20 : i32
      %add3A_3084 = arith.addi %mul3A_3082, %add3A_3083 : i32
      %get3A_3085 = arith.constant 20 : i32
      %get3A_3086 = arith.index_cast %and3A_146 : i32 to index
      %get3A_3087 = arith.index_cast %get3A_3085 : i32 to index
      %get3A_3088 = arith.constant 80 : index
      %get3A_3089 = tpu.vector_load %arg9[%get3A_3086, %get3A_3087, %get3A_3088] {strides = array<i32>} : memref<2x40x128xf32, #tpu.memory_space<vmem>>, vector<1x1x16xf32>,
      %get3A_3090 = vector.shape_cast %get3A_3089 : vector<1x1x16xf32> to vector<16xf32>
      %eq3A_3091 = vector.broadcast %add3A_3084 : i32 to vector<16xi32>
      %eq3A_3092 = arith.cmpi eq, %get3A_2820, %eq3A_3091 : vector<16xi32>
      %select_n3A_3093 = arith.select %eq3A_3092, %get3A_3090, %select_n3A_3080 : vector<16xi1>, vector<16xf32>
      %mul3A_3094 = arith.constant 40 : i32
      %mul3A_3095 = arith.muli %scan3A_144, %mul3A_3094 : i32
      %add3A_3096 = arith.constant 21 : i32
      %add3A_3097 = arith.addi %mul3A_3095, %add3A_3096 : i32
      %get3A_3098 = arith.constant 21 : i32
      %get3A_3099 = arith.index_cast %and3A_146 : i32 to index
      %get3A_3100 = arith.index_cast %get3A_3098 : i32 to index
      %get3A_3101 = arith.constant 80 : index
      %get3A_3102 = tpu.vector_load %arg9[%get3A_3099, %get3A_3100, %get3A_3101] {strides = array<i32>} : memref<2x40x128xf32, #tpu.memory_space<vmem>>, vector<1x1x16xf32>,
      %get3A_3103 = vector.shape_cast %get3A_3102 : vector<1x1x16xf32> to vector<16xf32>
      %eq3A_3104 = vector.broadcast %add3A_3097 : i32 to vector<16xi32>
      %eq3A_3105 = arith.cmpi eq, %get3A_2820, %eq3A_3104 : vector<16xi32>
      %select_n3A_3106 = arith.select %eq3A_3105, %get3A_3103, %select_n3A_3093 : vector<16xi1>, vector<16xf32>
      %mul3A_3107 = arith.constant 40 : i32
      %mul3A_3108 = arith.muli %scan3A_144, %mul3A_3107 : i32
      %add3A_3109 = arith.constant 22 : i32
      %add3A_3110 = arith.addi %mul3A_3108, %add3A_3109 : i32
      %get3A_3111 = arith.constant 22 : i32
      %get3A_3112 = arith.index_cast %and3A_146 : i32 to index
      %get3A_3113 = arith.index_cast %get3A_3111 : i32 to index
      %get3A_3114 = arith.constant 80 : index
      %get3A_3115 = tpu.vector_load %arg9[%get3A_3112, %get3A_3113, %get3A_3114] {strides = array<i32>} : memref<2x40x128xf32, #tpu.memory_space<vmem>>, vector<1x1x16xf32>,
      %get3A_3116 = vector.shape_cast %get3A_3115 : vector<1x1x16xf32> to vector<16xf32>
      %eq3A_3117 = vector.broadcast %add3A_3110 : i32 to vector<16xi32>
      %eq3A_3118 = arith.cmpi eq, %get3A_2820, %eq3A_3117 : vector<16xi32>
      %select_n3A_3119 = arith.select %eq3A_3118, %get3A_3116, %select_n3A_3106 : vector<16xi1>, vector<16xf32>
      %mul3A_3120 = arith.constant 40 : i32
      %mul3A_3121 = arith.muli %scan3A_144, %mul3A_3120 : i32
      %add3A_3122 = arith.constant 23 : i32
      %add3A_3123 = arith.addi %mul3A_3121, %add3A_3122 : i32
      %get3A_3124 = arith.constant 23 : i32
      %get3A_3125 = arith.index_cast %and3A_146 : i32 to index
      %get3A_3126 = arith.index_cast %get3A_3124 : i32 to index
      %get3A_3127 = arith.constant 80 : index
      %get3A_3128 = tpu.vector_load %arg9[%get3A_3125, %get3A_3126, %get3A_3127] {strides = array<i32>} : memref<2x40x128xf32, #tpu.memory_space<vmem>>, vector<1x1x16xf32>,
      %get3A_3129 = vector.shape_cast %get3A_3128 : vector<1x1x16xf32> to vector<16xf32>
      %eq3A_3130 = vector.broadcast %add3A_3123 : i32 to vector<16xi32>
      %eq3A_3131 = arith.cmpi eq, %get3A_2820, %eq3A_3130 : vector<16xi32>
      %select_n3A_3132 = arith.select %eq3A_3131, %get3A_3129, %select_n3A_3119 : vector<16xi1>, vector<16xf32>
      %mul3A_3133 = arith.constant 40 : i32
      %mul3A_3134 = arith.muli %scan3A_144, %mul3A_3133 : i32
      %add3A_3135 = arith.constant 24 : i32
      %add3A_3136 = arith.addi %mul3A_3134, %add3A_3135 : i32
      %get3A_3137 = arith.constant 24 : i32
      %get3A_3138 = arith.index_cast %and3A_146 : i32 to index
      %get3A_3139 = arith.index_cast %get3A_3137 : i32 to index
      %get3A_3140 = arith.constant 80 : index
      %get3A_3141 = tpu.vector_load %arg9[%get3A_3138, %get3A_3139, %get3A_3140] {strides = array<i32>} : memref<2x40x128xf32, #tpu.memory_space<vmem>>, vector<1x1x16xf32>,
      %get3A_3142 = vector.shape_cast %get3A_3141 : vector<1x1x16xf32> to vector<16xf32>
      %eq3A_3143 = vector.broadcast %add3A_3136 : i32 to vector<16xi32>
      %eq3A_3144 = arith.cmpi eq, %get3A_2820, %eq3A_3143 : vector<16xi32>
      %select_n3A_3145 = arith.select %eq3A_3144, %get3A_3142, %select_n3A_3132 : vector<16xi1>, vector<16xf32>
      %mul3A_3146 = arith.constant 40 : i32
      %mul3A_3147 = arith.muli %scan3A_144, %mul3A_3146 : i32
      %add3A_3148 = arith.constant 25 : i32
      %add3A_3149 = arith.addi %mul3A_3147, %add3A_3148 : i32
      %get3A_3150 = arith.constant 25 : i32
      %get3A_3151 = arith.index_cast %and3A_146 : i32 to index
      %get3A_3152 = arith.index_cast %get3A_3150 : i32 to index
      %get3A_3153 = arith.constant 80 : index
      %get3A_3154 = tpu.vector_load %arg9[%get3A_3151, %get3A_3152, %get3A_3153] {strides = array<i32>} : memref<2x40x128xf32, #tpu.memory_space<vmem>>, vector<1x1x16xf32>,
      %get3A_3155 = vector.shape_cast %get3A_3154 : vector<1x1x16xf32> to vector<16xf32>
      %eq3A_3156 = vector.broadcast %add3A_3149 : i32 to vector<16xi32>
      %eq3A_3157 = arith.cmpi eq, %get3A_2820, %eq3A_3156 : vector<16xi32>
      %select_n3A_3158 = arith.select %eq3A_3157, %get3A_3155, %select_n3A_3145 : vector<16xi1>, vector<16xf32>
      %mul3A_3159 = arith.constant 40 : i32
      %mul3A_3160 = arith.muli %scan3A_144, %mul3A_3159 : i32
      %add3A_3161 = arith.constant 26 : i32
      %add3A_3162 = arith.addi %mul3A_3160, %add3A_3161 : i32
      %get3A_3163 = arith.constant 26 : i32
      %get3A_3164 = arith.index_cast %and3A_146 : i32 to index
      %get3A_3165 = arith.index_cast %get3A_3163 : i32 to index
      %get3A_3166 = arith.constant 80 : index
      %get3A_3167 = tpu.vector_load %arg9[%get3A_3164, %get3A_3165, %get3A_3166] {strides = array<i32>} : memref<2x40x128xf32, #tpu.memory_space<vmem>>, vector<1x1x16xf32>,
      %get3A_3168 = vector.shape_cast %get3A_3167 : vector<1x1x16xf32> to vector<16xf32>
      %eq3A_3169 = vector.broadcast %add3A_3162 : i32 to vector<16xi32>
      %eq3A_3170 = arith.cmpi eq, %get3A_2820, %eq3A_3169 : vector<16xi32>
      %select_n3A_3171 = arith.select %eq3A_3170, %get3A_3168, %select_n3A_3158 : vector<16xi1>, vector<16xf32>
      %mul3A_3172 = arith.constant 40 : i32
      %mul3A_3173 = arith.muli %scan3A_144, %mul3A_3172 : i32
      %add3A_3174 = arith.constant 27 : i32
      %add3A_3175 = arith.addi %mul3A_3173, %add3A_3174 : i32
      %get3A_3176 = arith.constant 27 : i32
      %get3A_3177 = arith.index_cast %and3A_146 : i32 to index
      %get3A_3178 = arith.index_cast %get3A_3176 : i32 to index
      %get3A_3179 = arith.constant 80 : index
      %get3A_3180 = tpu.vector_load %arg9[%get3A_3177, %get3A_3178, %get3A_3179] {strides = array<i32>} : memref<2x40x128xf32, #tpu.memory_space<vmem>>, vector<1x1x16xf32>,
      %get3A_3181 = vector.shape_cast %get3A_3180 : vector<1x1x16xf32> to vector<16xf32>
      %eq3A_3182 = vector.broadcast %add3A_3175 : i32 to vector<16xi32>
      %eq3A_3183 = arith.cmpi eq, %get3A_2820, %eq3A_3182 : vector<16xi32>
      %select_n3A_3184 = arith.select %eq3A_3183, %get3A_3181, %select_n3A_3171 : vector<16xi1>, vector<16xf32>
      %mul3A_3185 = arith.constant 40 : i32
      %mul3A_3186 = arith.muli %scan3A_144, %mul3A_3185 : i32
      %add3A_3187 = arith.constant 28 : i32
      %add3A_3188 = arith.addi %mul3A_3186, %add3A_3187 : i32
      %get3A_3189 = arith.constant 28 : i32
      %get3A_3190 = arith.index_cast %and3A_146 : i32 to index
      %get3A_3191 = arith.index_cast %get3A_3189 : i32 to index
      %get3A_3192 = arith.constant 80 : index
      %get3A_3193 = tpu.vector_load %arg9[%get3A_3190, %get3A_3191, %get3A_3192] {strides = array<i32>} : memref<2x40x128xf32, #tpu.memory_space<vmem>>, vector<1x1x16xf32>,
      %get3A_3194 = vector.shape_cast %get3A_3193 : vector<1x1x16xf32> to vector<16xf32>
      %eq3A_3195 = vector.broadcast %add3A_3188 : i32 to vector<16xi32>
      %eq3A_3196 = arith.cmpi eq, %get3A_2820, %eq3A_3195 : vector<16xi32>
      %select_n3A_3197 = arith.select %eq3A_3196, %get3A_3194, %select_n3A_3184 : vector<16xi1>, vector<16xf32>
      %mul3A_3198 = arith.constant 40 : i32
      %mul3A_3199 = arith.muli %scan3A_144, %mul3A_3198 : i32
      %add3A_3200 = arith.constant 29 : i32
      %add3A_3201 = arith.addi %mul3A_3199, %add3A_3200 : i32
      %get3A_3202 = arith.constant 29 : i32
      %get3A_3203 = arith.index_cast %and3A_146 : i32 to index
      %get3A_3204 = arith.index_cast %get3A_3202 : i32 to index
      %get3A_3205 = arith.constant 80 : index
      %get3A_3206 = tpu.vector_load %arg9[%get3A_3203, %get3A_3204, %get3A_3205] {strides = array<i32>} : memref<2x40x128xf32, #tpu.memory_space<vmem>>, vector<1x1x16xf32>,
      %get3A_3207 = vector.shape_cast %get3A_3206 : vector<1x1x16xf32> to vector<16xf32>
      %eq3A_3208 = vector.broadcast %add3A_3201 : i32 to vector<16xi32>
      %eq3A_3209 = arith.cmpi eq, %get3A_2820, %eq3A_3208 : vector<16xi32>
      %select_n3A_3210 = arith.select %eq3A_3209, %get3A_3207, %select_n3A_3197 : vector<16xi1>, vector<16xf32>
      %mul3A_3211 = arith.constant 40 : i32
      %mul3A_3212 = arith.muli %scan3A_144, %mul3A_3211 : i32
      %add3A_3213 = arith.constant 30 : i32
      %add3A_3214 = arith.addi %mul3A_3212, %add3A_3213 : i32
      %get3A_3215 = arith.constant 30 : i32
      %get3A_3216 = arith.index_cast %and3A_146 : i32 to index
      %get3A_3217 = arith.index_cast %get3A_3215 : i32 to index
      %get3A_3218 = arith.constant 80 : index
      %get3A_3219 = tpu.vector_load %arg9[%get3A_3216, %get3A_3217, %get3A_3218] {strides = array<i32>} : memref<2x40x128xf32, #tpu.memory_space<vmem>>, vector<1x1x16xf32>,
      %get3A_3220 = vector.shape_cast %get3A_3219 : vector<1x1x16xf32> to vector<16xf32>
      %eq3A_3221 = vector.broadcast %add3A_3214 : i32 to vector<16xi32>
      %eq3A_3222 = arith.cmpi eq, %get3A_2820, %eq3A_3221 : vector<16xi32>
      %select_n3A_3223 = arith.select %eq3A_3222, %get3A_3220, %select_n3A_3210 : vector<16xi1>, vector<16xf32>
      %mul3A_3224 = arith.constant 40 : i32
      %mul3A_3225 = arith.muli %scan3A_144, %mul3A_3224 : i32
      %add3A_3226 = arith.constant 31 : i32
      %add3A_3227 = arith.addi %mul3A_3225, %add3A_3226 : i32
      %get3A_3228 = arith.constant 31 : i32
      %get3A_3229 = arith.index_cast %and3A_146 : i32 to index
      %get3A_3230 = arith.index_cast %get3A_3228 : i32 to index
      %get3A_3231 = arith.constant 80 : index
      %get3A_3232 = tpu.vector_load %arg9[%get3A_3229, %get3A_3230, %get3A_3231] {strides = array<i32>} : memref<2x40x128xf32, #tpu.memory_space<vmem>>, vector<1x1x16xf32>,
      %get3A_3233 = vector.shape_cast %get3A_3232 : vector<1x1x16xf32> to vector<16xf32>
      %eq3A_3234 = vector.broadcast %add3A_3227 : i32 to vector<16xi32>
      %eq3A_3235 = arith.cmpi eq, %get3A_2820, %eq3A_3234 : vector<16xi32>
      %select_n3A_3236 = arith.select %eq3A_3235, %get3A_3233, %select_n3A_3223 : vector<16xi1>, vector<16xf32>
      %mul3A_3237 = arith.constant 40 : i32
      %mul3A_3238 = arith.muli %scan3A_144, %mul3A_3237 : i32
      %add3A_3239 = arith.constant 32 : i32
      %add3A_3240 = arith.addi %mul3A_3238, %add3A_3239 : i32
      %get3A_3241 = arith.constant 32 : i32
      %get3A_3242 = arith.index_cast %and3A_146 : i32 to index
      %get3A_3243 = arith.index_cast %get3A_3241 : i32 to index
      %get3A_3244 = arith.constant 80 : index
      %get3A_3245 = tpu.vector_load %arg9[%get3A_3242, %get3A_3243, %get3A_3244] {strides = array<i32>} : memref<2x40x128xf32, #tpu.memory_space<vmem>>, vector<1x1x16xf32>,
      %get3A_3246 = vector.shape_cast %get3A_3245 : vector<1x1x16xf32> to vector<16xf32>
      %eq3A_3247 = vector.broadcast %add3A_3240 : i32 to vector<16xi32>
      %eq3A_3248 = arith.cmpi eq, %get3A_2820, %eq3A_3247 : vector<16xi32>
      %select_n3A_3249 = arith.select %eq3A_3248, %get3A_3246, %select_n3A_3236 : vector<16xi1>, vector<16xf32>
      %mul3A_3250 = arith.constant 40 : i32
      %mul3A_3251 = arith.muli %scan3A_144, %mul3A_3250 : i32
      %add3A_3252 = arith.constant 33 : i32
      %add3A_3253 = arith.addi %mul3A_3251, %add3A_3252 : i32
      %get3A_3254 = arith.constant 33 : i32
      %get3A_3255 = arith.index_cast %and3A_146 : i32 to index
      %get3A_3256 = arith.index_cast %get3A_3254 : i32 to index
      %get3A_3257 = arith.constant 80 : index
      %get3A_3258 = tpu.vector_load %arg9[%get3A_3255, %get3A_3256, %get3A_3257] {strides = array<i32>} : memref<2x40x128xf32, #tpu.memory_space<vmem>>, vector<1x1x16xf32>,
      %get3A_3259 = vector.shape_cast %get3A_3258 : vector<1x1x16xf32> to vector<16xf32>
      %eq3A_3260 = vector.broadcast %add3A_3253 : i32 to vector<16xi32>
      %eq3A_3261 = arith.cmpi eq, %get3A_2820, %eq3A_3260 : vector<16xi32>
      %select_n3A_3262 = arith.select %eq3A_3261, %get3A_3259, %select_n3A_3249 : vector<16xi1>, vector<16xf32>
      %mul3A_3263 = arith.constant 40 : i32
      %mul3A_3264 = arith.muli %scan3A_144, %mul3A_3263 : i32
      %add3A_3265 = arith.constant 34 : i32
      %add3A_3266 = arith.addi %mul3A_3264, %add3A_3265 : i32
      %get3A_3267 = arith.constant 34 : i32
      %get3A_3268 = arith.index_cast %and3A_146 : i32 to index
      %get3A_3269 = arith.index_cast %get3A_3267 : i32 to index
      %get3A_3270 = arith.constant 80 : index
      %get3A_3271 = tpu.vector_load %arg9[%get3A_3268, %get3A_3269, %get3A_3270] {strides = array<i32>} : memref<2x40x128xf32, #tpu.memory_space<vmem>>, vector<1x1x16xf32>,
      %get3A_3272 = vector.shape_cast %get3A_3271 : vector<1x1x16xf32> to vector<16xf32>
      %eq3A_3273 = vector.broadcast %add3A_3266 : i32 to vector<16xi32>
      %eq3A_3274 = arith.cmpi eq, %get3A_2820, %eq3A_3273 : vector<16xi32>
      %select_n3A_3275 = arith.select %eq3A_3274, %get3A_3272, %select_n3A_3262 : vector<16xi1>, vector<16xf32>
      %mul3A_3276 = arith.constant 40 : i32
      %mul3A_3277 = arith.muli %scan3A_144, %mul3A_3276 : i32
      %add3A_3278 = arith.constant 35 : i32
      %add3A_3279 = arith.addi %mul3A_3277, %add3A_3278 : i32
      %get3A_3280 = arith.constant 35 : i32
      %get3A_3281 = arith.index_cast %and3A_146 : i32 to index
      %get3A_3282 = arith.index_cast %get3A_3280 : i32 to index
      %get3A_3283 = arith.constant 80 : index
      %get3A_3284 = tpu.vector_load %arg9[%get3A_3281, %get3A_3282, %get3A_3283] {strides = array<i32>} : memref<2x40x128xf32, #tpu.memory_space<vmem>>, vector<1x1x16xf32>,
      %get3A_3285 = vector.shape_cast %get3A_3284 : vector<1x1x16xf32> to vector<16xf32>
      %eq3A_3286 = vector.broadcast %add3A_3279 : i32 to vector<16xi32>
      %eq3A_3287 = arith.cmpi eq, %get3A_2820, %eq3A_3286 : vector<16xi32>
      %select_n3A_3288 = arith.select %eq3A_3287, %get3A_3285, %select_n3A_3275 : vector<16xi1>, vector<16xf32>
      %mul3A_3289 = arith.constant 40 : i32
      %mul3A_3290 = arith.muli %scan3A_144, %mul3A_3289 : i32
      %add3A_3291 = arith.constant 36 : i32
      %add3A_3292 = arith.addi %mul3A_3290, %add3A_3291 : i32
      %get3A_3293 = arith.constant 36 : i32
      %get3A_3294 = arith.index_cast %and3A_146 : i32 to index
      %get3A_3295 = arith.index_cast %get3A_3293 : i32 to index
      %get3A_3296 = arith.constant 80 : index
      %get3A_3297 = tpu.vector_load %arg9[%get3A_3294, %get3A_3295, %get3A_3296] {strides = array<i32>} : memref<2x40x128xf32, #tpu.memory_space<vmem>>, vector<1x1x16xf32>,
      %get3A_3298 = vector.shape_cast %get3A_3297 : vector<1x1x16xf32> to vector<16xf32>
      %eq3A_3299 = vector.broadcast %add3A_3292 : i32 to vector<16xi32>
      %eq3A_3300 = arith.cmpi eq, %get3A_2820, %eq3A_3299 : vector<16xi32>
      %select_n3A_3301 = arith.select %eq3A_3300, %get3A_3298, %select_n3A_3288 : vector<16xi1>, vector<16xf32>
      %mul3A_3302 = arith.constant 40 : i32
      %mul3A_3303 = arith.muli %scan3A_144, %mul3A_3302 : i32
      %add3A_3304 = arith.constant 37 : i32
      %add3A_3305 = arith.addi %mul3A_3303, %add3A_3304 : i32
      %get3A_3306 = arith.constant 37 : i32
      %get3A_3307 = arith.index_cast %and3A_146 : i32 to index
      %get3A_3308 = arith.index_cast %get3A_3306 : i32 to index
      %get3A_3309 = arith.constant 80 : index
      %get3A_3310 = tpu.vector_load %arg9[%get3A_3307, %get3A_3308, %get3A_3309] {strides = array<i32>} : memref<2x40x128xf32, #tpu.memory_space<vmem>>, vector<1x1x16xf32>,
      %get3A_3311 = vector.shape_cast %get3A_3310 : vector<1x1x16xf32> to vector<16xf32>
      %eq3A_3312 = vector.broadcast %add3A_3305 : i32 to vector<16xi32>
      %eq3A_3313 = arith.cmpi eq, %get3A_2820, %eq3A_3312 : vector<16xi32>
      %select_n3A_3314 = arith.select %eq3A_3313, %get3A_3311, %select_n3A_3301 : vector<16xi1>, vector<16xf32>
      %mul3A_3315 = arith.constant 40 : i32
      %mul3A_3316 = arith.muli %scan3A_144, %mul3A_3315 : i32
      %add3A_3317 = arith.constant 38 : i32
      %add3A_3318 = arith.addi %mul3A_3316, %add3A_3317 : i32
      %get3A_3319 = arith.constant 38 : i32
      %get3A_3320 = arith.index_cast %and3A_146 : i32 to index
      %get3A_3321 = arith.index_cast %get3A_3319 : i32 to index
      %get3A_3322 = arith.constant 80 : index
      %get3A_3323 = tpu.vector_load %arg9[%get3A_3320, %get3A_3321, %get3A_3322] {strides = array<i32>} : memref<2x40x128xf32, #tpu.memory_space<vmem>>, vector<1x1x16xf32>,
      %get3A_3324 = vector.shape_cast %get3A_3323 : vector<1x1x16xf32> to vector<16xf32>
      %eq3A_3325 = vector.broadcast %add3A_3318 : i32 to vector<16xi32>
      %eq3A_3326 = arith.cmpi eq, %get3A_2820, %eq3A_3325 : vector<16xi32>
      %select_n3A_3327 = arith.select %eq3A_3326, %get3A_3324, %select_n3A_3314 : vector<16xi1>, vector<16xf32>
      %mul3A_3328 = arith.constant 40 : i32
      %mul3A_3329 = arith.muli %scan3A_144, %mul3A_3328 : i32
      %add3A_3330 = arith.constant 39 : i32
      %add3A_3331 = arith.addi %mul3A_3329, %add3A_3330 : i32
      %get3A_3332 = arith.constant 39 : i32
      %get3A_3333 = arith.index_cast %and3A_146 : i32 to index
      %get3A_3334 = arith.index_cast %get3A_3332 : i32 to index
      %get3A_3335 = arith.constant 80 : index
      %get3A_3336 = tpu.vector_load %arg9[%get3A_3333, %get3A_3334, %get3A_3335] {strides = array<i32>} : memref<2x40x128xf32, #tpu.memory_space<vmem>>, vector<1x1x16xf32>,
      %get3A_3337 = vector.shape_cast %get3A_3336 : vector<1x1x16xf32> to vector<16xf32>
      %eq3A_3338 = vector.broadcast %add3A_3331 : i32 to vector<16xi32>
      %eq3A_3339 = arith.cmpi eq, %get3A_2820, %eq3A_3338 : vector<16xi32>
      %select_n3A_3340 = arith.select %eq3A_3339, %get3A_3337, %select_n3A_3327 : vector<16xi1>, vector<16xf32>
      %swap3A_3341 = arith.constant 80 : index
      %swap3A_3342 = tpu.vector_load %arg8[%swap3A_3341] {strides = array<i32>} : memref<128xf32, #tpu.memory_space<vmem>>, vector<16xf32>,
      %swap3A_3343 = vector.shape_cast %swap3A_3342 : vector<16xf32> to vector<16xf32>
      %swap3A_3344 = vector.shape_cast %select_n3A_3340 : vector<16xf32> to vector<16xf32>
      tpu.vector_store %arg8[%swap3A_3341], %swap3A_3344 {strides = array<i32>} : memref<128xf32, #tpu.memory_space<vmem>>, vector<16xf32>,
      %get3A_3345 = arith.constant 96 : index
      %get3A_3346 = tpu.vector_load %arg8[%get3A_3345] {strides = array<i32>} : memref<128xf32, #tpu.memory_space<vmem>>, vector<16xf32>,
      %get3A_3347 = vector.shape_cast %get3A_3346 : vector<16xf32> to vector<16xf32>
      %get3A_3348 = arith.constant 96 : index
      %get3A_3349 = tpu.vector_load %arg6[%get3A_3348] {strides = array<i32>} : memref<128xi32, #tpu.memory_space<vmem>>, vector<16xi32>,
      %get3A_3350 = vector.shape_cast %get3A_3349 : vector<16xi32> to vector<16xi32>
      %mul3A_3351 = arith.constant 40 : i32
      %mul3A_3352 = arith.muli %scan3A_144, %mul3A_3351 : i32
      %add3A_3353 = arith.constant 0 : i32
      %add3A_3354 = arith.addi %mul3A_3352, %add3A_3353 : i32
      %get3A_3355 = arith.constant 0 : i32
      %get3A_3356 = arith.index_cast %and3A_146 : i32 to index
      %get3A_3357 = arith.index_cast %get3A_3355 : i32 to index
      %get3A_3358 = arith.constant 96 : index
      %get3A_3359 = tpu.vector_load %arg9[%get3A_3356, %get3A_3357, %get3A_3358] {strides = array<i32>} : memref<2x40x128xf32, #tpu.memory_space<vmem>>, vector<1x1x16xf32>,
      %get3A_3360 = vector.shape_cast %get3A_3359 : vector<1x1x16xf32> to vector<16xf32>
      %eq3A_3361 = vector.broadcast %add3A_3354 : i32 to vector<16xi32>
      %eq3A_3362 = arith.cmpi eq, %get3A_3350, %eq3A_3361 : vector<16xi32>
      %select_n3A_3363 = arith.select %eq3A_3362, %get3A_3360, %get3A_3347 : vector<16xi1>, vector<16xf32>
      %mul3A_3364 = arith.constant 40 : i32
      %mul3A_3365 = arith.muli %scan3A_144, %mul3A_3364 : i32
      %add3A_3366 = arith.constant 1 : i32
      %add3A_3367 = arith.addi %mul3A_3365, %add3A_3366 : i32
      %get3A_3368 = arith.constant 1 : i32
      %get3A_3369 = arith.index_cast %and3A_146 : i32 to index
      %get3A_3370 = arith.index_cast %get3A_3368 : i32 to index
      %get3A_3371 = arith.constant 96 : index
      %get3A_3372 = tpu.vector_load %arg9[%get3A_3369, %get3A_3370, %get3A_3371] {strides = array<i32>} : memref<2x40x128xf32, #tpu.memory_space<vmem>>, vector<1x1x16xf32>,
      %get3A_3373 = vector.shape_cast %get3A_3372 : vector<1x1x16xf32> to vector<16xf32>
      %eq3A_3374 = vector.broadcast %add3A_3367 : i32 to vector<16xi32>
      %eq3A_3375 = arith.cmpi eq, %get3A_3350, %eq3A_3374 : vector<16xi32>
      %select_n3A_3376 = arith.select %eq3A_3375, %get3A_3373, %select_n3A_3363 : vector<16xi1>, vector<16xf32>
      %mul3A_3377 = arith.constant 40 : i32
      %mul3A_3378 = arith.muli %scan3A_144, %mul3A_3377 : i32
      %add3A_3379 = arith.constant 2 : i32
      %add3A_3380 = arith.addi %mul3A_3378, %add3A_3379 : i32
      %get3A_3381 = arith.constant 2 : i32
      %get3A_3382 = arith.index_cast %and3A_146 : i32 to index
      %get3A_3383 = arith.index_cast %get3A_3381 : i32 to index
      %get3A_3384 = arith.constant 96 : index
      %get3A_3385 = tpu.vector_load %arg9[%get3A_3382, %get3A_3383, %get3A_3384] {strides = array<i32>} : memref<2x40x128xf32, #tpu.memory_space<vmem>>, vector<1x1x16xf32>,
      %get3A_3386 = vector.shape_cast %get3A_3385 : vector<1x1x16xf32> to vector<16xf32>
      %eq3A_3387 = vector.broadcast %add3A_3380 : i32 to vector<16xi32>
      %eq3A_3388 = arith.cmpi eq, %get3A_3350, %eq3A_3387 : vector<16xi32>
      %select_n3A_3389 = arith.select %eq3A_3388, %get3A_3386, %select_n3A_3376 : vector<16xi1>, vector<16xf32>
      %mul3A_3390 = arith.constant 40 : i32
      %mul3A_3391 = arith.muli %scan3A_144, %mul3A_3390 : i32
      %add3A_3392 = arith.constant 3 : i32
      %add3A_3393 = arith.addi %mul3A_3391, %add3A_3392 : i32
      %get3A_3394 = arith.constant 3 : i32
      %get3A_3395 = arith.index_cast %and3A_146 : i32 to index
      %get3A_3396 = arith.index_cast %get3A_3394 : i32 to index
      %get3A_3397 = arith.constant 96 : index
      %get3A_3398 = tpu.vector_load %arg9[%get3A_3395, %get3A_3396, %get3A_3397] {strides = array<i32>} : memref<2x40x128xf32, #tpu.memory_space<vmem>>, vector<1x1x16xf32>,
      %get3A_3399 = vector.shape_cast %get3A_3398 : vector<1x1x16xf32> to vector<16xf32>
      %eq3A_3400 = vector.broadcast %add3A_3393 : i32 to vector<16xi32>
      %eq3A_3401 = arith.cmpi eq, %get3A_3350, %eq3A_3400 : vector<16xi32>
      %select_n3A_3402 = arith.select %eq3A_3401, %get3A_3399, %select_n3A_3389 : vector<16xi1>, vector<16xf32>
      %mul3A_3403 = arith.constant 40 : i32
      %mul3A_3404 = arith.muli %scan3A_144, %mul3A_3403 : i32
      %add3A_3405 = arith.constant 4 : i32
      %add3A_3406 = arith.addi %mul3A_3404, %add3A_3405 : i32
      %get3A_3407 = arith.constant 4 : i32
      %get3A_3408 = arith.index_cast %and3A_146 : i32 to index
      %get3A_3409 = arith.index_cast %get3A_3407 : i32 to index
      %get3A_3410 = arith.constant 96 : index
      %get3A_3411 = tpu.vector_load %arg9[%get3A_3408, %get3A_3409, %get3A_3410] {strides = array<i32>} : memref<2x40x128xf32, #tpu.memory_space<vmem>>, vector<1x1x16xf32>,
      %get3A_3412 = vector.shape_cast %get3A_3411 : vector<1x1x16xf32> to vector<16xf32>
      %eq3A_3413 = vector.broadcast %add3A_3406 : i32 to vector<16xi32>
      %eq3A_3414 = arith.cmpi eq, %get3A_3350, %eq3A_3413 : vector<16xi32>
      %select_n3A_3415 = arith.select %eq3A_3414, %get3A_3412, %select_n3A_3402 : vector<16xi1>, vector<16xf32>
      %mul3A_3416 = arith.constant 40 : i32
      %mul3A_3417 = arith.muli %scan3A_144, %mul3A_3416 : i32
      %add3A_3418 = arith.constant 5 : i32
      %add3A_3419 = arith.addi %mul3A_3417, %add3A_3418 : i32
      %get3A_3420 = arith.constant 5 : i32
      %get3A_3421 = arith.index_cast %and3A_146 : i32 to index
      %get3A_3422 = arith.index_cast %get3A_3420 : i32 to index
      %get3A_3423 = arith.constant 96 : index
      %get3A_3424 = tpu.vector_load %arg9[%get3A_3421, %get3A_3422, %get3A_3423] {strides = array<i32>} : memref<2x40x128xf32, #tpu.memory_space<vmem>>, vector<1x1x16xf32>,
      %get3A_3425 = vector.shape_cast %get3A_3424 : vector<1x1x16xf32> to vector<16xf32>
      %eq3A_3426 = vector.broadcast %add3A_3419 : i32 to vector<16xi32>
      %eq3A_3427 = arith.cmpi eq, %get3A_3350, %eq3A_3426 : vector<16xi32>
      %select_n3A_3428 = arith.select %eq3A_3427, %get3A_3425, %select_n3A_3415 : vector<16xi1>, vector<16xf32>
      %mul3A_3429 = arith.constant 40 : i32
      %mul3A_3430 = arith.muli %scan3A_144, %mul3A_3429 : i32
      %add3A_3431 = arith.constant 6 : i32
      %add3A_3432 = arith.addi %mul3A_3430, %add3A_3431 : i32
      %get3A_3433 = arith.constant 6 : i32
      %get3A_3434 = arith.index_cast %and3A_146 : i32 to index
      %get3A_3435 = arith.index_cast %get3A_3433 : i32 to index
      %get3A_3436 = arith.constant 96 : index
      %get3A_3437 = tpu.vector_load %arg9[%get3A_3434, %get3A_3435, %get3A_3436] {strides = array<i32>} : memref<2x40x128xf32, #tpu.memory_space<vmem>>, vector<1x1x16xf32>,
      %get3A_3438 = vector.shape_cast %get3A_3437 : vector<1x1x16xf32> to vector<16xf32>
      %eq3A_3439 = vector.broadcast %add3A_3432 : i32 to vector<16xi32>
      %eq3A_3440 = arith.cmpi eq, %get3A_3350, %eq3A_3439 : vector<16xi32>
      %select_n3A_3441 = arith.select %eq3A_3440, %get3A_3438, %select_n3A_3428 : vector<16xi1>, vector<16xf32>
      %mul3A_3442 = arith.constant 40 : i32
      %mul3A_3443 = arith.muli %scan3A_144, %mul3A_3442 : i32
      %add3A_3444 = arith.constant 7 : i32
      %add3A_3445 = arith.addi %mul3A_3443, %add3A_3444 : i32
      %get3A_3446 = arith.constant 7 : i32
      %get3A_3447 = arith.index_cast %and3A_146 : i32 to index
      %get3A_3448 = arith.index_cast %get3A_3446 : i32 to index
      %get3A_3449 = arith.constant 96 : index
      %get3A_3450 = tpu.vector_load %arg9[%get3A_3447, %get3A_3448, %get3A_3449] {strides = array<i32>} : memref<2x40x128xf32, #tpu.memory_space<vmem>>, vector<1x1x16xf32>,
      %get3A_3451 = vector.shape_cast %get3A_3450 : vector<1x1x16xf32> to vector<16xf32>
      %eq3A_3452 = vector.broadcast %add3A_3445 : i32 to vector<16xi32>
      %eq3A_3453 = arith.cmpi eq, %get3A_3350, %eq3A_3452 : vector<16xi32>
      %select_n3A_3454 = arith.select %eq3A_3453, %get3A_3451, %select_n3A_3441 : vector<16xi1>, vector<16xf32>
      %mul3A_3455 = arith.constant 40 : i32
      %mul3A_3456 = arith.muli %scan3A_144, %mul3A_3455 : i32
      %add3A_3457 = arith.constant 8 : i32
      %add3A_3458 = arith.addi %mul3A_3456, %add3A_3457 : i32
      %get3A_3459 = arith.constant 8 : i32
      %get3A_3460 = arith.index_cast %and3A_146 : i32 to index
      %get3A_3461 = arith.index_cast %get3A_3459 : i32 to index
      %get3A_3462 = arith.constant 96 : index
      %get3A_3463 = tpu.vector_load %arg9[%get3A_3460, %get3A_3461, %get3A_3462] {strides = array<i32>} : memref<2x40x128xf32, #tpu.memory_space<vmem>>, vector<1x1x16xf32>,
      %get3A_3464 = vector.shape_cast %get3A_3463 : vector<1x1x16xf32> to vector<16xf32>
      %eq3A_3465 = vector.broadcast %add3A_3458 : i32 to vector<16xi32>
      %eq3A_3466 = arith.cmpi eq, %get3A_3350, %eq3A_3465 : vector<16xi32>
      %select_n3A_3467 = arith.select %eq3A_3466, %get3A_3464, %select_n3A_3454 : vector<16xi1>, vector<16xf32>
      %mul3A_3468 = arith.constant 40 : i32
      %mul3A_3469 = arith.muli %scan3A_144, %mul3A_3468 : i32
      %add3A_3470 = arith.constant 9 : i32
      %add3A_3471 = arith.addi %mul3A_3469, %add3A_3470 : i32
      %get3A_3472 = arith.constant 9 : i32
      %get3A_3473 = arith.index_cast %and3A_146 : i32 to index
      %get3A_3474 = arith.index_cast %get3A_3472 : i32 to index
      %get3A_3475 = arith.constant 96 : index
      %get3A_3476 = tpu.vector_load %arg9[%get3A_3473, %get3A_3474, %get3A_3475] {strides = array<i32>} : memref<2x40x128xf32, #tpu.memory_space<vmem>>, vector<1x1x16xf32>,
      %get3A_3477 = vector.shape_cast %get3A_3476 : vector<1x1x16xf32> to vector<16xf32>
      %eq3A_3478 = vector.broadcast %add3A_3471 : i32 to vector<16xi32>
      %eq3A_3479 = arith.cmpi eq, %get3A_3350, %eq3A_3478 : vector<16xi32>
      %select_n3A_3480 = arith.select %eq3A_3479, %get3A_3477, %select_n3A_3467 : vector<16xi1>, vector<16xf32>
      %mul3A_3481 = arith.constant 40 : i32
      %mul3A_3482 = arith.muli %scan3A_144, %mul3A_3481 : i32
      %add3A_3483 = arith.constant 10 : i32
      %add3A_3484 = arith.addi %mul3A_3482, %add3A_3483 : i32
      %get3A_3485 = arith.constant 10 : i32
      %get3A_3486 = arith.index_cast %and3A_146 : i32 to index
      %get3A_3487 = arith.index_cast %get3A_3485 : i32 to index
      %get3A_3488 = arith.constant 96 : index
      %get3A_3489 = tpu.vector_load %arg9[%get3A_3486, %get3A_3487, %get3A_3488] {strides = array<i32>} : memref<2x40x128xf32, #tpu.memory_space<vmem>>, vector<1x1x16xf32>,
      %get3A_3490 = vector.shape_cast %get3A_3489 : vector<1x1x16xf32> to vector<16xf32>
      %eq3A_3491 = vector.broadcast %add3A_3484 : i32 to vector<16xi32>
      %eq3A_3492 = arith.cmpi eq, %get3A_3350, %eq3A_3491 : vector<16xi32>
      %select_n3A_3493 = arith.select %eq3A_3492, %get3A_3490, %select_n3A_3480 : vector<16xi1>, vector<16xf32>
      %mul3A_3494 = arith.constant 40 : i32
      %mul3A_3495 = arith.muli %scan3A_144, %mul3A_3494 : i32
      %add3A_3496 = arith.constant 11 : i32
      %add3A_3497 = arith.addi %mul3A_3495, %add3A_3496 : i32
      %get3A_3498 = arith.constant 11 : i32
      %get3A_3499 = arith.index_cast %and3A_146 : i32 to index
      %get3A_3500 = arith.index_cast %get3A_3498 : i32 to index
      %get3A_3501 = arith.constant 96 : index
      %get3A_3502 = tpu.vector_load %arg9[%get3A_3499, %get3A_3500, %get3A_3501] {strides = array<i32>} : memref<2x40x128xf32, #tpu.memory_space<vmem>>, vector<1x1x16xf32>,
      %get3A_3503 = vector.shape_cast %get3A_3502 : vector<1x1x16xf32> to vector<16xf32>
      %eq3A_3504 = vector.broadcast %add3A_3497 : i32 to vector<16xi32>
      %eq3A_3505 = arith.cmpi eq, %get3A_3350, %eq3A_3504 : vector<16xi32>
      %select_n3A_3506 = arith.select %eq3A_3505, %get3A_3503, %select_n3A_3493 : vector<16xi1>, vector<16xf32>
      %mul3A_3507 = arith.constant 40 : i32
      %mul3A_3508 = arith.muli %scan3A_144, %mul3A_3507 : i32
      %add3A_3509 = arith.constant 12 : i32
      %add3A_3510 = arith.addi %mul3A_3508, %add3A_3509 : i32
      %get3A_3511 = arith.constant 12 : i32
      %get3A_3512 = arith.index_cast %and3A_146 : i32 to index
      %get3A_3513 = arith.index_cast %get3A_3511 : i32 to index
      %get3A_3514 = arith.constant 96 : index
      %get3A_3515 = tpu.vector_load %arg9[%get3A_3512, %get3A_3513, %get3A_3514] {strides = array<i32>} : memref<2x40x128xf32, #tpu.memory_space<vmem>>, vector<1x1x16xf32>,
      %get3A_3516 = vector.shape_cast %get3A_3515 : vector<1x1x16xf32> to vector<16xf32>
      %eq3A_3517 = vector.broadcast %add3A_3510 : i32 to vector<16xi32>
      %eq3A_3518 = arith.cmpi eq, %get3A_3350, %eq3A_3517 : vector<16xi32>
      %select_n3A_3519 = arith.select %eq3A_3518, %get3A_3516, %select_n3A_3506 : vector<16xi1>, vector<16xf32>
      %mul3A_3520 = arith.constant 40 : i32
      %mul3A_3521 = arith.muli %scan3A_144, %mul3A_3520 : i32
      %add3A_3522 = arith.constant 13 : i32
      %add3A_3523 = arith.addi %mul3A_3521, %add3A_3522 : i32
      %get3A_3524 = arith.constant 13 : i32
      %get3A_3525 = arith.index_cast %and3A_146 : i32 to index
      %get3A_3526 = arith.index_cast %get3A_3524 : i32 to index
      %get3A_3527 = arith.constant 96 : index
      %get3A_3528 = tpu.vector_load %arg9[%get3A_3525, %get3A_3526, %get3A_3527] {strides = array<i32>} : memref<2x40x128xf32, #tpu.memory_space<vmem>>, vector<1x1x16xf32>,
      %get3A_3529 = vector.shape_cast %get3A_3528 : vector<1x1x16xf32> to vector<16xf32>
      %eq3A_3530 = vector.broadcast %add3A_3523 : i32 to vector<16xi32>
      %eq3A_3531 = arith.cmpi eq, %get3A_3350, %eq3A_3530 : vector<16xi32>
      %select_n3A_3532 = arith.select %eq3A_3531, %get3A_3529, %select_n3A_3519 : vector<16xi1>, vector<16xf32>
      %mul3A_3533 = arith.constant 40 : i32
      %mul3A_3534 = arith.muli %scan3A_144, %mul3A_3533 : i32
      %add3A_3535 = arith.constant 14 : i32
      %add3A_3536 = arith.addi %mul3A_3534, %add3A_3535 : i32
      %get3A_3537 = arith.constant 14 : i32
      %get3A_3538 = arith.index_cast %and3A_146 : i32 to index
      %get3A_3539 = arith.index_cast %get3A_3537 : i32 to index
      %get3A_3540 = arith.constant 96 : index
      %get3A_3541 = tpu.vector_load %arg9[%get3A_3538, %get3A_3539, %get3A_3540] {strides = array<i32>} : memref<2x40x128xf32, #tpu.memory_space<vmem>>, vector<1x1x16xf32>,
      %get3A_3542 = vector.shape_cast %get3A_3541 : vector<1x1x16xf32> to vector<16xf32>
      %eq3A_3543 = vector.broadcast %add3A_3536 : i32 to vector<16xi32>
      %eq3A_3544 = arith.cmpi eq, %get3A_3350, %eq3A_3543 : vector<16xi32>
      %select_n3A_3545 = arith.select %eq3A_3544, %get3A_3542, %select_n3A_3532 : vector<16xi1>, vector<16xf32>
      %mul3A_3546 = arith.constant 40 : i32
      %mul3A_3547 = arith.muli %scan3A_144, %mul3A_3546 : i32
      %add3A_3548 = arith.constant 15 : i32
      %add3A_3549 = arith.addi %mul3A_3547, %add3A_3548 : i32
      %get3A_3550 = arith.constant 15 : i32
      %get3A_3551 = arith.index_cast %and3A_146 : i32 to index
      %get3A_3552 = arith.index_cast %get3A_3550 : i32 to index
      %get3A_3553 = arith.constant 96 : index
      %get3A_3554 = tpu.vector_load %arg9[%get3A_3551, %get3A_3552, %get3A_3553] {strides = array<i32>} : memref<2x40x128xf32, #tpu.memory_space<vmem>>, vector<1x1x16xf32>,
      %get3A_3555 = vector.shape_cast %get3A_3554 : vector<1x1x16xf32> to vector<16xf32>
      %eq3A_3556 = vector.broadcast %add3A_3549 : i32 to vector<16xi32>
      %eq3A_3557 = arith.cmpi eq, %get3A_3350, %eq3A_3556 : vector<16xi32>
      %select_n3A_3558 = arith.select %eq3A_3557, %get3A_3555, %select_n3A_3545 : vector<16xi1>, vector<16xf32>
      %mul3A_3559 = arith.constant 40 : i32
      %mul3A_3560 = arith.muli %scan3A_144, %mul3A_3559 : i32
      %add3A_3561 = arith.constant 16 : i32
      %add3A_3562 = arith.addi %mul3A_3560, %add3A_3561 : i32
      %get3A_3563 = arith.constant 16 : i32
      %get3A_3564 = arith.index_cast %and3A_146 : i32 to index
      %get3A_3565 = arith.index_cast %get3A_3563 : i32 to index
      %get3A_3566 = arith.constant 96 : index
      %get3A_3567 = tpu.vector_load %arg9[%get3A_3564, %get3A_3565, %get3A_3566] {strides = array<i32>} : memref<2x40x128xf32, #tpu.memory_space<vmem>>, vector<1x1x16xf32>,
      %get3A_3568 = vector.shape_cast %get3A_3567 : vector<1x1x16xf32> to vector<16xf32>
      %eq3A_3569 = vector.broadcast %add3A_3562 : i32 to vector<16xi32>
      %eq3A_3570 = arith.cmpi eq, %get3A_3350, %eq3A_3569 : vector<16xi32>
      %select_n3A_3571 = arith.select %eq3A_3570, %get3A_3568, %select_n3A_3558 : vector<16xi1>, vector<16xf32>
      %mul3A_3572 = arith.constant 40 : i32
      %mul3A_3573 = arith.muli %scan3A_144, %mul3A_3572 : i32
      %add3A_3574 = arith.constant 17 : i32
      %add3A_3575 = arith.addi %mul3A_3573, %add3A_3574 : i32
      %get3A_3576 = arith.constant 17 : i32
      %get3A_3577 = arith.index_cast %and3A_146 : i32 to index
      %get3A_3578 = arith.index_cast %get3A_3576 : i32 to index
      %get3A_3579 = arith.constant 96 : index
      %get3A_3580 = tpu.vector_load %arg9[%get3A_3577, %get3A_3578, %get3A_3579] {strides = array<i32>} : memref<2x40x128xf32, #tpu.memory_space<vmem>>, vector<1x1x16xf32>,
      %get3A_3581 = vector.shape_cast %get3A_3580 : vector<1x1x16xf32> to vector<16xf32>
      %eq3A_3582 = vector.broadcast %add3A_3575 : i32 to vector<16xi32>
      %eq3A_3583 = arith.cmpi eq, %get3A_3350, %eq3A_3582 : vector<16xi32>
      %select_n3A_3584 = arith.select %eq3A_3583, %get3A_3581, %select_n3A_3571 : vector<16xi1>, vector<16xf32>
      %mul3A_3585 = arith.constant 40 : i32
      %mul3A_3586 = arith.muli %scan3A_144, %mul3A_3585 : i32
      %add3A_3587 = arith.constant 18 : i32
      %add3A_3588 = arith.addi %mul3A_3586, %add3A_3587 : i32
      %get3A_3589 = arith.constant 18 : i32
      %get3A_3590 = arith.index_cast %and3A_146 : i32 to index
      %get3A_3591 = arith.index_cast %get3A_3589 : i32 to index
      %get3A_3592 = arith.constant 96 : index
      %get3A_3593 = tpu.vector_load %arg9[%get3A_3590, %get3A_3591, %get3A_3592] {strides = array<i32>} : memref<2x40x128xf32, #tpu.memory_space<vmem>>, vector<1x1x16xf32>,
      %get3A_3594 = vector.shape_cast %get3A_3593 : vector<1x1x16xf32> to vector<16xf32>
      %eq3A_3595 = vector.broadcast %add3A_3588 : i32 to vector<16xi32>
      %eq3A_3596 = arith.cmpi eq, %get3A_3350, %eq3A_3595 : vector<16xi32>
      %select_n3A_3597 = arith.select %eq3A_3596, %get3A_3594, %select_n3A_3584 : vector<16xi1>, vector<16xf32>
      %mul3A_3598 = arith.constant 40 : i32
      %mul3A_3599 = arith.muli %scan3A_144, %mul3A_3598 : i32
      %add3A_3600 = arith.constant 19 : i32
      %add3A_3601 = arith.addi %mul3A_3599, %add3A_3600 : i32
      %get3A_3602 = arith.constant 19 : i32
      %get3A_3603 = arith.index_cast %and3A_146 : i32 to index
      %get3A_3604 = arith.index_cast %get3A_3602 : i32 to index
      %get3A_3605 = arith.constant 96 : index
      %get3A_3606 = tpu.vector_load %arg9[%get3A_3603, %get3A_3604, %get3A_3605] {strides = array<i32>} : memref<2x40x128xf32, #tpu.memory_space<vmem>>, vector<1x1x16xf32>,
      %get3A_3607 = vector.shape_cast %get3A_3606 : vector<1x1x16xf32> to vector<16xf32>
      %eq3A_3608 = vector.broadcast %add3A_3601 : i32 to vector<16xi32>
      %eq3A_3609 = arith.cmpi eq, %get3A_3350, %eq3A_3608 : vector<16xi32>
      %select_n3A_3610 = arith.select %eq3A_3609, %get3A_3607, %select_n3A_3597 : vector<16xi1>, vector<16xf32>
      %mul3A_3611 = arith.constant 40 : i32
      %mul3A_3612 = arith.muli %scan3A_144, %mul3A_3611 : i32
      %add3A_3613 = arith.constant 20 : i32
      %add3A_3614 = arith.addi %mul3A_3612, %add3A_3613 : i32
      %get3A_3615 = arith.constant 20 : i32
      %get3A_3616 = arith.index_cast %and3A_146 : i32 to index
      %get3A_3617 = arith.index_cast %get3A_3615 : i32 to index
      %get3A_3618 = arith.constant 96 : index
      %get3A_3619 = tpu.vector_load %arg9[%get3A_3616, %get3A_3617, %get3A_3618] {strides = array<i32>} : memref<2x40x128xf32, #tpu.memory_space<vmem>>, vector<1x1x16xf32>,
      %get3A_3620 = vector.shape_cast %get3A_3619 : vector<1x1x16xf32> to vector<16xf32>
      %eq3A_3621 = vector.broadcast %add3A_3614 : i32 to vector<16xi32>
      %eq3A_3622 = arith.cmpi eq, %get3A_3350, %eq3A_3621 : vector<16xi32>
      %select_n3A_3623 = arith.select %eq3A_3622, %get3A_3620, %select_n3A_3610 : vector<16xi1>, vector<16xf32>
      %mul3A_3624 = arith.constant 40 : i32
      %mul3A_3625 = arith.muli %scan3A_144, %mul3A_3624 : i32
      %add3A_3626 = arith.constant 21 : i32
      %add3A_3627 = arith.addi %mul3A_3625, %add3A_3626 : i32
      %get3A_3628 = arith.constant 21 : i32
      %get3A_3629 = arith.index_cast %and3A_146 : i32 to index
      %get3A_3630 = arith.index_cast %get3A_3628 : i32 to index
      %get3A_3631 = arith.constant 96 : index
      %get3A_3632 = tpu.vector_load %arg9[%get3A_3629, %get3A_3630, %get3A_3631] {strides = array<i32>} : memref<2x40x128xf32, #tpu.memory_space<vmem>>, vector<1x1x16xf32>,
      %get3A_3633 = vector.shape_cast %get3A_3632 : vector<1x1x16xf32> to vector<16xf32>
      %eq3A_3634 = vector.broadcast %add3A_3627 : i32 to vector<16xi32>
      %eq3A_3635 = arith.cmpi eq, %get3A_3350, %eq3A_3634 : vector<16xi32>
      %select_n3A_3636 = arith.select %eq3A_3635, %get3A_3633, %select_n3A_3623 : vector<16xi1>, vector<16xf32>
      %mul3A_3637 = arith.constant 40 : i32
      %mul3A_3638 = arith.muli %scan3A_144, %mul3A_3637 : i32
      %add3A_3639 = arith.constant 22 : i32
      %add3A_3640 = arith.addi %mul3A_3638, %add3A_3639 : i32
      %get3A_3641 = arith.constant 22 : i32
      %get3A_3642 = arith.index_cast %and3A_146 : i32 to index
      %get3A_3643 = arith.index_cast %get3A_3641 : i32 to index
      %get3A_3644 = arith.constant 96 : index
      %get3A_3645 = tpu.vector_load %arg9[%get3A_3642, %get3A_3643, %get3A_3644] {strides = array<i32>} : memref<2x40x128xf32, #tpu.memory_space<vmem>>, vector<1x1x16xf32>,
      %get3A_3646 = vector.shape_cast %get3A_3645 : vector<1x1x16xf32> to vector<16xf32>
      %eq3A_3647 = vector.broadcast %add3A_3640 : i32 to vector<16xi32>
      %eq3A_3648 = arith.cmpi eq, %get3A_3350, %eq3A_3647 : vector<16xi32>
      %select_n3A_3649 = arith.select %eq3A_3648, %get3A_3646, %select_n3A_3636 : vector<16xi1>, vector<16xf32>
      %mul3A_3650 = arith.constant 40 : i32
      %mul3A_3651 = arith.muli %scan3A_144, %mul3A_3650 : i32
      %add3A_3652 = arith.constant 23 : i32
      %add3A_3653 = arith.addi %mul3A_3651, %add3A_3652 : i32
      %get3A_3654 = arith.constant 23 : i32
      %get3A_3655 = arith.index_cast %and3A_146 : i32 to index
      %get3A_3656 = arith.index_cast %get3A_3654 : i32 to index
      %get3A_3657 = arith.constant 96 : index
      %get3A_3658 = tpu.vector_load %arg9[%get3A_3655, %get3A_3656, %get3A_3657] {strides = array<i32>} : memref<2x40x128xf32, #tpu.memory_space<vmem>>, vector<1x1x16xf32>,
      %get3A_3659 = vector.shape_cast %get3A_3658 : vector<1x1x16xf32> to vector<16xf32>
      %eq3A_3660 = vector.broadcast %add3A_3653 : i32 to vector<16xi32>
      %eq3A_3661 = arith.cmpi eq, %get3A_3350, %eq3A_3660 : vector<16xi32>
      %select_n3A_3662 = arith.select %eq3A_3661, %get3A_3659, %select_n3A_3649 : vector<16xi1>, vector<16xf32>
      %mul3A_3663 = arith.constant 40 : i32
      %mul3A_3664 = arith.muli %scan3A_144, %mul3A_3663 : i32
      %add3A_3665 = arith.constant 24 : i32
      %add3A_3666 = arith.addi %mul3A_3664, %add3A_3665 : i32
      %get3A_3667 = arith.constant 24 : i32
      %get3A_3668 = arith.index_cast %and3A_146 : i32 to index
      %get3A_3669 = arith.index_cast %get3A_3667 : i32 to index
      %get3A_3670 = arith.constant 96 : index
      %get3A_3671 = tpu.vector_load %arg9[%get3A_3668, %get3A_3669, %get3A_3670] {strides = array<i32>} : memref<2x40x128xf32, #tpu.memory_space<vmem>>, vector<1x1x16xf32>,
      %get3A_3672 = vector.shape_cast %get3A_3671 : vector<1x1x16xf32> to vector<16xf32>
      %eq3A_3673 = vector.broadcast %add3A_3666 : i32 to vector<16xi32>
      %eq3A_3674 = arith.cmpi eq, %get3A_3350, %eq3A_3673 : vector<16xi32>
      %select_n3A_3675 = arith.select %eq3A_3674, %get3A_3672, %select_n3A_3662 : vector<16xi1>, vector<16xf32>
      %mul3A_3676 = arith.constant 40 : i32
      %mul3A_3677 = arith.muli %scan3A_144, %mul3A_3676 : i32
      %add3A_3678 = arith.constant 25 : i32
      %add3A_3679 = arith.addi %mul3A_3677, %add3A_3678 : i32
      %get3A_3680 = arith.constant 25 : i32
      %get3A_3681 = arith.index_cast %and3A_146 : i32 to index
      %get3A_3682 = arith.index_cast %get3A_3680 : i32 to index
      %get3A_3683 = arith.constant 96 : index
      %get3A_3684 = tpu.vector_load %arg9[%get3A_3681, %get3A_3682, %get3A_3683] {strides = array<i32>} : memref<2x40x128xf32, #tpu.memory_space<vmem>>, vector<1x1x16xf32>,
      %get3A_3685 = vector.shape_cast %get3A_3684 : vector<1x1x16xf32> to vector<16xf32>
      %eq3A_3686 = vector.broadcast %add3A_3679 : i32 to vector<16xi32>
      %eq3A_3687 = arith.cmpi eq, %get3A_3350, %eq3A_3686 : vector<16xi32>
      %select_n3A_3688 = arith.select %eq3A_3687, %get3A_3685, %select_n3A_3675 : vector<16xi1>, vector<16xf32>
      %mul3A_3689 = arith.constant 40 : i32
      %mul3A_3690 = arith.muli %scan3A_144, %mul3A_3689 : i32
      %add3A_3691 = arith.constant 26 : i32
      %add3A_3692 = arith.addi %mul3A_3690, %add3A_3691 : i32
      %get3A_3693 = arith.constant 26 : i32
      %get3A_3694 = arith.index_cast %and3A_146 : i32 to index
      %get3A_3695 = arith.index_cast %get3A_3693 : i32 to index
      %get3A_3696 = arith.constant 96 : index
      %get3A_3697 = tpu.vector_load %arg9[%get3A_3694, %get3A_3695, %get3A_3696] {strides = array<i32>} : memref<2x40x128xf32, #tpu.memory_space<vmem>>, vector<1x1x16xf32>,
      %get3A_3698 = vector.shape_cast %get3A_3697 : vector<1x1x16xf32> to vector<16xf32>
      %eq3A_3699 = vector.broadcast %add3A_3692 : i32 to vector<16xi32>
      %eq3A_3700 = arith.cmpi eq, %get3A_3350, %eq3A_3699 : vector<16xi32>
      %select_n3A_3701 = arith.select %eq3A_3700, %get3A_3698, %select_n3A_3688 : vector<16xi1>, vector<16xf32>
      %mul3A_3702 = arith.constant 40 : i32
      %mul3A_3703 = arith.muli %scan3A_144, %mul3A_3702 : i32
      %add3A_3704 = arith.constant 27 : i32
      %add3A_3705 = arith.addi %mul3A_3703, %add3A_3704 : i32
      %get3A_3706 = arith.constant 27 : i32
      %get3A_3707 = arith.index_cast %and3A_146 : i32 to index
      %get3A_3708 = arith.index_cast %get3A_3706 : i32 to index
      %get3A_3709 = arith.constant 96 : index
      %get3A_3710 = tpu.vector_load %arg9[%get3A_3707, %get3A_3708, %get3A_3709] {strides = array<i32>} : memref<2x40x128xf32, #tpu.memory_space<vmem>>, vector<1x1x16xf32>,
      %get3A_3711 = vector.shape_cast %get3A_3710 : vector<1x1x16xf32> to vector<16xf32>
      %eq3A_3712 = vector.broadcast %add3A_3705 : i32 to vector<16xi32>
      %eq3A_3713 = arith.cmpi eq, %get3A_3350, %eq3A_3712 : vector<16xi32>
      %select_n3A_3714 = arith.select %eq3A_3713, %get3A_3711, %select_n3A_3701 : vector<16xi1>, vector<16xf32>
      %mul3A_3715 = arith.constant 40 : i32
      %mul3A_3716 = arith.muli %scan3A_144, %mul3A_3715 : i32
      %add3A_3717 = arith.constant 28 : i32
      %add3A_3718 = arith.addi %mul3A_3716, %add3A_3717 : i32
      %get3A_3719 = arith.constant 28 : i32
      %get3A_3720 = arith.index_cast %and3A_146 : i32 to index
      %get3A_3721 = arith.index_cast %get3A_3719 : i32 to index
      %get3A_3722 = arith.constant 96 : index
      %get3A_3723 = tpu.vector_load %arg9[%get3A_3720, %get3A_3721, %get3A_3722] {strides = array<i32>} : memref<2x40x128xf32, #tpu.memory_space<vmem>>, vector<1x1x16xf32>,
      %get3A_3724 = vector.shape_cast %get3A_3723 : vector<1x1x16xf32> to vector<16xf32>
      %eq3A_3725 = vector.broadcast %add3A_3718 : i32 to vector<16xi32>
      %eq3A_3726 = arith.cmpi eq, %get3A_3350, %eq3A_3725 : vector<16xi32>
      %select_n3A_3727 = arith.select %eq3A_3726, %get3A_3724, %select_n3A_3714 : vector<16xi1>, vector<16xf32>
      %mul3A_3728 = arith.constant 40 : i32
      %mul3A_3729 = arith.muli %scan3A_144, %mul3A_3728 : i32
      %add3A_3730 = arith.constant 29 : i32
      %add3A_3731 = arith.addi %mul3A_3729, %add3A_3730 : i32
      %get3A_3732 = arith.constant 29 : i32
      %get3A_3733 = arith.index_cast %and3A_146 : i32 to index
      %get3A_3734 = arith.index_cast %get3A_3732 : i32 to index
      %get3A_3735 = arith.constant 96 : index
      %get3A_3736 = tpu.vector_load %arg9[%get3A_3733, %get3A_3734, %get3A_3735] {strides = array<i32>} : memref<2x40x128xf32, #tpu.memory_space<vmem>>, vector<1x1x16xf32>,
      %get3A_3737 = vector.shape_cast %get3A_3736 : vector<1x1x16xf32> to vector<16xf32>
      %eq3A_3738 = vector.broadcast %add3A_3731 : i32 to vector<16xi32>
      %eq3A_3739 = arith.cmpi eq, %get3A_3350, %eq3A_3738 : vector<16xi32>
      %select_n3A_3740 = arith.select %eq3A_3739, %get3A_3737, %select_n3A_3727 : vector<16xi1>, vector<16xf32>
      %mul3A_3741 = arith.constant 40 : i32
      %mul3A_3742 = arith.muli %scan3A_144, %mul3A_3741 : i32
      %add3A_3743 = arith.constant 30 : i32
      %add3A_3744 = arith.addi %mul3A_3742, %add3A_3743 : i32
      %get3A_3745 = arith.constant 30 : i32
      %get3A_3746 = arith.index_cast %and3A_146 : i32 to index
      %get3A_3747 = arith.index_cast %get3A_3745 : i32 to index
      %get3A_3748 = arith.constant 96 : index
      %get3A_3749 = tpu.vector_load %arg9[%get3A_3746, %get3A_3747, %get3A_3748] {strides = array<i32>} : memref<2x40x128xf32, #tpu.memory_space<vmem>>, vector<1x1x16xf32>,
      %get3A_3750 = vector.shape_cast %get3A_3749 : vector<1x1x16xf32> to vector<16xf32>
      %eq3A_3751 = vector.broadcast %add3A_3744 : i32 to vector<16xi32>
      %eq3A_3752 = arith.cmpi eq, %get3A_3350, %eq3A_3751 : vector<16xi32>
      %select_n3A_3753 = arith.select %eq3A_3752, %get3A_3750, %select_n3A_3740 : vector<16xi1>, vector<16xf32>
      %mul3A_3754 = arith.constant 40 : i32
      %mul3A_3755 = arith.muli %scan3A_144, %mul3A_3754 : i32
      %add3A_3756 = arith.constant 31 : i32
      %add3A_3757 = arith.addi %mul3A_3755, %add3A_3756 : i32
      %get3A_3758 = arith.constant 31 : i32
      %get3A_3759 = arith.index_cast %and3A_146 : i32 to index
      %get3A_3760 = arith.index_cast %get3A_3758 : i32 to index
      %get3A_3761 = arith.constant 96 : index
      %get3A_3762 = tpu.vector_load %arg9[%get3A_3759, %get3A_3760, %get3A_3761] {strides = array<i32>} : memref<2x40x128xf32, #tpu.memory_space<vmem>>, vector<1x1x16xf32>,
      %get3A_3763 = vector.shape_cast %get3A_3762 : vector<1x1x16xf32> to vector<16xf32>
      %eq3A_3764 = vector.broadcast %add3A_3757 : i32 to vector<16xi32>
      %eq3A_3765 = arith.cmpi eq, %get3A_3350, %eq3A_3764 : vector<16xi32>
      %select_n3A_3766 = arith.select %eq3A_3765, %get3A_3763, %select_n3A_3753 : vector<16xi1>, vector<16xf32>
      %mul3A_3767 = arith.constant 40 : i32
      %mul3A_3768 = arith.muli %scan3A_144, %mul3A_3767 : i32
      %add3A_3769 = arith.constant 32 : i32
      %add3A_3770 = arith.addi %mul3A_3768, %add3A_3769 : i32
      %get3A_3771 = arith.constant 32 : i32
      %get3A_3772 = arith.index_cast %and3A_146 : i32 to index
      %get3A_3773 = arith.index_cast %get3A_3771 : i32 to index
      %get3A_3774 = arith.constant 96 : index
      %get3A_3775 = tpu.vector_load %arg9[%get3A_3772, %get3A_3773, %get3A_3774] {strides = array<i32>} : memref<2x40x128xf32, #tpu.memory_space<vmem>>, vector<1x1x16xf32>,
      %get3A_3776 = vector.shape_cast %get3A_3775 : vector<1x1x16xf32> to vector<16xf32>
      %eq3A_3777 = vector.broadcast %add3A_3770 : i32 to vector<16xi32>
      %eq3A_3778 = arith.cmpi eq, %get3A_3350, %eq3A_3777 : vector<16xi32>
      %select_n3A_3779 = arith.select %eq3A_3778, %get3A_3776, %select_n3A_3766 : vector<16xi1>, vector<16xf32>
      %mul3A_3780 = arith.constant 40 : i32
      %mul3A_3781 = arith.muli %scan3A_144, %mul3A_3780 : i32
      %add3A_3782 = arith.constant 33 : i32
      %add3A_3783 = arith.addi %mul3A_3781, %add3A_3782 : i32
      %get3A_3784 = arith.constant 33 : i32
      %get3A_3785 = arith.index_cast %and3A_146 : i32 to index
      %get3A_3786 = arith.index_cast %get3A_3784 : i32 to index
      %get3A_3787 = arith.constant 96 : index
      %get3A_3788 = tpu.vector_load %arg9[%get3A_3785, %get3A_3786, %get3A_3787] {strides = array<i32>} : memref<2x40x128xf32, #tpu.memory_space<vmem>>, vector<1x1x16xf32>,
      %get3A_3789 = vector.shape_cast %get3A_3788 : vector<1x1x16xf32> to vector<16xf32>
      %eq3A_3790 = vector.broadcast %add3A_3783 : i32 to vector<16xi32>
      %eq3A_3791 = arith.cmpi eq, %get3A_3350, %eq3A_3790 : vector<16xi32>
      %select_n3A_3792 = arith.select %eq3A_3791, %get3A_3789, %select_n3A_3779 : vector<16xi1>, vector<16xf32>
      %mul3A_3793 = arith.constant 40 : i32
      %mul3A_3794 = arith.muli %scan3A_144, %mul3A_3793 : i32
      %add3A_3795 = arith.constant 34 : i32
      %add3A_3796 = arith.addi %mul3A_3794, %add3A_3795 : i32
      %get3A_3797 = arith.constant 34 : i32
      %get3A_3798 = arith.index_cast %and3A_146 : i32 to index
      %get3A_3799 = arith.index_cast %get3A_3797 : i32 to index
      %get3A_3800 = arith.constant 96 : index
      %get3A_3801 = tpu.vector_load %arg9[%get3A_3798, %get3A_3799, %get3A_3800] {strides = array<i32>} : memref<2x40x128xf32, #tpu.memory_space<vmem>>, vector<1x1x16xf32>,
      %get3A_3802 = vector.shape_cast %get3A_3801 : vector<1x1x16xf32> to vector<16xf32>
      %eq3A_3803 = vector.broadcast %add3A_3796 : i32 to vector<16xi32>
      %eq3A_3804 = arith.cmpi eq, %get3A_3350, %eq3A_3803 : vector<16xi32>
      %select_n3A_3805 = arith.select %eq3A_3804, %get3A_3802, %select_n3A_3792 : vector<16xi1>, vector<16xf32>
      %mul3A_3806 = arith.constant 40 : i32
      %mul3A_3807 = arith.muli %scan3A_144, %mul3A_3806 : i32
      %add3A_3808 = arith.constant 35 : i32
      %add3A_3809 = arith.addi %mul3A_3807, %add3A_3808 : i32
      %get3A_3810 = arith.constant 35 : i32
      %get3A_3811 = arith.index_cast %and3A_146 : i32 to index
      %get3A_3812 = arith.index_cast %get3A_3810 : i32 to index
      %get3A_3813 = arith.constant 96 : index
      %get3A_3814 = tpu.vector_load %arg9[%get3A_3811, %get3A_3812, %get3A_3813] {strides = array<i32>} : memref<2x40x128xf32, #tpu.memory_space<vmem>>, vector<1x1x16xf32>,
      %get3A_3815 = vector.shape_cast %get3A_3814 : vector<1x1x16xf32> to vector<16xf32>
      %eq3A_3816 = vector.broadcast %add3A_3809 : i32 to vector<16xi32>
      %eq3A_3817 = arith.cmpi eq, %get3A_3350, %eq3A_3816 : vector<16xi32>
      %select_n3A_3818 = arith.select %eq3A_3817, %get3A_3815, %select_n3A_3805 : vector<16xi1>, vector<16xf32>
      %mul3A_3819 = arith.constant 40 : i32
      %mul3A_3820 = arith.muli %scan3A_144, %mul3A_3819 : i32
      %add3A_3821 = arith.constant 36 : i32
      %add3A_3822 = arith.addi %mul3A_3820, %add3A_3821 : i32
      %get3A_3823 = arith.constant 36 : i32
      %get3A_3824 = arith.index_cast %and3A_146 : i32 to index
      %get3A_3825 = arith.index_cast %get3A_3823 : i32 to index
      %get3A_3826 = arith.constant 96 : index
      %get3A_3827 = tpu.vector_load %arg9[%get3A_3824, %get3A_3825, %get3A_3826] {strides = array<i32>} : memref<2x40x128xf32, #tpu.memory_space<vmem>>, vector<1x1x16xf32>,
      %get3A_3828 = vector.shape_cast %get3A_3827 : vector<1x1x16xf32> to vector<16xf32>
      %eq3A_3829 = vector.broadcast %add3A_3822 : i32 to vector<16xi32>
      %eq3A_3830 = arith.cmpi eq, %get3A_3350, %eq3A_3829 : vector<16xi32>
      %select_n3A_3831 = arith.select %eq3A_3830, %get3A_3828, %select_n3A_3818 : vector<16xi1>, vector<16xf32>
      %mul3A_3832 = arith.constant 40 : i32
      %mul3A_3833 = arith.muli %scan3A_144, %mul3A_3832 : i32
      %add3A_3834 = arith.constant 37 : i32
      %add3A_3835 = arith.addi %mul3A_3833, %add3A_3834 : i32
      %get3A_3836 = arith.constant 37 : i32
      %get3A_3837 = arith.index_cast %and3A_146 : i32 to index
      %get3A_3838 = arith.index_cast %get3A_3836 : i32 to index
      %get3A_3839 = arith.constant 96 : index
      %get3A_3840 = tpu.vector_load %arg9[%get3A_3837, %get3A_3838, %get3A_3839] {strides = array<i32>} : memref<2x40x128xf32, #tpu.memory_space<vmem>>, vector<1x1x16xf32>,
      %get3A_3841 = vector.shape_cast %get3A_3840 : vector<1x1x16xf32> to vector<16xf32>
      %eq3A_3842 = vector.broadcast %add3A_3835 : i32 to vector<16xi32>
      %eq3A_3843 = arith.cmpi eq, %get3A_3350, %eq3A_3842 : vector<16xi32>
      %select_n3A_3844 = arith.select %eq3A_3843, %get3A_3841, %select_n3A_3831 : vector<16xi1>, vector<16xf32>
      %mul3A_3845 = arith.constant 40 : i32
      %mul3A_3846 = arith.muli %scan3A_144, %mul3A_3845 : i32
      %add3A_3847 = arith.constant 38 : i32
      %add3A_3848 = arith.addi %mul3A_3846, %add3A_3847 : i32
      %get3A_3849 = arith.constant 38 : i32
      %get3A_3850 = arith.index_cast %and3A_146 : i32 to index
      %get3A_3851 = arith.index_cast %get3A_3849 : i32 to index
      %get3A_3852 = arith.constant 96 : index
      %get3A_3853 = tpu.vector_load %arg9[%get3A_3850, %get3A_3851, %get3A_3852] {strides = array<i32>} : memref<2x40x128xf32, #tpu.memory_space<vmem>>, vector<1x1x16xf32>,
      %get3A_3854 = vector.shape_cast %get3A_3853 : vector<1x1x16xf32> to vector<16xf32>
      %eq3A_3855 = vector.broadcast %add3A_3848 : i32 to vector<16xi32>
      %eq3A_3856 = arith.cmpi eq, %get3A_3350, %eq3A_3855 : vector<16xi32>
      %select_n3A_3857 = arith.select %eq3A_3856, %get3A_3854, %select_n3A_3844 : vector<16xi1>, vector<16xf32>
      %mul3A_3858 = arith.constant 40 : i32
      %mul3A_3859 = arith.muli %scan3A_144, %mul3A_3858 : i32
      %add3A_3860 = arith.constant 39 : i32
      %add3A_3861 = arith.addi %mul3A_3859, %add3A_3860 : i32
      %get3A_3862 = arith.constant 39 : i32
      %get3A_3863 = arith.index_cast %and3A_146 : i32 to index
      %get3A_3864 = arith.index_cast %get3A_3862 : i32 to index
      %get3A_3865 = arith.constant 96 : index
      %get3A_3866 = tpu.vector_load %arg9[%get3A_3863, %get3A_3864, %get3A_3865] {strides = array<i32>} : memref<2x40x128xf32, #tpu.memory_space<vmem>>, vector<1x1x16xf32>,
      %get3A_3867 = vector.shape_cast %get3A_3866 : vector<1x1x16xf32> to vector<16xf32>
      %eq3A_3868 = vector.broadcast %add3A_3861 : i32 to vector<16xi32>
      %eq3A_3869 = arith.cmpi eq, %get3A_3350, %eq3A_3868 : vector<16xi32>
      %select_n3A_3870 = arith.select %eq3A_3869, %get3A_3867, %select_n3A_3857 : vector<16xi1>, vector<16xf32>
      %swap3A_3871 = arith.constant 96 : index
      %swap3A_3872 = tpu.vector_load %arg8[%swap3A_3871] {strides = array<i32>} : memref<128xf32, #tpu.memory_space<vmem>>, vector<16xf32>,
      %swap3A_3873 = vector.shape_cast %swap3A_3872 : vector<16xf32> to vector<16xf32>
      %swap3A_3874 = vector.shape_cast %select_n3A_3870 : vector<16xf32> to vector<16xf32>
      tpu.vector_store %arg8[%swap3A_3871], %swap3A_3874 {strides = array<i32>} : memref<128xf32, #tpu.memory_space<vmem>>, vector<16xf32>,
      %get3A_3875 = arith.constant 112 : index
      %get3A_3876 = tpu.vector_load %arg8[%get3A_3875] {strides = array<i32>} : memref<128xf32, #tpu.memory_space<vmem>>, vector<16xf32>,
      %get3A_3877 = vector.shape_cast %get3A_3876 : vector<16xf32> to vector<16xf32>
      %get3A_3878 = arith.constant 112 : index
      %get3A_3879 = tpu.vector_load %arg6[%get3A_3878] {strides = array<i32>} : memref<128xi32, #tpu.memory_space<vmem>>, vector<16xi32>,
      %get3A_3880 = vector.shape_cast %get3A_3879 : vector<16xi32> to vector<16xi32>
      %mul3A_3881 = arith.constant 40 : i32
      %mul3A_3882 = arith.muli %scan3A_144, %mul3A_3881 : i32
      %add3A_3883 = arith.constant 0 : i32
      %add3A_3884 = arith.addi %mul3A_3882, %add3A_3883 : i32
      %get3A_3885 = arith.constant 0 : i32
      %get3A_3886 = arith.index_cast %and3A_146 : i32 to index
      %get3A_3887 = arith.index_cast %get3A_3885 : i32 to index
      %get3A_3888 = arith.constant 112 : index
      %get3A_3889 = tpu.vector_load %arg9[%get3A_3886, %get3A_3887, %get3A_3888] {strides = array<i32>} : memref<2x40x128xf32, #tpu.memory_space<vmem>>, vector<1x1x16xf32>,
      %get3A_3890 = vector.shape_cast %get3A_3889 : vector<1x1x16xf32> to vector<16xf32>
      %eq3A_3891 = vector.broadcast %add3A_3884 : i32 to vector<16xi32>
      %eq3A_3892 = arith.cmpi eq, %get3A_3880, %eq3A_3891 : vector<16xi32>
      %select_n3A_3893 = arith.select %eq3A_3892, %get3A_3890, %get3A_3877 : vector<16xi1>, vector<16xf32>
      %mul3A_3894 = arith.constant 40 : i32
      %mul3A_3895 = arith.muli %scan3A_144, %mul3A_3894 : i32
      %add3A_3896 = arith.constant 1 : i32
      %add3A_3897 = arith.addi %mul3A_3895, %add3A_3896 : i32
      %get3A_3898 = arith.constant 1 : i32
      %get3A_3899 = arith.index_cast %and3A_146 : i32 to index
      %get3A_3900 = arith.index_cast %get3A_3898 : i32 to index
      %get3A_3901 = arith.constant 112 : index
      %get3A_3902 = tpu.vector_load %arg9[%get3A_3899, %get3A_3900, %get3A_3901] {strides = array<i32>} : memref<2x40x128xf32, #tpu.memory_space<vmem>>, vector<1x1x16xf32>,
      %get3A_3903 = vector.shape_cast %get3A_3902 : vector<1x1x16xf32> to vector<16xf32>
      %eq3A_3904 = vector.broadcast %add3A_3897 : i32 to vector<16xi32>
      %eq3A_3905 = arith.cmpi eq, %get3A_3880, %eq3A_3904 : vector<16xi32>
      %select_n3A_3906 = arith.select %eq3A_3905, %get3A_3903, %select_n3A_3893 : vector<16xi1>, vector<16xf32>
      %mul3A_3907 = arith.constant 40 : i32
      %mul3A_3908 = arith.muli %scan3A_144, %mul3A_3907 : i32
      %add3A_3909 = arith.constant 2 : i32
      %add3A_3910 = arith.addi %mul3A_3908, %add3A_3909 : i32
      %get3A_3911 = arith.constant 2 : i32
      %get3A_3912 = arith.index_cast %and3A_146 : i32 to index
      %get3A_3913 = arith.index_cast %get3A_3911 : i32 to index
      %get3A_3914 = arith.constant 112 : index
      %get3A_3915 = tpu.vector_load %arg9[%get3A_3912, %get3A_3913, %get3A_3914] {strides = array<i32>} : memref<2x40x128xf32, #tpu.memory_space<vmem>>, vector<1x1x16xf32>,
      %get3A_3916 = vector.shape_cast %get3A_3915 : vector<1x1x16xf32> to vector<16xf32>
      %eq3A_3917 = vector.broadcast %add3A_3910 : i32 to vector<16xi32>
      %eq3A_3918 = arith.cmpi eq, %get3A_3880, %eq3A_3917 : vector<16xi32>
      %select_n3A_3919 = arith.select %eq3A_3918, %get3A_3916, %select_n3A_3906 : vector<16xi1>, vector<16xf32>
      %mul3A_3920 = arith.constant 40 : i32
      %mul3A_3921 = arith.muli %scan3A_144, %mul3A_3920 : i32
      %add3A_3922 = arith.constant 3 : i32
      %add3A_3923 = arith.addi %mul3A_3921, %add3A_3922 : i32
      %get3A_3924 = arith.constant 3 : i32
      %get3A_3925 = arith.index_cast %and3A_146 : i32 to index
      %get3A_3926 = arith.index_cast %get3A_3924 : i32 to index
      %get3A_3927 = arith.constant 112 : index
      %get3A_3928 = tpu.vector_load %arg9[%get3A_3925, %get3A_3926, %get3A_3927] {strides = array<i32>} : memref<2x40x128xf32, #tpu.memory_space<vmem>>, vector<1x1x16xf32>,
      %get3A_3929 = vector.shape_cast %get3A_3928 : vector<1x1x16xf32> to vector<16xf32>
      %eq3A_3930 = vector.broadcast %add3A_3923 : i32 to vector<16xi32>
      %eq3A_3931 = arith.cmpi eq, %get3A_3880, %eq3A_3930 : vector<16xi32>
      %select_n3A_3932 = arith.select %eq3A_3931, %get3A_3929, %select_n3A_3919 : vector<16xi1>, vector<16xf32>
      %mul3A_3933 = arith.constant 40 : i32
      %mul3A_3934 = arith.muli %scan3A_144, %mul3A_3933 : i32
      %add3A_3935 = arith.constant 4 : i32
      %add3A_3936 = arith.addi %mul3A_3934, %add3A_3935 : i32
      %get3A_3937 = arith.constant 4 : i32
      %get3A_3938 = arith.index_cast %and3A_146 : i32 to index
      %get3A_3939 = arith.index_cast %get3A_3937 : i32 to index
      %get3A_3940 = arith.constant 112 : index
      %get3A_3941 = tpu.vector_load %arg9[%get3A_3938, %get3A_3939, %get3A_3940] {strides = array<i32>} : memref<2x40x128xf32, #tpu.memory_space<vmem>>, vector<1x1x16xf32>,
      %get3A_3942 = vector.shape_cast %get3A_3941 : vector<1x1x16xf32> to vector<16xf32>
      %eq3A_3943 = vector.broadcast %add3A_3936 : i32 to vector<16xi32>
      %eq3A_3944 = arith.cmpi eq, %get3A_3880, %eq3A_3943 : vector<16xi32>
      %select_n3A_3945 = arith.select %eq3A_3944, %get3A_3942, %select_n3A_3932 : vector<16xi1>, vector<16xf32>
      %mul3A_3946 = arith.constant 40 : i32
      %mul3A_3947 = arith.muli %scan3A_144, %mul3A_3946 : i32
      %add3A_3948 = arith.constant 5 : i32
      %add3A_3949 = arith.addi %mul3A_3947, %add3A_3948 : i32
      %get3A_3950 = arith.constant 5 : i32
      %get3A_3951 = arith.index_cast %and3A_146 : i32 to index
      %get3A_3952 = arith.index_cast %get3A_3950 : i32 to index
      %get3A_3953 = arith.constant 112 : index
      %get3A_3954 = tpu.vector_load %arg9[%get3A_3951, %get3A_3952, %get3A_3953] {strides = array<i32>} : memref<2x40x128xf32, #tpu.memory_space<vmem>>, vector<1x1x16xf32>,
      %get3A_3955 = vector.shape_cast %get3A_3954 : vector<1x1x16xf32> to vector<16xf32>
      %eq3A_3956 = vector.broadcast %add3A_3949 : i32 to vector<16xi32>
      %eq3A_3957 = arith.cmpi eq, %get3A_3880, %eq3A_3956 : vector<16xi32>
      %select_n3A_3958 = arith.select %eq3A_3957, %get3A_3955, %select_n3A_3945 : vector<16xi1>, vector<16xf32>
      %mul3A_3959 = arith.constant 40 : i32
      %mul3A_3960 = arith.muli %scan3A_144, %mul3A_3959 : i32
      %add3A_3961 = arith.constant 6 : i32
      %add3A_3962 = arith.addi %mul3A_3960, %add3A_3961 : i32
      %get3A_3963 = arith.constant 6 : i32
      %get3A_3964 = arith.index_cast %and3A_146 : i32 to index
      %get3A_3965 = arith.index_cast %get3A_3963 : i32 to index
      %get3A_3966 = arith.constant 112 : index
      %get3A_3967 = tpu.vector_load %arg9[%get3A_3964, %get3A_3965, %get3A_3966] {strides = array<i32>} : memref<2x40x128xf32, #tpu.memory_space<vmem>>, vector<1x1x16xf32>,
      %get3A_3968 = vector.shape_cast %get3A_3967 : vector<1x1x16xf32> to vector<16xf32>
      %eq3A_3969 = vector.broadcast %add3A_3962 : i32 to vector<16xi32>
      %eq3A_3970 = arith.cmpi eq, %get3A_3880, %eq3A_3969 : vector<16xi32>
      %select_n3A_3971 = arith.select %eq3A_3970, %get3A_3968, %select_n3A_3958 : vector<16xi1>, vector<16xf32>
      %mul3A_3972 = arith.constant 40 : i32
      %mul3A_3973 = arith.muli %scan3A_144, %mul3A_3972 : i32
      %add3A_3974 = arith.constant 7 : i32
      %add3A_3975 = arith.addi %mul3A_3973, %add3A_3974 : i32
      %get3A_3976 = arith.constant 7 : i32
      %get3A_3977 = arith.index_cast %and3A_146 : i32 to index
      %get3A_3978 = arith.index_cast %get3A_3976 : i32 to index
      %get3A_3979 = arith.constant 112 : index
      %get3A_3980 = tpu.vector_load %arg9[%get3A_3977, %get3A_3978, %get3A_3979] {strides = array<i32>} : memref<2x40x128xf32, #tpu.memory_space<vmem>>, vector<1x1x16xf32>,
      %get3A_3981 = vector.shape_cast %get3A_3980 : vector<1x1x16xf32> to vector<16xf32>
      %eq3A_3982 = vector.broadcast %add3A_3975 : i32 to vector<16xi32>
      %eq3A_3983 = arith.cmpi eq, %get3A_3880, %eq3A_3982 : vector<16xi32>
      %select_n3A_3984 = arith.select %eq3A_3983, %get3A_3981, %select_n3A_3971 : vector<16xi1>, vector<16xf32>
      %mul3A_3985 = arith.constant 40 : i32
      %mul3A_3986 = arith.muli %scan3A_144, %mul3A_3985 : i32
      %add3A_3987 = arith.constant 8 : i32
      %add3A_3988 = arith.addi %mul3A_3986, %add3A_3987 : i32
      %get3A_3989 = arith.constant 8 : i32
      %get3A_3990 = arith.index_cast %and3A_146 : i32 to index
      %get3A_3991 = arith.index_cast %get3A_3989 : i32 to index
      %get3A_3992 = arith.constant 112 : index
      %get3A_3993 = tpu.vector_load %arg9[%get3A_3990, %get3A_3991, %get3A_3992] {strides = array<i32>} : memref<2x40x128xf32, #tpu.memory_space<vmem>>, vector<1x1x16xf32>,
      %get3A_3994 = vector.shape_cast %get3A_3993 : vector<1x1x16xf32> to vector<16xf32>
      %eq3A_3995 = vector.broadcast %add3A_3988 : i32 to vector<16xi32>
      %eq3A_3996 = arith.cmpi eq, %get3A_3880, %eq3A_3995 : vector<16xi32>
      %select_n3A_3997 = arith.select %eq3A_3996, %get3A_3994, %select_n3A_3984 : vector<16xi1>, vector<16xf32>
      %mul3A_3998 = arith.constant 40 : i32
      %mul3A_3999 = arith.muli %scan3A_144, %mul3A_3998 : i32
      %add3A_4000 = arith.constant 9 : i32
      %add3A_4001 = arith.addi %mul3A_3999, %add3A_4000 : i32
      %get3A_4002 = arith.constant 9 : i32
      %get3A_4003 = arith.index_cast %and3A_146 : i32 to index
      %get3A_4004 = arith.index_cast %get3A_4002 : i32 to index
      %get3A_4005 = arith.constant 112 : index
      %get3A_4006 = tpu.vector_load %arg9[%get3A_4003, %get3A_4004, %get3A_4005] {strides = array<i32>} : memref<2x40x128xf32, #tpu.memory_space<vmem>>, vector<1x1x16xf32>,
      %get3A_4007 = vector.shape_cast %get3A_4006 : vector<1x1x16xf32> to vector<16xf32>
      %eq3A_4008 = vector.broadcast %add3A_4001 : i32 to vector<16xi32>
      %eq3A_4009 = arith.cmpi eq, %get3A_3880, %eq3A_4008 : vector<16xi32>
      %select_n3A_4010 = arith.select %eq3A_4009, %get3A_4007, %select_n3A_3997 : vector<16xi1>, vector<16xf32>
      %mul3A_4011 = arith.constant 40 : i32
      %mul3A_4012 = arith.muli %scan3A_144, %mul3A_4011 : i32
      %add3A_4013 = arith.constant 10 : i32
      %add3A_4014 = arith.addi %mul3A_4012, %add3A_4013 : i32
      %get3A_4015 = arith.constant 10 : i32
      %get3A_4016 = arith.index_cast %and3A_146 : i32 to index
      %get3A_4017 = arith.index_cast %get3A_4015 : i32 to index
      %get3A_4018 = arith.constant 112 : index
      %get3A_4019 = tpu.vector_load %arg9[%get3A_4016, %get3A_4017, %get3A_4018] {strides = array<i32>} : memref<2x40x128xf32, #tpu.memory_space<vmem>>, vector<1x1x16xf32>,
      %get3A_4020 = vector.shape_cast %get3A_4019 : vector<1x1x16xf32> to vector<16xf32>
      %eq3A_4021 = vector.broadcast %add3A_4014 : i32 to vector<16xi32>
      %eq3A_4022 = arith.cmpi eq, %get3A_3880, %eq3A_4021 : vector<16xi32>
      %select_n3A_4023 = arith.select %eq3A_4022, %get3A_4020, %select_n3A_4010 : vector<16xi1>, vector<16xf32>
      %mul3A_4024 = arith.constant 40 : i32
      %mul3A_4025 = arith.muli %scan3A_144, %mul3A_4024 : i32
      %add3A_4026 = arith.constant 11 : i32
      %add3A_4027 = arith.addi %mul3A_4025, %add3A_4026 : i32
      %get3A_4028 = arith.constant 11 : i32
      %get3A_4029 = arith.index_cast %and3A_146 : i32 to index
      %get3A_4030 = arith.index_cast %get3A_4028 : i32 to index
      %get3A_4031 = arith.constant 112 : index
      %get3A_4032 = tpu.vector_load %arg9[%get3A_4029, %get3A_4030, %get3A_4031] {strides = array<i32>} : memref<2x40x128xf32, #tpu.memory_space<vmem>>, vector<1x1x16xf32>,
      %get3A_4033 = vector.shape_cast %get3A_4032 : vector<1x1x16xf32> to vector<16xf32>
      %eq3A_4034 = vector.broadcast %add3A_4027 : i32 to vector<16xi32>
      %eq3A_4035 = arith.cmpi eq, %get3A_3880, %eq3A_4034 : vector<16xi32>
      %select_n3A_4036 = arith.select %eq3A_4035, %get3A_4033, %select_n3A_4023 : vector<16xi1>, vector<16xf32>
      %mul3A_4037 = arith.constant 40 : i32
      %mul3A_4038 = arith.muli %scan3A_144, %mul3A_4037 : i32
      %add3A_4039 = arith.constant 12 : i32
      %add3A_4040 = arith.addi %mul3A_4038, %add3A_4039 : i32
      %get3A_4041 = arith.constant 12 : i32
      %get3A_4042 = arith.index_cast %and3A_146 : i32 to index
      %get3A_4043 = arith.index_cast %get3A_4041 : i32 to index
      %get3A_4044 = arith.constant 112 : index
      %get3A_4045 = tpu.vector_load %arg9[%get3A_4042, %get3A_4043, %get3A_4044] {strides = array<i32>} : memref<2x40x128xf32, #tpu.memory_space<vmem>>, vector<1x1x16xf32>,
      %get3A_4046 = vector.shape_cast %get3A_4045 : vector<1x1x16xf32> to vector<16xf32>
      %eq3A_4047 = vector.broadcast %add3A_4040 : i32 to vector<16xi32>
      %eq3A_4048 = arith.cmpi eq, %get3A_3880, %eq3A_4047 : vector<16xi32>
      %select_n3A_4049 = arith.select %eq3A_4048, %get3A_4046, %select_n3A_4036 : vector<16xi1>, vector<16xf32>
      %mul3A_4050 = arith.constant 40 : i32
      %mul3A_4051 = arith.muli %scan3A_144, %mul3A_4050 : i32
      %add3A_4052 = arith.constant 13 : i32
      %add3A_4053 = arith.addi %mul3A_4051, %add3A_4052 : i32
      %get3A_4054 = arith.constant 13 : i32
      %get3A_4055 = arith.index_cast %and3A_146 : i32 to index
      %get3A_4056 = arith.index_cast %get3A_4054 : i32 to index
      %get3A_4057 = arith.constant 112 : index
      %get3A_4058 = tpu.vector_load %arg9[%get3A_4055, %get3A_4056, %get3A_4057] {strides = array<i32>} : memref<2x40x128xf32, #tpu.memory_space<vmem>>, vector<1x1x16xf32>,
      %get3A_4059 = vector.shape_cast %get3A_4058 : vector<1x1x16xf32> to vector<16xf32>
      %eq3A_4060 = vector.broadcast %add3A_4053 : i32 to vector<16xi32>
      %eq3A_4061 = arith.cmpi eq, %get3A_3880, %eq3A_4060 : vector<16xi32>
      %select_n3A_4062 = arith.select %eq3A_4061, %get3A_4059, %select_n3A_4049 : vector<16xi1>, vector<16xf32>
      %mul3A_4063 = arith.constant 40 : i32
      %mul3A_4064 = arith.muli %scan3A_144, %mul3A_4063 : i32
      %add3A_4065 = arith.constant 14 : i32
      %add3A_4066 = arith.addi %mul3A_4064, %add3A_4065 : i32
      %get3A_4067 = arith.constant 14 : i32
      %get3A_4068 = arith.index_cast %and3A_146 : i32 to index
      %get3A_4069 = arith.index_cast %get3A_4067 : i32 to index
      %get3A_4070 = arith.constant 112 : index
      %get3A_4071 = tpu.vector_load %arg9[%get3A_4068, %get3A_4069, %get3A_4070] {strides = array<i32>} : memref<2x40x128xf32, #tpu.memory_space<vmem>>, vector<1x1x16xf32>,
      %get3A_4072 = vector.shape_cast %get3A_4071 : vector<1x1x16xf32> to vector<16xf32>
      %eq3A_4073 = vector.broadcast %add3A_4066 : i32 to vector<16xi32>
      %eq3A_4074 = arith.cmpi eq, %get3A_3880, %eq3A_4073 : vector<16xi32>
      %select_n3A_4075 = arith.select %eq3A_4074, %get3A_4072, %select_n3A_4062 : vector<16xi1>, vector<16xf32>
      %mul3A_4076 = arith.constant 40 : i32
      %mul3A_4077 = arith.muli %scan3A_144, %mul3A_4076 : i32
      %add3A_4078 = arith.constant 15 : i32
      %add3A_4079 = arith.addi %mul3A_4077, %add3A_4078 : i32
      %get3A_4080 = arith.constant 15 : i32
      %get3A_4081 = arith.index_cast %and3A_146 : i32 to index
      %get3A_4082 = arith.index_cast %get3A_4080 : i32 to index
      %get3A_4083 = arith.constant 112 : index
      %get3A_4084 = tpu.vector_load %arg9[%get3A_4081, %get3A_4082, %get3A_4083] {strides = array<i32>} : memref<2x40x128xf32, #tpu.memory_space<vmem>>, vector<1x1x16xf32>,
      %get3A_4085 = vector.shape_cast %get3A_4084 : vector<1x1x16xf32> to vector<16xf32>
      %eq3A_4086 = vector.broadcast %add3A_4079 : i32 to vector<16xi32>
      %eq3A_4087 = arith.cmpi eq, %get3A_3880, %eq3A_4086 : vector<16xi32>
      %select_n3A_4088 = arith.select %eq3A_4087, %get3A_4085, %select_n3A_4075 : vector<16xi1>, vector<16xf32>
      %mul3A_4089 = arith.constant 40 : i32
      %mul3A_4090 = arith.muli %scan3A_144, %mul3A_4089 : i32
      %add3A_4091 = arith.constant 16 : i32
      %add3A_4092 = arith.addi %mul3A_4090, %add3A_4091 : i32
      %get3A_4093 = arith.constant 16 : i32
      %get3A_4094 = arith.index_cast %and3A_146 : i32 to index
      %get3A_4095 = arith.index_cast %get3A_4093 : i32 to index
      %get3A_4096 = arith.constant 112 : index
      %get3A_4097 = tpu.vector_load %arg9[%get3A_4094, %get3A_4095, %get3A_4096] {strides = array<i32>} : memref<2x40x128xf32, #tpu.memory_space<vmem>>, vector<1x1x16xf32>,
      %get3A_4098 = vector.shape_cast %get3A_4097 : vector<1x1x16xf32> to vector<16xf32>
      %eq3A_4099 = vector.broadcast %add3A_4092 : i32 to vector<16xi32>
      %eq3A_4100 = arith.cmpi eq, %get3A_3880, %eq3A_4099 : vector<16xi32>
      %select_n3A_4101 = arith.select %eq3A_4100, %get3A_4098, %select_n3A_4088 : vector<16xi1>, vector<16xf32>
      %mul3A_4102 = arith.constant 40 : i32
      %mul3A_4103 = arith.muli %scan3A_144, %mul3A_4102 : i32
      %add3A_4104 = arith.constant 17 : i32
      %add3A_4105 = arith.addi %mul3A_4103, %add3A_4104 : i32
      %get3A_4106 = arith.constant 17 : i32
      %get3A_4107 = arith.index_cast %and3A_146 : i32 to index
      %get3A_4108 = arith.index_cast %get3A_4106 : i32 to index
      %get3A_4109 = arith.constant 112 : index
      %get3A_4110 = tpu.vector_load %arg9[%get3A_4107, %get3A_4108, %get3A_4109] {strides = array<i32>} : memref<2x40x128xf32, #tpu.memory_space<vmem>>, vector<1x1x16xf32>,
      %get3A_4111 = vector.shape_cast %get3A_4110 : vector<1x1x16xf32> to vector<16xf32>
      %eq3A_4112 = vector.broadcast %add3A_4105 : i32 to vector<16xi32>
      %eq3A_4113 = arith.cmpi eq, %get3A_3880, %eq3A_4112 : vector<16xi32>
      %select_n3A_4114 = arith.select %eq3A_4113, %get3A_4111, %select_n3A_4101 : vector<16xi1>, vector<16xf32>
      %mul3A_4115 = arith.constant 40 : i32
      %mul3A_4116 = arith.muli %scan3A_144, %mul3A_4115 : i32
      %add3A_4117 = arith.constant 18 : i32
      %add3A_4118 = arith.addi %mul3A_4116, %add3A_4117 : i32
      %get3A_4119 = arith.constant 18 : i32
      %get3A_4120 = arith.index_cast %and3A_146 : i32 to index
      %get3A_4121 = arith.index_cast %get3A_4119 : i32 to index
      %get3A_4122 = arith.constant 112 : index
      %get3A_4123 = tpu.vector_load %arg9[%get3A_4120, %get3A_4121, %get3A_4122] {strides = array<i32>} : memref<2x40x128xf32, #tpu.memory_space<vmem>>, vector<1x1x16xf32>,
      %get3A_4124 = vector.shape_cast %get3A_4123 : vector<1x1x16xf32> to vector<16xf32>
      %eq3A_4125 = vector.broadcast %add3A_4118 : i32 to vector<16xi32>
      %eq3A_4126 = arith.cmpi eq, %get3A_3880, %eq3A_4125 : vector<16xi32>
      %select_n3A_4127 = arith.select %eq3A_4126, %get3A_4124, %select_n3A_4114 : vector<16xi1>, vector<16xf32>
      %mul3A_4128 = arith.constant 40 : i32
      %mul3A_4129 = arith.muli %scan3A_144, %mul3A_4128 : i32
      %add3A_4130 = arith.constant 19 : i32
      %add3A_4131 = arith.addi %mul3A_4129, %add3A_4130 : i32
      %get3A_4132 = arith.constant 19 : i32
      %get3A_4133 = arith.index_cast %and3A_146 : i32 to index
      %get3A_4134 = arith.index_cast %get3A_4132 : i32 to index
      %get3A_4135 = arith.constant 112 : index
      %get3A_4136 = tpu.vector_load %arg9[%get3A_4133, %get3A_4134, %get3A_4135] {strides = array<i32>} : memref<2x40x128xf32, #tpu.memory_space<vmem>>, vector<1x1x16xf32>,
      %get3A_4137 = vector.shape_cast %get3A_4136 : vector<1x1x16xf32> to vector<16xf32>
      %eq3A_4138 = vector.broadcast %add3A_4131 : i32 to vector<16xi32>
      %eq3A_4139 = arith.cmpi eq, %get3A_3880, %eq3A_4138 : vector<16xi32>
      %select_n3A_4140 = arith.select %eq3A_4139, %get3A_4137, %select_n3A_4127 : vector<16xi1>, vector<16xf32>
      %mul3A_4141 = arith.constant 40 : i32
      %mul3A_4142 = arith.muli %scan3A_144, %mul3A_4141 : i32
      %add3A_4143 = arith.constant 20 : i32
      %add3A_4144 = arith.addi %mul3A_4142, %add3A_4143 : i32
      %get3A_4145 = arith.constant 20 : i32
      %get3A_4146 = arith.index_cast %and3A_146 : i32 to index
      %get3A_4147 = arith.index_cast %get3A_4145 : i32 to index
      %get3A_4148 = arith.constant 112 : index
      %get3A_4149 = tpu.vector_load %arg9[%get3A_4146, %get3A_4147, %get3A_4148] {strides = array<i32>} : memref<2x40x128xf32, #tpu.memory_space<vmem>>, vector<1x1x16xf32>,
      %get3A_4150 = vector.shape_cast %get3A_4149 : vector<1x1x16xf32> to vector<16xf32>
      %eq3A_4151 = vector.broadcast %add3A_4144 : i32 to vector<16xi32>
      %eq3A_4152 = arith.cmpi eq, %get3A_3880, %eq3A_4151 : vector<16xi32>
      %select_n3A_4153 = arith.select %eq3A_4152, %get3A_4150, %select_n3A_4140 : vector<16xi1>, vector<16xf32>
      %mul3A_4154 = arith.constant 40 : i32
      %mul3A_4155 = arith.muli %scan3A_144, %mul3A_4154 : i32
      %add3A_4156 = arith.constant 21 : i32
      %add3A_4157 = arith.addi %mul3A_4155, %add3A_4156 : i32
      %get3A_4158 = arith.constant 21 : i32
      %get3A_4159 = arith.index_cast %and3A_146 : i32 to index
      %get3A_4160 = arith.index_cast %get3A_4158 : i32 to index
      %get3A_4161 = arith.constant 112 : index
      %get3A_4162 = tpu.vector_load %arg9[%get3A_4159, %get3A_4160, %get3A_4161] {strides = array<i32>} : memref<2x40x128xf32, #tpu.memory_space<vmem>>, vector<1x1x16xf32>,
      %get3A_4163 = vector.shape_cast %get3A_4162 : vector<1x1x16xf32> to vector<16xf32>
      %eq3A_4164 = vector.broadcast %add3A_4157 : i32 to vector<16xi32>
      %eq3A_4165 = arith.cmpi eq, %get3A_3880, %eq3A_4164 : vector<16xi32>
      %select_n3A_4166 = arith.select %eq3A_4165, %get3A_4163, %select_n3A_4153 : vector<16xi1>, vector<16xf32>
      %mul3A_4167 = arith.constant 40 : i32
      %mul3A_4168 = arith.muli %scan3A_144, %mul3A_4167 : i32
      %add3A_4169 = arith.constant 22 : i32
      %add3A_4170 = arith.addi %mul3A_4168, %add3A_4169 : i32
      %get3A_4171 = arith.constant 22 : i32
      %get3A_4172 = arith.index_cast %and3A_146 : i32 to index
      %get3A_4173 = arith.index_cast %get3A_4171 : i32 to index
      %get3A_4174 = arith.constant 112 : index
      %get3A_4175 = tpu.vector_load %arg9[%get3A_4172, %get3A_4173, %get3A_4174] {strides = array<i32>} : memref<2x40x128xf32, #tpu.memory_space<vmem>>, vector<1x1x16xf32>,
      %get3A_4176 = vector.shape_cast %get3A_4175 : vector<1x1x16xf32> to vector<16xf32>
      %eq3A_4177 = vector.broadcast %add3A_4170 : i32 to vector<16xi32>
      %eq3A_4178 = arith.cmpi eq, %get3A_3880, %eq3A_4177 : vector<16xi32>
      %select_n3A_4179 = arith.select %eq3A_4178, %get3A_4176, %select_n3A_4166 : vector<16xi1>, vector<16xf32>
      %mul3A_4180 = arith.constant 40 : i32
      %mul3A_4181 = arith.muli %scan3A_144, %mul3A_4180 : i32
      %add3A_4182 = arith.constant 23 : i32
      %add3A_4183 = arith.addi %mul3A_4181, %add3A_4182 : i32
      %get3A_4184 = arith.constant 23 : i32
      %get3A_4185 = arith.index_cast %and3A_146 : i32 to index
      %get3A_4186 = arith.index_cast %get3A_4184 : i32 to index
      %get3A_4187 = arith.constant 112 : index
      %get3A_4188 = tpu.vector_load %arg9[%get3A_4185, %get3A_4186, %get3A_4187] {strides = array<i32>} : memref<2x40x128xf32, #tpu.memory_space<vmem>>, vector<1x1x16xf32>,
      %get3A_4189 = vector.shape_cast %get3A_4188 : vector<1x1x16xf32> to vector<16xf32>
      %eq3A_4190 = vector.broadcast %add3A_4183 : i32 to vector<16xi32>
      %eq3A_4191 = arith.cmpi eq, %get3A_3880, %eq3A_4190 : vector<16xi32>
      %select_n3A_4192 = arith.select %eq3A_4191, %get3A_4189, %select_n3A_4179 : vector<16xi1>, vector<16xf32>
      %mul3A_4193 = arith.constant 40 : i32
      %mul3A_4194 = arith.muli %scan3A_144, %mul3A_4193 : i32
      %add3A_4195 = arith.constant 24 : i32
      %add3A_4196 = arith.addi %mul3A_4194, %add3A_4195 : i32
      %get3A_4197 = arith.constant 24 : i32
      %get3A_4198 = arith.index_cast %and3A_146 : i32 to index
      %get3A_4199 = arith.index_cast %get3A_4197 : i32 to index
      %get3A_4200 = arith.constant 112 : index
      %get3A_4201 = tpu.vector_load %arg9[%get3A_4198, %get3A_4199, %get3A_4200] {strides = array<i32>} : memref<2x40x128xf32, #tpu.memory_space<vmem>>, vector<1x1x16xf32>,
      %get3A_4202 = vector.shape_cast %get3A_4201 : vector<1x1x16xf32> to vector<16xf32>
      %eq3A_4203 = vector.broadcast %add3A_4196 : i32 to vector<16xi32>
      %eq3A_4204 = arith.cmpi eq, %get3A_3880, %eq3A_4203 : vector<16xi32>
      %select_n3A_4205 = arith.select %eq3A_4204, %get3A_4202, %select_n3A_4192 : vector<16xi1>, vector<16xf32>
      %mul3A_4206 = arith.constant 40 : i32
      %mul3A_4207 = arith.muli %scan3A_144, %mul3A_4206 : i32
      %add3A_4208 = arith.constant 25 : i32
      %add3A_4209 = arith.addi %mul3A_4207, %add3A_4208 : i32
      %get3A_4210 = arith.constant 25 : i32
      %get3A_4211 = arith.index_cast %and3A_146 : i32 to index
      %get3A_4212 = arith.index_cast %get3A_4210 : i32 to index
      %get3A_4213 = arith.constant 112 : index
      %get3A_4214 = tpu.vector_load %arg9[%get3A_4211, %get3A_4212, %get3A_4213] {strides = array<i32>} : memref<2x40x128xf32, #tpu.memory_space<vmem>>, vector<1x1x16xf32>,
      %get3A_4215 = vector.shape_cast %get3A_4214 : vector<1x1x16xf32> to vector<16xf32>
      %eq3A_4216 = vector.broadcast %add3A_4209 : i32 to vector<16xi32>
      %eq3A_4217 = arith.cmpi eq, %get3A_3880, %eq3A_4216 : vector<16xi32>
      %select_n3A_4218 = arith.select %eq3A_4217, %get3A_4215, %select_n3A_4205 : vector<16xi1>, vector<16xf32>
      %mul3A_4219 = arith.constant 40 : i32
      %mul3A_4220 = arith.muli %scan3A_144, %mul3A_4219 : i32
      %add3A_4221 = arith.constant 26 : i32
      %add3A_4222 = arith.addi %mul3A_4220, %add3A_4221 : i32
      %get3A_4223 = arith.constant 26 : i32
      %get3A_4224 = arith.index_cast %and3A_146 : i32 to index
      %get3A_4225 = arith.index_cast %get3A_4223 : i32 to index
      %get3A_4226 = arith.constant 112 : index
      %get3A_4227 = tpu.vector_load %arg9[%get3A_4224, %get3A_4225, %get3A_4226] {strides = array<i32>} : memref<2x40x128xf32, #tpu.memory_space<vmem>>, vector<1x1x16xf32>,
      %get3A_4228 = vector.shape_cast %get3A_4227 : vector<1x1x16xf32> to vector<16xf32>
      %eq3A_4229 = vector.broadcast %add3A_4222 : i32 to vector<16xi32>
      %eq3A_4230 = arith.cmpi eq, %get3A_3880, %eq3A_4229 : vector<16xi32>
      %select_n3A_4231 = arith.select %eq3A_4230, %get3A_4228, %select_n3A_4218 : vector<16xi1>, vector<16xf32>
      %mul3A_4232 = arith.constant 40 : i32
      %mul3A_4233 = arith.muli %scan3A_144, %mul3A_4232 : i32
      %add3A_4234 = arith.constant 27 : i32
      %add3A_4235 = arith.addi %mul3A_4233, %add3A_4234 : i32
      %get3A_4236 = arith.constant 27 : i32
      %get3A_4237 = arith.index_cast %and3A_146 : i32 to index
      %get3A_4238 = arith.index_cast %get3A_4236 : i32 to index
      %get3A_4239 = arith.constant 112 : index
      %get3A_4240 = tpu.vector_load %arg9[%get3A_4237, %get3A_4238, %get3A_4239] {strides = array<i32>} : memref<2x40x128xf32, #tpu.memory_space<vmem>>, vector<1x1x16xf32>,
      %get3A_4241 = vector.shape_cast %get3A_4240 : vector<1x1x16xf32> to vector<16xf32>
      %eq3A_4242 = vector.broadcast %add3A_4235 : i32 to vector<16xi32>
      %eq3A_4243 = arith.cmpi eq, %get3A_3880, %eq3A_4242 : vector<16xi32>
      %select_n3A_4244 = arith.select %eq3A_4243, %get3A_4241, %select_n3A_4231 : vector<16xi1>, vector<16xf32>
      %mul3A_4245 = arith.constant 40 : i32
      %mul3A_4246 = arith.muli %scan3A_144, %mul3A_4245 : i32
      %add3A_4247 = arith.constant 28 : i32
      %add3A_4248 = arith.addi %mul3A_4246, %add3A_4247 : i32
      %get3A_4249 = arith.constant 28 : i32
      %get3A_4250 = arith.index_cast %and3A_146 : i32 to index
      %get3A_4251 = arith.index_cast %get3A_4249 : i32 to index
      %get3A_4252 = arith.constant 112 : index
      %get3A_4253 = tpu.vector_load %arg9[%get3A_4250, %get3A_4251, %get3A_4252] {strides = array<i32>} : memref<2x40x128xf32, #tpu.memory_space<vmem>>, vector<1x1x16xf32>,
      %get3A_4254 = vector.shape_cast %get3A_4253 : vector<1x1x16xf32> to vector<16xf32>
      %eq3A_4255 = vector.broadcast %add3A_4248 : i32 to vector<16xi32>
      %eq3A_4256 = arith.cmpi eq, %get3A_3880, %eq3A_4255 : vector<16xi32>
      %select_n3A_4257 = arith.select %eq3A_4256, %get3A_4254, %select_n3A_4244 : vector<16xi1>, vector<16xf32>
      %mul3A_4258 = arith.constant 40 : i32
      %mul3A_4259 = arith.muli %scan3A_144, %mul3A_4258 : i32
      %add3A_4260 = arith.constant 29 : i32
      %add3A_4261 = arith.addi %mul3A_4259, %add3A_4260 : i32
      %get3A_4262 = arith.constant 29 : i32
      %get3A_4263 = arith.index_cast %and3A_146 : i32 to index
      %get3A_4264 = arith.index_cast %get3A_4262 : i32 to index
      %get3A_4265 = arith.constant 112 : index
      %get3A_4266 = tpu.vector_load %arg9[%get3A_4263, %get3A_4264, %get3A_4265] {strides = array<i32>} : memref<2x40x128xf32, #tpu.memory_space<vmem>>, vector<1x1x16xf32>,
      %get3A_4267 = vector.shape_cast %get3A_4266 : vector<1x1x16xf32> to vector<16xf32>
      %eq3A_4268 = vector.broadcast %add3A_4261 : i32 to vector<16xi32>
      %eq3A_4269 = arith.cmpi eq, %get3A_3880, %eq3A_4268 : vector<16xi32>
      %select_n3A_4270 = arith.select %eq3A_4269, %get3A_4267, %select_n3A_4257 : vector<16xi1>, vector<16xf32>
      %mul3A_4271 = arith.constant 40 : i32
      %mul3A_4272 = arith.muli %scan3A_144, %mul3A_4271 : i32
      %add3A_4273 = arith.constant 30 : i32
      %add3A_4274 = arith.addi %mul3A_4272, %add3A_4273 : i32
      %get3A_4275 = arith.constant 30 : i32
      %get3A_4276 = arith.index_cast %and3A_146 : i32 to index
      %get3A_4277 = arith.index_cast %get3A_4275 : i32 to index
      %get3A_4278 = arith.constant 112 : index
      %get3A_4279 = tpu.vector_load %arg9[%get3A_4276, %get3A_4277, %get3A_4278] {strides = array<i32>} : memref<2x40x128xf32, #tpu.memory_space<vmem>>, vector<1x1x16xf32>,
      %get3A_4280 = vector.shape_cast %get3A_4279 : vector<1x1x16xf32> to vector<16xf32>
      %eq3A_4281 = vector.broadcast %add3A_4274 : i32 to vector<16xi32>
      %eq3A_4282 = arith.cmpi eq, %get3A_3880, %eq3A_4281 : vector<16xi32>
      %select_n3A_4283 = arith.select %eq3A_4282, %get3A_4280, %select_n3A_4270 : vector<16xi1>, vector<16xf32>
      %mul3A_4284 = arith.constant 40 : i32
      %mul3A_4285 = arith.muli %scan3A_144, %mul3A_4284 : i32
      %add3A_4286 = arith.constant 31 : i32
      %add3A_4287 = arith.addi %mul3A_4285, %add3A_4286 : i32
      %get3A_4288 = arith.constant 31 : i32
      %get3A_4289 = arith.index_cast %and3A_146 : i32 to index
      %get3A_4290 = arith.index_cast %get3A_4288 : i32 to index
      %get3A_4291 = arith.constant 112 : index
      %get3A_4292 = tpu.vector_load %arg9[%get3A_4289, %get3A_4290, %get3A_4291] {strides = array<i32>} : memref<2x40x128xf32, #tpu.memory_space<vmem>>, vector<1x1x16xf32>,
      %get3A_4293 = vector.shape_cast %get3A_4292 : vector<1x1x16xf32> to vector<16xf32>
      %eq3A_4294 = vector.broadcast %add3A_4287 : i32 to vector<16xi32>
      %eq3A_4295 = arith.cmpi eq, %get3A_3880, %eq3A_4294 : vector<16xi32>
      %select_n3A_4296 = arith.select %eq3A_4295, %get3A_4293, %select_n3A_4283 : vector<16xi1>, vector<16xf32>
      %mul3A_4297 = arith.constant 40 : i32
      %mul3A_4298 = arith.muli %scan3A_144, %mul3A_4297 : i32
      %add3A_4299 = arith.constant 32 : i32
      %add3A_4300 = arith.addi %mul3A_4298, %add3A_4299 : i32
      %get3A_4301 = arith.constant 32 : i32
      %get3A_4302 = arith.index_cast %and3A_146 : i32 to index
      %get3A_4303 = arith.index_cast %get3A_4301 : i32 to index
      %get3A_4304 = arith.constant 112 : index
      %get3A_4305 = tpu.vector_load %arg9[%get3A_4302, %get3A_4303, %get3A_4304] {strides = array<i32>} : memref<2x40x128xf32, #tpu.memory_space<vmem>>, vector<1x1x16xf32>,
      %get3A_4306 = vector.shape_cast %get3A_4305 : vector<1x1x16xf32> to vector<16xf32>
      %eq3A_4307 = vector.broadcast %add3A_4300 : i32 to vector<16xi32>
      %eq3A_4308 = arith.cmpi eq, %get3A_3880, %eq3A_4307 : vector<16xi32>
      %select_n3A_4309 = arith.select %eq3A_4308, %get3A_4306, %select_n3A_4296 : vector<16xi1>, vector<16xf32>
      %mul3A_4310 = arith.constant 40 : i32
      %mul3A_4311 = arith.muli %scan3A_144, %mul3A_4310 : i32
      %add3A_4312 = arith.constant 33 : i32
      %add3A_4313 = arith.addi %mul3A_4311, %add3A_4312 : i32
      %get3A_4314 = arith.constant 33 : i32
      %get3A_4315 = arith.index_cast %and3A_146 : i32 to index
      %get3A_4316 = arith.index_cast %get3A_4314 : i32 to index
      %get3A_4317 = arith.constant 112 : index
      %get3A_4318 = tpu.vector_load %arg9[%get3A_4315, %get3A_4316, %get3A_4317] {strides = array<i32>} : memref<2x40x128xf32, #tpu.memory_space<vmem>>, vector<1x1x16xf32>,
      %get3A_4319 = vector.shape_cast %get3A_4318 : vector<1x1x16xf32> to vector<16xf32>
      %eq3A_4320 = vector.broadcast %add3A_4313 : i32 to vector<16xi32>
      %eq3A_4321 = arith.cmpi eq, %get3A_3880, %eq3A_4320 : vector<16xi32>
      %select_n3A_4322 = arith.select %eq3A_4321, %get3A_4319, %select_n3A_4309 : vector<16xi1>, vector<16xf32>
      %mul3A_4323 = arith.constant 40 : i32
      %mul3A_4324 = arith.muli %scan3A_144, %mul3A_4323 : i32
      %add3A_4325 = arith.constant 34 : i32
      %add3A_4326 = arith.addi %mul3A_4324, %add3A_4325 : i32
      %get3A_4327 = arith.constant 34 : i32
      %get3A_4328 = arith.index_cast %and3A_146 : i32 to index
      %get3A_4329 = arith.index_cast %get3A_4327 : i32 to index
      %get3A_4330 = arith.constant 112 : index
      %get3A_4331 = tpu.vector_load %arg9[%get3A_4328, %get3A_4329, %get3A_4330] {strides = array<i32>} : memref<2x40x128xf32, #tpu.memory_space<vmem>>, vector<1x1x16xf32>,
      %get3A_4332 = vector.shape_cast %get3A_4331 : vector<1x1x16xf32> to vector<16xf32>
      %eq3A_4333 = vector.broadcast %add3A_4326 : i32 to vector<16xi32>
      %eq3A_4334 = arith.cmpi eq, %get3A_3880, %eq3A_4333 : vector<16xi32>
      %select_n3A_4335 = arith.select %eq3A_4334, %get3A_4332, %select_n3A_4322 : vector<16xi1>, vector<16xf32>
      %mul3A_4336 = arith.constant 40 : i32
      %mul3A_4337 = arith.muli %scan3A_144, %mul3A_4336 : i32
      %add3A_4338 = arith.constant 35 : i32
      %add3A_4339 = arith.addi %mul3A_4337, %add3A_4338 : i32
      %get3A_4340 = arith.constant 35 : i32
      %get3A_4341 = arith.index_cast %and3A_146 : i32 to index
      %get3A_4342 = arith.index_cast %get3A_4340 : i32 to index
      %get3A_4343 = arith.constant 112 : index
      %get3A_4344 = tpu.vector_load %arg9[%get3A_4341, %get3A_4342, %get3A_4343] {strides = array<i32>} : memref<2x40x128xf32, #tpu.memory_space<vmem>>, vector<1x1x16xf32>,
      %get3A_4345 = vector.shape_cast %get3A_4344 : vector<1x1x16xf32> to vector<16xf32>
      %eq3A_4346 = vector.broadcast %add3A_4339 : i32 to vector<16xi32>
      %eq3A_4347 = arith.cmpi eq, %get3A_3880, %eq3A_4346 : vector<16xi32>
      %select_n3A_4348 = arith.select %eq3A_4347, %get3A_4345, %select_n3A_4335 : vector<16xi1>, vector<16xf32>
      %mul3A_4349 = arith.constant 40 : i32
      %mul3A_4350 = arith.muli %scan3A_144, %mul3A_4349 : i32
      %add3A_4351 = arith.constant 36 : i32
      %add3A_4352 = arith.addi %mul3A_4350, %add3A_4351 : i32
      %get3A_4353 = arith.constant 36 : i32
      %get3A_4354 = arith.index_cast %and3A_146 : i32 to index
      %get3A_4355 = arith.index_cast %get3A_4353 : i32 to index
      %get3A_4356 = arith.constant 112 : index
      %get3A_4357 = tpu.vector_load %arg9[%get3A_4354, %get3A_4355, %get3A_4356] {strides = array<i32>} : memref<2x40x128xf32, #tpu.memory_space<vmem>>, vector<1x1x16xf32>,
      %get3A_4358 = vector.shape_cast %get3A_4357 : vector<1x1x16xf32> to vector<16xf32>
      %eq3A_4359 = vector.broadcast %add3A_4352 : i32 to vector<16xi32>
      %eq3A_4360 = arith.cmpi eq, %get3A_3880, %eq3A_4359 : vector<16xi32>
      %select_n3A_4361 = arith.select %eq3A_4360, %get3A_4358, %select_n3A_4348 : vector<16xi1>, vector<16xf32>
      %mul3A_4362 = arith.constant 40 : i32
      %mul3A_4363 = arith.muli %scan3A_144, %mul3A_4362 : i32
      %add3A_4364 = arith.constant 37 : i32
      %add3A_4365 = arith.addi %mul3A_4363, %add3A_4364 : i32
      %get3A_4366 = arith.constant 37 : i32
      %get3A_4367 = arith.index_cast %and3A_146 : i32 to index
      %get3A_4368 = arith.index_cast %get3A_4366 : i32 to index
      %get3A_4369 = arith.constant 112 : index
      %get3A_4370 = tpu.vector_load %arg9[%get3A_4367, %get3A_4368, %get3A_4369] {strides = array<i32>} : memref<2x40x128xf32, #tpu.memory_space<vmem>>, vector<1x1x16xf32>,
      %get3A_4371 = vector.shape_cast %get3A_4370 : vector<1x1x16xf32> to vector<16xf32>
      %eq3A_4372 = vector.broadcast %add3A_4365 : i32 to vector<16xi32>
      %eq3A_4373 = arith.cmpi eq, %get3A_3880, %eq3A_4372 : vector<16xi32>
      %select_n3A_4374 = arith.select %eq3A_4373, %get3A_4371, %select_n3A_4361 : vector<16xi1>, vector<16xf32>
      %mul3A_4375 = arith.constant 40 : i32
      %mul3A_4376 = arith.muli %scan3A_144, %mul3A_4375 : i32
      %add3A_4377 = arith.constant 38 : i32
      %add3A_4378 = arith.addi %mul3A_4376, %add3A_4377 : i32
      %get3A_4379 = arith.constant 38 : i32
      %get3A_4380 = arith.index_cast %and3A_146 : i32 to index
      %get3A_4381 = arith.index_cast %get3A_4379 : i32 to index
      %get3A_4382 = arith.constant 112 : index
      %get3A_4383 = tpu.vector_load %arg9[%get3A_4380, %get3A_4381, %get3A_4382] {strides = array<i32>} : memref<2x40x128xf32, #tpu.memory_space<vmem>>, vector<1x1x16xf32>,
      %get3A_4384 = vector.shape_cast %get3A_4383 : vector<1x1x16xf32> to vector<16xf32>
      %eq3A_4385 = vector.broadcast %add3A_4378 : i32 to vector<16xi32>
      %eq3A_4386 = arith.cmpi eq, %get3A_3880, %eq3A_4385 : vector<16xi32>
      %select_n3A_4387 = arith.select %eq3A_4386, %get3A_4384, %select_n3A_4374 : vector<16xi1>, vector<16xf32>
      %mul3A_4388 = arith.constant 40 : i32
      %mul3A_4389 = arith.muli %scan3A_144, %mul3A_4388 : i32
      %add3A_4390 = arith.constant 39 : i32
      %add3A_4391 = arith.addi %mul3A_4389, %add3A_4390 : i32
      %get3A_4392 = arith.constant 39 : i32
      %get3A_4393 = arith.index_cast %and3A_146 : i32 to index
      %get3A_4394 = arith.index_cast %get3A_4392 : i32 to index
      %get3A_4395 = arith.constant 112 : index
      %get3A_4396 = tpu.vector_load %arg9[%get3A_4393, %get3A_4394, %get3A_4395] {strides = array<i32>} : memref<2x40x128xf32, #tpu.memory_space<vmem>>, vector<1x1x16xf32>,
      %get3A_4397 = vector.shape_cast %get3A_4396 : vector<1x1x16xf32> to vector<16xf32>
      %eq3A_4398 = vector.broadcast %add3A_4391 : i32 to vector<16xi32>
      %eq3A_4399 = arith.cmpi eq, %get3A_3880, %eq3A_4398 : vector<16xi32>
      %select_n3A_4400 = arith.select %eq3A_4399, %get3A_4397, %select_n3A_4387 : vector<16xi1>, vector<16xf32>
      %swap3A_4401 = arith.constant 112 : index
      %swap3A_4402 = tpu.vector_load %arg8[%swap3A_4401] {strides = array<i32>} : memref<128xf32, #tpu.memory_space<vmem>>, vector<16xf32>,
      %swap3A_4403 = vector.shape_cast %swap3A_4402 : vector<16xf32> to vector<16xf32>
      %swap3A_4404 = vector.shape_cast %select_n3A_4400 : vector<16xf32> to vector<16xf32>
      tpu.vector_store %arg8[%swap3A_4401], %swap3A_4404 {strides = array<i32>} : memref<128xf32, #tpu.memory_space<vmem>>, vector<16xf32>,
      %scan3A_4405 = arith.constant 0 : i32
      scf.yield %scan3A_4405 : i32
    }
    %scan3A_71 = arith.constant 25 : i32
    %broadcast_in_dim3A_72 = arith.constant 0.000000e+00 : f32
    %broadcast_in_dim3A_73 = vector.broadcast %broadcast_in_dim3A_72 : f32 to vector<16xf32>
    %get3A = arith.constant 0 : index
    %get3A_74 = tpu.vector_load %arg8[%get3A] {strides = array<i32>} : memref<128xf32, #tpu.memory_space<vmem>>, vector<16xf32>,
    %get3A_75 = vector.shape_cast %get3A_74 : vector<16xf32> to vector<16xf32>
    %get3A_76 = arith.constant 0 : index
    %get3A_77 = tpu.vector_load %arg7[%get3A_76] {strides = array<i32>} : memref<128xf32, #tpu.memory_space<vmem>>, vector<16xf32>,
    %get3A_78 = vector.shape_cast %get3A_77 : vector<16xf32> to vector<16xf32>
    %mul3A_79 = arith.mulf %get3A_75, %get3A_78 : vector<16xf32>
    %add3A_80 = arith.addf %broadcast_in_dim3A_73, %mul3A_79 : vector<16xf32>
    %get3A_81 = arith.constant 16 : index
    %get3A_82 = tpu.vector_load %arg8[%get3A_81] {strides = array<i32>} : memref<128xf32, #tpu.memory_space<vmem>>, vector<16xf32>,
    %get3A_83 = vector.shape_cast %get3A_82 : vector<16xf32> to vector<16xf32>
    %get3A_84 = arith.constant 16 : index
    %get3A_85 = tpu.vector_load %arg7[%get3A_84] {strides = array<i32>} : memref<128xf32, #tpu.memory_space<vmem>>, vector<16xf32>,
    %get3A_86 = vector.shape_cast %get3A_85 : vector<16xf32> to vector<16xf32>
    %mul3A_87 = arith.mulf %get3A_83, %get3A_86 : vector<16xf32>
    %add3A_88 = arith.addf %add3A_80, %mul3A_87 : vector<16xf32>
    %get3A_89 = arith.constant 32 : index
    %get3A_90 = tpu.vector_load %arg8[%get3A_89] {strides = array<i32>} : memref<128xf32, #tpu.memory_space<vmem>>, vector<16xf32>,
    %get3A_91 = vector.shape_cast %get3A_90 : vector<16xf32> to vector<16xf32>
    %get3A_92 = arith.constant 32 : index
    %get3A_93 = tpu.vector_load %arg7[%get3A_92] {strides = array<i32>} : memref<128xf32, #tpu.memory_space<vmem>>, vector<16xf32>,
    %get3A_94 = vector.shape_cast %get3A_93 : vector<16xf32> to vector<16xf32>
    %mul3A_95 = arith.mulf %get3A_91, %get3A_94 : vector<16xf32>
    %add3A_96 = arith.addf %add3A_88, %mul3A_95 : vector<16xf32>
    %get3A_97 = arith.constant 48 : index
    %get3A_98 = tpu.vector_load %arg8[%get3A_97] {strides = array<i32>} : memref<128xf32, #tpu.memory_space<vmem>>, vector<16xf32>,
    %get3A_99 = vector.shape_cast %get3A_98 : vector<16xf32> to vector<16xf32>
    %get3A_100 = arith.constant 48 : index
    %get3A_101 = tpu.vector_load %arg7[%get3A_100] {strides = array<i32>} : memref<128xf32, #tpu.memory_space<vmem>>, vector<16xf32>,
    %get3A_102 = vector.shape_cast %get3A_101 : vector<16xf32> to vector<16xf32>
    %mul3A_103 = arith.mulf %get3A_99, %get3A_102 : vector<16xf32>
    %add3A_104 = arith.addf %add3A_96, %mul3A_103 : vector<16xf32>
    %get3A_105 = arith.constant 64 : index
    %get3A_106 = tpu.vector_load %arg8[%get3A_105] {strides = array<i32>} : memref<128xf32, #tpu.memory_space<vmem>>, vector<16xf32>,
    %get3A_107 = vector.shape_cast %get3A_106 : vector<16xf32> to vector<16xf32>
    %get3A_108 = arith.constant 64 : index
    %get3A_109 = tpu.vector_load %arg7[%get3A_108] {strides = array<i32>} : memref<128xf32, #tpu.memory_space<vmem>>, vector<16xf32>,
    %get3A_110 = vector.shape_cast %get3A_109 : vector<16xf32> to vector<16xf32>
    %mul3A_111 = arith.mulf %get3A_107, %get3A_110 : vector<16xf32>
    %add3A_112 = arith.addf %add3A_104, %mul3A_111 : vector<16xf32>
    %get3A_113 = arith.constant 80 : index
    %get3A_114 = tpu.vector_load %arg8[%get3A_113] {strides = array<i32>} : memref<128xf32, #tpu.memory_space<vmem>>, vector<16xf32>,
    %get3A_115 = vector.shape_cast %get3A_114 : vector<16xf32> to vector<16xf32>
    %get3A_116 = arith.constant 80 : index
    %get3A_117 = tpu.vector_load %arg7[%get3A_116] {strides = array<i32>} : memref<128xf32, #tpu.memory_space<vmem>>, vector<16xf32>,
    %get3A_118 = vector.shape_cast %get3A_117 : vector<16xf32> to vector<16xf32>
    %mul3A_119 = arith.mulf %get3A_115, %get3A_118 : vector<16xf32>
    %add3A_120 = arith.addf %add3A_112, %mul3A_119 : vector<16xf32>
    %get3A_121 = arith.constant 96 : index
    %get3A_122 = tpu.vector_load %arg8[%get3A_121] {strides = array<i32>} : memref<128xf32, #tpu.memory_space<vmem>>, vector<16xf32>,
    %get3A_123 = vector.shape_cast %get3A_122 : vector<16xf32> to vector<16xf32>
    %get3A_124 = arith.constant 96 : index
    %get3A_125 = tpu.vector_load %arg7[%get3A_124] {strides = array<i32>} : memref<128xf32, #tpu.memory_space<vmem>>, vector<16xf32>,
    %get3A_126 = vector.shape_cast %get3A_125 : vector<16xf32> to vector<16xf32>
    %mul3A_127 = arith.mulf %get3A_123, %get3A_126 : vector<16xf32>
    %add3A_128 = arith.addf %add3A_120, %mul3A_127 : vector<16xf32>
    %get3A_129 = arith.constant 112 : index
    %get3A_130 = tpu.vector_load %arg8[%get3A_129] {strides = array<i32>} : memref<128xf32, #tpu.memory_space<vmem>>, vector<16xf32>,
    %get3A_131 = vector.shape_cast %get3A_130 : vector<16xf32> to vector<16xf32>
    %get3A_132 = arith.constant 112 : index
    %get3A_133 = tpu.vector_load %arg7[%get3A_132] {strides = array<i32>} : memref<128xf32, #tpu.memory_space<vmem>>, vector<16xf32>,
    %get3A_134 = vector.shape_cast %get3A_133 : vector<16xf32> to vector<16xf32>
    %mul3A_135 = arith.mulf %get3A_131, %get3A_134 : vector<16xf32>
    %add3A_136 = arith.addf %add3A_128, %mul3A_135 : vector<16xf32>
    %mul3A_137 = arith.constant -6.10351563E-5 : f32
    %mul3A_138 = vector.broadcast %mul3A_137 : f32 to vector<16xf32>
    %mul3A_139 = arith.mulf %add3A_136, %mul3A_138 : vector<16xf32>
    %swap3A_140 = arith.constant 0 : index
    %swap3A_141 = tpu.vector_load %arg10[%swap3A_140] {strides = array<i32>} : memref<16xf32, #tpu.memory_space<vmem>>, vector<16xf32>,
    %swap3A_142 = vector.shape_cast %swap3A_141 : vector<16xf32> to vector<16xf32>
    %swap3A_143 = vector.shape_cast %mul3A_139 : vector<16xf32> to vector<16xf32>
    tpu.vector_store %arg10[%swap3A_140], %swap3A_143 {strides = array<i32>} : memref<16xf32, #tpu.memory_space<vmem>>, vector<16xf32>,
    "tpu.region"() ({
      %run_scoped3A = tpu.sem_alloc : memref<!tpu.dma_semaphore, #tpu.memory_space<semaphore_mem>>
      %dma_start3A_144 = arith.constant 0 : i32
      %dma_start3A_145 = tpu.memref_slice %arg5[%add3A, %dma_start3A_144] : memref<32x16xf32, #tpu.memory_space<hbm>> -> memref<1x16xf32, #tpu.memory_space<hbm>>
      %dma_start3A_146 = tpu.memref_squeeze %dma_start3A_145 : memref<1x16xf32, #tpu.memory_space<hbm>> -> memref<16xf32, #tpu.memory_space<hbm>>
      %dma_start3A_147 = arith.constant 0 : i32
      %dma_start3A_148 = tpu.memref_slice %arg5[%add3A, %dma_start3A_147] : memref<32x16xf32, #tpu.memory_space<hbm>> -> memref<1x16xf32, #tpu.memory_space<hbm>>
      %dma_start3A_149 = tpu.memref_squeeze %dma_start3A_148 : memref<1x16xf32, #tpu.memory_space<hbm>> -> memref<16xf32, #tpu.memory_space<hbm>>
      tpu.enqueue_dma source(%arg10 : memref<16xf32, #tpu.memory_space<vmem>>) target(%dma_start3A_149 : memref<16xf32, #tpu.memory_space<hbm>>) target_semaphore(%run_scoped3A : memref<!tpu.dma_semaphore, #tpu.memory_space<semaphore_mem>>)
      %dma_wait3A = arith.constant 0 : i32
      %dma_wait3A_150 = tpu.memref_slice %arg5[%add3A, %dma_wait3A] : memref<32x16xf32, #tpu.memory_space<hbm>> -> memref<1x16xf32, #tpu.memory_space<hbm>>
      %dma_wait3A_151 = tpu.memref_squeeze %dma_wait3A_150 : memref<1x16xf32, #tpu.memory_space<hbm>> -> memref<16xf32, #tpu.memory_space<hbm>>
      %dma_wait3A_152 = arith.constant 0 : i32
      %dma_wait3A_153 = tpu.memref_slice %arg5[%add3A, %dma_wait3A_152] : memref<32x16xf32, #tpu.memory_space<hbm>> -> memref<1x16xf32, #tpu.memory_space<hbm>>
      %dma_wait3A_154 = tpu.memref_squeeze %dma_wait3A_153 : memref<1x16xf32, #tpu.memory_space<hbm>> -> memref<16xf32, #tpu.memory_space<hbm>>
      tpu.wait_dma2 semaphore(%run_scoped3A : memref<!tpu.dma_semaphore, #tpu.memory_space<semaphore_mem>>) src(%arg10 : memref<16xf32, #tpu.memory_space<vmem>>) dst(%dma_wait3A_154 : memref<16xf32, #tpu.memory_space<hbm>>)
      tpu.yield
    }) : () -> ()
    return
  }
}

module attributes {stable_mosaic.version = 14 : i64} {
  func.func @_tc_body(%arg0: i32, %arg1: memref<2048xi32, #tpu.memory_space<vmem>>, %arg2: memref<2048xf32, #tpu.memory_space<vmem>>, %arg3: memref<1000x2048xf32, #tpu.memory_space<vmem>>, %arg4: memref<1x1xf32, #tpu.memory_space<smem>>) attributes {dimension_semantics = [#tpu.dimension_semantics<arbitrary>], iteration_bounds = array<i64: 6>, scalar_prefetch = 0 : i64, scratch_operands = 0 : i64, tpu.core_type = #tpu.core_type<tc>, window_params = [{transform_indices = @transform_0, window_bounds = array<i64: 2048>}, {transform_indices = @transform_1, window_bounds = array<i64: 2048>}, {transform_indices = @transform_2, window_bounds = array<i64: 1000, 2048>}, {transform_indices = @transform_3, window_bounds = array<i64: 1, 1>}]} {
    %get3A = arith.constant 0 : index
    %get3A_0 = vector.load %arg1[%get3A] : memref<2048xi32, #tpu.memory_space<vmem>>, vector<2048xi32>
    %get3A_1 = arith.constant 0 : index
    %get3A_2 = vector.load %arg2[%get3A_1] : memref<2048xf32, #tpu.memory_space<vmem>>, vector<2048xf32>
    %get3A_3 = arith.constant 0 : index
    %get3A_4 = arith.constant 0 : index
    %get3A_5 = vector.load %arg3[%get3A_3, %get3A_4] : memref<1000x2048xf32, #tpu.memory_space<vmem>>, vector<1000x2048xf32>
    %iota3A = tpu.iota {dimensions = array<i32: 0>} : vector<1000x2048xi32>
    %broadcast_in_dim3A = vector.shape_cast %get3A_0 : vector<2048xi32> to vector<1x2048xi32>
    %eq3A = vector.broadcast %broadcast_in_dim3A : vector<1x2048xi32> to vector<1000x2048xi32>
    %eq3A_6 = arith.cmpi eq, %iota3A, %eq3A : vector<1000x2048xi32>
    %jit3A = arith.constant 0.000000e+00 : f32
    %broadcast_in_dim3A_7 = vector.broadcast %jit3A : f32 to vector<1000x2048xf32>
    %select_n3A = arith.select %eq3A_6, %get3A_5, %broadcast_in_dim3A_7 : vector<1000x2048xi1>, vector<1000x2048xf32>
    %reduce_sum3A = arith.constant dense<0.000000e+00> : vector<2048xf32>
    %reduce_sum3A_8 = vector.multi_reduction <add>, %select_n3A, %reduce_sum3A [0] : vector<1000x2048xf32> to vector<2048xf32>
    %mul3A = arith.mulf %reduce_sum3A_8, %get3A_2 : vector<2048xf32>
    %reduce_sum3A_9 = vector.shape_cast %mul3A : vector<2048xf32> to vector<1x2048xf32>
    %reduce_sum3A_10 = arith.constant dense<0.000000e+00> : vector<1xf32>
    %reduce_sum3A_11 = vector.multi_reduction <add>, %reduce_sum3A_9, %reduce_sum3A_10 [1] : vector<1x2048xf32> to vector<1xf32>
    %reduce_sum3A_12 = vector.shape_cast %reduce_sum3A_11 : vector<1xf32> to vector<1x1xf32>
    %reduce_sum3A_13 = vector.extract %reduce_sum3A_12[0, 0] : f32 from vector<1x1xf32>
    %eq3A_14 = arith.constant 0 : i32
    %eq3A_15 = arith.cmpi eq, %arg0, %eq3A_14 : i32
    %convert_element_type3A = arith.extui %eq3A_15 : i1 to i32
    %cond3A = arith.constant 0 : i32
    %cond3A_16 = arith.cmpi ne, %convert_element_type3A, %cond3A : i32
    scf.if %cond3A_16 {
      %swap3A_24 = arith.constant 0.000000e+00 : f32
      %swap3A_25 = arith.constant 0 : index
      %swap3A_26 = arith.constant 0 : index
      %swap3A_27 = memref.load %arg4[%swap3A_25, %swap3A_26] : memref<1x1xf32, #tpu.memory_space<smem>>
      memref.store %swap3A_24, %arg4[%swap3A_25, %swap3A_26] : memref<1x1xf32, #tpu.memory_space<smem>>
    } else {
    }
    %get3A_17 = arith.constant 0 : index
    %get3A_18 = arith.constant 0 : index
    %get3A_19 = memref.load %arg4[%get3A_17, %get3A_18] : memref<1x1xf32, #tpu.memory_space<smem>>
    %mul3A_20 = arith.constant -6.10351563E-5 : f32
    %mul3A_21 = arith.mulf %reduce_sum3A_13, %mul3A_20 : f32
    %add3A = arith.addf %get3A_19, %mul3A_21 : f32
    %swap3A = arith.constant 0 : index
    %swap3A_22 = arith.constant 0 : index
    %swap3A_23 = memref.load %arg4[%swap3A, %swap3A_22] : memref<1x1xf32, #tpu.memory_space<smem>>
    memref.store %add3A, %arg4[%swap3A, %swap3A_22] : memref<1x1xf32, #tpu.memory_space<smem>>
    return
  }
  func.func @transform_0(%arg0: i32) -> i32 {
    %c0_i32 = arith.constant 0 : i32
    return %arg0 : i32
  }
  func.func @transform_1(%arg0: i32) -> i32 {
    %c0_i32 = arith.constant 0 : i32
    return %arg0 : i32
  }
  func.func @transform_2(%arg0: i32) -> (i32, i32) {
    %c0_i32 = arith.constant 0 : i32
    %c0_i32_0 = arith.constant 0 : i32
    return %c0_i32, %arg0 : i32, i32
  }
  func.func @transform_3(%arg0: i32) -> (i32, i32) {
    %c0_i32 = arith.constant 0 : i32
    %c0_i32_0 = arith.constant 0 : i32
    %c0_i32_1 = arith.constant 0 : i32
    return %c0_i32, %c0_i32_0 : i32, i32
  }
}

</mosaic_0001>

<sc_bundles>
// kernel: _ganloss.4.cloned.1.call-start
scs
__scs_entry_jumppad:
0x0: {  	(pc) =	sbr.rel $0x88, $3  }
0x1: {  	(tag) =	ssettag $0x0;
	lr =	simm.s32 $0x1  }
0x2: {  	[smem:$0x3F9E] =	sst lr;
	_ =	strace $0xD0000000  }
0x3: {  	_ = 	snop  }
0x4: {  	_ = 	snop  }
0x5: {  	_ = 	snop  }
0x6: {  	_ = 	snop  }
0x7: {  	_ = 	snop  }
__scs_overlays_trampoline_lowered:
0x8: {  	[smem:$0x3FAD] =	sst s0  }
0x9: {  	[smem:$0x3FAE] =	sst s1  }
0xa: {  	[smem:$0x3FAF] =	sst s2  }
0xb: {  	[smem:$0x3FB0] =	sst s3  }
0xc: {  	[smem:$0x3FB1] =	sst s4  }
0xd: {  	[smem:$0x3FB2] =	sst s5  }
0xe: {  	[smem:$0x3FB3] =	sst s6  }
0xf: {  	[smem:$0x3FB4] =	sst s7  }
0x10: {  	[smem:$0x3FB5] =	sst s8  }
0x11: {  	[smem:$0x3FB6] =	sst s9;
	s0 =	simm.s32 @!p0 $0x0  }
0x12: {  	s1 =	sld [smem:$0x3F9C];
	s0 =	simm.s32 @p0 $0x1  }
0x13: {  	[smem:$0x3FB7] =	sst s0;
	s0 =	simm.s32 @!p1 $0x0  }
0x14: {  	s2 =	sld [smem:$0x3F9B];
	s0 =	simm.s32 @p1 $0x1  }
0x15: {  	[smem:$0x3FB8] =	sst s0;
	s0 =	simm.s32 @!p2 $0x0  }
0x16: {  	s3 =	sld [smem:$0x3FDB];
	s0 =	simm.s32 @p2 $0x1  }
0x17: {  	s4 =	simm.s32 $0x1BF5;
	[smem:$0x3FBA] =	sst s0  }
0x18: {  	s0 =	sld [smem:$0x3F9D];
	_ =	swait.ge [sflag:s4], $0x0  }
0x19: {  	s7 =	sld [smem:$0x3F9E]  }
0x1a: {  	s8 =	sadd.s32 $0xFFFFE003, lr  }
0x1b: {  	s9 =	sadd.s32 $0xFFFFFEF7, lr;
	s5 =	simm.s32 $0xFFFFFFFF;
	p2 =	slt.u32 s8, $0xFFFFF086  }
0x1c: {  	p1 =	slt.u32 s9, $0xF7A;
	s5 =	simm.s32 @!p2 $0x0  }
0x1d: {  	s5 =	simm.s32 @p1 $0x1;
	p0 =	seq.s32 s7, s2  }
0x1e: {  	s7 =	smul.u32 @!p0 $0xF7A, s2;
	p2 =	seq.s32 @!p0 s5, $0x0  }
0x1f: {  	s9 =	smul.u32 $0xF7A, s1;
	s8 =	simm.s32 @!p0 $0x1BF5;
	p2 =	por !p2, p0  }
0x20: {  	[sflag:s8] =	ssyncset.s32 @!p0 $0xFFFFF086;
	s6 =	sadd.s32 @!p0 s3, s7;
	s7 =	simm.s32 @!p0 $0x108  }
0x21: {  	s3 =	sadd.s32 s3, s9;
	s6 =	sadd.s32 @!p0 $0x88, s6;
	s7 =	simm.s32 @p2 $0x1082  }
0x22: {  	[simem:s7], [sflag:s8] =	dma.local @!p0 [hbm:s6], $0xF7A  }
0x23: {  	s9 =	sor.u32 $0xD0000000, s2;
	s6 =	simm.s32 $0x108;
	_ =	swait.ge @!p0 [sflag:s8], $0x0  }
0x24: {  	s3 =	sadd.s32 $0x88, s3;
	s6 =	simm.s32 @!p1 $0x1082;
	[sflag:s4] =	ssyncset.s32 $0xFFFFF086  }
0x25: {  	[simem:s6], [sflag:s4] =	dma.local [hbm:s3], $0xF7A  }
0x26: {  	[smem:$0x3F9E] =	sst s1;
	(tag) =	ssettag s2;
	_ =	strace s9  }
0x27: {  	s1 =	sld [smem:$0x3FAE]  }
0x28: {  	s2 =	sld [smem:$0x3FAF]  }
0x29: {  	s4 =	sld [smem:$0x3FB1]  }
0x2a: {  	p0 =	seq.s32 s5, $0x0;
	s5 =	sld [smem:$0x3FB2]  }
0x2b: {  	s6 =	sld [smem:$0x3FB3]  }
0x2c: {  	s7 =	sld [smem:$0x3FB4]  }
0x2d: {  	s3 =	simm.s32 $0x108;
	s8 =	sld [smem:$0x3FB5]  }
0x2e: {  	s3 =	simm.s32 @!p0 $0x1082;
	s9 =	sld [smem:$0x3FB6]  }
0x2f: {  	lr =	sadd.s32 s0, s3;
	s0 =	sld [smem:$0x3FAD]  }
0x30: {  	s3 =	sld [smem:$0x3FB0]  }
0x31: {  	[smem:$0x3FB9] =	sst s10  }
0x32: {  	s10 =	sld [smem:$0x3FB7];
	_ =	sdelay $0x3  }
0x33: {  	p0 =	seq.s32 s10, $0x1;
	s10 =	sld [smem:$0x3FB9];
	_ =	sdelay $0x3  }
0x34: {  	[smem:$0x3FB9] =	sst s10  }
0x35: {  	s10 =	sld [smem:$0x3FB8];
	_ =	sdelay $0x3  }
0x36: {  	p1 =	seq.s32 s10, $0x1;
	s10 =	sld [smem:$0x3FB9];
	_ =	sdelay $0x3  }
0x37: {  	[smem:$0x3FB9] =	sst s10  }
0x38: {  	s10 =	sld [smem:$0x3FBA]  }
0x39: {  	_ = 	snop;
	(pc) =	sbr.ind lr, $3  }
0x3a: {  	_ = 	snop  }
0x3b: {  	_ = 	snop  }
0x3c: {  	p2 =	seq.s32 s10, $0x1;
	s10 =	sld [smem:$0x3FB9]  }
0x3d: {  	_ =	shalt  }
0x3e: {  	_ =	shalt  }
0x3f: {  	_ =	shalt  }
0x40: {  	_ =	shalt  }
0x41: {  	_ =	shalt  }
0x42: {  	_ =	shalt  }
0x43: {  	_ =	shalt  }
0x44: {  	_ =	shalt  }
0x45: {  	_ =	shalt  }
0x46: {  	_ =	shalt  }
0x47: {  	_ =	shalt  }
0x48: {  	_ =	shalt  }
0x49: {  	_ =	shalt  }
0x4a: {  	_ =	shalt  }
0x4b: {  	_ =	shalt  }
0x4c: {  	_ =	shalt  }
0x4d: {  	_ =	shalt  }
0x4e: {  	_ =	shalt  }
0x4f: {  	_ =	shalt  }
0x50: {  	_ =	shalt  }
0x51: {  	_ =	shalt  }
0x52: {  	_ =	shalt  }
0x53: {  	_ =	shalt  }
0x54: {  	_ =	shalt  }
0x55: {  	_ =	shalt  }
0x56: {  	_ =	shalt  }
0x57: {  	_ =	shalt  }
0x58: {  	_ =	shalt  }
0x59: {  	_ =	shalt  }
0x5a: {  	_ =	shalt  }
0x5b: {  	_ =	shalt  }
0x5c: {  	_ =	shalt  }
0x5d: {  	_ =	shalt  }
0x5e: {  	_ =	shalt  }
0x5f: {  	_ =	shalt  }
0x60: {  	_ =	shalt  }
0x61: {  	_ =	shalt  }
0x62: {  	_ =	shalt  }
0x63: {  	_ =	shalt  }
0x64: {  	_ =	shalt  }
0x65: {  	_ =	shalt  }
0x66: {  	_ =	shalt  }
0x67: {  	_ =	shalt  }
0x68: {  	_ =	shalt  }
0x69: {  	_ =	shalt  }
0x6a: {  	_ =	shalt  }
0x6b: {  	_ =	shalt  }
0x6c: {  	_ =	shalt  }
0x6d: {  	_ =	shalt  }
0x6e: {  	_ =	shalt  }
0x6f: {  	_ =	shalt  }
0x70: {  	_ =	shalt  }
0x71: {  	_ =	shalt  }
0x72: {  	_ =	shalt  }
0x73: {  	_ =	shalt  }
0x74: {  	_ =	shalt  }
0x75: {  	_ =	shalt  }
0x76: {  	_ =	shalt  }
0x77: {  	_ =	shalt  }
0x78: {  	_ =	shalt  }
0x79: {  	_ =	shalt  }
0x7a: {  	_ =	shalt  }
0x7b: {  	_ =	shalt  }
0x7c: {  	_ =	shalt  }
0x7d: {  	_ =	shalt  }
0x7e: {  	_ =	shalt  }
0x7f: {  	_ =	shalt  }
0x80: {  	_ =	shalt  }
0x81: {  	_ =	shalt  }
0x82: {  	_ =	shalt  }
0x83: {  	_ =	shalt  }
0x84: {  	_ =	shalt  }
0x85: {  	_ =	shalt  }
0x86: {  	_ =	shalt  }
0x87: {  	_ =	shalt  }
.Lfunc_end0:
.L_simem_size_0:
called_computation_lowered:
.L_overlay_start_0:
0x88: {  	s2 =	sld [smem:$0x3FD9]  }
0x89: {  	s3 =	sld [smem:$0x3FFE];
	_ =	sdelay $0x1  }
0x8a: {  	s1 =	srdreg.scid  }
0x8b: {  	s0 =	sand.u32 $0x1, s1  }
0x8c: {  	s17 =	sshll.u32 s0, $0xA;
	s2 =	sadd.s32 s3, s2  }
0x8d: {  	s2 =	sadd.s32 s2, s17  }
0x8e: {  	[smem:$0x3FC5] =	sst s2  }
0x8f: {  	_ = 	snop  }
0x90: {  	s2 =	sld [smem:$0x3FC9]  }
0x91: {  	s18 =	sld [smem:$0x3FC8]  }
0x92: {  	s4 =	sld [smem:$0x3FC7];
	(tm) =	ssettm $0x1  }
0x93: {  	s5 =	sld [smem:$0x3FFB];
	_ =	sdelay $0x3  }
0x94: {  	_ =	strace s5  }
0x95: {  	s5 =	sld [smem:$0x3FFC];
	_ =	sdelay $0x3  }
0x96: {  	_ =	strace s5  }
0x97: {  	s5 =	sld [smem:$0x3FFD];
	_ =	sdelay $0x3  }
0x98: {  	_ =	strace s5  }
0x99: {  	_ =	strace $0x8FFFFFFF  }
0x9a: {  	s19 =	sld [smem:$0x3FDB];
	_ =	sdelay $0x1  }
0x9b: {  	s6 =	simm.s32 $_scs_section_size  }
0x9c: {  	s7 =	simm.s32 $_size__tile_overlayer_lowered;
	s8 =	simm.s32 $_tile_overlayer_lowered  }
0x9d: {  	s22 =	simm.s32 $0x1BFF;
	s21 =	sshll.u32 s8, $0x1;
	s5 =	sadd.s32 s6, s19  }
0x9e: {  	s9 =	simm.s32 $0x0;
	s20 =	sshll.u32 s7, $0x1;
	s7 =	sadd.s32 s21, s5  }
0x9f: {  	[timem:s9], [sflag:s22] =	dma.local [hbm:s7], s20  }
0xa0: {  	_ =	swait.ge [sflag:s22], s20  }
0xa1: {  	s6 =	ssub.s32 $0x0, s20;
	[sflag:s22] =	ssyncset.done $0x0  }
0xa2: {  	[sflag:s22] =	ssyncadd.s32 s6;
	_ =	sdelay $0x1  }
0xa3: {  	s23 =	simm.s32 $0x1B8B  }
0xa4: {  	_ =	swait.ge [sflag:s23], $0x1  }
0xa5: {  	[sflag:s23] =	ssyncset.done $0x0  }
0xa6: {  	s25 =	simm.s32 $0x1B8E;
	s24 =	sld [smem:$0x3FFE];
	[sflag:s23] =	ssyncadd.s32 $0xFFFFFFFF  }
0xa7: {  	s26 =	simm.s32 $execute0_lowered;
	[smem:$0x3FD2] =	sst s25  }
0xa8: {  	s7 =	sshll.u32 s26, $0x1;
	_ =	strace $0x80000046;
	[dreg:$0x1] =	wrdreg $0xFFFFFFFF  }
0xa9: {  	s28 =	simm.s32 $_size_execute0_lowered;
	s5 =	sadd.s32 s5, s7;
	[dreg:$0x0] =	wrdreg $0x0  }
0xaa: {  	s7 =	sshll.u32 s28, $0x1;
	[dreg:$0x2] =	wrdreg s5  }
0xab: {  	[dreg:$0x3] =	wrdreg s7  }
0xac: {  	[dreg:$0x4] =	wrdreg $0xC0  }
0xad: {  	_ =	task [dreg:s9], $0x5FFFF  }
0xae: {  	[dreg:$0x1] =	wrdreg $0xFFFFFFFF  }
0xaf: {  	[dreg:$0x0] =	wrdreg $0x60  }
0xb0: {  	[dreg:$0x2] =	wrdreg s2  }
0xb1: {  	[dreg:$0x3] =	wrdreg s18  }
0xb2: {  	[dreg:$0x4] =	wrdreg s4  }
0xb3: {  	[dreg:$0x5] =	wrdreg s24  }
0xb4: {  	[dreg:$0x6] =	wrdreg $0x9  }
0xb5: {  	_ =	task.clear_ibuf [dreg:s9], $0x7FFFF;
	_ =	strace $0x90000046  }
0xb6: {  	s29 =	simm.s32 $0x9;
	_ =	strace $0x80000048  }
0xb7: {  	_ =	swait.ge [sflag:s29], $0x1  }
0xb8: {  	[sflag:s29] =	ssyncadd.s32 $0xFFFFFFFF  }
0xb9: {  	_ =	strace $0x90000048  }
0xba: {  	_ =	sfence  }
0xbb: {  	s30 =	sld [smem:$0x0];
	_ =	sdelay $0x2  }
0xbc: {  	s31 =	sshll.u32 s1, $0xD;
	s1 =	sshrl.u32 s1, $0x2  }
0xbd: {  	s3 =	sand.u32 $0x4000, s31;
	s1 =	sadd.s32 s1, s30  }
0xbe: {  	s0 =	sor.u32 s3, s0;
	s1 =	sshll.u32 s1, $0x11  }
0xbf: {  	s0 =	sor.u32 s1, s0  }
0xc0: {  	s0 =	sadd.s32 $0x8F2B, s0  }
0xc1: {  	[sflag:s0] =	ssyncadd.remote.s32 $0x1  }
0xc2: {  	_ =	sfence.sel $0xFFFF  }
0xc3: {  	[dreg:$0x0] =	wrdreg $0xFFFFFFFF;
	(pc) =	sbr.abs _section_cstart, $3  }
0xc4: {  	[dreg:$0x1] =	wrdreg $0xFFFFFFFF  }
0xc5: {  	_ =	task.clear_ibuf [dreg:s9], $0x2FFFF;
	_ =	strace $0x9FFFFFFF  }
0xc6: {  	(tm) =	ssettm $0x7FFFFFFF  }
0xc7: {  	_ =	shalt  }
tec
execute0_lowered:
.L_overlay_start_1:
0x0: {  	(tag) =	ssettag $0x1  }
0x1: {  	s0 =	rddreg [dreg:$0x0]  }
0x2: {  	s1 =	rddreg [dreg:$0x1]  }
0x3: {  	s2 =	rddreg [dreg:$0x2]  }
0x4: {  	s3 =	rddreg [dreg:$0x3]  }
0x5: {  	s4 =	srdreg.scid;
	s9 =	stileid.u32;
	s10 =	simm.s32 $0x0  }
0x6: {  	s4 =	sand.u32 $0x1, s4;
	s5 =	sshll.u32 s9, $0x1;
	[smem:$0x7FF] =	sst s10  }
0x7: {  	s9 =	sshll.u32 s9, $0xB;
	s5 =	sor.u32 s4, s5;
	_ =	strace $0x80000047  }
0x8: {  	s7 =	ssub.s32 $0x2, s4;
	s6 =	sshll.u32 s5, $0x4;
	s5 =	sor.u32 $0x60, s5  }
0x9: {  	s4 =	sshll.u32 s4, $0xA;
	s26 =	sshrl.u32 s7, $0x1;
	s8 =	sshll.u32 s5, $0x4  }
0xa: {  	s28 =	sor.u32 s4, s9;
	s3 =	sadd.s32 s6, s3;
	s1 =	sadd.s32 s1, s8  }
0xb: {  	s6 =	ssub.s32 s7, s26;
	s2 =	sadd.s32 s2, s8;
	[dreg:$0x5] =	wrdreg s1  }
0xc: {  	s29 =	sshll.u32 s5, $0x7;
	s30 =	sadd.s32 $0x400, s3;
	[dreg:$0x6] =	wrdreg s2  }
0xd: {  	s31 =	smax.u32 s6, $0x1;
	s1 =	sor.u32 $0xB8000, s28;
	[dreg:$0x8] =	wrdreg s30  }
0xe: {  	s2 =	sadd.s32 s0, s29;
	[dreg:$0x9] =	wrdreg s31;
	s1 =	sshrl.u32 s1, $0x3  }
0xf: {  	[dreg:$0x7] =	wrdreg s2;
	s0 =	sadd.s32 s1, s0  }
0x10: {  	v0 =	vimm.f32 $0.0e+00;
	s2 =	simm.s32 $0x0;
	s1 =	simm.s32 $0x3;
	[dreg:$0xa] =	wrdreg s0  }
.LBB2_1:
0x11: {  	[dreg:$0xb] =	wrdreg s2  }
0x12: {  	s0 =	rddreg [dreg:$0x5]  }
0x13: {  	[tilespmem:s10], [sflag:$0x3] =	stream.linear.gather [hbm4b:s0+s10], $0x80, $0x38;
	[tilespmem:$0x2A00] =	vst v63  }
0x14: {  	_ =	swait.ge [sflag:s1], $0x80  }
0x15: {  	[sflag:s1] =	ssyncset.done $0x0  }
0x16: {  	s28 =	simm.s32 $0x80;
	s26 =	rddreg [dreg:$0x6];
	[sflag:s1] =	ssyncadd.s32 $0xFFFFFF80  }
0x17: {  	[tilespmem:s28], [sflag:$0x3] =	stream.linear.gather [hbm4b:s26+s10], $0x80, $0x38;
	[tilespmem:$0x2A00] =	vst v63  }
0x18: {  	_ =	swait.ge [sflag:s1], $0x80  }
0x19: {  	[sflag:s1] =	ssyncset.done $0x0  }
0x1a: {  	[sflag:s1] =	ssyncadd.s32 $0xFFFFFF80  }
0x1b: {  	[tilespmem:$0x100] =	vst v0  }
0x1c: {  	[tilespmem:$0x110] =	vst v0  }
0x1d: {  	[tilespmem:$0x120] =	vst v0  }
0x1e: {  	[tilespmem:$0x130] =	vst v0  }
0x1f: {  	[tilespmem:$0x140] =	vst v0  }
0x20: {  	s30 =	simm.s32 $0x400;
	[tilespmem:$0x150] =	vst v0  }
0x21: {  	s31 =	simm.s32 $0x20000;
	s3 =	simm.s32 $0x180;
	s29 =	rddreg [dreg:$0x7];
	[tilespmem:$0x160] =	vst v0  }
0x22: {  	s16 =	simm.s32 $0x27;
	s0 =	simm.s32 $0x0;
	s5 =	rddreg [dreg:$0xa];
	[tilespmem:$0x170] =	vst v0  }
0x23: {  	[tilespmem:s3], [sflag:$0x1] =	stream.strided.gather [hbm4b:s29+s30], $0x1400, s31, s30, $0x38;
	[tilespmem:$0x2A00] =	vst v63  }
.LBB2_2:
0x24: {  	[dreg:$0xd] =	wrdreg s0  }
0x25: {  	s0 =	rddreg [dreg:$0xd]  }
0x26: {  	p0 =	seq.s32 s16, $0x3E7;
	s0 =	sand.u32 $0x1, s0  }
0x27: {  	s1 =	sxor.u32 @!p0 $0x1, s0  }
0x28: {  	s2 =	smul.u32 @!p0 $0x5000, s1  }
0x29: {  	[dreg:$0xc] =	wrdreg s5  }
0x2a: {  	s3 =	simm.s32 @!p0 $0x400;
	s4 =	simm.s32 @!p0 $0x20000;
	s2 =	sshrl.u32 @!p0 s2, $0x2  }
0x2b: {  	s29 =	sadd.s32 $0x1, s0;
	s1 =	sadd.s32 @!p0 $0x1, s1;
	s2 =	sor.u32 @!p0 $0x180, s2  }
0x2c: {  	[tilespmem:s2], [sflag:s1] =	stream.strided.gather @!p0 [hbm4b:s5+s3], $0x1400, s4, s3, $0x38;
	[tilespmem:$0x2A00] =	vst v63  }
0x2d: {  	_ =	swait.ge [sflag:s29], $0x1400  }
0x2e: {  	[sflag:s29] =	ssyncset.done $0x0  }
0x2f: {  	s0 =	smul.u32 $0x5000, s0;
	[sflag:s29] =	ssyncadd.s32 $0xFFFFEC00  }
0x30: {  	v2 =	vld [tilespmem:$0x100]  }
0x31: {  	s19 =	sshrl.u32 s0, $0x2;
	v1 =	vld [tilespmem:$0x0]  }
0x32: {  	v3 =	vld [tilespmem:s19+$0x180]  }
0x33: {  	v4 =	vld [tilespmem:s19+$0x200]  }
0x34: {  	v5 =	vld [tilespmem:s19+$0x280]  }
0x35: {  	s1 =	sadd.s32 $0xFFFFFFD9, s16;
	v6 =	vld [tilespmem:s19+$0x300]  }
0x36: {  	s2 =	sadd.s32 $0xFFFFFFDA, s16;
	v7 =	vld [tilespmem:s19+$0x380];
	vm0 =	veq.s32 v1, s1  }
0x37: {  	s28 =	sadd.s32 $0xFFFFFFDB, s16;
	vm10 =	veq.s32 v1, s2;
	v2 =	vsel vm0, v3, v2;
	v3 =	vld [tilespmem:s19+$0x400]  }
0x38: {  	s31 =	sadd.s32 $0xFFFFFFDC, s16;
	v33 =	vld [tilespmem:s19+$0x480];
	vm11 =	veq.s32 v1, s28;
	v2 =	vsel vm10, v4, v2  }
0x39: {  	s3 =	sadd.s32 $0xFFFFFFDD, s16;
	v34 =	vld [tilespmem:s19+$0x500];
	vm12 =	veq.s32 v1, s31;
	v2 =	vsel vm11, v5, v2  }
0x3a: {  	s4 =	sadd.s32 $0xFFFFFFDE, s16;
	v35 =	vld [tilespmem:s19+$0x580];
	vm13 =	veq.s32 v1, s3;
	v2 =	vsel vm12, v6, v2  }
0x3b: {  	s5 =	sadd.s32 $0xFFFFFFDF, s16;
	v36 =	vld [tilespmem:s19+$0x600];
	vm14 =	veq.s32 v1, s4;
	v2 =	vsel vm13, v7, v2  }
0x3c: {  	s6 =	sadd.s32 $0xFFFFFFE0, s16;
	vm15 =	veq.s32 v1, s5;
	v2 =	vsel vm14, v3, v2;
	v3 =	vld [tilespmem:s19+$0x680]  }
0x3d: {  	s7 =	sadd.s32 $0xFFFFFFE1, s16;
	v37 =	vld [tilespmem:s19+$0x700];
	vm4 =	veq.s32 v1, s6;
	v2 =	vsel vm15, v33, v2  }
0x3e: {  	s8 =	sadd.s32 $0xFFFFFFE2, s16;
	v38 =	vld [tilespmem:s19+$0x780];
	vm5 =	veq.s32 v1, s7;
	v2 =	vsel vm4, v34, v2  }
0x3f: {  	s9 =	sadd.s32 $0xFFFFFFE3, s16;
	v39 =	vld [tilespmem:s19+$0x800];
	vm6 =	veq.s32 v1, s8;
	v2 =	vsel vm5, v35, v2  }
0x40: {  	s10 =	sadd.s32 $0xFFFFFFE4, s16;
	v40 =	vld [tilespmem:s19+$0x880];
	vm7 =	veq.s32 v1, s9;
	v2 =	vsel vm6, v36, v2  }
0x41: {  	s11 =	sadd.s32 $0xFFFFFFE5, s16;
	vm8 =	veq.s32 v1, s10;
	v2 =	vsel vm7, v3, v2;
	v3 =	vld [tilespmem:s19+$0x900]  }
0x42: {  	s12 =	sadd.s32 $0xFFFFFFE6, s16;
	v41 =	vld [tilespmem:s19+$0x980];
	vm9 =	veq.s32 v1, s11;
	v2 =	vsel vm8, v37, v2  }
0x43: {  	s13 =	sadd.s32 $0xFFFFFFE7, s16;
	v42 =	vld [tilespmem:s19+$0xA00];
	vm10 =	veq.s32 v1, s12;
	v2 =	vsel vm9, v38, v2  }
0x44: {  	s14 =	sadd.s32 $0xFFFFFFE8, s16;
	v43 =	vld [tilespmem:s19+$0xA80];
	vm11 =	veq.s32 v1, s13;
	v2 =	vsel vm10, v39, v2  }
0x45: {  	s15 =	sadd.s32 $0xFFFFFFE9, s16;
	v44 =	vld [tilespmem:s19+$0xB00];
	vm12 =	veq.s32 v1, s14;
	v2 =	vsel vm11, v40, v2  }
0x46: {  	s17 =	sadd.s32 $0xFFFFFFEA, s16;
	vm13 =	veq.s32 v1, s15;
	v2 =	vsel vm12, v3, v2;
	v3 =	vld [tilespmem:s19+$0xB80]  }
0x47: {  	s18 =	sadd.s32 $0xFFFFFFEB, s16;
	v45 =	vld [tilespmem:s19+$0xC00];
	vm14 =	veq.s32 v1, s17;
	v2 =	vsel vm13, v41, v2  }
0x48: {  	s20 =	sadd.s32 $0xFFFFFFEC, s16;
	v46 =	vld [tilespmem:s19+$0xC80];
	vm15 =	veq.s32 v1, s18;
	v2 =	vsel vm14, v42, v2  }
0x49: {  	s21 =	sadd.s32 $0xFFFFFFED, s16;
	v47 =	vld [tilespmem:s19+$0xD00];
	vm4 =	veq.s32 v1, s20;
	v2 =	vsel vm15, v43, v2  }
0x4a: {  	s22 =	sadd.s32 $0xFFFFFFEE, s16;
	v48 =	vld [tilespmem:s19+$0xD80];
	vm5 =	veq.s32 v1, s21;
	v2 =	vsel vm4, v44, v2  }
0x4b: {  	s23 =	sadd.s32 $0xFFFFFFEF, s16;
	vm6 =	veq.s32 v1, s22;
	v2 =	vsel vm5, v3, v2;
	v3 =	vld [tilespmem:s19+$0xE00]  }
0x4c: {  	s24 =	sadd.s32 $0xFFFFFFF0, s16;
	v49 =	vld [tilespmem:s19+$0xE80];
	vm7 =	veq.s32 v1, s23;
	v2 =	vsel vm6, v45, v2  }
0x4d: {  	s25 =	sadd.s32 $0xFFFFFFF1, s16;
	v50 =	vld [tilespmem:s19+$0xF00];
	vm8 =	veq.s32 v1, s24;
	v2 =	vsel vm7, v46, v2  }
0x4e: {  	s26 =	sadd.s32 $0xFFFFFFF2, s16;
	v51 =	vld [tilespmem:s19+$0xF80];
	vm9 =	veq.s32 v1, s25;
	v2 =	vsel vm8, v47, v2  }
0x4f: {  	s30 =	sadd.s32 $0xFFFFFFF3, s16;
	v52 =	vld [tilespmem:s19+$0x1000];
	vm10 =	veq.s32 v1, s26;
	v2 =	vsel vm9, v48, v2  }
0x50: {  	[smem:$0x7FD] =	sst s30;
	vm11 =	veq.s32 v1, s30;
	s30 =	sadd.s32 $0xFFFFFFF4, s16;
	v2 =	vsel vm10, v3, v2;
	v3 =	vld [tilespmem:s19+$0x1080]  }
0x51: {  	s29 =	sadd.s32 $0xFFFFFFF5, s16;
	v53 =	vld [tilespmem:s19+$0x1100];
	vm12 =	veq.s32 v1, s30;
	v2 =	vsel vm11, v49, v2  }
0x52: {  	s0 =	sadd.s32 $0xFFFFFFF6, s16;
	v54 =	vld [tilespmem:s19+$0x1180];
	vm13 =	veq.s32 v1, s29;
	v2 =	vsel vm12, v50, v2  }
0x53: {  	[smem:$0x7F2] =	sst s0;
	v55 =	vld [tilespmem:s19+$0x1200];
	vm14 =	veq.s32 v1, s0;
	s0 =	sadd.s32 $0xFFFFFFF7, s16;
	v2 =	vsel vm13, v51, v2  }
0x54: {  	v56 =	vld [tilespmem:s19+$0x1280];
	[smem:$0x7F3] =	sst s0;
	vm15 =	veq.s32 v1, s0;
	s0 =	sadd.s32 $0xFFFFFFF8, s16;
	v2 =	vsel vm14, v52, v2  }
0x55: {  	[smem:$0x7F4] =	sst s0;
	vm4 =	veq.s32 v1, s0;
	s0 =	sadd.s32 $0xFFFFFFF9, s16;
	v2 =	vsel vm15, v3, v2;
	v3 =	vld [tilespmem:s19+$0x1300]  }
0x56: {  	v57 =	vld [tilespmem:s19+$0x1380];
	[dreg:$0x12] =	wrdreg s0;
	vm5 =	veq.s32 v1, s0;
	s0 =	sadd.s32 $0xFFFFFFFA, s16;
	v2 =	vsel vm4, v53, v2  }
0x57: {  	v58 =	vld [tilespmem:s19+$0x1400];
	[dreg:$0x13] =	wrdreg s0;
	vm6 =	veq.s32 v1, s0;
	s0 =	sadd.s32 $0xFFFFFFFB, s16;
	v2 =	vsel vm5, v54, v2  }
0x58: {  	v59 =	vld [tilespmem:s19+$0x1480];
	vm7 =	veq.s32 v1, s0;
	[smem:$0x7E9] =	sst s0;
	s0 =	sadd.s32 $0xFFFFFFFC, s16;
	v2 =	vsel vm6, v55, v2  }
0x59: {  	v60 =	vld [tilespmem:s19+$0x1500];
	[dreg:$0xe] =	wrdreg s0;
	vm8 =	veq.s32 v1, s0;
	s0 =	sadd.s32 $0xFFFFFFFD, s16;
	v2 =	vsel vm7, v56, v2  }
0x5a: {  	[dreg:$0xf] =	wrdreg s0;
	vm9 =	veq.s32 v1, s0;
	s0 =	sadd.s32 $0xFFFFFFFE, s16;
	v2 =	vsel vm8, v3, v2  }
0x5b: {  	[dreg:$0x10] =	wrdreg s0;
	vm10 =	veq.s32 v1, s0;
	s0 =	sadd.s32 $0xFFFFFFFF, s16;
	v2 =	vsel vm9, v57, v2  }
0x5c: {  	vm11 =	veq.s32 v1, s0;
	v2 =	vsel vm10, v58, v2  }
0x5d: {  	vm12 =	veq.s32 v1, s16;
	v2 =	vsel vm11, v59, v2  }
0x5e: {  	v1 =	vsel vm12, v60, v2;
	v2 =	vld [tilespmem:$0x110]  }
0x5f: {  	[tilespmem:$0x100] =	vst v1;
	v1 =	vld [tilespmem:$0x10]  }
0x60: {  	v3 =	vld [tilespmem:s19+$0x190]  }
0x61: {  	v61 =	vld [tilespmem:s19+$0x210]  }
0x62: {  	v62 =	vld [tilespmem:s19+$0x290]  }
0x63: {  	v63 =	vld [tilespmem:s19+$0x310]  }
0x64: {  	v9 =	vld [tilespmem:s19+$0x390];
	vm13 =	veq.s32 v1, s1  }
0x65: {  	vm14 =	veq.s32 v1, s2;
	v2 =	vsel vm13, v3, v2;
	v3 =	vld [tilespmem:s19+$0x410]  }
0x66: {  	v10 =	vld [tilespmem:s19+$0x490];
	vm15 =	veq.s32 v1, s28;
	v2 =	vsel vm14, v61, v2  }
0x67: {  	v11 =	vld [tilespmem:s19+$0x510];
	vm4 =	veq.s32 v1, s31;
	v2 =	vsel vm15, v62, v2  }
0x68: {  	v12 =	vld [tilespmem:s19+$0x590];
	vm5 =	veq.s32 v1, s3;
	v2 =	vsel vm4, v63, v2  }
0x69: {  	v13 =	vld [tilespmem:s19+$0x610];
	vm6 =	veq.s32 v1, s4;
	v2 =	vsel vm5, v9, v2  }
0x6a: {  	vm7 =	veq.s32 v1, s5;
	v2 =	vsel vm6, v3, v2;
	v3 =	vld [tilespmem:s19+$0x690]  }
0x6b: {  	v14 =	vld [tilespmem:s19+$0x710];
	vm8 =	veq.s32 v1, s6;
	v2 =	vsel vm7, v10, v2  }
0x6c: {  	v15 =	vld [tilespmem:s19+$0x790];
	vm9 =	veq.s32 v1, s7;
	v2 =	vsel vm8, v11, v2  }
0x6d: {  	v16 =	vld [tilespmem:s19+$0x810];
	vm10 =	veq.s32 v1, s8;
	v2 =	vsel vm9, v12, v2  }
0x6e: {  	v17 =	vld [tilespmem:s19+$0x890];
	vm11 =	veq.s32 v1, s9;
	v2 =	vsel vm10, v13, v2  }
0x6f: {  	vm12 =	veq.s32 v1, s10;
	v2 =	vsel vm11, v3, v2;
	v3 =	vld [tilespmem:s19+$0x910]  }
0x70: {  	v18 =	vld [tilespmem:s19+$0x990];
	vm13 =	veq.s32 v1, s11;
	v2 =	vsel vm12, v14, v2  }
0x71: {  	v19 =	vld [tilespmem:s19+$0xA10];
	vm14 =	veq.s32 v1, s12;
	v2 =	vsel vm13, v15, v2  }
0x72: {  	v20 =	vld [tilespmem:s19+$0xA90];
	vm15 =	veq.s32 v1, s13;
	v2 =	vsel vm14, v16, v2  }
0x73: {  	v21 =	vld [tilespmem:s19+$0xB10];
	vm4 =	veq.s32 v1, s14;
	v2 =	vsel vm15, v17, v2  }
0x74: {  	vm5 =	veq.s32 v1, s15;
	v2 =	vsel vm4, v3, v2;
	v3 =	vld [tilespmem:s19+$0xB90]  }
0x75: {  	v22 =	vld [tilespmem:s19+$0xC10];
	vm6 =	veq.s32 v1, s17;
	v2 =	vsel vm5, v18, v2  }
0x76: {  	v23 =	vld [tilespmem:s19+$0xC90];
	vm7 =	veq.s32 v1, s18;
	v2 =	vsel vm6, v19, v2  }
0x77: {  	v24 =	vld [tilespmem:s19+$0xD10];
	vm8 =	veq.s32 v1, s20;
	v2 =	vsel vm7, v20, v2  }
0x78: {  	v25 =	vld [tilespmem:s19+$0xD90];
	vm9 =	veq.s32 v1, s21;
	v2 =	vsel vm8, v21, v2  }
0x79: {  	[dreg:$0x15] =	wrdreg s2;
	vm10 =	veq.s32 v1, s22;
	v2 =	vsel vm9, v3, v2;
	v3 =	vld [tilespmem:s19+$0xE10]  }
0x7a: {  	[dreg:$0x1e] =	wrdreg s28;
	v26 =	vld [tilespmem:s19+$0xE90];
	vm11 =	veq.s32 v1, s23;
	v2 =	vsel vm10, v22, v2  }
0x7b: {  	v27 =	vld [tilespmem:s19+$0xF10];
	s2 =	smov.u32 s31;
	s31 =	sld [smem:$0x7FD];
	vm12 =	veq.s32 v1, s24;
	v2 =	vsel vm11, v23, v2  }
0x7c: {  	[smem:$0x7F1] =	sst s29;
	v28 =	vld [tilespmem:s19+$0xF90];
	vm13 =	veq.s32 v1, s25;
	v2 =	vsel vm12, v24, v2  }
0x7d: {  	[dreg:$0x1f] =	wrdreg s30;
	v29 =	vld [tilespmem:s19+$0x1010];
	vm14 =	veq.s32 v1, s26;
	v2 =	vsel vm13, v25, v2  }
0x7e: {  	vm15 =	veq.s32 v1, s31;
	vm4 =	veq.s32 v1, s30;
	s30 =	sld [smem:$0x7F2];
	v2 =	vsel vm14, v3, v2;
	v3 =	vld [tilespmem:s19+$0x1090]  }
0x7f: {  	v30 =	vld [tilespmem:s19+$0x1110];
	s31 =	sld [smem:$0x7F3];
	v2 =	vsel vm15, v26, v2  }
0x80: {  	v31 =	vld [tilespmem:s19+$0x1190];
	vm5 =	veq.s32 v1, s29;
	s29 =	sld [smem:$0x7F4];
	v2 =	vsel vm4, v27, v2  }
0x81: {  	[dreg:$0x11] =	wrdreg s0;
	v32 =	vld [tilespmem:s19+$0x1210];
	vm6 =	veq.s32 v1, s30;
	v2 =	vsel vm5, v28, v2  }
0x82: {  	s0 =	rddreg [dreg:$0x12];
	v33 =	vld [tilespmem:s19+$0x1290];
	vm7 =	veq.s32 v1, s31;
	v2 =	vsel vm6, v29, v2  }
0x83: {  	s28 =	sld [smem:$0x7E9];
	vm8 =	veq.s32 v1, s29;
	v2 =	vsel vm7, v3, v2;
	v3 =	vld [tilespmem:s19+$0x1310]  }
0x84: {  	v34 =	vld [tilespmem:s19+$0x1390];
	vm9 =	veq.s32 v1, s0;
	s0 =	rddreg [dreg:$0x13];
	v2 =	vsel vm8, v30, v2  }
0x85: {  	v35 =	vld [tilespmem:s19+$0x1410];
	vm10 =	veq.s32 v1, s0;
	v2 =	vsel vm9, v31, v2  }
0x86: {  	v36 =	vld [tilespmem:s19+$0x1490];
	s0 =	rddreg [dreg:$0xe];
	vm11 =	veq.s32 v1, s28;
	v2 =	vsel vm10, v32, v2  }
0x87: {  	v37 =	vld [tilespmem:s19+$0x1510];
	vm12 =	veq.s32 v1, s0;
	s0 =	rddreg [dreg:$0xf];
	v2 =	vsel vm11, v33, v2  }
0x88: {  	vm13 =	veq.s32 v1, s0;
	s0 =	rddreg [dreg:$0x10];
	v2 =	vsel vm12, v3, v2  }
0x89: {  	vm14 =	veq.s32 v1, s0;
	s0 =	rddreg [dreg:$0x11];
	v2 =	vsel vm13, v34, v2  }
0x8a: {  	vm15 =	veq.s32 v1, s0;
	v2 =	vsel vm14, v35, v2  }
0x8b: {  	vm4 =	veq.s32 v1, s16;
	v2 =	vsel vm15, v36, v2  }
0x8c: {  	v1 =	vsel vm4, v37, v2;
	v2 =	vld [tilespmem:$0x120]  }
0x8d: {  	[tilespmem:$0x110] =	vst v1;
	v1 =	vld [tilespmem:$0x20]  }
0x8e: {  	v3 =	vld [tilespmem:s19+$0x1A0]  }
0x8f: {  	v38 =	vld [tilespmem:s19+$0x220]  }
0x90: {  	v39 =	vld [tilespmem:s19+$0x2A0]  }
0x91: {  	v40 =	vld [tilespmem:s19+$0x320]  }
0x92: {  	s28 =	rddreg [dreg:$0x15];
	v41 =	vld [tilespmem:s19+$0x3A0];
	vm5 =	veq.s32 v1, s1  }
0x93: {  	s0 =	rddreg [dreg:$0x1e];
	vm6 =	veq.s32 v1, s28;
	v2 =	vsel vm5, v3, v2;
	v3 =	vld [tilespmem:s19+$0x420]  }
0x94: {  	v42 =	vld [tilespmem:s19+$0x4A0];
	vm7 =	veq.s32 v1, s0;
	v2 =	vsel vm6, v38, v2  }
0x95: {  	v43 =	vld [tilespmem:s19+$0x520];
	vm8 =	veq.s32 v1, s2;
	v2 =	vsel vm7, v39, v2  }
0x96: {  	v44 =	vld [tilespmem:s19+$0x5A0];
	vm9 =	veq.s32 v1, s3;
	v2 =	vsel vm8, v40, v2  }
0x97: {  	v45 =	vld [tilespmem:s19+$0x620];
	vm10 =	veq.s32 v1, s4;
	v2 =	vsel vm9, v41, v2  }
0x98: {  	vm11 =	veq.s32 v1, s5;
	v2 =	vsel vm10, v3, v2;
	v3 =	vld [tilespmem:s19+$0x6A0]  }
0x99: {  	v46 =	vld [tilespmem:s19+$0x720];
	vm12 =	veq.s32 v1, s6;
	v2 =	vsel vm11, v42, v2  }
0x9a: {  	v47 =	vld [tilespmem:s19+$0x7A0];
	vm13 =	veq.s32 v1, s7;
	v2 =	vsel vm12, v43, v2  }
0x9b: {  	v48 =	vld [tilespmem:s19+$0x820];
	vm14 =	veq.s32 v1, s8;
	v2 =	vsel vm13, v44, v2  }
0x9c: {  	v49 =	vld [tilespmem:s19+$0x8A0];
	vm15 =	veq.s32 v1, s9;
	v2 =	vsel vm14, v45, v2  }
0x9d: {  	vm4 =	veq.s32 v1, s10;
	v2 =	vsel vm15, v3, v2;
	v3 =	vld [tilespmem:s19+$0x920]  }
0x9e: {  	v50 =	vld [tilespmem:s19+$0x9A0];
	vm5 =	veq.s32 v1, s11;
	v2 =	vsel vm4, v46, v2  }
0x9f: {  	v51 =	vld [tilespmem:s19+$0xA20];
	vm6 =	veq.s32 v1, s12;
	v2 =	vsel vm5, v47, v2  }
0xa0: {  	v52 =	vld [tilespmem:s19+$0xAA0];
	vm7 =	veq.s32 v1, s13;
	v2 =	vsel vm6, v48, v2  }
0xa1: {  	v53 =	vld [tilespmem:s19+$0xB20];
	vm8 =	veq.s32 v1, s14;
	v2 =	vsel vm7, v49, v2  }
0xa2: {  	vm9 =	veq.s32 v1, s15;
	v2 =	vsel vm8, v3, v2;
	v3 =	vld [tilespmem:s19+$0xBA0]  }
0xa3: {  	v54 =	vld [tilespmem:s19+$0xC20];
	vm10 =	veq.s32 v1, s17;
	v2 =	vsel vm9, v50, v2  }
0xa4: {  	v55 =	vld [tilespmem:s19+$0xCA0];
	vm11 =	veq.s32 v1, s18;
	v2 =	vsel vm10, v51, v2  }
0xa5: {  	v56 =	vld [tilespmem:s19+$0xD20];
	vm12 =	veq.s32 v1, s20;
	v2 =	vsel vm11, v52, v2  }
0xa6: {  	v57 =	vld [tilespmem:s19+$0xDA0];
	vm13 =	veq.s32 v1, s21;
	v2 =	vsel vm12, v53, v2  }
0xa7: {  	s0 =	sld [smem:$0x7FD];
	vm14 =	veq.s32 v1, s22;
	v2 =	vsel vm13, v3, v2;
	v3 =	vld [tilespmem:s19+$0xE20]  }
0xa8: {  	v58 =	vld [tilespmem:s19+$0xEA0];
	vm15 =	veq.s32 v1, s23;
	v2 =	vsel vm14, v54, v2  }
0xa9: {  	v59 =	vld [tilespmem:s19+$0xF20];
	vm4 =	veq.s32 v1, s24;
	v2 =	vsel vm15, v55, v2  }
0xaa: {  	v60 =	vld [tilespmem:s19+$0xFA0];
	vm5 =	veq.s32 v1, s25;
	vm7 =	veq.s32 v1, s0;
	s0 =	rddreg [dreg:$0x1f];
	v2 =	vsel vm4, v56, v2  }
0xab: {  	v61 =	vld [tilespmem:s19+$0x1020];
	vm6 =	veq.s32 v1, s26;
	vm8 =	veq.s32 v1, s0;
	s0 =	sld [smem:$0x7F1];
	v2 =	vsel vm5, v57, v2  }
0xac: {  	v2 =	vsel vm6, v3, v2;
	v3 =	vld [tilespmem:s19+$0x10A0]  }
0xad: {  	v62 =	vld [tilespmem:s19+$0x1120];
	v2 =	vsel vm7, v58, v2  }
0xae: {  	v63 =	vld [tilespmem:s19+$0x11A0];
	vm9 =	veq.s32 v1, s0;
	v2 =	vsel vm8, v59, v2  }
0xaf: {  	v9 =	vld [tilespmem:s19+$0x1220];
	vm10 =	veq.s32 v1, s30;
	v2 =	vsel vm9, v60, v2  }
0xb0: {  	v10 =	vld [tilespmem:s19+$0x12A0];
	vm11 =	veq.s32 v1, s31;
	s0 =	sld [smem:$0x7E9];
	v2 =	vsel vm10, v61, v2  }
0xb1: {  	vm12 =	veq.s32 v1, s29;
	s29 =	rddreg [dreg:$0x12];
	v2 =	vsel vm11, v3, v2;
	v3 =	vld [tilespmem:s19+$0x1320]  }
0xb2: {  	v11 =	vld [tilespmem:s19+$0x13A0];
	s30 =	rddreg [dreg:$0x13];
	vm13 =	veq.s32 v1, s29;
	v2 =	vsel vm12, v62, v2  }
0xb3: {  	v12 =	vld [tilespmem:s19+$0x1420];
	vm14 =	veq.s32 v1, s30;
	v2 =	vsel vm13, v63, v2  }
0xb4: {  	v13 =	vld [tilespmem:s19+$0x14A0];
	vm15 =	veq.s32 v1, s0;
	s0 =	rddreg [dreg:$0xe];
	v2 =	vsel vm14, v9, v2  }
0xb5: {  	v14 =	vld [tilespmem:s19+$0x1520];
	vm4 =	veq.s32 v1, s0;
	s0 =	rddreg [dreg:$0xf];
	v2 =	vsel vm15, v10, v2  }
0xb6: {  	vm5 =	veq.s32 v1, s0;
	s0 =	rddreg [dreg:$0x10];
	v2 =	vsel vm4, v3, v2  }
0xb7: {  	vm6 =	veq.s32 v1, s0;
	s0 =	rddreg [dreg:$0x11];
	v2 =	vsel vm5, v11, v2  }
0xb8: {  	vm7 =	veq.s32 v1, s0;
	v2 =	vsel vm6, v12, v2  }
0xb9: {  	vm8 =	veq.s32 v1, s16;
	v2 =	vsel vm7, v13, v2  }
0xba: {  	v1 =	vsel vm8, v14, v2;
	v2 =	vld [tilespmem:$0x130]  }
0xbb: {  	[tilespmem:$0x120] =	vst v1;
	v1 =	vld [tilespmem:$0x30]  }
0xbc: {  	v3 =	vld [tilespmem:s19+$0x1B0]  }
0xbd: {  	v15 =	vld [tilespmem:s19+$0x230]  }
0xbe: {  	v16 =	vld [tilespmem:s19+$0x2B0]  }
0xbf: {  	v17 =	vld [tilespmem:s19+$0x330]  }
0xc0: {  	[dreg:$0x14] =	wrdreg s1;
	v18 =	vld [tilespmem:s19+$0x3B0];
	vm9 =	veq.s32 v1, s1  }
0xc1: {  	vm10 =	veq.s32 v1, s28;
	s1 =	rddreg [dreg:$0x1e];
	v2 =	vsel vm9, v3, v2;
	v3 =	vld [tilespmem:s19+$0x430]  }
0xc2: {  	v19 =	vld [tilespmem:s19+$0x4B0];
	vm11 =	veq.s32 v1, s1;
	v2 =	vsel vm10, v15, v2  }
0xc3: {  	v20 =	vld [tilespmem:s19+$0x530];
	vm12 =	veq.s32 v1, s2;
	v2 =	vsel vm11, v16, v2  }
0xc4: {  	v21 =	vld [tilespmem:s19+$0x5B0];
	vm13 =	veq.s32 v1, s3;
	v2 =	vsel vm12, v17, v2  }
0xc5: {  	v22 =	vld [tilespmem:s19+$0x630];
	vm14 =	veq.s32 v1, s4;
	v2 =	vsel vm13, v18, v2  }
0xc6: {  	vm15 =	veq.s32 v1, s5;
	v2 =	vsel vm14, v3, v2;
	v3 =	vld [tilespmem:s19+$0x6B0]  }
0xc7: {  	v23 =	vld [tilespmem:s19+$0x730];
	vm4 =	veq.s32 v1, s6;
	v2 =	vsel vm15, v19, v2  }
0xc8: {  	v24 =	vld [tilespmem:s19+$0x7B0];
	vm5 =	veq.s32 v1, s7;
	v2 =	vsel vm4, v20, v2  }
0xc9: {  	v25 =	vld [tilespmem:s19+$0x830];
	vm6 =	veq.s32 v1, s8;
	v2 =	vsel vm5, v21, v2  }
0xca: {  	v26 =	vld [tilespmem:s19+$0x8B0];
	vm7 =	veq.s32 v1, s9;
	v2 =	vsel vm6, v22, v2  }
0xcb: {  	vm8 =	veq.s32 v1, s10;
	v2 =	vsel vm7, v3, v2;
	v3 =	vld [tilespmem:s19+$0x930]  }
0xcc: {  	v27 =	vld [tilespmem:s19+$0x9B0];
	vm9 =	veq.s32 v1, s11;
	v2 =	vsel vm8, v23, v2  }
0xcd: {  	v28 =	vld [tilespmem:s19+$0xA30];
	vm10 =	veq.s32 v1, s12;
	v2 =	vsel vm9, v24, v2  }
0xce: {  	v29 =	vld [tilespmem:s19+$0xAB0];
	vm11 =	veq.s32 v1, s13;
	v2 =	vsel vm10, v25, v2  }
0xcf: {  	v30 =	vld [tilespmem:s19+$0xB30];
	vm12 =	veq.s32 v1, s14;
	v2 =	vsel vm11, v26, v2  }
0xd0: {  	vm13 =	veq.s32 v1, s15;
	v2 =	vsel vm12, v3, v2;
	v3 =	vld [tilespmem:s19+$0xBB0]  }
0xd1: {  	v31 =	vld [tilespmem:s19+$0xC30];
	vm14 =	veq.s32 v1, s17;
	v2 =	vsel vm13, v27, v2  }
0xd2: {  	v32 =	vld [tilespmem:s19+$0xCB0];
	vm15 =	veq.s32 v1, s18;
	v2 =	vsel vm14, v28, v2  }
0xd3: {  	v33 =	vld [tilespmem:s19+$0xD30];
	vm4 =	veq.s32 v1, s20;
	v2 =	vsel vm15, v29, v2  }
0xd4: {  	[dreg:$0x17] =	wrdreg s3;
	v34 =	vld [tilespmem:s19+$0xDB0];
	vm5 =	veq.s32 v1, s21;
	v2 =	vsel vm4, v30, v2  }
0xd5: {  	[dreg:$0x19] =	wrdreg s5;
	vm6 =	veq.s32 v1, s22;
	v2 =	vsel vm5, v3, v2;
	v3 =	vld [tilespmem:s19+$0xE30]  }
0xd6: {  	[dreg:$0x16] =	wrdreg s2;
	v35 =	vld [tilespmem:s19+$0xEB0];
	vm7 =	veq.s32 v1, s23;
	v2 =	vsel vm6, v31, v2  }
0xd7: {  	v36 =	vld [tilespmem:s19+$0xF30];
	s28 =	sld [smem:$0x7FD];
	vm8 =	veq.s32 v1, s24;
	v2 =	vsel vm7, v32, v2  }
0xd8: {  	v37 =	vld [tilespmem:s19+$0xFB0];
	s2 =	sld [smem:$0x7F1];
	vm9 =	veq.s32 v1, s25;
	v2 =	vsel vm8, v33, v2  }
0xd9: {  	v38 =	vld [tilespmem:s19+$0x1030];
	s3 =	sld [smem:$0x7F2];
	vm10 =	veq.s32 v1, s26;
	v2 =	vsel vm9, v34, v2  }
0xda: {  	s1 =	rddreg [dreg:$0x1f];
	vm11 =	veq.s32 v1, s28;
	v2 =	vsel vm10, v3, v2;
	v3 =	vld [tilespmem:s19+$0x10B0]  }
0xdb: {  	v39 =	vld [tilespmem:s19+$0x1130];
	s5 =	sld [smem:$0x7F4];
	vm12 =	veq.s32 v1, s1;
	v2 =	vsel vm11, v35, v2  }
0xdc: {  	[dreg:$0x18] =	wrdreg s4;
	v40 =	vld [tilespmem:s19+$0x11B0];
	vm13 =	veq.s32 v1, s2;
	v2 =	vsel vm12, v36, v2  }
0xdd: {  	[dreg:$0x1a] =	wrdreg s6;
	v41 =	vld [tilespmem:s19+$0x1230];
	vm14 =	veq.s32 v1, s3;
	v2 =	vsel vm13, v37, v2  }
0xde: {  	[dreg:$0x1b] =	wrdreg s7;
	v42 =	vld [tilespmem:s19+$0x12B0];
	s4 =	smov.u32 s31;
	vm15 =	veq.s32 v1, s31;
	vm4 =	veq.s32 v1, s5;
	v2 =	vsel vm14, v38, v2  }
0xdf: {  	s31 =	smov.u32 s29;
	vm5 =	veq.s32 v1, s29;
	s29 =	smov.u32 s30;
	vm6 =	veq.s32 v1, s30;
	s30 =	sld [smem:$0x7E9];
	v2 =	vsel vm15, v3, v2;
	v3 =	vld [tilespmem:s19+$0x1330]  }
0xe0: {  	[dreg:$0x1c] =	wrdreg s8;
	v43 =	vld [tilespmem:s19+$0x13B0];
	v2 =	vsel vm4, v39, v2  }
0xe1: {  	[dreg:$0x1d] =	wrdreg s9;
	v44 =	vld [tilespmem:s19+$0x1430];
	v2 =	vsel vm5, v40, v2  }
0xe2: {  	v45 =	vld [tilespmem:s19+$0x14B0];
	s6 =	rddreg [dreg:$0xe];
	vm7 =	veq.s32 v1, s30;
	v2 =	vsel vm6, v41, v2  }
0xe3: {  	v46 =	vld [tilespmem:s19+$0x1530];
	s7 =	rddreg [dreg:$0xf];
	vm8 =	veq.s32 v1, s6;
	v2 =	vsel vm7, v42, v2  }
0xe4: {  	s8 =	rddreg [dreg:$0x10];
	vm9 =	veq.s32 v1, s7;
	v2 =	vsel vm8, v3, v2  }
0xe5: {  	s9 =	rddreg [dreg:$0x11];
	vm10 =	veq.s32 v1, s8;
	v2 =	vsel vm9, v43, v2  }
0xe6: {  	vm11 =	veq.s32 v1, s9;
	v2 =	vsel vm10, v44, v2  }
0xe7: {  	vm12 =	veq.s32 v1, s16;
	v2 =	vsel vm11, v45, v2  }
0xe8: {  	v1 =	vsel vm12, v46, v2;
	v2 =	vld [tilespmem:$0x140]  }
0xe9: {  	[tilespmem:$0x130] =	vst v1;
	v1 =	vld [tilespmem:$0x40]  }
0xea: {  	v3 =	vld [tilespmem:s19+$0x1C0]  }
0xeb: {  	v47 =	vld [tilespmem:s19+$0x240]  }
0xec: {  	v48 =	vld [tilespmem:s19+$0x2C0]  }
0xed: {  	s0 =	rddreg [dreg:$0x14];
	v49 =	vld [tilespmem:s19+$0x340]  }
0xee: {  	v50 =	vld [tilespmem:s19+$0x3C0];
	vm13 =	veq.s32 v1, s0;
	s0 =	rddreg [dreg:$0x15]  }
0xef: {  	v2 =	vsel vm13, v3, v2;
	vm14 =	veq.s32 v1, s0;
	v3 =	vld [tilespmem:s19+$0x440];
	s0 =	rddreg [dreg:$0x1e]  }
0xf0: {  	v51 =	vld [tilespmem:s19+$0x4C0];
	v2 =	vsel vm14, v47, v2;
	vm15 =	veq.s32 v1, s0;
	s0 =	rddreg [dreg:$0x16]  }
0xf1: {  	v52 =	vld [tilespmem:s19+$0x540];
	v2 =	vsel vm15, v48, v2;
	vm4 =	veq.s32 v1, s0;
	s0 =	rddreg [dreg:$0x17]  }
0xf2: {  	v53 =	vld [tilespmem:s19+$0x5C0];
	v2 =	vsel vm4, v49, v2;
	vm5 =	veq.s32 v1, s0;
	s0 =	rddreg [dreg:$0x18]  }
0xf3: {  	v54 =	vld [tilespmem:s19+$0x640];
	v2 =	vsel vm5, v50, v2;
	vm6 =	veq.s32 v1, s0;
	s0 =	rddreg [dreg:$0x19]  }
0xf4: {  	v2 =	vsel vm6, v3, v2;
	vm7 =	veq.s32 v1, s0;
	v3 =	vld [tilespmem:s19+$0x6C0];
	s0 =	rddreg [dreg:$0x1a]  }
0xf5: {  	v55 =	vld [tilespmem:s19+$0x740];
	v2 =	vsel vm7, v51, v2;
	vm8 =	veq.s32 v1, s0;
	s0 =	rddreg [dreg:$0x1b]  }
0xf6: {  	v56 =	vld [tilespmem:s19+$0x7C0];
	v2 =	vsel vm8, v52, v2;
	vm9 =	veq.s32 v1, s0;
	s0 =	rddreg [dreg:$0x1c]  }
0xf7: {  	v57 =	vld [tilespmem:s19+$0x840];
	v2 =	vsel vm9, v53, v2;
	vm10 =	veq.s32 v1, s0;
	s0 =	rddreg [dreg:$0x1d]  }
0xf8: {  	v58 =	vld [tilespmem:s19+$0x8C0];
	v2 =	vsel vm10, v54, v2;
	vm11 =	veq.s32 v1, s0  }
0xf9: {  	vm12 =	veq.s32 v1, s10;
	v2 =	vsel vm11, v3, v2;
	v3 =	vld [tilespmem:s19+$0x940]  }
0xfa: {  	v59 =	vld [tilespmem:s19+$0x9C0];
	vm13 =	veq.s32 v1, s11;
	v2 =	vsel vm12, v55, v2  }
0xfb: {  	v60 =	vld [tilespmem:s19+$0xA40];
	vm14 =	veq.s32 v1, s12;
	v2 =	vsel vm13, v56, v2  }
0xfc: {  	v61 =	vld [tilespmem:s19+$0xAC0];
	vm15 =	veq.s32 v1, s13;
	v2 =	vsel vm14, v57, v2  }
0xfd: {  	v62 =	vld [tilespmem:s19+$0xB40];
	vm4 =	veq.s32 v1, s14;
	v2 =	vsel vm15, v58, v2  }
0xfe: {  	vm5 =	veq.s32 v1, s15;
	v2 =	vsel vm4, v3, v2;
	v3 =	vld [tilespmem:s19+$0xBC0]  }
0xff: {  	v63 =	vld [tilespmem:s19+$0xC40];
	vm6 =	veq.s32 v1, s17;
	v2 =	vsel vm5, v59, v2  }
0x100: {  	v9 =	vld [tilespmem:s19+$0xCC0];
	vm7 =	veq.s32 v1, s18;
	v2 =	vsel vm6, v60, v2  }
0x101: {  	v10 =	vld [tilespmem:s19+$0xD40];
	vm8 =	veq.s32 v1, s20;
	v2 =	vsel vm7, v61, v2  }
0x102: {  	v11 =	vld [tilespmem:s19+$0xDC0];
	vm9 =	veq.s32 v1, s21;
	v2 =	vsel vm8, v62, v2  }
0x103: {  	vm10 =	veq.s32 v1, s22;
	v2 =	vsel vm9, v3, v2;
	v3 =	vld [tilespmem:s19+$0xE40]  }
0x104: {  	v12 =	vld [tilespmem:s19+$0xEC0];
	vm11 =	veq.s32 v1, s23;
	v2 =	vsel vm10, v63, v2  }
0x105: {  	v13 =	vld [tilespmem:s19+$0xF40];
	vm12 =	veq.s32 v1, s24;
	v2 =	vsel vm11, v9, v2  }
0x106: {  	v14 =	vld [tilespmem:s19+$0xFC0];
	vm13 =	veq.s32 v1, s25;
	v2 =	vsel vm12, v10, v2  }
0x107: {  	v15 =	vld [tilespmem:s19+$0x1040];
	vm14 =	veq.s32 v1, s26;
	v2 =	vsel vm13, v11, v2  }
0x108: {  	vm15 =	veq.s32 v1, s28;
	v2 =	vsel vm14, v3, v2;
	v3 =	vld [tilespmem:s19+$0x10C0]  }
0x109: {  	v16 =	vld [tilespmem:s19+$0x1140];
	vm4 =	veq.s32 v1, s1;
	v2 =	vsel vm15, v12, v2  }
0x10a: {  	v17 =	vld [tilespmem:s19+$0x11C0];
	vm5 =	veq.s32 v1, s2;
	v2 =	vsel vm4, v13, v2  }
0x10b: {  	v18 =	vld [tilespmem:s19+$0x1240];
	vm6 =	veq.s32 v1, s3;
	v2 =	vsel vm5, v14, v2  }
0x10c: {  	[smem:$0x7EA] =	sst s10;
	v19 =	vld [tilespmem:s19+$0x12C0];
	vm7 =	veq.s32 v1, s4;
	v2 =	vsel vm6, v15, v2  }
0x10d: {  	[smem:$0x7EB] =	sst s11;
	vm8 =	veq.s32 v1, s5;
	v2 =	vsel vm7, v3, v2;
	v3 =	vld [tilespmem:s19+$0x1340]  }
0x10e: {  	[smem:$0x7EC] =	sst s12;
	v20 =	vld [tilespmem:s19+$0x13C0];
	vm9 =	veq.s32 v1, s31;
	v2 =	vsel vm8, v16, v2  }
0x10f: {  	[smem:$0x7ED] =	sst s13;
	v21 =	vld [tilespmem:s19+$0x1440];
	vm10 =	veq.s32 v1, s29;
	v2 =	vsel vm9, v17, v2  }
0x110: {  	[smem:$0x7EE] =	sst s14;
	v22 =	vld [tilespmem:s19+$0x14C0];
	vm11 =	veq.s32 v1, s30;
	v2 =	vsel vm10, v18, v2  }
0x111: {  	[smem:$0x7EF] =	sst s15;
	v23 =	vld [tilespmem:s19+$0x1540];
	vm12 =	veq.s32 v1, s6;
	v2 =	vsel vm11, v19, v2  }
0x112: {  	[smem:$0x7F0] =	sst s17;
	vm13 =	veq.s32 v1, s7;
	v2 =	vsel vm12, v3, v2  }
0x113: {  	[smem:$0x7FC] =	sst s26;
	vm14 =	veq.s32 v1, s8;
	v2 =	vsel vm13, v20, v2  }
0x114: {  	[smem:$0x7F5] =	sst s18;
	vm15 =	veq.s32 v1, s9;
	v2 =	vsel vm14, v21, v2  }
0x115: {  	[smem:$0x7F8] =	sst s22;
	vm4 =	veq.s32 v1, s16;
	v2 =	vsel vm15, v22, v2  }
0x116: {  	[smem:$0x7F9] =	sst s23;
	v1 =	vsel vm4, v23, v2;
	v2 =	vld [tilespmem:$0x150]  }
0x117: {  	[smem:$0x7FA] =	sst s24;
	[tilespmem:$0x140] =	vst v1;
	v1 =	vld [tilespmem:$0x50]  }
0x118: {  	[smem:$0x7FB] =	sst s25;
	v3 =	vld [tilespmem:s19+$0x1D0]  }
0x119: {  	s10 =	rddreg [dreg:$0x1e];
	v24 =	vld [tilespmem:s19+$0x250]  }
0x11a: {  	s17 =	sld [smem:$0x7EA];
	v25 =	vld [tilespmem:s19+$0x2D0]  }
0x11b: {  	s0 =	rddreg [dreg:$0x14];
	v26 =	vld [tilespmem:s19+$0x350]  }
0x11c: {  	s1 =	rddreg [dreg:$0x15];
	v27 =	vld [tilespmem:s19+$0x3D0];
	vm5 =	veq.s32 v1, s0  }
0x11d: {  	s12 =	smov.u32 s22;
	s22 =	sld [smem:$0x7EB];
	vm6 =	veq.s32 v1, s1;
	v2 =	vsel vm5, v3, v2;
	v3 =	vld [tilespmem:s19+$0x450]  }
0x11e: {  	s2 =	rddreg [dreg:$0x16];
	v28 =	vld [tilespmem:s19+$0x4D0];
	vm7 =	veq.s32 v1, s10;
	v2 =	vsel vm6, v24, v2  }
0x11f: {  	s3 =	rddreg [dreg:$0x17];
	v29 =	vld [tilespmem:s19+$0x550];
	vm8 =	veq.s32 v1, s2;
	v2 =	vsel vm7, v25, v2  }
0x120: {  	s4 =	rddreg [dreg:$0x18];
	v30 =	vld [tilespmem:s19+$0x5D0];
	vm9 =	veq.s32 v1, s3;
	v2 =	vsel vm8, v26, v2  }
0x121: {  	s5 =	rddreg [dreg:$0x19];
	v31 =	vld [tilespmem:s19+$0x650];
	vm10 =	veq.s32 v1, s4;
	v2 =	vsel vm9, v27, v2  }
0x122: {  	s11 =	smov.u32 s18;
	s18 =	smov.u32 s6;
	s6 =	rddreg [dreg:$0x1a];
	vm11 =	veq.s32 v1, s5;
	v2 =	vsel vm10, v3, v2;
	v3 =	vld [tilespmem:s19+$0x6D0]  }
0x123: {  	s7 =	rddreg [dreg:$0x1b];
	v32 =	vld [tilespmem:s19+$0x750];
	vm12 =	veq.s32 v1, s6;
	v2 =	vsel vm11, v28, v2  }
0x124: {  	s8 =	rddreg [dreg:$0x1c];
	v33 =	vld [tilespmem:s19+$0x7D0];
	vm13 =	veq.s32 v1, s7;
	v2 =	vsel vm12, v29, v2  }
0x125: {  	s9 =	rddreg [dreg:$0x1d];
	v34 =	vld [tilespmem:s19+$0x850];
	vm14 =	veq.s32 v1, s8;
	v2 =	vsel vm13, v30, v2  }
0x126: {  	s13 =	smov.u32 s23;
	s23 =	sld [smem:$0x7EC];
	v35 =	vld [tilespmem:s19+$0x8D0];
	vm15 =	veq.s32 v1, s9;
	v2 =	vsel vm14, v31, v2  }
0x127: {  	s14 =	smov.u32 s24;
	s24 =	sld [smem:$0x7ED];
	vm4 =	veq.s32 v1, s17;
	v2 =	vsel vm15, v3, v2;
	v3 =	vld [tilespmem:s19+$0x950]  }
0x128: {  	s15 =	smov.u32 s25;
	s25 =	sld [smem:$0x7EE];
	v36 =	vld [tilespmem:s19+$0x9D0];
	vm5 =	veq.s32 v1, s22;
	v2 =	vsel vm4, v32, v2  }
0x129: {  	s26 =	sld [smem:$0x7EF];
	v37 =	vld [tilespmem:s19+$0xA50];
	vm6 =	veq.s32 v1, s23;
	v2 =	vsel vm5, v33, v2  }
0x12a: {  	s28 =	sld [smem:$0x7F0];
	v38 =	vld [tilespmem:s19+$0xAD0];
	vm7 =	veq.s32 v1, s24;
	v2 =	vsel vm6, v34, v2  }
0x12b: {  	v39 =	vld [tilespmem:s19+$0xB50];
	vm8 =	veq.s32 v1, s25;
	v2 =	vsel vm7, v35, v2  }
0x12c: {  	vm9 =	veq.s32 v1, s26;
	v2 =	vsel vm8, v3, v2;
	v3 =	vld [tilespmem:s19+$0xBD0]  }
0x12d: {  	v40 =	vld [tilespmem:s19+$0xC50];
	vm10 =	veq.s32 v1, s28;
	v2 =	vsel vm9, v36, v2  }
0x12e: {  	v41 =	vld [tilespmem:s19+$0xCD0];
	vm11 =	veq.s32 v1, s11;
	v2 =	vsel vm10, v37, v2  }
0x12f: {  	v42 =	vld [tilespmem:s19+$0xD50];
	vm12 =	veq.s32 v1, s20;
	v2 =	vsel vm11, v38, v2  }
0x130: {  	[smem:$0x7F6] =	sst s20;
	v43 =	vld [tilespmem:s19+$0xDD0];
	vm13 =	veq.s32 v1, s21;
	v2 =	vsel vm12, v39, v2  }
0x131: {  	[smem:$0x7F7] =	sst s21;
	vm14 =	veq.s32 v1, s12;
	v2 =	vsel vm13, v3, v2;
	v3 =	vld [tilespmem:s19+$0xE50]  }
0x132: {  	v44 =	vld [tilespmem:s19+$0xED0];
	s20 =	sld [smem:$0x7FC];
	vm15 =	veq.s32 v1, s13;
	v2 =	vsel vm14, v40, v2  }
0x133: {  	v45 =	vld [tilespmem:s19+$0xF50];
	s21 =	sld [smem:$0x7FD];
	vm4 =	veq.s32 v1, s14;
	v2 =	vsel vm15, v41, v2  }
0x134: {  	v46 =	vld [tilespmem:s19+$0xFD0];
	s11 =	rddreg [dreg:$0x1f];
	vm5 =	veq.s32 v1, s15;
	v2 =	vsel vm4, v42, v2  }
0x135: {  	v47 =	vld [tilespmem:s19+$0x1050];
	s12 =	sld [smem:$0x7F1];
	vm6 =	veq.s32 v1, s20;
	v2 =	vsel vm5, v43, v2  }
0x136: {  	s13 =	sld [smem:$0x7F2];
	vm7 =	veq.s32 v1, s21;
	v2 =	vsel vm6, v3, v2;
	v3 =	vld [tilespmem:s19+$0x10D0]  }
0x137: {  	v48 =	vld [tilespmem:s19+$0x1150];
	s14 =	sld [smem:$0x7F3];
	vm8 =	veq.s32 v1, s11;
	v2 =	vsel vm7, v44, v2  }
0x138: {  	v49 =	vld [tilespmem:s19+$0x11D0];
	s15 =	sld [smem:$0x7F4];
	vm9 =	veq.s32 v1, s12;
	v2 =	vsel vm8, v45, v2  }
0x139: {  	v50 =	vld [tilespmem:s19+$0x1250];
	vm10 =	veq.s32 v1, s13;
	v2 =	vsel vm9, v46, v2  }
0x13a: {  	v51 =	vld [tilespmem:s19+$0x12D0];
	vm11 =	veq.s32 v1, s14;
	v2 =	vsel vm10, v47, v2  }
0x13b: {  	vm12 =	veq.s32 v1, s15;
	v2 =	vsel vm11, v3, v2;
	v3 =	vld [tilespmem:s19+$0x1350]  }
0x13c: {  	v52 =	vld [tilespmem:s19+$0x13D0];
	vm13 =	veq.s32 v1, s31;
	v2 =	vsel vm12, v48, v2  }
0x13d: {  	v53 =	vld [tilespmem:s19+$0x1450];
	vm14 =	veq.s32 v1, s29;
	v2 =	vsel vm13, v49, v2  }
0x13e: {  	v54 =	vld [tilespmem:s19+$0x14D0];
	vm15 =	veq.s32 v1, s30;
	v2 =	vsel vm14, v50, v2  }
0x13f: {  	v55 =	vld [tilespmem:s19+$0x1550];
	s31 =	smov.u32 s29;
	s29 =	smov.u32 s18;
	vm4 =	veq.s32 v1, s18;
	s18 =	rddreg [dreg:$0xf];
	v2 =	vsel vm15, v51, v2  }
0x140: {  	s20 =	rddreg [dreg:$0x10];
	vm5 =	veq.s32 v1, s18;
	v2 =	vsel vm4, v3, v2  }
0x141: {  	s21 =	rddreg [dreg:$0x11];
	vm6 =	veq.s32 v1, s20;
	v2 =	vsel vm5, v52, v2  }
0x142: {  	vm7 =	veq.s32 v1, s21;
	v2 =	vsel vm6, v53, v2  }
0x143: {  	vm8 =	veq.s32 v1, s16;
	v2 =	vsel vm7, v54, v2  }
0x144: {  	v1 =	vsel vm8, v55, v2;
	v2 =	vld [tilespmem:$0x160]  }
0x145: {  	[tilespmem:$0x150] =	vst v1;
	v1 =	vld [tilespmem:$0x60]  }
0x146: {  	v3 =	vld [tilespmem:s19+$0x1E0]  }
0x147: {  	v56 =	vld [tilespmem:s19+$0x260]  }
0x148: {  	v57 =	vld [tilespmem:s19+$0x2E0]  }
0x149: {  	v58 =	vld [tilespmem:s19+$0x360]  }
0x14a: {  	v59 =	vld [tilespmem:s19+$0x3E0];
	vm9 =	veq.s32 v1, s0  }
0x14b: {  	vm10 =	veq.s32 v1, s1;
	v2 =	vsel vm9, v3, v2;
	v3 =	vld [tilespmem:s19+$0x460]  }
0x14c: {  	v60 =	vld [tilespmem:s19+$0x4E0];
	vm11 =	veq.s32 v1, s10;
	v2 =	vsel vm10, v56, v2  }
0x14d: {  	v61 =	vld [tilespmem:s19+$0x560];
	vm12 =	veq.s32 v1, s2;
	v2 =	vsel vm11, v57, v2  }
0x14e: {  	v62 =	vld [tilespmem:s19+$0x5E0];
	vm13 =	veq.s32 v1, s3;
	v2 =	vsel vm12, v58, v2  }
0x14f: {  	v63 =	vld [tilespmem:s19+$0x660];
	vm14 =	veq.s32 v1, s4;
	v2 =	vsel vm13, v59, v2  }
0x150: {  	vm15 =	veq.s32 v1, s5;
	v2 =	vsel vm14, v3, v2;
	v3 =	vld [tilespmem:s19+$0x6E0]  }
0x151: {  	v9 =	vld [tilespmem:s19+$0x760];
	vm4 =	veq.s32 v1, s6;
	v2 =	vsel vm15, v60, v2  }
0x152: {  	v10 =	vld [tilespmem:s19+$0x7E0];
	vm5 =	veq.s32 v1, s7;
	v2 =	vsel vm4, v61, v2  }
0x153: {  	v11 =	vld [tilespmem:s19+$0x860];
	vm6 =	veq.s32 v1, s8;
	v2 =	vsel vm5, v62, v2  }
0x154: {  	v12 =	vld [tilespmem:s19+$0x8E0];
	vm7 =	veq.s32 v1, s9;
	v2 =	vsel vm6, v63, v2  }
0x155: {  	vm8 =	veq.s32 v1, s17;
	v2 =	vsel vm7, v3, v2;
	v3 =	vld [tilespmem:s19+$0x960]  }
0x156: {  	v13 =	vld [tilespmem:s19+$0x9E0];
	vm9 =	veq.s32 v1, s22;
	v2 =	vsel vm8, v9, v2  }
0x157: {  	v14 =	vld [tilespmem:s19+$0xA60];
	vm10 =	veq.s32 v1, s23;
	v2 =	vsel vm9, v10, v2  }
0x158: {  	v15 =	vld [tilespmem:s19+$0xAE0];
	vm11 =	veq.s32 v1, s24;
	v2 =	vsel vm10, v11, v2  }
0x159: {  	v16 =	vld [tilespmem:s19+$0xB60];
	s10 =	sld [smem:$0x7F5];
	vm12 =	veq.s32 v1, s25;
	v2 =	vsel vm11, v12, v2  }
0x15a: {  	s1 =	sld [smem:$0x7F6];
	vm13 =	veq.s32 v1, s26;
	v2 =	vsel vm12, v3, v2;
	v3 =	vld [tilespmem:s19+$0xBE0]  }
0x15b: {  	v17 =	vld [tilespmem:s19+$0xC60];
	s2 =	sld [smem:$0x7F7];
	vm14 =	veq.s32 v1, s28;
	v2 =	vsel vm13, v13, v2  }
0x15c: {  	v18 =	vld [tilespmem:s19+$0xCE0];
	s3 =	sld [smem:$0x7F8];
	vm15 =	veq.s32 v1, s10;
	v2 =	vsel vm14, v14, v2  }
0x15d: {  	v19 =	vld [tilespmem:s19+$0xD60];
	s4 =	sld [smem:$0x7F9];
	vm4 =	veq.s32 v1, s1;
	v2 =	vsel vm15, v15, v2  }
0x15e: {  	v20 =	vld [tilespmem:s19+$0xDE0];
	s5 =	sld [smem:$0x7FA];
	vm5 =	veq.s32 v1, s2;
	v2 =	vsel vm4, v16, v2  }
0x15f: {  	s6 =	sld [smem:$0x7FB];
	vm6 =	veq.s32 v1, s3;
	v2 =	vsel vm5, v3, v2;
	v3 =	vld [tilespmem:s19+$0xE60]  }
0x160: {  	v21 =	vld [tilespmem:s19+$0xEE0];
	s7 =	sld [smem:$0x7FC];
	vm7 =	veq.s32 v1, s4;
	v2 =	vsel vm6, v17, v2  }
0x161: {  	v22 =	vld [tilespmem:s19+$0xF60];
	s8 =	sld [smem:$0x7FD];
	vm8 =	veq.s32 v1, s5;
	v2 =	vsel vm7, v18, v2  }
0x162: {  	v23 =	vld [tilespmem:s19+$0xFE0];
	vm9 =	veq.s32 v1, s6;
	v2 =	vsel vm8, v19, v2  }
0x163: {  	v24 =	vld [tilespmem:s19+$0x1060];
	vm10 =	veq.s32 v1, s7;
	v2 =	vsel vm9, v20, v2  }
0x164: {  	vm11 =	veq.s32 v1, s8;
	v2 =	vsel vm10, v3, v2;
	v3 =	vld [tilespmem:s19+$0x10E0]  }
0x165: {  	v25 =	vld [tilespmem:s19+$0x1160];
	vm12 =	veq.s32 v1, s11;
	v2 =	vsel vm11, v21, v2  }
0x166: {  	v26 =	vld [tilespmem:s19+$0x11E0];
	vm13 =	veq.s32 v1, s12;
	v2 =	vsel vm12, v22, v2  }
0x167: {  	v27 =	vld [tilespmem:s19+$0x1260];
	vm14 =	veq.s32 v1, s13;
	v2 =	vsel vm13, v23, v2  }
0x168: {  	v28 =	vld [tilespmem:s19+$0x12E0];
	vm15 =	veq.s32 v1, s14;
	v2 =	vsel vm14, v24, v2  }
0x169: {  	s9 =	rddreg [dreg:$0x12];
	vm4 =	veq.s32 v1, s15;
	v2 =	vsel vm15, v3, v2;
	v3 =	vld [tilespmem:s19+$0x1360]  }
0x16a: {  	v29 =	vld [tilespmem:s19+$0x13E0];
	vm5 =	veq.s32 v1, s9;
	v2 =	vsel vm4, v25, v2  }
0x16b: {  	v30 =	vld [tilespmem:s19+$0x1460];
	vm6 =	veq.s32 v1, s31;
	v2 =	vsel vm5, v26, v2  }
0x16c: {  	v31 =	vld [tilespmem:s19+$0x14E0];
	vm7 =	veq.s32 v1, s30;
	v2 =	vsel vm6, v27, v2  }
0x16d: {  	v32 =	vld [tilespmem:s19+$0x1560];
	vm8 =	veq.s32 v1, s29;
	v2 =	vsel vm7, v28, v2  }
0x16e: {  	vm9 =	veq.s32 v1, s18;
	v2 =	vsel vm8, v3, v2  }
0x16f: {  	vm10 =	veq.s32 v1, s20;
	v2 =	vsel vm9, v29, v2  }
0x170: {  	vm11 =	veq.s32 v1, s21;
	v2 =	vsel vm10, v30, v2  }
0x171: {  	vm12 =	veq.s32 v1, s16;
	v2 =	vsel vm11, v31, v2  }
0x172: {  	v1 =	vsel vm12, v32, v2;
	v2 =	vld [tilespmem:$0x170]  }
0x173: {  	[tilespmem:$0x160] =	vst v1;
	v1 =	vld [tilespmem:$0x70]  }
0x174: {  	v3 =	vld [tilespmem:s19+$0x1F0]  }
0x175: {  	v33 =	vld [tilespmem:s19+$0x270]  }
0x176: {  	v34 =	vld [tilespmem:s19+$0x2F0]  }
0x177: {  	s0 =	rddreg [dreg:$0x14];
	v35 =	vld [tilespmem:s19+$0x370]  }
0x178: {  	v36 =	vld [tilespmem:s19+$0x3F0];
	vm13 =	veq.s32 v1, s0;
	s0 =	rddreg [dreg:$0x15]  }
0x179: {  	vm1 =	veq.s32 v1, s0;
	v2 =	vsel vm13, v3, v2;
	v3 =	vld [tilespmem:s19+$0x470];
	s0 =	rddreg [dreg:$0x1e]  }
0x17a: {  	v37 =	vld [tilespmem:s19+$0x4F0];
	vm14 =	veq.s32 v1, s0;
	v2 =	vsel vm1, v33, v2;
	s0 =	rddreg [dreg:$0x16]  }
0x17b: {  	v38 =	vld [tilespmem:s19+$0x570];
	vm15 =	veq.s32 v1, s0;
	v2 =	vsel vm14, v34, v2;
	s0 =	rddreg [dreg:$0x17]  }
0x17c: {  	v39 =	vld [tilespmem:s19+$0x5F0];
	vm4 =	veq.s32 v1, s0;
	v2 =	vsel vm15, v35, v2;
	s0 =	rddreg [dreg:$0x18]  }
0x17d: {  	v40 =	vld [tilespmem:s19+$0x670];
	vm5 =	veq.s32 v1, s0;
	v2 =	vsel vm4, v36, v2;
	s0 =	rddreg [dreg:$0x19]  }
0x17e: {  	vm6 =	veq.s32 v1, s0;
	v2 =	vsel vm5, v3, v2;
	v3 =	vld [tilespmem:s19+$0x6F0];
	s0 =	rddreg [dreg:$0x1a]  }
0x17f: {  	v41 =	vld [tilespmem:s19+$0x770];
	vm7 =	veq.s32 v1, s0;
	v2 =	vsel vm6, v37, v2;
	s0 =	rddreg [dreg:$0x1b]  }
0x180: {  	v42 =	vld [tilespmem:s19+$0x7F0];
	vm8 =	veq.s32 v1, s0;
	v2 =	vsel vm7, v38, v2;
	s0 =	rddreg [dreg:$0x1c]  }
0x181: {  	v43 =	vld [tilespmem:s19+$0x870];
	vm9 =	veq.s32 v1, s0;
	v2 =	vsel vm8, v39, v2;
	s0 =	rddreg [dreg:$0x1d]  }
0x182: {  	v44 =	vld [tilespmem:s19+$0x8F0];
	vm10 =	veq.s32 v1, s0;
	v2 =	vsel vm9, v40, v2  }
0x183: {  	vm11 =	veq.s32 v1, s17;
	v2 =	vsel vm10, v3, v2;
	v3 =	vld [tilespmem:s19+$0x970]  }
0x184: {  	v45 =	vld [tilespmem:s19+$0x9F0];
	vm12 =	veq.s32 v1, s22;
	v2 =	vsel vm11, v41, v2  }
0x185: {  	v46 =	vld [tilespmem:s19+$0xA70];
	vm13 =	veq.s32 v1, s23;
	v2 =	vsel vm12, v42, v2  }
0x186: {  	v47 =	vld [tilespmem:s19+$0xAF0];
	vm14 =	veq.s32 v1, s24;
	v2 =	vsel vm13, v43, v2  }
0x187: {  	v48 =	vld [tilespmem:s19+$0xB70];
	vm15 =	veq.s32 v1, s25;
	v2 =	vsel vm14, v44, v2  }
0x188: {  	vm4 =	veq.s32 v1, s26;
	v2 =	vsel vm15, v3, v2;
	v3 =	vld [tilespmem:s19+$0xBF0]  }
0x189: {  	v49 =	vld [tilespmem:s19+$0xC70];
	vm5 =	veq.s32 v1, s28;
	v2 =	vsel vm4, v45, v2  }
0x18a: {  	v50 =	vld [tilespmem:s19+$0xCF0];
	vm6 =	veq.s32 v1, s10;
	v2 =	vsel vm5, v46, v2  }
0x18b: {  	v51 =	vld [tilespmem:s19+$0xD70];
	vm7 =	veq.s32 v1, s1;
	v2 =	vsel vm6, v47, v2  }
0x18c: {  	v52 =	vld [tilespmem:s19+$0xDF0];
	vm8 =	veq.s32 v1, s2;
	v2 =	vsel vm7, v48, v2  }
0x18d: {  	vm9 =	veq.s32 v1, s3;
	v2 =	vsel vm8, v3, v2;
	v3 =	vld [tilespmem:s19+$0xE70]  }
0x18e: {  	v53 =	vld [tilespmem:s19+$0xEF0];
	vm10 =	veq.s32 v1, s4;
	v2 =	vsel vm9, v49, v2  }
0x18f: {  	v54 =	vld [tilespmem:s19+$0xF70];
	vm11 =	veq.s32 v1, s5;
	v2 =	vsel vm10, v50, v2  }
0x190: {  	v55 =	vld [tilespmem:s19+$0xFF0];
	vm12 =	veq.s32 v1, s6;
	v2 =	vsel vm11, v51, v2  }
0x191: {  	v56 =	vld [tilespmem:s19+$0x1070];
	vm13 =	veq.s32 v1, s7;
	v2 =	vsel vm12, v52, v2  }
0x192: {  	vm14 =	veq.s32 v1, s8;
	v2 =	vsel vm13, v3, v2;
	v3 =	vld [tilespmem:s19+$0x10F0]  }
0x193: {  	v57 =	vld [tilespmem:s19+$0x1170];
	vm15 =	veq.s32 v1, s11;
	v2 =	vsel vm14, v53, v2  }
0x194: {  	v58 =	vld [tilespmem:s19+$0x11F0];
	vm4 =	veq.s32 v1, s12;
	v2 =	vsel vm15, v54, v2  }
0x195: {  	v59 =	vld [tilespmem:s19+$0x1270];
	vm5 =	veq.s32 v1, s13;
	v2 =	vsel vm4, v55, v2  }
0x196: {  	v60 =	vld [tilespmem:s19+$0x12F0];
	vm6 =	veq.s32 v1, s14;
	v2 =	vsel vm5, v56, v2  }
0x197: {  	vm7 =	veq.s32 v1, s15;
	v2 =	vsel vm6, v3, v2;
	v3 =	vld [tilespmem:s19+$0x1370]  }
0x198: {  	v61 =	vld [tilespmem:s19+$0x13F0];
	vm8 =	veq.s32 v1, s9;
	v2 =	vsel vm7, v57, v2  }
0x199: {  	v62 =	vld [tilespmem:s19+$0x1470];
	vm9 =	veq.s32 v1, s31;
	v2 =	vsel vm8, v58, v2  }
0x19a: {  	v63 =	vld [tilespmem:s19+$0x14F0];
	vm10 =	veq.s32 v1, s30;
	v2 =	vsel vm9, v59, v2  }
0x19b: {  	v8 =	vld [tilespmem:s19+$0x1570];
	vm11 =	veq.s32 v1, s29;
	vm15 =	veq.s32 v1, s16;
	s16 =	sadd.s32 $0x28, s16;
	v2 =	vsel vm10, v60, v2  }
0x19c: {  	vm12 =	veq.s32 v1, s18;
	p0 =	sne.s32 s16, $0x40F;
	v2 =	vsel vm11, v3, v2  }
.Ltmp0:
0x19d: {  	vm13 =	veq.s32 v1, s20;
	v2 =	vsel vm12, v61, v2;
	(pc) =	sbr.rel @p0 .LBB2_2-.Ltmp0, $4  }
0x19e: {  	vm14 =	veq.s32 v1, s21;
	v2 =	vsel vm13, v62, v2  }
0x19f: {  	s28 =	rddreg [dreg:$0xc];
	v1 =	vsel vm14, v63, v2  }
0x1a0: {  	s31 =	rddreg [dreg:$0xd];
	v1 =	vsel vm15, v8, v1  }
0x1a1: {  	s5 =	sadd.s32 $0x14000, s28;
	s0 =	sadd.s32 $0x1, s31;
	[tilespmem:$0x170] =	vst v1  }
0x1a2: {  	v2 =	vld [tilespmem:$0x100]  }
0x1a3: {  	v3 =	vld [tilespmem:$0x80]  }
0x1a4: {  	v4 =	vld [tilespmem:$0x110]  }
0x1a5: {  	v5 =	vld [tilespmem:$0x90]  }
0x1a6: {  	v6 =	vld [tilespmem:$0x120]  }
0x1a7: {  	v7 =	vld [tilespmem:$0xA0]  }
0x1a8: {  	v8 =	vld [tilespmem:$0xB0];
	v2 =	vmul.f32 v3, v2  }
0x1a9: {  	v3 =	vld [tilespmem:$0x130]  }
0x1aa: {  	v57 =	vld [tilespmem:$0x140];
	v4 =	vmul.f32 v5, v4;
	v2 =	vadd.f32 $0.0e+00, v2  }
0x1ab: {  	v9 =	vld [tilespmem:$0xC0]  }
0x1ac: {  	v59 =	vld [tilespmem:$0x150];
	v58 =	vmul.f32 v7, v6;
	v2 =	vadd.f32 v4, v2  }
0x1ad: {  	v60 =	vld [tilespmem:$0xD0]  }
0x1ae: {  	v61 =	vld [tilespmem:$0x160];
	v3 =	vmul.f32 v8, v3;
	v2 =	vadd.f32 v58, v2  }
0x1af: {  	v62 =	vld [tilespmem:$0xE0]  }
0x1b0: {  	v2 =	vadd.f32 v3, v2;
	v3 =	vmul.f32 v9, v57  }
0x1b1: {  	v63 =	vld [tilespmem:$0xF0]  }
0x1b2: {  	v2 =	vadd.f32 v3, v2;
	v3 =	vmul.f32 v60, v59;
	_ =	sdelay $0x1  }
0x1b3: {  	v2 =	vadd.f32 v3, v2;
	v3 =	vmul.f32 v62, v61;
	_ =	sdelay $0x1  }
0x1b4: {  	v1 =	vmul.f32 v63, v1;
	v2 =	vadd.f32 v3, v2;
	_ =	sdelay $0x1  }
0x1b5: {  	v1 =	vadd.f32 v1, v2;
	_ =	sdelay $0x1  }
0x1b6: {  	v1 =	vmul.f32 $-6.103515630e-05, v1;
	_ =	sdelay $0x1  }
0x1b7: {  	s10 =	simm.s32 $0x0;
	s0 =	rddreg [dreg:$0x8];
	s1 =	simm.s32 $0x2980;
	[tilespmem:$0x2980] =	vst v1  }
0x1b8: {  	[hbm4b:s0+s10] =	stream.linear.scatter [tilespmem:s1], [sflag:$0x3], $0x80, $0x38;
	[tilespmem:$0x2A00] =	vst v63  }
0x1b9: {  	s1 =	simm.s32 $0x3  }
0x1ba: {  	_ =	swait.ge [sflag:s1], $0x80  }
0x1bb: {  	s2 =	rddreg [dreg:$0xb]  }
0x1bc: {  	s31 =	rddreg [dreg:$0x9];
	s2 =	sadd.s32 $0x1, s2  }
0x1bd: {  	p0 =	sne.s32 s2, s31  }
.Ltmp1:
0x1be: {  	_ = 	snop;
	(pc) =	sbr.rel @p0 .LBB2_1-.Ltmp1, $3  }
0x1bf: {  	_ =	sdelay $0x1  }
0x1c0: {  	[sflag:s1] =	ssyncset.done $0x0  }
0x1c1: {  	[sflag:s1] =	ssyncadd.s32 $0xFFFFFF80  }
0x1c2: {  	_ =	sfence.sel $0x180000  }
0x1c3: {  	[bflag:$0x0] =	sbarrier.arrive $0xFFFF  }
0x1c4: {  	_ =	strace $0x90000047  }
0x1c5: {  	s0 =	stileid.u32;
	[bflag:$0x2] =	sbarrier.arrive $0xFFFF  }
0x1c6: {  	p0 =	sne.s32 s0, $0x0;
	s0 =	rddreg [dreg:$0x4]  }
0x1c7: {  	s0 =	sadd.s32 @!p0 $0x100000, s0  }
0x1c8: {  	[sflag:s0] =	ssyncadd.tile.s32 @!p0 $0x1;
	_ =	shalt  }
.Lfunc_end2:
_tile_overlayer_lowered:
.L_overlay_start_2:
0x1c9: {  	(tag) =	ssettag $0x2  }
0x1ca: {  	s0 =	rddreg [dreg:$0x0];
	s2 =	stileid.u32  }
0x1cb: {  	s1 =	rddreg [dreg:$0x1];
	p0 =	sne.s32 s2, $0x0  }
0x1cc: {  	s3 =	rddreg [dreg:$0x2];
	[bflag:$0x3] =	sbarrier.arrive $0xFFFF;
	s2 =	simm.s32 @!p0 $0x1C03  }
0x1cd: {  	[timem:s3], [sflag:s2] =	dma.local @!p0 [hbm:s0], s1  }
0x1ce: {  	s0 =	simm.s32 @!p0 $0x3  }
0x1cf: {  	_ =	swait.ge @!p0 [sflag:s0], s1  }
0x1d0: {  	s1 =	ssub.s32 @!p0 $0x0, s1;
	[sflag:s0] =	ssyncset.done @!p0 $0x0  }
0x1d1: {  	[sflag:s0] =	ssyncadd.s32 @!p0 s1  }
0x1d2: {  	[bflag:$0x3] =	sbarrier.arrive $0xFFFF  }
0x1d3: {  	_ =	shalt  }

</sc_bundles>
